<compile_context>
chip_gen: v7x
topology: tpu7x:2x2x1
jax: 0.10.2.dev20260603
libtpu: 0.0.44.dev20260713+nightly
codegen_flags: <defaults>
</compile_context>

<pallas_src>
import functools

import jax
import jax.numpy as jnp
from jax import lax
from jax.experimental import pallas as pl
from jax.experimental.pallas import tpu as pltpu
from jax.experimental.pallas import tpu_sc as plsc

_L = 16
_NS = 16
_NPAD = 5120
_NB = _NPAD // _L
_VPT = _NB // _NS
_T = 0.3
_ST = 0.05
_BIG = 2e30
_EPS = 1e-9


def _alive(v):
    lane = lax.iota(jnp.int32, _L)
    for sh in (8, 4, 2, 1):
        idx = jnp.bitwise_xor(lane, sh)
        v = jnp.maximum(v, v.at[idx].get(mode="promise_in_bounds"))
    return v[0] > 0.0


def _bcast(v, l):
    idx = jnp.full((_L,), l, jnp.int32)
    return v.at[idx].get(mode="promise_in_bounds")


def _nms_body(y1h, x1h, y2h, x2h, sh, outh, y1, x1, y2, x2, s, keep, slot, ob, shared):
    sid = lax.axis_index("s")

    pltpu.sync_copy(y1h, y1)
    pltpu.sync_copy(x1h, x1)
    pltpu.sync_copy(y2h, y2)
    pltpu.sync_copy(x2h, x2)
    pltpu.sync_copy(sh, s)

    def _init(j, _):
        off = (j * _NS + sid) * _L
        sv = s[pl.ds(off, _L)]
        keep[pl.ds(off, _L)] = jnp.where(sv > _ST, 1.0, 0.0)
        return 0

    lax.fori_loop(0, _VPT, _init, 0)

    lane = lax.iota(jnp.int32, _L)

    def _chunk(k, _):
        owner = lax.rem(k, _NS)
        base = k * _L

        @pl.when(sid == owner)
        def _():
            kv0 = keep[pl.ds(base, _L)]
            if True:
                py1 = y1[pl.ds(base, _L)]
                px1 = x1[pl.ds(base, _L)]
                py2 = y2[pl.ds(base, _L)]
                px2 = x2[pl.ds(base, _L)]
                parea = (py2 - py1) * (px2 - px1)
                kv = kv0
                for l in range(_L):
                    ay1 = _bcast(py1, l)
                    ax1 = _bcast(px1, l)
                    ay2 = _bcast(py2, l)
                    ax2 = _bcast(px2, l)
                    aarea = (ay2 - ay1) * (ax2 - ax1)
                    klv = _bcast(kv, l)
                    hh = jnp.maximum(jnp.minimum(ay2, py2) - jnp.maximum(ay1, py1), 0.0)
                    ww = jnp.maximum(jnp.minimum(ax2, px2) - jnp.maximum(ax1, px1), 0.0)
                    inter = hh * ww
                    iou = inter / (aarea + parea - inter + _EPS)
                    thr = jnp.where(klv > 0.0, jnp.float32(_T), jnp.float32(_BIG))
                    sup = (iou > thr) & (lane > l)
                    kv = jnp.where(sup, 0.0, kv)
                keep[pl.ds(base, _L)] = kv

            pltpu.sync_copy(keep.at[pl.ds(base, _L)], shared.at[pl.ds(base, _L)])

        plsc.subcore_barrier()

        pltpu.sync_copy(shared.at[pl.ds(base, _L)], slot)
        slotv = slot[...]

        if True:
            my1 = y1[pl.ds(base, _L)] * slotv
            mx1 = x1[pl.ds(base, _L)] * slotv
            my2 = y2[pl.ds(base, _L)] * slotv
            mx2 = x2[pl.ds(base, _L)] * slotv
            bs = [
                (_bcast(my1, p), _bcast(mx1, p), _bcast(my2, p), _bcast(mx2, p))
                for p in range(_L)
            ]
            pa = [(b[2] - b[0]) * (b[3] - b[1]) for b in bs]

            jlo = lax.div(k - sid + _NS, _NS)

            def _apply(j, _):
                off = (j * _NS + sid) * _L
                ty1 = y1[pl.ds(off, _L)]
                tx1 = x1[pl.ds(off, _L)]
                ty2 = y2[pl.ds(off, _L)]
                tx2 = x2[pl.ds(off, _L)]
                tarea = (ty2 - ty1) * (tx2 - tx1)
                kv = keep[pl.ds(off, _L)]
                for p in range(_L):
                    by1, bx1, by2, bx2 = bs[p]
                    hh = jnp.maximum(jnp.minimum(by2, ty2) - jnp.maximum(by1, ty1), 0.0)
                    ww = jnp.maximum(jnp.minimum(bx2, tx2) - jnp.maximum(bx1, tx1), 0.0)
                    inter = hh * ww
                    iou = inter / (pa[p] + tarea - inter + _EPS)
                    kv = jnp.where(iou > jnp.float32(_T), 0.0, kv)
                keep[pl.ds(off, _L)] = kv
                return 0

            lax.fori_loop(jlo, _VPT, _apply, 0)

        return 0

    lax.fori_loop(0, _NB, _chunk, 0)

    def _out(j, _):
        off = (j * _NS + sid) * _L
        kv = keep[pl.ds(off, _L)]
        ob[j, 0] = y1[pl.ds(off, _L)] * kv
        ob[j, 1] = x1[pl.ds(off, _L)] * kv
        ob[j, 2] = y2[pl.ds(off, _L)] * kv
        ob[j, 3] = x2[pl.ds(off, _L)] * kv
        ob[j, 4] = s[pl.ds(off, _L)] * kv
        return 0

    lax.fori_loop(0, _VPT, _out, 0)
    pltpu.sync_copy(ob, outh.at[:, sid])


_nms = functools.partial(
    pl.kernel,
    out_type=jax.ShapeDtypeStruct((_VPT, _NS, 5, _L), jnp.float32),
    mesh=plsc.VectorSubcoreMesh(
        core_axis_name="c", subcore_axis_name="s", num_cores=1, num_subcores=_NS
    ),
    scratch_types=[
        pltpu.VMEM((_NPAD,), jnp.float32),
        pltpu.VMEM((_NPAD,), jnp.float32),
        pltpu.VMEM((_NPAD,), jnp.float32),
        pltpu.VMEM((_NPAD,), jnp.float32),
        pltpu.VMEM((_NPAD,), jnp.float32),
        pltpu.VMEM((_NPAD,), jnp.float32),
        pltpu.VMEM((_L,), jnp.float32),
        pltpu.VMEM((_VPT, 5, _L), jnp.float32),
        pltpu.VMEM_SHARED((_NPAD,), jnp.float32),
    ],
)(_nms_body)


def kernel(boxes, scores):
    n = boxes.shape[0]
    order = jnp.argsort(-scores)
    b = jnp.take(boxes, order, axis=0)
    s = jnp.take(scores, order, axis=0)
    pad = _NPAD - n
    y1 = jnp.pad(b[:, 0], (0, pad))
    x1 = jnp.pad(b[:, 1], (0, pad))
    y2 = jnp.pad(b[:, 2], (0, pad))
    x2 = jnp.pad(b[:, 3], (0, pad))
    sp = jnp.pad(s, (0, pad))
    out = _nms(y1, x1, y2, x2, sp)
    return out.transpose(0, 1, 3, 2).reshape(_NPAD, 5)[:n]

# --- scband reference (transcript-rebuilt; emitter-appended) ---
"""Pipeline reference for scband-faster-rcnn-4578435137655 (READ-ONLY COPY).

The authoritative reference and input builder live on the scoring server;
editing this copy changes nothing except your own understanding.
"""

import jax, jax.numpy as jnp
import numpy as np

N = 5000
NMS_THRESH = 0.3
SCORE_THRESH = 0.05


def setup_inputs(seed: int = 0) -> dict:
    key = jax.random.key(seed)
    k1, k2 = jax.random.split(key, 2)
    raw = jax.random.uniform(k1, (N, 4), dtype=jnp.float32)
    y1 = raw[:, 0] * 480.0
    x1 = raw[:, 1] * 480.0
    y2 = y1 + raw[:, 2] * 64.0 + 1.0
    x2 = x1 + raw[:, 3] * 64.0 + 1.0
    boxes = jnp.stack([y1, x1, y2, x2], axis=1)
    scores = jax.random.uniform(k2, (N,), dtype=jnp.float32)
    return {"boxes": boxes, "scores": scores}


def _iou_matrix(b):
    # b: [N, 4] as (y1, x1, y2, x2)
    area = (b[:, 2] - b[:, 0]) * (b[:, 3] - b[:, 1])
    tl = jnp.maximum(b[:, None, :2], b[None, :, :2])
    br = jnp.minimum(b[:, None, 2:], b[None, :, 2:])
    wh = jnp.clip(br - tl, 0.0)
    inter = wh[..., 0] * wh[..., 1]
    return inter / (area[:, None] + area[None, :] - inter + 1e-9)


def reference(boxes, scores):
    # Faithful jax translation of FasterRCNN._suppress core: score threshold
    # followed by greedy NMS (iou threshold 0.3), returning suppressed-masked
    # boxes and scores in score-sorted order (dense, jit-friendly).
    n = boxes.shape[0]
    order = jnp.argsort(-scores)
    b = jnp.take(boxes, order, axis=0)
    s = jnp.take(scores, order, axis=0)
    iou = _iou_matrix(b)
    keep0 = s > SCORE_THRESH
    idx = jnp.arange(n)

    def body(i, keep):
        sup = (iou[i] > NMS_THRESH) & (idx > i) & keep[i]
        return keep & (~sup)

    keep = jax.lax.fori_loop(0, n, body, keep0)
    keepf = keep.astype(b.dtype)
    out = jnp.concatenate([b * keepf[:, None], (s * keepf)[:, None]], axis=1)
    return out

if __name__ == "__main__":
    import jax
    _d = setup_inputs()
    print(jax.jit(kernel)(*tuple(_d.values())))

</pallas_src>

<mosaic_0001>
#map = affine_map<(d0, d1) -> (0)>
#map1 = affine_map<(d0, d1) -> (0, 0, 0, 0)>
module attributes {stable_mosaic.version = 14 : i64} {
  func.func @_nms_body(%arg0: i32, %arg1: i32, %arg2: memref<5120xf32, #tpu.memory_space<hbm>>, %arg3: memref<5120xf32, #tpu.memory_space<hbm>>, %arg4: memref<5120xf32, #tpu.memory_space<hbm>>, %arg5: memref<5120xf32, #tpu.memory_space<hbm>>, %arg6: memref<5120xf32, #tpu.memory_space<hbm>>, %arg7: memref<20x16x5x16xf32, #tpu.memory_space<hbm>>, %arg8: memref<5120xf32, #tpu.memory_space<vmem>>, %arg9: memref<5120xf32, #tpu.memory_space<vmem>>, %arg10: memref<5120xf32, #tpu.memory_space<vmem>>, %arg11: memref<5120xf32, #tpu.memory_space<vmem>>, %arg12: memref<5120xf32, #tpu.memory_space<vmem>>, %arg13: memref<5120xf32, #tpu.memory_space<vmem>>, %arg14: memref<16xf32, #tpu.memory_space<vmem>>, %arg15: memref<20x5x16xf32, #tpu.memory_space<vmem>>, %arg16: memref<5120xf32, #tpu.memory_space<vmem_shared>>) attributes {dimension_semantics = [#tpu.dimension_semantics<core_parallel>, #tpu.dimension_semantics<subcore_parallel>], iteration_bounds = array<i64: 1, 16>, scalar_prefetch = 0 : i64, scratch_operands = 9 : i64, tpu.core_type = #tpu.core_type<sc_vector_subcore>, window_params = [{transform_indices = #map}, {transform_indices = #map}, {transform_indices = #map}, {transform_indices = #map}, {transform_indices = #map}, {transform_indices = #map1}]} {
    "tpu.region"() ({
      %run_scoped3A = tpu.sem_alloc : memref<!tpu.dma_semaphore, #tpu.memory_space<semaphore_mem>>
      tpu.enqueue_dma source(%arg2 : memref<5120xf32, #tpu.memory_space<hbm>>) target(%arg8 : memref<5120xf32, #tpu.memory_space<vmem>>) target_semaphore(%run_scoped3A : memref<!tpu.dma_semaphore, #tpu.memory_space<semaphore_mem>>)
      tpu.wait_dma2 semaphore(%run_scoped3A : memref<!tpu.dma_semaphore, #tpu.memory_space<semaphore_mem>>) src(%arg2 : memref<5120xf32, #tpu.memory_space<hbm>>) dst(%arg8 : memref<5120xf32, #tpu.memory_space<vmem>>)
      tpu.yield
    }) : () -> ()
    "tpu.region"() ({
      %run_scoped3A = tpu.sem_alloc : memref<!tpu.dma_semaphore, #tpu.memory_space<semaphore_mem>>
      tpu.enqueue_dma source(%arg3 : memref<5120xf32, #tpu.memory_space<hbm>>) target(%arg9 : memref<5120xf32, #tpu.memory_space<vmem>>) target_semaphore(%run_scoped3A : memref<!tpu.dma_semaphore, #tpu.memory_space<semaphore_mem>>)
      tpu.wait_dma2 semaphore(%run_scoped3A : memref<!tpu.dma_semaphore, #tpu.memory_space<semaphore_mem>>) src(%arg3 : memref<5120xf32, #tpu.memory_space<hbm>>) dst(%arg9 : memref<5120xf32, #tpu.memory_space<vmem>>)
      tpu.yield
    }) : () -> ()
    "tpu.region"() ({
      %run_scoped3A = tpu.sem_alloc : memref<!tpu.dma_semaphore, #tpu.memory_space<semaphore_mem>>
      tpu.enqueue_dma source(%arg4 : memref<5120xf32, #tpu.memory_space<hbm>>) target(%arg10 : memref<5120xf32, #tpu.memory_space<vmem>>) target_semaphore(%run_scoped3A : memref<!tpu.dma_semaphore, #tpu.memory_space<semaphore_mem>>)
      tpu.wait_dma2 semaphore(%run_scoped3A : memref<!tpu.dma_semaphore, #tpu.memory_space<semaphore_mem>>) src(%arg4 : memref<5120xf32, #tpu.memory_space<hbm>>) dst(%arg10 : memref<5120xf32, #tpu.memory_space<vmem>>)
      tpu.yield
    }) : () -> ()
    "tpu.region"() ({
      %run_scoped3A = tpu.sem_alloc : memref<!tpu.dma_semaphore, #tpu.memory_space<semaphore_mem>>
      tpu.enqueue_dma source(%arg5 : memref<5120xf32, #tpu.memory_space<hbm>>) target(%arg11 : memref<5120xf32, #tpu.memory_space<vmem>>) target_semaphore(%run_scoped3A : memref<!tpu.dma_semaphore, #tpu.memory_space<semaphore_mem>>)
      tpu.wait_dma2 semaphore(%run_scoped3A : memref<!tpu.dma_semaphore, #tpu.memory_space<semaphore_mem>>) src(%arg5 : memref<5120xf32, #tpu.memory_space<hbm>>) dst(%arg11 : memref<5120xf32, #tpu.memory_space<vmem>>)
      tpu.yield
    }) : () -> ()
    "tpu.region"() ({
      %run_scoped3A = tpu.sem_alloc : memref<!tpu.dma_semaphore, #tpu.memory_space<semaphore_mem>>
      tpu.enqueue_dma source(%arg6 : memref<5120xf32, #tpu.memory_space<hbm>>) target(%arg12 : memref<5120xf32, #tpu.memory_space<vmem>>) target_semaphore(%run_scoped3A : memref<!tpu.dma_semaphore, #tpu.memory_space<semaphore_mem>>)
      tpu.wait_dma2 semaphore(%run_scoped3A : memref<!tpu.dma_semaphore, #tpu.memory_space<semaphore_mem>>) src(%arg6 : memref<5120xf32, #tpu.memory_space<hbm>>) dst(%arg12 : memref<5120xf32, #tpu.memory_space<vmem>>)
      tpu.yield
    }) : () -> ()
    %scan3A = arith.constant 0 : i32
    %scan3A_0 = arith.constant 0 : i32
    %scan3A_1 = arith.constant 20 : i32
    %scan3A_2 = arith.addi %scan3A_0, %scan3A_1 : i32
    %scan3A_3 = arith.constant 1 : i32
    %scan3A_4 = scf.for %scan3A_20 = %scan3A_0 to %scan3A_2 step %scan3A_3 iter_args(%scan3A_21 = %scan3A) -> (i32)  : i32 {
      %mul3A = arith.constant 16 : i32
      %mul3A_22 = arith.muli %scan3A_20, %mul3A : i32
      %add3A = arith.addi %mul3A_22, %arg1 : i32
      %mul3A_23 = arith.constant 16 : i32
      %mul3A_24 = arith.muli %add3A, %mul3A_23 : i32
      %get3A = arith.index_cast %mul3A_24 : i32 to index
      %get3A_25 = tpu.vector_load %arg12[%get3A] {strides = array<i32>} : memref<5120xf32, #tpu.memory_space<vmem>>, vector<16xf32>,
      %get3A_26 = vector.shape_cast %get3A_25 : vector<16xf32> to vector<16xf32>
      %gt3A = arith.constant 5.000000e-02 : f32
      %gt3A_27 = vector.broadcast %gt3A : f32 to vector<16xf32>
      %gt3A_28 = arith.cmpf ogt, %get3A_26, %gt3A_27 : vector<16xf32>
      %jit3A = arith.constant 1.000000e+00 : f32
      %jit3A_29 = arith.constant 0.000000e+00 : f32
      %broadcast_in_dim3A = vector.broadcast %jit3A : f32 to vector<16xf32>
      %broadcast_in_dim3A_30 = vector.broadcast %jit3A_29 : f32 to vector<16xf32>
      %select_n3A = arith.select %gt3A_28, %broadcast_in_dim3A, %broadcast_in_dim3A_30 : vector<16xi1>, vector<16xf32>
      %swap3A = arith.index_cast %mul3A_24 : i32 to index
      %swap3A_31 = tpu.vector_load %arg13[%swap3A] {strides = array<i32>} : memref<5120xf32, #tpu.memory_space<vmem>>, vector<16xf32>,
      %swap3A_32 = vector.shape_cast %swap3A_31 : vector<16xf32> to vector<16xf32>
      %swap3A_33 = vector.shape_cast %select_n3A : vector<16xf32> to vector<16xf32>
      tpu.vector_store %arg13[%swap3A], %swap3A_33 {strides = array<i32>} : memref<5120xf32, #tpu.memory_space<vmem>>, vector<16xf32>,
      %scan3A_34 = arith.constant 0 : i32
      scf.yield %scan3A_34 : i32
    }
    %scan3A_5 = arith.constant 20 : i32
    %iota3A = tpu.iota {dimensions = array<i32: 0>} : vector<16xi32>
    %scan3A_6 = arith.constant 0 : i32
    %scan3A_7 = arith.constant 0 : i32
    %scan3A_8 = arith.constant 320 : i32
    %scan3A_9 = arith.addi %scan3A_7, %scan3A_8 : i32
    %scan3A_10 = arith.constant 1 : i32
    %scan3A_11 = scf.for %scan3A_20 = %scan3A_7 to %scan3A_9 step %scan3A_10 iter_args(%scan3A_21 = %scan3A_6) -> (i32)  : i32 {
      %rem3A = arith.constant 16 : i32
      %rem3A_22 = arith.remsi %scan3A_20, %rem3A : i32
      %mul3A = arith.constant 16 : i32
      %mul3A_23 = arith.muli %scan3A_20, %mul3A : i32
      %eq3A = arith.cmpi eq, %arg1, %rem3A_22 : i32
      %convert_element_type3A = arith.extui %eq3A : i1 to i32
      %cond3A = arith.constant 0 : i32
      %cond3A_24 = arith.cmpi ne, %convert_element_type3A, %cond3A : i32
      scf.if %cond3A_24 {
        %get3A_869 = arith.index_cast %mul3A_23 : i32 to index
        %get3A_870 = tpu.vector_load %arg13[%get3A_869] {strides = array<i32>} : memref<5120xf32, #tpu.memory_space<vmem>>, vector<16xf32>,
        %get3A_871 = vector.shape_cast %get3A_870 : vector<16xf32> to vector<16xf32>
        %get3A_872 = arith.index_cast %mul3A_23 : i32 to index
        %get3A_873 = tpu.vector_load %arg8[%get3A_872] {strides = array<i32>} : memref<5120xf32, #tpu.memory_space<vmem>>, vector<16xf32>,
        %get3A_874 = vector.shape_cast %get3A_873 : vector<16xf32> to vector<16xf32>
        %get3A_875 = arith.index_cast %mul3A_23 : i32 to index
        %get3A_876 = tpu.vector_load %arg9[%get3A_875] {strides = array<i32>} : memref<5120xf32, #tpu.memory_space<vmem>>, vector<16xf32>,
        %get3A_877 = vector.shape_cast %get3A_876 : vector<16xf32> to vector<16xf32>
        %get3A_878 = arith.index_cast %mul3A_23 : i32 to index
        %get3A_879 = tpu.vector_load %arg10[%get3A_878] {strides = array<i32>} : memref<5120xf32, #tpu.memory_space<vmem>>, vector<16xf32>,
        %get3A_880 = vector.shape_cast %get3A_879 : vector<16xf32> to vector<16xf32>
        %get3A_881 = arith.index_cast %mul3A_23 : i32 to index
        %get3A_882 = tpu.vector_load %arg11[%get3A_881] {strides = array<i32>} : memref<5120xf32, #tpu.memory_space<vmem>>, vector<16xf32>,
        %get3A_883 = vector.shape_cast %get3A_882 : vector<16xf32> to vector<16xf32>
        %sub3A_884 = arith.subf %get3A_880, %get3A_874 : vector<16xf32>
        %sub3A_885 = arith.subf %get3A_883, %get3A_877 : vector<16xf32>
        %mul3A_886 = arith.mulf %sub3A_884, %sub3A_885 : vector<16xf32>
        %broadcast_in_dim3A_887 = arith.constant 0 : i32
        %broadcast_in_dim3A_888 = vector.broadcast %broadcast_in_dim3A_887 : i32 to vector<16xi32>
        %lt3A_889 = arith.constant 0 : i32
        %lt3A_890 = vector.broadcast %lt3A_889 : i32 to vector<16xi32>
        %lt3A_891 = arith.cmpi slt, %broadcast_in_dim3A_888, %lt3A_890 : vector<16xi32>
        %add3A_892 = arith.constant 16 : i32
        %add3A_893 = vector.broadcast %add3A_892 : i32 to vector<16xi32>
        %add3A_894 = arith.addi %broadcast_in_dim3A_888, %add3A_893 : vector<16xi32>
        %select_n3A_895 = arith.select %lt3A_891, %add3A_894, %broadcast_in_dim3A_888 : vector<16xi1>, vector<16xi32>
        %broadcast_in_dim3A_896 = vector.shape_cast %select_n3A_895 : vector<16xi32> to vector<16x1xi32>
        %gather3A_897 = vector.shape_cast %broadcast_in_dim3A_896 : vector<16x1xi32> to vector<16xi32>
        %gather3A_898 = tpu.dynamic_gather %get3A_874[%gather3A_897] in [0] : vector<16xf32>, vector<16xi32> -> vector<16xf32>
        %broadcast_in_dim3A_899 = arith.constant 0 : i32
        %broadcast_in_dim3A_900 = vector.broadcast %broadcast_in_dim3A_899 : i32 to vector<16xi32>
        %lt3A_901 = arith.constant 0 : i32
        %lt3A_902 = vector.broadcast %lt3A_901 : i32 to vector<16xi32>
        %lt3A_903 = arith.cmpi slt, %broadcast_in_dim3A_900, %lt3A_902 : vector<16xi32>
        %add3A_904 = arith.constant 16 : i32
        %add3A_905 = vector.broadcast %add3A_904 : i32 to vector<16xi32>
        %add3A_906 = arith.addi %broadcast_in_dim3A_900, %add3A_905 : vector<16xi32>
        %select_n3A_907 = arith.select %lt3A_903, %add3A_906, %broadcast_in_dim3A_900 : vector<16xi1>, vector<16xi32>
        %broadcast_in_dim3A_908 = vector.shape_cast %select_n3A_907 : vector<16xi32> to vector<16x1xi32>
        %gather3A_909 = vector.shape_cast %broadcast_in_dim3A_908 : vector<16x1xi32> to vector<16xi32>
        %gather3A_910 = tpu.dynamic_gather %get3A_877[%gather3A_909] in [0] : vector<16xf32>, vector<16xi32> -> vector<16xf32>
        %broadcast_in_dim3A_911 = arith.constant 0 : i32
        %broadcast_in_dim3A_912 = vector.broadcast %broadcast_in_dim3A_911 : i32 to vector<16xi32>
        %lt3A_913 = arith.constant 0 : i32
        %lt3A_914 = vector.broadcast %lt3A_913 : i32 to vector<16xi32>
        %lt3A_915 = arith.cmpi slt, %broadcast_in_dim3A_912, %lt3A_914 : vector<16xi32>
        %add3A_916 = arith.constant 16 : i32
        %add3A_917 = vector.broadcast %add3A_916 : i32 to vector<16xi32>
        %add3A_918 = arith.addi %broadcast_in_dim3A_912, %add3A_917 : vector<16xi32>
        %select_n3A_919 = arith.select %lt3A_915, %add3A_918, %broadcast_in_dim3A_912 : vector<16xi1>, vector<16xi32>
        %broadcast_in_dim3A_920 = vector.shape_cast %select_n3A_919 : vector<16xi32> to vector<16x1xi32>
        %gather3A_921 = vector.shape_cast %broadcast_in_dim3A_920 : vector<16x1xi32> to vector<16xi32>
        %gather3A_922 = tpu.dynamic_gather %get3A_880[%gather3A_921] in [0] : vector<16xf32>, vector<16xi32> -> vector<16xf32>
        %broadcast_in_dim3A_923 = arith.constant 0 : i32
        %broadcast_in_dim3A_924 = vector.broadcast %broadcast_in_dim3A_923 : i32 to vector<16xi32>
        %lt3A_925 = arith.constant 0 : i32
        %lt3A_926 = vector.broadcast %lt3A_925 : i32 to vector<16xi32>
        %lt3A_927 = arith.cmpi slt, %broadcast_in_dim3A_924, %lt3A_926 : vector<16xi32>
        %add3A_928 = arith.constant 16 : i32
        %add3A_929 = vector.broadcast %add3A_928 : i32 to vector<16xi32>
        %add3A_930 = arith.addi %broadcast_in_dim3A_924, %add3A_929 : vector<16xi32>
        %select_n3A_931 = arith.select %lt3A_927, %add3A_930, %broadcast_in_dim3A_924 : vector<16xi1>, vector<16xi32>
        %broadcast_in_dim3A_932 = vector.shape_cast %select_n3A_931 : vector<16xi32> to vector<16x1xi32>
        %gather3A_933 = vector.shape_cast %broadcast_in_dim3A_932 : vector<16x1xi32> to vector<16xi32>
        %gather3A_934 = tpu.dynamic_gather %get3A_883[%gather3A_933] in [0] : vector<16xf32>, vector<16xi32> -> vector<16xf32>
        %sub3A_935 = arith.subf %gather3A_922, %gather3A_898 : vector<16xf32>
        %sub3A_936 = arith.subf %gather3A_934, %gather3A_910 : vector<16xf32>
        %mul3A_937 = arith.mulf %sub3A_935, %sub3A_936 : vector<16xf32>
        %broadcast_in_dim3A_938 = arith.constant 0 : i32
        %broadcast_in_dim3A_939 = vector.broadcast %broadcast_in_dim3A_938 : i32 to vector<16xi32>
        %lt3A_940 = arith.constant 0 : i32
        %lt3A_941 = vector.broadcast %lt3A_940 : i32 to vector<16xi32>
        %lt3A_942 = arith.cmpi slt, %broadcast_in_dim3A_939, %lt3A_941 : vector<16xi32>
        %add3A_943 = arith.constant 16 : i32
        %add3A_944 = vector.broadcast %add3A_943 : i32 to vector<16xi32>
        %add3A_945 = arith.addi %broadcast_in_dim3A_939, %add3A_944 : vector<16xi32>
        %select_n3A_946 = arith.select %lt3A_942, %add3A_945, %broadcast_in_dim3A_939 : vector<16xi1>, vector<16xi32>
        %broadcast_in_dim3A_947 = vector.shape_cast %select_n3A_946 : vector<16xi32> to vector<16x1xi32>
        %gather3A_948 = vector.shape_cast %broadcast_in_dim3A_947 : vector<16x1xi32> to vector<16xi32>
        %gather3A_949 = tpu.dynamic_gather %get3A_871[%gather3A_948] in [0] : vector<16xf32>, vector<16xi32> -> vector<16xf32>
        %min3A = arith.minimumf %gather3A_922, %get3A_880 : vector<16xf32>
        %max3A = arith.maximumf %gather3A_898, %get3A_874 : vector<16xf32>
        %sub3A_950 = arith.subf %min3A, %max3A : vector<16xf32>
        %max3A_951 = arith.constant 0.000000e+00 : f32
        %max3A_952 = vector.broadcast %max3A_951 : f32 to vector<16xf32>
        %max3A_953 = arith.maximumf %sub3A_950, %max3A_952 : vector<16xf32>
        %min3A_954 = arith.minimumf %gather3A_934, %get3A_883 : vector<16xf32>
        %max3A_955 = arith.maximumf %gather3A_910, %get3A_877 : vector<16xf32>
        %sub3A_956 = arith.subf %min3A_954, %max3A_955 : vector<16xf32>
        %max3A_957 = arith.constant 0.000000e+00 : f32
        %max3A_958 = vector.broadcast %max3A_957 : f32 to vector<16xf32>
        %max3A_959 = arith.maximumf %sub3A_956, %max3A_958 : vector<16xf32>
        %mul3A_960 = arith.mulf %max3A_953, %max3A_959 : vector<16xf32>
        %add3A_961 = arith.addf %mul3A_937, %mul3A_886 : vector<16xf32>
        %sub3A_962 = arith.subf %add3A_961, %mul3A_960 : vector<16xf32>
        %add3A_963 = arith.constant 9.99999971E-10 : f32
        %add3A_964 = vector.broadcast %add3A_963 : f32 to vector<16xf32>
        %add3A_965 = arith.addf %sub3A_962, %add3A_964 : vector<16xf32>
        %div3A_966 = arith.divf %mul3A_960, %add3A_965 : vector<16xf32>
        %gt3A = arith.constant 0.000000e+00 : f32
        %gt3A_967 = vector.broadcast %gt3A : f32 to vector<16xf32>
        %gt3A_968 = arith.cmpf ogt, %gather3A_949, %gt3A_967 : vector<16xf32>
        %jit3A = arith.constant 3.000000e-01 : f32
        %jit3A_969 = arith.constant 2.000000e+30 : f32
        %broadcast_in_dim3A_970 = vector.broadcast %jit3A : f32 to vector<16xf32>
        %broadcast_in_dim3A_971 = vector.broadcast %jit3A_969 : f32 to vector<16xf32>
        %select_n3A_972 = arith.select %gt3A_968, %broadcast_in_dim3A_970, %broadcast_in_dim3A_971 : vector<16xi1>, vector<16xf32>
        %gt3A_973 = arith.cmpf ogt, %div3A_966, %select_n3A_972 : vector<16xf32>
        %gt3A_974 = arith.constant 0 : i32
        %gt3A_975 = vector.broadcast %gt3A_974 : i32 to vector<16xi32>
        %gt3A_976 = arith.cmpi sgt, %iota3A, %gt3A_975 : vector<16xi32>
        %and3A = arith.andi %gt3A_973, %gt3A_976 : vector<16xi1>
        %jit3A_977 = arith.constant 0.000000e+00 : f32
        %broadcast_in_dim3A_978 = vector.broadcast %jit3A_977 : f32 to vector<16xf32>
        %select_n3A_979 = arith.select %and3A, %broadcast_in_dim3A_978, %get3A_871 : vector<16xi1>, vector<16xf32>
        %broadcast_in_dim3A_980 = arith.constant 1 : i32
        %broadcast_in_dim3A_981 = vector.broadcast %broadcast_in_dim3A_980 : i32 to vector<16xi32>
        %lt3A_982 = arith.constant 0 : i32
        %lt3A_983 = vector.broadcast %lt3A_982 : i32 to vector<16xi32>
        %lt3A_984 = arith.cmpi slt, %broadcast_in_dim3A_981, %lt3A_983 : vector<16xi32>
        %add3A_985 = arith.constant 16 : i32
        %add3A_986 = vector.broadcast %add3A_985 : i32 to vector<16xi32>
        %add3A_987 = arith.addi %broadcast_in_dim3A_981, %add3A_986 : vector<16xi32>
        %select_n3A_988 = arith.select %lt3A_984, %add3A_987, %broadcast_in_dim3A_981 : vector<16xi1>, vector<16xi32>
        %broadcast_in_dim3A_989 = vector.shape_cast %select_n3A_988 : vector<16xi32> to vector<16x1xi32>
        %gather3A_990 = vector.shape_cast %broadcast_in_dim3A_989 : vector<16x1xi32> to vector<16xi32>
        %gather3A_991 = tpu.dynamic_gather %get3A_874[%gather3A_990] in [0] : vector<16xf32>, vector<16xi32> -> vector<16xf32>
        %broadcast_in_dim3A_992 = arith.constant 1 : i32
        %broadcast_in_dim3A_993 = vector.broadcast %broadcast_in_dim3A_992 : i32 to vector<16xi32>
        %lt3A_994 = arith.constant 0 : i32
        %lt3A_995 = vector.broadcast %lt3A_994 : i32 to vector<16xi32>
        %lt3A_996 = arith.cmpi slt, %broadcast_in_dim3A_993, %lt3A_995 : vector<16xi32>
        %add3A_997 = arith.constant 16 : i32
        %add3A_998 = vector.broadcast %add3A_997 : i32 to vector<16xi32>
        %add3A_999 = arith.addi %broadcast_in_dim3A_993, %add3A_998 : vector<16xi32>
        %select_n3A_1000 = arith.select %lt3A_996, %add3A_999, %broadcast_in_dim3A_993 : vector<16xi1>, vector<16xi32>
        %broadcast_in_dim3A_1001 = vector.shape_cast %select_n3A_1000 : vector<16xi32> to vector<16x1xi32>
        %gather3A_1002 = vector.shape_cast %broadcast_in_dim3A_1001 : vector<16x1xi32> to vector<16xi32>
        %gather3A_1003 = tpu.dynamic_gather %get3A_877[%gather3A_1002] in [0] : vector<16xf32>, vector<16xi32> -> vector<16xf32>
        %broadcast_in_dim3A_1004 = arith.constant 1 : i32
        %broadcast_in_dim3A_1005 = vector.broadcast %broadcast_in_dim3A_1004 : i32 to vector<16xi32>
        %lt3A_1006 = arith.constant 0 : i32
        %lt3A_1007 = vector.broadcast %lt3A_1006 : i32 to vector<16xi32>
        %lt3A_1008 = arith.cmpi slt, %broadcast_in_dim3A_1005, %lt3A_1007 : vector<16xi32>
        %add3A_1009 = arith.constant 16 : i32
        %add3A_1010 = vector.broadcast %add3A_1009 : i32 to vector<16xi32>
        %add3A_1011 = arith.addi %broadcast_in_dim3A_1005, %add3A_1010 : vector<16xi32>
        %select_n3A_1012 = arith.select %lt3A_1008, %add3A_1011, %broadcast_in_dim3A_1005 : vector<16xi1>, vector<16xi32>
        %broadcast_in_dim3A_1013 = vector.shape_cast %select_n3A_1012 : vector<16xi32> to vector<16x1xi32>
        %gather3A_1014 = vector.shape_cast %broadcast_in_dim3A_1013 : vector<16x1xi32> to vector<16xi32>
        %gather3A_1015 = tpu.dynamic_gather %get3A_880[%gather3A_1014] in [0] : vector<16xf32>, vector<16xi32> -> vector<16xf32>
        %broadcast_in_dim3A_1016 = arith.constant 1 : i32
        %broadcast_in_dim3A_1017 = vector.broadcast %broadcast_in_dim3A_1016 : i32 to vector<16xi32>
        %lt3A_1018 = arith.constant 0 : i32
        %lt3A_1019 = vector.broadcast %lt3A_1018 : i32 to vector<16xi32>
        %lt3A_1020 = arith.cmpi slt, %broadcast_in_dim3A_1017, %lt3A_1019 : vector<16xi32>
        %add3A_1021 = arith.constant 16 : i32
        %add3A_1022 = vector.broadcast %add3A_1021 : i32 to vector<16xi32>
        %add3A_1023 = arith.addi %broadcast_in_dim3A_1017, %add3A_1022 : vector<16xi32>
        %select_n3A_1024 = arith.select %lt3A_1020, %add3A_1023, %broadcast_in_dim3A_1017 : vector<16xi1>, vector<16xi32>
        %broadcast_in_dim3A_1025 = vector.shape_cast %select_n3A_1024 : vector<16xi32> to vector<16x1xi32>
        %gather3A_1026 = vector.shape_cast %broadcast_in_dim3A_1025 : vector<16x1xi32> to vector<16xi32>
        %gather3A_1027 = tpu.dynamic_gather %get3A_883[%gather3A_1026] in [0] : vector<16xf32>, vector<16xi32> -> vector<16xf32>
        %sub3A_1028 = arith.subf %gather3A_1015, %gather3A_991 : vector<16xf32>
        %sub3A_1029 = arith.subf %gather3A_1027, %gather3A_1003 : vector<16xf32>
        %mul3A_1030 = arith.mulf %sub3A_1028, %sub3A_1029 : vector<16xf32>
        %broadcast_in_dim3A_1031 = arith.constant 1 : i32
        %broadcast_in_dim3A_1032 = vector.broadcast %broadcast_in_dim3A_1031 : i32 to vector<16xi32>
        %lt3A_1033 = arith.constant 0 : i32
        %lt3A_1034 = vector.broadcast %lt3A_1033 : i32 to vector<16xi32>
        %lt3A_1035 = arith.cmpi slt, %broadcast_in_dim3A_1032, %lt3A_1034 : vector<16xi32>
        %add3A_1036 = arith.constant 16 : i32
        %add3A_1037 = vector.broadcast %add3A_1036 : i32 to vector<16xi32>
        %add3A_1038 = arith.addi %broadcast_in_dim3A_1032, %add3A_1037 : vector<16xi32>
        %select_n3A_1039 = arith.select %lt3A_1035, %add3A_1038, %broadcast_in_dim3A_1032 : vector<16xi1>, vector<16xi32>
        %broadcast_in_dim3A_1040 = vector.shape_cast %select_n3A_1039 : vector<16xi32> to vector<16x1xi32>
        %gather3A_1041 = vector.shape_cast %broadcast_in_dim3A_1040 : vector<16x1xi32> to vector<16xi32>
        %gather3A_1042 = tpu.dynamic_gather %select_n3A_979[%gather3A_1041] in [0] : vector<16xf32>, vector<16xi32> -> vector<16xf32>
        %min3A_1043 = arith.minimumf %gather3A_1015, %get3A_880 : vector<16xf32>
        %max3A_1044 = arith.maximumf %gather3A_991, %get3A_874 : vector<16xf32>
        %sub3A_1045 = arith.subf %min3A_1043, %max3A_1044 : vector<16xf32>
        %max3A_1046 = arith.constant 0.000000e+00 : f32
        %max3A_1047 = vector.broadcast %max3A_1046 : f32 to vector<16xf32>
        %max3A_1048 = arith.maximumf %sub3A_1045, %max3A_1047 : vector<16xf32>
        %min3A_1049 = arith.minimumf %gather3A_1027, %get3A_883 : vector<16xf32>
        %max3A_1050 = arith.maximumf %gather3A_1003, %get3A_877 : vector<16xf32>
        %sub3A_1051 = arith.subf %min3A_1049, %max3A_1050 : vector<16xf32>
        %max3A_1052 = arith.constant 0.000000e+00 : f32
        %max3A_1053 = vector.broadcast %max3A_1052 : f32 to vector<16xf32>
        %max3A_1054 = arith.maximumf %sub3A_1051, %max3A_1053 : vector<16xf32>
        %mul3A_1055 = arith.mulf %max3A_1048, %max3A_1054 : vector<16xf32>
        %add3A_1056 = arith.addf %mul3A_1030, %mul3A_886 : vector<16xf32>
        %sub3A_1057 = arith.subf %add3A_1056, %mul3A_1055 : vector<16xf32>
        %add3A_1058 = arith.constant 9.99999971E-10 : f32
        %add3A_1059 = vector.broadcast %add3A_1058 : f32 to vector<16xf32>
        %add3A_1060 = arith.addf %sub3A_1057, %add3A_1059 : vector<16xf32>
        %div3A_1061 = arith.divf %mul3A_1055, %add3A_1060 : vector<16xf32>
        %gt3A_1062 = arith.constant 0.000000e+00 : f32
        %gt3A_1063 = vector.broadcast %gt3A_1062 : f32 to vector<16xf32>
        %gt3A_1064 = arith.cmpf ogt, %gather3A_1042, %gt3A_1063 : vector<16xf32>
        %jit3A_1065 = arith.constant 3.000000e-01 : f32
        %jit3A_1066 = arith.constant 2.000000e+30 : f32
        %broadcast_in_dim3A_1067 = vector.broadcast %jit3A_1065 : f32 to vector<16xf32>
        %broadcast_in_dim3A_1068 = vector.broadcast %jit3A_1066 : f32 to vector<16xf32>
        %select_n3A_1069 = arith.select %gt3A_1064, %broadcast_in_dim3A_1067, %broadcast_in_dim3A_1068 : vector<16xi1>, vector<16xf32>
        %gt3A_1070 = arith.cmpf ogt, %div3A_1061, %select_n3A_1069 : vector<16xf32>
        %gt3A_1071 = arith.constant 1 : i32
        %gt3A_1072 = vector.broadcast %gt3A_1071 : i32 to vector<16xi32>
        %gt3A_1073 = arith.cmpi sgt, %iota3A, %gt3A_1072 : vector<16xi32>
        %and3A_1074 = arith.andi %gt3A_1070, %gt3A_1073 : vector<16xi1>
        %jit3A_1075 = arith.constant 0.000000e+00 : f32
        %broadcast_in_dim3A_1076 = vector.broadcast %jit3A_1075 : f32 to vector<16xf32>
        %select_n3A_1077 = arith.select %and3A_1074, %broadcast_in_dim3A_1076, %select_n3A_979 : vector<16xi1>, vector<16xf32>
        %broadcast_in_dim3A_1078 = arith.constant 2 : i32
        %broadcast_in_dim3A_1079 = vector.broadcast %broadcast_in_dim3A_1078 : i32 to vector<16xi32>
        %lt3A_1080 = arith.constant 0 : i32
        %lt3A_1081 = vector.broadcast %lt3A_1080 : i32 to vector<16xi32>
        %lt3A_1082 = arith.cmpi slt, %broadcast_in_dim3A_1079, %lt3A_1081 : vector<16xi32>
        %add3A_1083 = arith.constant 16 : i32
        %add3A_1084 = vector.broadcast %add3A_1083 : i32 to vector<16xi32>
        %add3A_1085 = arith.addi %broadcast_in_dim3A_1079, %add3A_1084 : vector<16xi32>
        %select_n3A_1086 = arith.select %lt3A_1082, %add3A_1085, %broadcast_in_dim3A_1079 : vector<16xi1>, vector<16xi32>
        %broadcast_in_dim3A_1087 = vector.shape_cast %select_n3A_1086 : vector<16xi32> to vector<16x1xi32>
        %gather3A_1088 = vector.shape_cast %broadcast_in_dim3A_1087 : vector<16x1xi32> to vector<16xi32>
        %gather3A_1089 = tpu.dynamic_gather %get3A_874[%gather3A_1088] in [0] : vector<16xf32>, vector<16xi32> -> vector<16xf32>
        %broadcast_in_dim3A_1090 = arith.constant 2 : i32
        %broadcast_in_dim3A_1091 = vector.broadcast %broadcast_in_dim3A_1090 : i32 to vector<16xi32>
        %lt3A_1092 = arith.constant 0 : i32
        %lt3A_1093 = vector.broadcast %lt3A_1092 : i32 to vector<16xi32>
        %lt3A_1094 = arith.cmpi slt, %broadcast_in_dim3A_1091, %lt3A_1093 : vector<16xi32>
        %add3A_1095 = arith.constant 16 : i32
        %add3A_1096 = vector.broadcast %add3A_1095 : i32 to vector<16xi32>
        %add3A_1097 = arith.addi %broadcast_in_dim3A_1091, %add3A_1096 : vector<16xi32>
        %select_n3A_1098 = arith.select %lt3A_1094, %add3A_1097, %broadcast_in_dim3A_1091 : vector<16xi1>, vector<16xi32>
        %broadcast_in_dim3A_1099 = vector.shape_cast %select_n3A_1098 : vector<16xi32> to vector<16x1xi32>
        %gather3A_1100 = vector.shape_cast %broadcast_in_dim3A_1099 : vector<16x1xi32> to vector<16xi32>
        %gather3A_1101 = tpu.dynamic_gather %get3A_877[%gather3A_1100] in [0] : vector<16xf32>, vector<16xi32> -> vector<16xf32>
        %broadcast_in_dim3A_1102 = arith.constant 2 : i32
        %broadcast_in_dim3A_1103 = vector.broadcast %broadcast_in_dim3A_1102 : i32 to vector<16xi32>
        %lt3A_1104 = arith.constant 0 : i32
        %lt3A_1105 = vector.broadcast %lt3A_1104 : i32 to vector<16xi32>
        %lt3A_1106 = arith.cmpi slt, %broadcast_in_dim3A_1103, %lt3A_1105 : vector<16xi32>
        %add3A_1107 = arith.constant 16 : i32
        %add3A_1108 = vector.broadcast %add3A_1107 : i32 to vector<16xi32>
        %add3A_1109 = arith.addi %broadcast_in_dim3A_1103, %add3A_1108 : vector<16xi32>
        %select_n3A_1110 = arith.select %lt3A_1106, %add3A_1109, %broadcast_in_dim3A_1103 : vector<16xi1>, vector<16xi32>
        %broadcast_in_dim3A_1111 = vector.shape_cast %select_n3A_1110 : vector<16xi32> to vector<16x1xi32>
        %gather3A_1112 = vector.shape_cast %broadcast_in_dim3A_1111 : vector<16x1xi32> to vector<16xi32>
        %gather3A_1113 = tpu.dynamic_gather %get3A_880[%gather3A_1112] in [0] : vector<16xf32>, vector<16xi32> -> vector<16xf32>
        %broadcast_in_dim3A_1114 = arith.constant 2 : i32
        %broadcast_in_dim3A_1115 = vector.broadcast %broadcast_in_dim3A_1114 : i32 to vector<16xi32>
        %lt3A_1116 = arith.constant 0 : i32
        %lt3A_1117 = vector.broadcast %lt3A_1116 : i32 to vector<16xi32>
        %lt3A_1118 = arith.cmpi slt, %broadcast_in_dim3A_1115, %lt3A_1117 : vector<16xi32>
        %add3A_1119 = arith.constant 16 : i32
        %add3A_1120 = vector.broadcast %add3A_1119 : i32 to vector<16xi32>
        %add3A_1121 = arith.addi %broadcast_in_dim3A_1115, %add3A_1120 : vector<16xi32>
        %select_n3A_1122 = arith.select %lt3A_1118, %add3A_1121, %broadcast_in_dim3A_1115 : vector<16xi1>, vector<16xi32>
        %broadcast_in_dim3A_1123 = vector.shape_cast %select_n3A_1122 : vector<16xi32> to vector<16x1xi32>
        %gather3A_1124 = vector.shape_cast %broadcast_in_dim3A_1123 : vector<16x1xi32> to vector<16xi32>
        %gather3A_1125 = tpu.dynamic_gather %get3A_883[%gather3A_1124] in [0] : vector<16xf32>, vector<16xi32> -> vector<16xf32>
        %sub3A_1126 = arith.subf %gather3A_1113, %gather3A_1089 : vector<16xf32>
        %sub3A_1127 = arith.subf %gather3A_1125, %gather3A_1101 : vector<16xf32>
        %mul3A_1128 = arith.mulf %sub3A_1126, %sub3A_1127 : vector<16xf32>
        %broadcast_in_dim3A_1129 = arith.constant 2 : i32
        %broadcast_in_dim3A_1130 = vector.broadcast %broadcast_in_dim3A_1129 : i32 to vector<16xi32>
        %lt3A_1131 = arith.constant 0 : i32
        %lt3A_1132 = vector.broadcast %lt3A_1131 : i32 to vector<16xi32>
        %lt3A_1133 = arith.cmpi slt, %broadcast_in_dim3A_1130, %lt3A_1132 : vector<16xi32>
        %add3A_1134 = arith.constant 16 : i32
        %add3A_1135 = vector.broadcast %add3A_1134 : i32 to vector<16xi32>
        %add3A_1136 = arith.addi %broadcast_in_dim3A_1130, %add3A_1135 : vector<16xi32>
        %select_n3A_1137 = arith.select %lt3A_1133, %add3A_1136, %broadcast_in_dim3A_1130 : vector<16xi1>, vector<16xi32>
        %broadcast_in_dim3A_1138 = vector.shape_cast %select_n3A_1137 : vector<16xi32> to vector<16x1xi32>
        %gather3A_1139 = vector.shape_cast %broadcast_in_dim3A_1138 : vector<16x1xi32> to vector<16xi32>
        %gather3A_1140 = tpu.dynamic_gather %select_n3A_1077[%gather3A_1139] in [0] : vector<16xf32>, vector<16xi32> -> vector<16xf32>
        %min3A_1141 = arith.minimumf %gather3A_1113, %get3A_880 : vector<16xf32>
        %max3A_1142 = arith.maximumf %gather3A_1089, %get3A_874 : vector<16xf32>
        %sub3A_1143 = arith.subf %min3A_1141, %max3A_1142 : vector<16xf32>
        %max3A_1144 = arith.constant 0.000000e+00 : f32
        %max3A_1145 = vector.broadcast %max3A_1144 : f32 to vector<16xf32>
        %max3A_1146 = arith.maximumf %sub3A_1143, %max3A_1145 : vector<16xf32>
        %min3A_1147 = arith.minimumf %gather3A_1125, %get3A_883 : vector<16xf32>
        %max3A_1148 = arith.maximumf %gather3A_1101, %get3A_877 : vector<16xf32>
        %sub3A_1149 = arith.subf %min3A_1147, %max3A_1148 : vector<16xf32>
        %max3A_1150 = arith.constant 0.000000e+00 : f32
        %max3A_1151 = vector.broadcast %max3A_1150 : f32 to vector<16xf32>
        %max3A_1152 = arith.maximumf %sub3A_1149, %max3A_1151 : vector<16xf32>
        %mul3A_1153 = arith.mulf %max3A_1146, %max3A_1152 : vector<16xf32>
        %add3A_1154 = arith.addf %mul3A_1128, %mul3A_886 : vector<16xf32>
        %sub3A_1155 = arith.subf %add3A_1154, %mul3A_1153 : vector<16xf32>
        %add3A_1156 = arith.constant 9.99999971E-10 : f32
        %add3A_1157 = vector.broadcast %add3A_1156 : f32 to vector<16xf32>
        %add3A_1158 = arith.addf %sub3A_1155, %add3A_1157 : vector<16xf32>
        %div3A_1159 = arith.divf %mul3A_1153, %add3A_1158 : vector<16xf32>
        %gt3A_1160 = arith.constant 0.000000e+00 : f32
        %gt3A_1161 = vector.broadcast %gt3A_1160 : f32 to vector<16xf32>
        %gt3A_1162 = arith.cmpf ogt, %gather3A_1140, %gt3A_1161 : vector<16xf32>
        %jit3A_1163 = arith.constant 3.000000e-01 : f32
        %jit3A_1164 = arith.constant 2.000000e+30 : f32
        %broadcast_in_dim3A_1165 = vector.broadcast %jit3A_1163 : f32 to vector<16xf32>
        %broadcast_in_dim3A_1166 = vector.broadcast %jit3A_1164 : f32 to vector<16xf32>
        %select_n3A_1167 = arith.select %gt3A_1162, %broadcast_in_dim3A_1165, %broadcast_in_dim3A_1166 : vector<16xi1>, vector<16xf32>
        %gt3A_1168 = arith.cmpf ogt, %div3A_1159, %select_n3A_1167 : vector<16xf32>
        %gt3A_1169 = arith.constant 2 : i32
        %gt3A_1170 = vector.broadcast %gt3A_1169 : i32 to vector<16xi32>
        %gt3A_1171 = arith.cmpi sgt, %iota3A, %gt3A_1170 : vector<16xi32>
        %and3A_1172 = arith.andi %gt3A_1168, %gt3A_1171 : vector<16xi1>
        %jit3A_1173 = arith.constant 0.000000e+00 : f32
        %broadcast_in_dim3A_1174 = vector.broadcast %jit3A_1173 : f32 to vector<16xf32>
        %select_n3A_1175 = arith.select %and3A_1172, %broadcast_in_dim3A_1174, %select_n3A_1077 : vector<16xi1>, vector<16xf32>
        %broadcast_in_dim3A_1176 = arith.constant 3 : i32
        %broadcast_in_dim3A_1177 = vector.broadcast %broadcast_in_dim3A_1176 : i32 to vector<16xi32>
        %lt3A_1178 = arith.constant 0 : i32
        %lt3A_1179 = vector.broadcast %lt3A_1178 : i32 to vector<16xi32>
        %lt3A_1180 = arith.cmpi slt, %broadcast_in_dim3A_1177, %lt3A_1179 : vector<16xi32>
        %add3A_1181 = arith.constant 16 : i32
        %add3A_1182 = vector.broadcast %add3A_1181 : i32 to vector<16xi32>
        %add3A_1183 = arith.addi %broadcast_in_dim3A_1177, %add3A_1182 : vector<16xi32>
        %select_n3A_1184 = arith.select %lt3A_1180, %add3A_1183, %broadcast_in_dim3A_1177 : vector<16xi1>, vector<16xi32>
        %broadcast_in_dim3A_1185 = vector.shape_cast %select_n3A_1184 : vector<16xi32> to vector<16x1xi32>
        %gather3A_1186 = vector.shape_cast %broadcast_in_dim3A_1185 : vector<16x1xi32> to vector<16xi32>
        %gather3A_1187 = tpu.dynamic_gather %get3A_874[%gather3A_1186] in [0] : vector<16xf32>, vector<16xi32> -> vector<16xf32>
        %broadcast_in_dim3A_1188 = arith.constant 3 : i32
        %broadcast_in_dim3A_1189 = vector.broadcast %broadcast_in_dim3A_1188 : i32 to vector<16xi32>
        %lt3A_1190 = arith.constant 0 : i32
        %lt3A_1191 = vector.broadcast %lt3A_1190 : i32 to vector<16xi32>
        %lt3A_1192 = arith.cmpi slt, %broadcast_in_dim3A_1189, %lt3A_1191 : vector<16xi32>
        %add3A_1193 = arith.constant 16 : i32
        %add3A_1194 = vector.broadcast %add3A_1193 : i32 to vector<16xi32>
        %add3A_1195 = arith.addi %broadcast_in_dim3A_1189, %add3A_1194 : vector<16xi32>
        %select_n3A_1196 = arith.select %lt3A_1192, %add3A_1195, %broadcast_in_dim3A_1189 : vector<16xi1>, vector<16xi32>
        %broadcast_in_dim3A_1197 = vector.shape_cast %select_n3A_1196 : vector<16xi32> to vector<16x1xi32>
        %gather3A_1198 = vector.shape_cast %broadcast_in_dim3A_1197 : vector<16x1xi32> to vector<16xi32>
        %gather3A_1199 = tpu.dynamic_gather %get3A_877[%gather3A_1198] in [0] : vector<16xf32>, vector<16xi32> -> vector<16xf32>
        %broadcast_in_dim3A_1200 = arith.constant 3 : i32
        %broadcast_in_dim3A_1201 = vector.broadcast %broadcast_in_dim3A_1200 : i32 to vector<16xi32>
        %lt3A_1202 = arith.constant 0 : i32
        %lt3A_1203 = vector.broadcast %lt3A_1202 : i32 to vector<16xi32>
        %lt3A_1204 = arith.cmpi slt, %broadcast_in_dim3A_1201, %lt3A_1203 : vector<16xi32>
        %add3A_1205 = arith.constant 16 : i32
        %add3A_1206 = vector.broadcast %add3A_1205 : i32 to vector<16xi32>
        %add3A_1207 = arith.addi %broadcast_in_dim3A_1201, %add3A_1206 : vector<16xi32>
        %select_n3A_1208 = arith.select %lt3A_1204, %add3A_1207, %broadcast_in_dim3A_1201 : vector<16xi1>, vector<16xi32>
        %broadcast_in_dim3A_1209 = vector.shape_cast %select_n3A_1208 : vector<16xi32> to vector<16x1xi32>
        %gather3A_1210 = vector.shape_cast %broadcast_in_dim3A_1209 : vector<16x1xi32> to vector<16xi32>
        %gather3A_1211 = tpu.dynamic_gather %get3A_880[%gather3A_1210] in [0] : vector<16xf32>, vector<16xi32> -> vector<16xf32>
        %broadcast_in_dim3A_1212 = arith.constant 3 : i32
        %broadcast_in_dim3A_1213 = vector.broadcast %broadcast_in_dim3A_1212 : i32 to vector<16xi32>
        %lt3A_1214 = arith.constant 0 : i32
        %lt3A_1215 = vector.broadcast %lt3A_1214 : i32 to vector<16xi32>
        %lt3A_1216 = arith.cmpi slt, %broadcast_in_dim3A_1213, %lt3A_1215 : vector<16xi32>
        %add3A_1217 = arith.constant 16 : i32
        %add3A_1218 = vector.broadcast %add3A_1217 : i32 to vector<16xi32>
        %add3A_1219 = arith.addi %broadcast_in_dim3A_1213, %add3A_1218 : vector<16xi32>
        %select_n3A_1220 = arith.select %lt3A_1216, %add3A_1219, %broadcast_in_dim3A_1213 : vector<16xi1>, vector<16xi32>
        %broadcast_in_dim3A_1221 = vector.shape_cast %select_n3A_1220 : vector<16xi32> to vector<16x1xi32>
        %gather3A_1222 = vector.shape_cast %broadcast_in_dim3A_1221 : vector<16x1xi32> to vector<16xi32>
        %gather3A_1223 = tpu.dynamic_gather %get3A_883[%gather3A_1222] in [0] : vector<16xf32>, vector<16xi32> -> vector<16xf32>
        %sub3A_1224 = arith.subf %gather3A_1211, %gather3A_1187 : vector<16xf32>
        %sub3A_1225 = arith.subf %gather3A_1223, %gather3A_1199 : vector<16xf32>
        %mul3A_1226 = arith.mulf %sub3A_1224, %sub3A_1225 : vector<16xf32>
        %broadcast_in_dim3A_1227 = arith.constant 3 : i32
        %broadcast_in_dim3A_1228 = vector.broadcast %broadcast_in_dim3A_1227 : i32 to vector<16xi32>
        %lt3A_1229 = arith.constant 0 : i32
        %lt3A_1230 = vector.broadcast %lt3A_1229 : i32 to vector<16xi32>
        %lt3A_1231 = arith.cmpi slt, %broadcast_in_dim3A_1228, %lt3A_1230 : vector<16xi32>
        %add3A_1232 = arith.constant 16 : i32
        %add3A_1233 = vector.broadcast %add3A_1232 : i32 to vector<16xi32>
        %add3A_1234 = arith.addi %broadcast_in_dim3A_1228, %add3A_1233 : vector<16xi32>
        %select_n3A_1235 = arith.select %lt3A_1231, %add3A_1234, %broadcast_in_dim3A_1228 : vector<16xi1>, vector<16xi32>
        %broadcast_in_dim3A_1236 = vector.shape_cast %select_n3A_1235 : vector<16xi32> to vector<16x1xi32>
        %gather3A_1237 = vector.shape_cast %broadcast_in_dim3A_1236 : vector<16x1xi32> to vector<16xi32>
        %gather3A_1238 = tpu.dynamic_gather %select_n3A_1175[%gather3A_1237] in [0] : vector<16xf32>, vector<16xi32> -> vector<16xf32>
        %min3A_1239 = arith.minimumf %gather3A_1211, %get3A_880 : vector<16xf32>
        %max3A_1240 = arith.maximumf %gather3A_1187, %get3A_874 : vector<16xf32>
        %sub3A_1241 = arith.subf %min3A_1239, %max3A_1240 : vector<16xf32>
        %max3A_1242 = arith.constant 0.000000e+00 : f32
        %max3A_1243 = vector.broadcast %max3A_1242 : f32 to vector<16xf32>
        %max3A_1244 = arith.maximumf %sub3A_1241, %max3A_1243 : vector<16xf32>
        %min3A_1245 = arith.minimumf %gather3A_1223, %get3A_883 : vector<16xf32>
        %max3A_1246 = arith.maximumf %gather3A_1199, %get3A_877 : vector<16xf32>
        %sub3A_1247 = arith.subf %min3A_1245, %max3A_1246 : vector<16xf32>
        %max3A_1248 = arith.constant 0.000000e+00 : f32
        %max3A_1249 = vector.broadcast %max3A_1248 : f32 to vector<16xf32>
        %max3A_1250 = arith.maximumf %sub3A_1247, %max3A_1249 : vector<16xf32>
        %mul3A_1251 = arith.mulf %max3A_1244, %max3A_1250 : vector<16xf32>
        %add3A_1252 = arith.addf %mul3A_1226, %mul3A_886 : vector<16xf32>
        %sub3A_1253 = arith.subf %add3A_1252, %mul3A_1251 : vector<16xf32>
        %add3A_1254 = arith.constant 9.99999971E-10 : f32
        %add3A_1255 = vector.broadcast %add3A_1254 : f32 to vector<16xf32>
        %add3A_1256 = arith.addf %sub3A_1253, %add3A_1255 : vector<16xf32>
        %div3A_1257 = arith.divf %mul3A_1251, %add3A_1256 : vector<16xf32>
        %gt3A_1258 = arith.constant 0.000000e+00 : f32
        %gt3A_1259 = vector.broadcast %gt3A_1258 : f32 to vector<16xf32>
        %gt3A_1260 = arith.cmpf ogt, %gather3A_1238, %gt3A_1259 : vector<16xf32>
        %jit3A_1261 = arith.constant 3.000000e-01 : f32
        %jit3A_1262 = arith.constant 2.000000e+30 : f32
        %broadcast_in_dim3A_1263 = vector.broadcast %jit3A_1261 : f32 to vector<16xf32>
        %broadcast_in_dim3A_1264 = vector.broadcast %jit3A_1262 : f32 to vector<16xf32>
        %select_n3A_1265 = arith.select %gt3A_1260, %broadcast_in_dim3A_1263, %broadcast_in_dim3A_1264 : vector<16xi1>, vector<16xf32>
        %gt3A_1266 = arith.cmpf ogt, %div3A_1257, %select_n3A_1265 : vector<16xf32>
        %gt3A_1267 = arith.constant 3 : i32
        %gt3A_1268 = vector.broadcast %gt3A_1267 : i32 to vector<16xi32>
        %gt3A_1269 = arith.cmpi sgt, %iota3A, %gt3A_1268 : vector<16xi32>
        %and3A_1270 = arith.andi %gt3A_1266, %gt3A_1269 : vector<16xi1>
        %jit3A_1271 = arith.constant 0.000000e+00 : f32
        %broadcast_in_dim3A_1272 = vector.broadcast %jit3A_1271 : f32 to vector<16xf32>
        %select_n3A_1273 = arith.select %and3A_1270, %broadcast_in_dim3A_1272, %select_n3A_1175 : vector<16xi1>, vector<16xf32>
        %broadcast_in_dim3A_1274 = arith.constant 4 : i32
        %broadcast_in_dim3A_1275 = vector.broadcast %broadcast_in_dim3A_1274 : i32 to vector<16xi32>
        %lt3A_1276 = arith.constant 0 : i32
        %lt3A_1277 = vector.broadcast %lt3A_1276 : i32 to vector<16xi32>
        %lt3A_1278 = arith.cmpi slt, %broadcast_in_dim3A_1275, %lt3A_1277 : vector<16xi32>
        %add3A_1279 = arith.constant 16 : i32
        %add3A_1280 = vector.broadcast %add3A_1279 : i32 to vector<16xi32>
        %add3A_1281 = arith.addi %broadcast_in_dim3A_1275, %add3A_1280 : vector<16xi32>
        %select_n3A_1282 = arith.select %lt3A_1278, %add3A_1281, %broadcast_in_dim3A_1275 : vector<16xi1>, vector<16xi32>
        %broadcast_in_dim3A_1283 = vector.shape_cast %select_n3A_1282 : vector<16xi32> to vector<16x1xi32>
        %gather3A_1284 = vector.shape_cast %broadcast_in_dim3A_1283 : vector<16x1xi32> to vector<16xi32>
        %gather3A_1285 = tpu.dynamic_gather %get3A_874[%gather3A_1284] in [0] : vector<16xf32>, vector<16xi32> -> vector<16xf32>
        %broadcast_in_dim3A_1286 = arith.constant 4 : i32
        %broadcast_in_dim3A_1287 = vector.broadcast %broadcast_in_dim3A_1286 : i32 to vector<16xi32>
        %lt3A_1288 = arith.constant 0 : i32
        %lt3A_1289 = vector.broadcast %lt3A_1288 : i32 to vector<16xi32>
        %lt3A_1290 = arith.cmpi slt, %broadcast_in_dim3A_1287, %lt3A_1289 : vector<16xi32>
        %add3A_1291 = arith.constant 16 : i32
        %add3A_1292 = vector.broadcast %add3A_1291 : i32 to vector<16xi32>
        %add3A_1293 = arith.addi %broadcast_in_dim3A_1287, %add3A_1292 : vector<16xi32>
        %select_n3A_1294 = arith.select %lt3A_1290, %add3A_1293, %broadcast_in_dim3A_1287 : vector<16xi1>, vector<16xi32>
        %broadcast_in_dim3A_1295 = vector.shape_cast %select_n3A_1294 : vector<16xi32> to vector<16x1xi32>
        %gather3A_1296 = vector.shape_cast %broadcast_in_dim3A_1295 : vector<16x1xi32> to vector<16xi32>
        %gather3A_1297 = tpu.dynamic_gather %get3A_877[%gather3A_1296] in [0] : vector<16xf32>, vector<16xi32> -> vector<16xf32>
        %broadcast_in_dim3A_1298 = arith.constant 4 : i32
        %broadcast_in_dim3A_1299 = vector.broadcast %broadcast_in_dim3A_1298 : i32 to vector<16xi32>
        %lt3A_1300 = arith.constant 0 : i32
        %lt3A_1301 = vector.broadcast %lt3A_1300 : i32 to vector<16xi32>
        %lt3A_1302 = arith.cmpi slt, %broadcast_in_dim3A_1299, %lt3A_1301 : vector<16xi32>
        %add3A_1303 = arith.constant 16 : i32
        %add3A_1304 = vector.broadcast %add3A_1303 : i32 to vector<16xi32>
        %add3A_1305 = arith.addi %broadcast_in_dim3A_1299, %add3A_1304 : vector<16xi32>
        %select_n3A_1306 = arith.select %lt3A_1302, %add3A_1305, %broadcast_in_dim3A_1299 : vector<16xi1>, vector<16xi32>
        %broadcast_in_dim3A_1307 = vector.shape_cast %select_n3A_1306 : vector<16xi32> to vector<16x1xi32>
        %gather3A_1308 = vector.shape_cast %broadcast_in_dim3A_1307 : vector<16x1xi32> to vector<16xi32>
        %gather3A_1309 = tpu.dynamic_gather %get3A_880[%gather3A_1308] in [0] : vector<16xf32>, vector<16xi32> -> vector<16xf32>
        %broadcast_in_dim3A_1310 = arith.constant 4 : i32
        %broadcast_in_dim3A_1311 = vector.broadcast %broadcast_in_dim3A_1310 : i32 to vector<16xi32>
        %lt3A_1312 = arith.constant 0 : i32
        %lt3A_1313 = vector.broadcast %lt3A_1312 : i32 to vector<16xi32>
        %lt3A_1314 = arith.cmpi slt, %broadcast_in_dim3A_1311, %lt3A_1313 : vector<16xi32>
        %add3A_1315 = arith.constant 16 : i32
        %add3A_1316 = vector.broadcast %add3A_1315 : i32 to vector<16xi32>
        %add3A_1317 = arith.addi %broadcast_in_dim3A_1311, %add3A_1316 : vector<16xi32>
        %select_n3A_1318 = arith.select %lt3A_1314, %add3A_1317, %broadcast_in_dim3A_1311 : vector<16xi1>, vector<16xi32>
        %broadcast_in_dim3A_1319 = vector.shape_cast %select_n3A_1318 : vector<16xi32> to vector<16x1xi32>
        %gather3A_1320 = vector.shape_cast %broadcast_in_dim3A_1319 : vector<16x1xi32> to vector<16xi32>
        %gather3A_1321 = tpu.dynamic_gather %get3A_883[%gather3A_1320] in [0] : vector<16xf32>, vector<16xi32> -> vector<16xf32>
        %sub3A_1322 = arith.subf %gather3A_1309, %gather3A_1285 : vector<16xf32>
        %sub3A_1323 = arith.subf %gather3A_1321, %gather3A_1297 : vector<16xf32>
        %mul3A_1324 = arith.mulf %sub3A_1322, %sub3A_1323 : vector<16xf32>
        %broadcast_in_dim3A_1325 = arith.constant 4 : i32
        %broadcast_in_dim3A_1326 = vector.broadcast %broadcast_in_dim3A_1325 : i32 to vector<16xi32>
        %lt3A_1327 = arith.constant 0 : i32
        %lt3A_1328 = vector.broadcast %lt3A_1327 : i32 to vector<16xi32>
        %lt3A_1329 = arith.cmpi slt, %broadcast_in_dim3A_1326, %lt3A_1328 : vector<16xi32>
        %add3A_1330 = arith.constant 16 : i32
        %add3A_1331 = vector.broadcast %add3A_1330 : i32 to vector<16xi32>
        %add3A_1332 = arith.addi %broadcast_in_dim3A_1326, %add3A_1331 : vector<16xi32>
        %select_n3A_1333 = arith.select %lt3A_1329, %add3A_1332, %broadcast_in_dim3A_1326 : vector<16xi1>, vector<16xi32>
        %broadcast_in_dim3A_1334 = vector.shape_cast %select_n3A_1333 : vector<16xi32> to vector<16x1xi32>
        %gather3A_1335 = vector.shape_cast %broadcast_in_dim3A_1334 : vector<16x1xi32> to vector<16xi32>
        %gather3A_1336 = tpu.dynamic_gather %select_n3A_1273[%gather3A_1335] in [0] : vector<16xf32>, vector<16xi32> -> vector<16xf32>
        %min3A_1337 = arith.minimumf %gather3A_1309, %get3A_880 : vector<16xf32>
        %max3A_1338 = arith.maximumf %gather3A_1285, %get3A_874 : vector<16xf32>
        %sub3A_1339 = arith.subf %min3A_1337, %max3A_1338 : vector<16xf32>
        %max3A_1340 = arith.constant 0.000000e+00 : f32
        %max3A_1341 = vector.broadcast %max3A_1340 : f32 to vector<16xf32>
        %max3A_1342 = arith.maximumf %sub3A_1339, %max3A_1341 : vector<16xf32>
        %min3A_1343 = arith.minimumf %gather3A_1321, %get3A_883 : vector<16xf32>
        %max3A_1344 = arith.maximumf %gather3A_1297, %get3A_877 : vector<16xf32>
        %sub3A_1345 = arith.subf %min3A_1343, %max3A_1344 : vector<16xf32>
        %max3A_1346 = arith.constant 0.000000e+00 : f32
        %max3A_1347 = vector.broadcast %max3A_1346 : f32 to vector<16xf32>
        %max3A_1348 = arith.maximumf %sub3A_1345, %max3A_1347 : vector<16xf32>
        %mul3A_1349 = arith.mulf %max3A_1342, %max3A_1348 : vector<16xf32>
        %add3A_1350 = arith.addf %mul3A_1324, %mul3A_886 : vector<16xf32>
        %sub3A_1351 = arith.subf %add3A_1350, %mul3A_1349 : vector<16xf32>
        %add3A_1352 = arith.constant 9.99999971E-10 : f32
        %add3A_1353 = vector.broadcast %add3A_1352 : f32 to vector<16xf32>
        %add3A_1354 = arith.addf %sub3A_1351, %add3A_1353 : vector<16xf32>
        %div3A_1355 = arith.divf %mul3A_1349, %add3A_1354 : vector<16xf32>
        %gt3A_1356 = arith.constant 0.000000e+00 : f32
        %gt3A_1357 = vector.broadcast %gt3A_1356 : f32 to vector<16xf32>
        %gt3A_1358 = arith.cmpf ogt, %gather3A_1336, %gt3A_1357 : vector<16xf32>
        %jit3A_1359 = arith.constant 3.000000e-01 : f32
        %jit3A_1360 = arith.constant 2.000000e+30 : f32
        %broadcast_in_dim3A_1361 = vector.broadcast %jit3A_1359 : f32 to vector<16xf32>
        %broadcast_in_dim3A_1362 = vector.broadcast %jit3A_1360 : f32 to vector<16xf32>
        %select_n3A_1363 = arith.select %gt3A_1358, %broadcast_in_dim3A_1361, %broadcast_in_dim3A_1362 : vector<16xi1>, vector<16xf32>
        %gt3A_1364 = arith.cmpf ogt, %div3A_1355, %select_n3A_1363 : vector<16xf32>
        %gt3A_1365 = arith.constant 4 : i32
        %gt3A_1366 = vector.broadcast %gt3A_1365 : i32 to vector<16xi32>
        %gt3A_1367 = arith.cmpi sgt, %iota3A, %gt3A_1366 : vector<16xi32>
        %and3A_1368 = arith.andi %gt3A_1364, %gt3A_1367 : vector<16xi1>
        %jit3A_1369 = arith.constant 0.000000e+00 : f32
        %broadcast_in_dim3A_1370 = vector.broadcast %jit3A_1369 : f32 to vector<16xf32>
        %select_n3A_1371 = arith.select %and3A_1368, %broadcast_in_dim3A_1370, %select_n3A_1273 : vector<16xi1>, vector<16xf32>
        %broadcast_in_dim3A_1372 = arith.constant 5 : i32
        %broadcast_in_dim3A_1373 = vector.broadcast %broadcast_in_dim3A_1372 : i32 to vector<16xi32>
        %lt3A_1374 = arith.constant 0 : i32
        %lt3A_1375 = vector.broadcast %lt3A_1374 : i32 to vector<16xi32>
        %lt3A_1376 = arith.cmpi slt, %broadcast_in_dim3A_1373, %lt3A_1375 : vector<16xi32>
        %add3A_1377 = arith.constant 16 : i32
        %add3A_1378 = vector.broadcast %add3A_1377 : i32 to vector<16xi32>
        %add3A_1379 = arith.addi %broadcast_in_dim3A_1373, %add3A_1378 : vector<16xi32>
        %select_n3A_1380 = arith.select %lt3A_1376, %add3A_1379, %broadcast_in_dim3A_1373 : vector<16xi1>, vector<16xi32>
        %broadcast_in_dim3A_1381 = vector.shape_cast %select_n3A_1380 : vector<16xi32> to vector<16x1xi32>
        %gather3A_1382 = vector.shape_cast %broadcast_in_dim3A_1381 : vector<16x1xi32> to vector<16xi32>
        %gather3A_1383 = tpu.dynamic_gather %get3A_874[%gather3A_1382] in [0] : vector<16xf32>, vector<16xi32> -> vector<16xf32>
        %broadcast_in_dim3A_1384 = arith.constant 5 : i32
        %broadcast_in_dim3A_1385 = vector.broadcast %broadcast_in_dim3A_1384 : i32 to vector<16xi32>
        %lt3A_1386 = arith.constant 0 : i32
        %lt3A_1387 = vector.broadcast %lt3A_1386 : i32 to vector<16xi32>
        %lt3A_1388 = arith.cmpi slt, %broadcast_in_dim3A_1385, %lt3A_1387 : vector<16xi32>
        %add3A_1389 = arith.constant 16 : i32
        %add3A_1390 = vector.broadcast %add3A_1389 : i32 to vector<16xi32>
        %add3A_1391 = arith.addi %broadcast_in_dim3A_1385, %add3A_1390 : vector<16xi32>
        %select_n3A_1392 = arith.select %lt3A_1388, %add3A_1391, %broadcast_in_dim3A_1385 : vector<16xi1>, vector<16xi32>
        %broadcast_in_dim3A_1393 = vector.shape_cast %select_n3A_1392 : vector<16xi32> to vector<16x1xi32>
        %gather3A_1394 = vector.shape_cast %broadcast_in_dim3A_1393 : vector<16x1xi32> to vector<16xi32>
        %gather3A_1395 = tpu.dynamic_gather %get3A_877[%gather3A_1394] in [0] : vector<16xf32>, vector<16xi32> -> vector<16xf32>
        %broadcast_in_dim3A_1396 = arith.constant 5 : i32
        %broadcast_in_dim3A_1397 = vector.broadcast %broadcast_in_dim3A_1396 : i32 to vector<16xi32>
        %lt3A_1398 = arith.constant 0 : i32
        %lt3A_1399 = vector.broadcast %lt3A_1398 : i32 to vector<16xi32>
        %lt3A_1400 = arith.cmpi slt, %broadcast_in_dim3A_1397, %lt3A_1399 : vector<16xi32>
        %add3A_1401 = arith.constant 16 : i32
        %add3A_1402 = vector.broadcast %add3A_1401 : i32 to vector<16xi32>
        %add3A_1403 = arith.addi %broadcast_in_dim3A_1397, %add3A_1402 : vector<16xi32>
        %select_n3A_1404 = arith.select %lt3A_1400, %add3A_1403, %broadcast_in_dim3A_1397 : vector<16xi1>, vector<16xi32>
        %broadcast_in_dim3A_1405 = vector.shape_cast %select_n3A_1404 : vector<16xi32> to vector<16x1xi32>
        %gather3A_1406 = vector.shape_cast %broadcast_in_dim3A_1405 : vector<16x1xi32> to vector<16xi32>
        %gather3A_1407 = tpu.dynamic_gather %get3A_880[%gather3A_1406] in [0] : vector<16xf32>, vector<16xi32> -> vector<16xf32>
        %broadcast_in_dim3A_1408 = arith.constant 5 : i32
        %broadcast_in_dim3A_1409 = vector.broadcast %broadcast_in_dim3A_1408 : i32 to vector<16xi32>
        %lt3A_1410 = arith.constant 0 : i32
        %lt3A_1411 = vector.broadcast %lt3A_1410 : i32 to vector<16xi32>
        %lt3A_1412 = arith.cmpi slt, %broadcast_in_dim3A_1409, %lt3A_1411 : vector<16xi32>
        %add3A_1413 = arith.constant 16 : i32
        %add3A_1414 = vector.broadcast %add3A_1413 : i32 to vector<16xi32>
        %add3A_1415 = arith.addi %broadcast_in_dim3A_1409, %add3A_1414 : vector<16xi32>
        %select_n3A_1416 = arith.select %lt3A_1412, %add3A_1415, %broadcast_in_dim3A_1409 : vector<16xi1>, vector<16xi32>
        %broadcast_in_dim3A_1417 = vector.shape_cast %select_n3A_1416 : vector<16xi32> to vector<16x1xi32>
        %gather3A_1418 = vector.shape_cast %broadcast_in_dim3A_1417 : vector<16x1xi32> to vector<16xi32>
        %gather3A_1419 = tpu.dynamic_gather %get3A_883[%gather3A_1418] in [0] : vector<16xf32>, vector<16xi32> -> vector<16xf32>
        %sub3A_1420 = arith.subf %gather3A_1407, %gather3A_1383 : vector<16xf32>
        %sub3A_1421 = arith.subf %gather3A_1419, %gather3A_1395 : vector<16xf32>
        %mul3A_1422 = arith.mulf %sub3A_1420, %sub3A_1421 : vector<16xf32>
        %broadcast_in_dim3A_1423 = arith.constant 5 : i32
        %broadcast_in_dim3A_1424 = vector.broadcast %broadcast_in_dim3A_1423 : i32 to vector<16xi32>
        %lt3A_1425 = arith.constant 0 : i32
        %lt3A_1426 = vector.broadcast %lt3A_1425 : i32 to vector<16xi32>
        %lt3A_1427 = arith.cmpi slt, %broadcast_in_dim3A_1424, %lt3A_1426 : vector<16xi32>
        %add3A_1428 = arith.constant 16 : i32
        %add3A_1429 = vector.broadcast %add3A_1428 : i32 to vector<16xi32>
        %add3A_1430 = arith.addi %broadcast_in_dim3A_1424, %add3A_1429 : vector<16xi32>
        %select_n3A_1431 = arith.select %lt3A_1427, %add3A_1430, %broadcast_in_dim3A_1424 : vector<16xi1>, vector<16xi32>
        %broadcast_in_dim3A_1432 = vector.shape_cast %select_n3A_1431 : vector<16xi32> to vector<16x1xi32>
        %gather3A_1433 = vector.shape_cast %broadcast_in_dim3A_1432 : vector<16x1xi32> to vector<16xi32>
        %gather3A_1434 = tpu.dynamic_gather %select_n3A_1371[%gather3A_1433] in [0] : vector<16xf32>, vector<16xi32> -> vector<16xf32>
        %min3A_1435 = arith.minimumf %gather3A_1407, %get3A_880 : vector<16xf32>
        %max3A_1436 = arith.maximumf %gather3A_1383, %get3A_874 : vector<16xf32>
        %sub3A_1437 = arith.subf %min3A_1435, %max3A_1436 : vector<16xf32>
        %max3A_1438 = arith.constant 0.000000e+00 : f32
        %max3A_1439 = vector.broadcast %max3A_1438 : f32 to vector<16xf32>
        %max3A_1440 = arith.maximumf %sub3A_1437, %max3A_1439 : vector<16xf32>
        %min3A_1441 = arith.minimumf %gather3A_1419, %get3A_883 : vector<16xf32>
        %max3A_1442 = arith.maximumf %gather3A_1395, %get3A_877 : vector<16xf32>
        %sub3A_1443 = arith.subf %min3A_1441, %max3A_1442 : vector<16xf32>
        %max3A_1444 = arith.constant 0.000000e+00 : f32
        %max3A_1445 = vector.broadcast %max3A_1444 : f32 to vector<16xf32>
        %max3A_1446 = arith.maximumf %sub3A_1443, %max3A_1445 : vector<16xf32>
        %mul3A_1447 = arith.mulf %max3A_1440, %max3A_1446 : vector<16xf32>
        %add3A_1448 = arith.addf %mul3A_1422, %mul3A_886 : vector<16xf32>
        %sub3A_1449 = arith.subf %add3A_1448, %mul3A_1447 : vector<16xf32>
        %add3A_1450 = arith.constant 9.99999971E-10 : f32
        %add3A_1451 = vector.broadcast %add3A_1450 : f32 to vector<16xf32>
        %add3A_1452 = arith.addf %sub3A_1449, %add3A_1451 : vector<16xf32>
        %div3A_1453 = arith.divf %mul3A_1447, %add3A_1452 : vector<16xf32>
        %gt3A_1454 = arith.constant 0.000000e+00 : f32
        %gt3A_1455 = vector.broadcast %gt3A_1454 : f32 to vector<16xf32>
        %gt3A_1456 = arith.cmpf ogt, %gather3A_1434, %gt3A_1455 : vector<16xf32>
        %jit3A_1457 = arith.constant 3.000000e-01 : f32
        %jit3A_1458 = arith.constant 2.000000e+30 : f32
        %broadcast_in_dim3A_1459 = vector.broadcast %jit3A_1457 : f32 to vector<16xf32>
        %broadcast_in_dim3A_1460 = vector.broadcast %jit3A_1458 : f32 to vector<16xf32>
        %select_n3A_1461 = arith.select %gt3A_1456, %broadcast_in_dim3A_1459, %broadcast_in_dim3A_1460 : vector<16xi1>, vector<16xf32>
        %gt3A_1462 = arith.cmpf ogt, %div3A_1453, %select_n3A_1461 : vector<16xf32>
        %gt3A_1463 = arith.constant 5 : i32
        %gt3A_1464 = vector.broadcast %gt3A_1463 : i32 to vector<16xi32>
        %gt3A_1465 = arith.cmpi sgt, %iota3A, %gt3A_1464 : vector<16xi32>
        %and3A_1466 = arith.andi %gt3A_1462, %gt3A_1465 : vector<16xi1>
        %jit3A_1467 = arith.constant 0.000000e+00 : f32
        %broadcast_in_dim3A_1468 = vector.broadcast %jit3A_1467 : f32 to vector<16xf32>
        %select_n3A_1469 = arith.select %and3A_1466, %broadcast_in_dim3A_1468, %select_n3A_1371 : vector<16xi1>, vector<16xf32>
        %broadcast_in_dim3A_1470 = arith.constant 6 : i32
        %broadcast_in_dim3A_1471 = vector.broadcast %broadcast_in_dim3A_1470 : i32 to vector<16xi32>
        %lt3A_1472 = arith.constant 0 : i32
        %lt3A_1473 = vector.broadcast %lt3A_1472 : i32 to vector<16xi32>
        %lt3A_1474 = arith.cmpi slt, %broadcast_in_dim3A_1471, %lt3A_1473 : vector<16xi32>
        %add3A_1475 = arith.constant 16 : i32
        %add3A_1476 = vector.broadcast %add3A_1475 : i32 to vector<16xi32>
        %add3A_1477 = arith.addi %broadcast_in_dim3A_1471, %add3A_1476 : vector<16xi32>
        %select_n3A_1478 = arith.select %lt3A_1474, %add3A_1477, %broadcast_in_dim3A_1471 : vector<16xi1>, vector<16xi32>
        %broadcast_in_dim3A_1479 = vector.shape_cast %select_n3A_1478 : vector<16xi32> to vector<16x1xi32>
        %gather3A_1480 = vector.shape_cast %broadcast_in_dim3A_1479 : vector<16x1xi32> to vector<16xi32>
        %gather3A_1481 = tpu.dynamic_gather %get3A_874[%gather3A_1480] in [0] : vector<16xf32>, vector<16xi32> -> vector<16xf32>
        %broadcast_in_dim3A_1482 = arith.constant 6 : i32
        %broadcast_in_dim3A_1483 = vector.broadcast %broadcast_in_dim3A_1482 : i32 to vector<16xi32>
        %lt3A_1484 = arith.constant 0 : i32
        %lt3A_1485 = vector.broadcast %lt3A_1484 : i32 to vector<16xi32>
        %lt3A_1486 = arith.cmpi slt, %broadcast_in_dim3A_1483, %lt3A_1485 : vector<16xi32>
        %add3A_1487 = arith.constant 16 : i32
        %add3A_1488 = vector.broadcast %add3A_1487 : i32 to vector<16xi32>
        %add3A_1489 = arith.addi %broadcast_in_dim3A_1483, %add3A_1488 : vector<16xi32>
        %select_n3A_1490 = arith.select %lt3A_1486, %add3A_1489, %broadcast_in_dim3A_1483 : vector<16xi1>, vector<16xi32>
        %broadcast_in_dim3A_1491 = vector.shape_cast %select_n3A_1490 : vector<16xi32> to vector<16x1xi32>
        %gather3A_1492 = vector.shape_cast %broadcast_in_dim3A_1491 : vector<16x1xi32> to vector<16xi32>
        %gather3A_1493 = tpu.dynamic_gather %get3A_877[%gather3A_1492] in [0] : vector<16xf32>, vector<16xi32> -> vector<16xf32>
        %broadcast_in_dim3A_1494 = arith.constant 6 : i32
        %broadcast_in_dim3A_1495 = vector.broadcast %broadcast_in_dim3A_1494 : i32 to vector<16xi32>
        %lt3A_1496 = arith.constant 0 : i32
        %lt3A_1497 = vector.broadcast %lt3A_1496 : i32 to vector<16xi32>
        %lt3A_1498 = arith.cmpi slt, %broadcast_in_dim3A_1495, %lt3A_1497 : vector<16xi32>
        %add3A_1499 = arith.constant 16 : i32
        %add3A_1500 = vector.broadcast %add3A_1499 : i32 to vector<16xi32>
        %add3A_1501 = arith.addi %broadcast_in_dim3A_1495, %add3A_1500 : vector<16xi32>
        %select_n3A_1502 = arith.select %lt3A_1498, %add3A_1501, %broadcast_in_dim3A_1495 : vector<16xi1>, vector<16xi32>
        %broadcast_in_dim3A_1503 = vector.shape_cast %select_n3A_1502 : vector<16xi32> to vector<16x1xi32>
        %gather3A_1504 = vector.shape_cast %broadcast_in_dim3A_1503 : vector<16x1xi32> to vector<16xi32>
        %gather3A_1505 = tpu.dynamic_gather %get3A_880[%gather3A_1504] in [0] : vector<16xf32>, vector<16xi32> -> vector<16xf32>
        %broadcast_in_dim3A_1506 = arith.constant 6 : i32
        %broadcast_in_dim3A_1507 = vector.broadcast %broadcast_in_dim3A_1506 : i32 to vector<16xi32>
        %lt3A_1508 = arith.constant 0 : i32
        %lt3A_1509 = vector.broadcast %lt3A_1508 : i32 to vector<16xi32>
        %lt3A_1510 = arith.cmpi slt, %broadcast_in_dim3A_1507, %lt3A_1509 : vector<16xi32>
        %add3A_1511 = arith.constant 16 : i32
        %add3A_1512 = vector.broadcast %add3A_1511 : i32 to vector<16xi32>
        %add3A_1513 = arith.addi %broadcast_in_dim3A_1507, %add3A_1512 : vector<16xi32>
        %select_n3A_1514 = arith.select %lt3A_1510, %add3A_1513, %broadcast_in_dim3A_1507 : vector<16xi1>, vector<16xi32>
        %broadcast_in_dim3A_1515 = vector.shape_cast %select_n3A_1514 : vector<16xi32> to vector<16x1xi32>
        %gather3A_1516 = vector.shape_cast %broadcast_in_dim3A_1515 : vector<16x1xi32> to vector<16xi32>
        %gather3A_1517 = tpu.dynamic_gather %get3A_883[%gather3A_1516] in [0] : vector<16xf32>, vector<16xi32> -> vector<16xf32>
        %sub3A_1518 = arith.subf %gather3A_1505, %gather3A_1481 : vector<16xf32>
        %sub3A_1519 = arith.subf %gather3A_1517, %gather3A_1493 : vector<16xf32>
        %mul3A_1520 = arith.mulf %sub3A_1518, %sub3A_1519 : vector<16xf32>
        %broadcast_in_dim3A_1521 = arith.constant 6 : i32
        %broadcast_in_dim3A_1522 = vector.broadcast %broadcast_in_dim3A_1521 : i32 to vector<16xi32>
        %lt3A_1523 = arith.constant 0 : i32
        %lt3A_1524 = vector.broadcast %lt3A_1523 : i32 to vector<16xi32>
        %lt3A_1525 = arith.cmpi slt, %broadcast_in_dim3A_1522, %lt3A_1524 : vector<16xi32>
        %add3A_1526 = arith.constant 16 : i32
        %add3A_1527 = vector.broadcast %add3A_1526 : i32 to vector<16xi32>
        %add3A_1528 = arith.addi %broadcast_in_dim3A_1522, %add3A_1527 : vector<16xi32>
        %select_n3A_1529 = arith.select %lt3A_1525, %add3A_1528, %broadcast_in_dim3A_1522 : vector<16xi1>, vector<16xi32>
        %broadcast_in_dim3A_1530 = vector.shape_cast %select_n3A_1529 : vector<16xi32> to vector<16x1xi32>
        %gather3A_1531 = vector.shape_cast %broadcast_in_dim3A_1530 : vector<16x1xi32> to vector<16xi32>
        %gather3A_1532 = tpu.dynamic_gather %select_n3A_1469[%gather3A_1531] in [0] : vector<16xf32>, vector<16xi32> -> vector<16xf32>
        %min3A_1533 = arith.minimumf %gather3A_1505, %get3A_880 : vector<16xf32>
        %max3A_1534 = arith.maximumf %gather3A_1481, %get3A_874 : vector<16xf32>
        %sub3A_1535 = arith.subf %min3A_1533, %max3A_1534 : vector<16xf32>
        %max3A_1536 = arith.constant 0.000000e+00 : f32
        %max3A_1537 = vector.broadcast %max3A_1536 : f32 to vector<16xf32>
        %max3A_1538 = arith.maximumf %sub3A_1535, %max3A_1537 : vector<16xf32>
        %min3A_1539 = arith.minimumf %gather3A_1517, %get3A_883 : vector<16xf32>
        %max3A_1540 = arith.maximumf %gather3A_1493, %get3A_877 : vector<16xf32>
        %sub3A_1541 = arith.subf %min3A_1539, %max3A_1540 : vector<16xf32>
        %max3A_1542 = arith.constant 0.000000e+00 : f32
        %max3A_1543 = vector.broadcast %max3A_1542 : f32 to vector<16xf32>
        %max3A_1544 = arith.maximumf %sub3A_1541, %max3A_1543 : vector<16xf32>
        %mul3A_1545 = arith.mulf %max3A_1538, %max3A_1544 : vector<16xf32>
        %add3A_1546 = arith.addf %mul3A_1520, %mul3A_886 : vector<16xf32>
        %sub3A_1547 = arith.subf %add3A_1546, %mul3A_1545 : vector<16xf32>
        %add3A_1548 = arith.constant 9.99999971E-10 : f32
        %add3A_1549 = vector.broadcast %add3A_1548 : f32 to vector<16xf32>
        %add3A_1550 = arith.addf %sub3A_1547, %add3A_1549 : vector<16xf32>
        %div3A_1551 = arith.divf %mul3A_1545, %add3A_1550 : vector<16xf32>
        %gt3A_1552 = arith.constant 0.000000e+00 : f32
        %gt3A_1553 = vector.broadcast %gt3A_1552 : f32 to vector<16xf32>
        %gt3A_1554 = arith.cmpf ogt, %gather3A_1532, %gt3A_1553 : vector<16xf32>
        %jit3A_1555 = arith.constant 3.000000e-01 : f32
        %jit3A_1556 = arith.constant 2.000000e+30 : f32
        %broadcast_in_dim3A_1557 = vector.broadcast %jit3A_1555 : f32 to vector<16xf32>
        %broadcast_in_dim3A_1558 = vector.broadcast %jit3A_1556 : f32 to vector<16xf32>
        %select_n3A_1559 = arith.select %gt3A_1554, %broadcast_in_dim3A_1557, %broadcast_in_dim3A_1558 : vector<16xi1>, vector<16xf32>
        %gt3A_1560 = arith.cmpf ogt, %div3A_1551, %select_n3A_1559 : vector<16xf32>
        %gt3A_1561 = arith.constant 6 : i32
        %gt3A_1562 = vector.broadcast %gt3A_1561 : i32 to vector<16xi32>
        %gt3A_1563 = arith.cmpi sgt, %iota3A, %gt3A_1562 : vector<16xi32>
        %and3A_1564 = arith.andi %gt3A_1560, %gt3A_1563 : vector<16xi1>
        %jit3A_1565 = arith.constant 0.000000e+00 : f32
        %broadcast_in_dim3A_1566 = vector.broadcast %jit3A_1565 : f32 to vector<16xf32>
        %select_n3A_1567 = arith.select %and3A_1564, %broadcast_in_dim3A_1566, %select_n3A_1469 : vector<16xi1>, vector<16xf32>
        %broadcast_in_dim3A_1568 = arith.constant 7 : i32
        %broadcast_in_dim3A_1569 = vector.broadcast %broadcast_in_dim3A_1568 : i32 to vector<16xi32>
        %lt3A_1570 = arith.constant 0 : i32
        %lt3A_1571 = vector.broadcast %lt3A_1570 : i32 to vector<16xi32>
        %lt3A_1572 = arith.cmpi slt, %broadcast_in_dim3A_1569, %lt3A_1571 : vector<16xi32>
        %add3A_1573 = arith.constant 16 : i32
        %add3A_1574 = vector.broadcast %add3A_1573 : i32 to vector<16xi32>
        %add3A_1575 = arith.addi %broadcast_in_dim3A_1569, %add3A_1574 : vector<16xi32>
        %select_n3A_1576 = arith.select %lt3A_1572, %add3A_1575, %broadcast_in_dim3A_1569 : vector<16xi1>, vector<16xi32>
        %broadcast_in_dim3A_1577 = vector.shape_cast %select_n3A_1576 : vector<16xi32> to vector<16x1xi32>
        %gather3A_1578 = vector.shape_cast %broadcast_in_dim3A_1577 : vector<16x1xi32> to vector<16xi32>
        %gather3A_1579 = tpu.dynamic_gather %get3A_874[%gather3A_1578] in [0] : vector<16xf32>, vector<16xi32> -> vector<16xf32>
        %broadcast_in_dim3A_1580 = arith.constant 7 : i32
        %broadcast_in_dim3A_1581 = vector.broadcast %broadcast_in_dim3A_1580 : i32 to vector<16xi32>
        %lt3A_1582 = arith.constant 0 : i32
        %lt3A_1583 = vector.broadcast %lt3A_1582 : i32 to vector<16xi32>
        %lt3A_1584 = arith.cmpi slt, %broadcast_in_dim3A_1581, %lt3A_1583 : vector<16xi32>
        %add3A_1585 = arith.constant 16 : i32
        %add3A_1586 = vector.broadcast %add3A_1585 : i32 to vector<16xi32>
        %add3A_1587 = arith.addi %broadcast_in_dim3A_1581, %add3A_1586 : vector<16xi32>
        %select_n3A_1588 = arith.select %lt3A_1584, %add3A_1587, %broadcast_in_dim3A_1581 : vector<16xi1>, vector<16xi32>
        %broadcast_in_dim3A_1589 = vector.shape_cast %select_n3A_1588 : vector<16xi32> to vector<16x1xi32>
        %gather3A_1590 = vector.shape_cast %broadcast_in_dim3A_1589 : vector<16x1xi32> to vector<16xi32>
        %gather3A_1591 = tpu.dynamic_gather %get3A_877[%gather3A_1590] in [0] : vector<16xf32>, vector<16xi32> -> vector<16xf32>
        %broadcast_in_dim3A_1592 = arith.constant 7 : i32
        %broadcast_in_dim3A_1593 = vector.broadcast %broadcast_in_dim3A_1592 : i32 to vector<16xi32>
        %lt3A_1594 = arith.constant 0 : i32
        %lt3A_1595 = vector.broadcast %lt3A_1594 : i32 to vector<16xi32>
        %lt3A_1596 = arith.cmpi slt, %broadcast_in_dim3A_1593, %lt3A_1595 : vector<16xi32>
        %add3A_1597 = arith.constant 16 : i32
        %add3A_1598 = vector.broadcast %add3A_1597 : i32 to vector<16xi32>
        %add3A_1599 = arith.addi %broadcast_in_dim3A_1593, %add3A_1598 : vector<16xi32>
        %select_n3A_1600 = arith.select %lt3A_1596, %add3A_1599, %broadcast_in_dim3A_1593 : vector<16xi1>, vector<16xi32>
        %broadcast_in_dim3A_1601 = vector.shape_cast %select_n3A_1600 : vector<16xi32> to vector<16x1xi32>
        %gather3A_1602 = vector.shape_cast %broadcast_in_dim3A_1601 : vector<16x1xi32> to vector<16xi32>
        %gather3A_1603 = tpu.dynamic_gather %get3A_880[%gather3A_1602] in [0] : vector<16xf32>, vector<16xi32> -> vector<16xf32>
        %broadcast_in_dim3A_1604 = arith.constant 7 : i32
        %broadcast_in_dim3A_1605 = vector.broadcast %broadcast_in_dim3A_1604 : i32 to vector<16xi32>
        %lt3A_1606 = arith.constant 0 : i32
        %lt3A_1607 = vector.broadcast %lt3A_1606 : i32 to vector<16xi32>
        %lt3A_1608 = arith.cmpi slt, %broadcast_in_dim3A_1605, %lt3A_1607 : vector<16xi32>
        %add3A_1609 = arith.constant 16 : i32
        %add3A_1610 = vector.broadcast %add3A_1609 : i32 to vector<16xi32>
        %add3A_1611 = arith.addi %broadcast_in_dim3A_1605, %add3A_1610 : vector<16xi32>
        %select_n3A_1612 = arith.select %lt3A_1608, %add3A_1611, %broadcast_in_dim3A_1605 : vector<16xi1>, vector<16xi32>
        %broadcast_in_dim3A_1613 = vector.shape_cast %select_n3A_1612 : vector<16xi32> to vector<16x1xi32>
        %gather3A_1614 = vector.shape_cast %broadcast_in_dim3A_1613 : vector<16x1xi32> to vector<16xi32>
        %gather3A_1615 = tpu.dynamic_gather %get3A_883[%gather3A_1614] in [0] : vector<16xf32>, vector<16xi32> -> vector<16xf32>
        %sub3A_1616 = arith.subf %gather3A_1603, %gather3A_1579 : vector<16xf32>
        %sub3A_1617 = arith.subf %gather3A_1615, %gather3A_1591 : vector<16xf32>
        %mul3A_1618 = arith.mulf %sub3A_1616, %sub3A_1617 : vector<16xf32>
        %broadcast_in_dim3A_1619 = arith.constant 7 : i32
        %broadcast_in_dim3A_1620 = vector.broadcast %broadcast_in_dim3A_1619 : i32 to vector<16xi32>
        %lt3A_1621 = arith.constant 0 : i32
        %lt3A_1622 = vector.broadcast %lt3A_1621 : i32 to vector<16xi32>
        %lt3A_1623 = arith.cmpi slt, %broadcast_in_dim3A_1620, %lt3A_1622 : vector<16xi32>
        %add3A_1624 = arith.constant 16 : i32
        %add3A_1625 = vector.broadcast %add3A_1624 : i32 to vector<16xi32>
        %add3A_1626 = arith.addi %broadcast_in_dim3A_1620, %add3A_1625 : vector<16xi32>
        %select_n3A_1627 = arith.select %lt3A_1623, %add3A_1626, %broadcast_in_dim3A_1620 : vector<16xi1>, vector<16xi32>
        %broadcast_in_dim3A_1628 = vector.shape_cast %select_n3A_1627 : vector<16xi32> to vector<16x1xi32>
        %gather3A_1629 = vector.shape_cast %broadcast_in_dim3A_1628 : vector<16x1xi32> to vector<16xi32>
        %gather3A_1630 = tpu.dynamic_gather %select_n3A_1567[%gather3A_1629] in [0] : vector<16xf32>, vector<16xi32> -> vector<16xf32>
        %min3A_1631 = arith.minimumf %gather3A_1603, %get3A_880 : vector<16xf32>
        %max3A_1632 = arith.maximumf %gather3A_1579, %get3A_874 : vector<16xf32>
        %sub3A_1633 = arith.subf %min3A_1631, %max3A_1632 : vector<16xf32>
        %max3A_1634 = arith.constant 0.000000e+00 : f32
        %max3A_1635 = vector.broadcast %max3A_1634 : f32 to vector<16xf32>
        %max3A_1636 = arith.maximumf %sub3A_1633, %max3A_1635 : vector<16xf32>
        %min3A_1637 = arith.minimumf %gather3A_1615, %get3A_883 : vector<16xf32>
        %max3A_1638 = arith.maximumf %gather3A_1591, %get3A_877 : vector<16xf32>
        %sub3A_1639 = arith.subf %min3A_1637, %max3A_1638 : vector<16xf32>
        %max3A_1640 = arith.constant 0.000000e+00 : f32
        %max3A_1641 = vector.broadcast %max3A_1640 : f32 to vector<16xf32>
        %max3A_1642 = arith.maximumf %sub3A_1639, %max3A_1641 : vector<16xf32>
        %mul3A_1643 = arith.mulf %max3A_1636, %max3A_1642 : vector<16xf32>
        %add3A_1644 = arith.addf %mul3A_1618, %mul3A_886 : vector<16xf32>
        %sub3A_1645 = arith.subf %add3A_1644, %mul3A_1643 : vector<16xf32>
        %add3A_1646 = arith.constant 9.99999971E-10 : f32
        %add3A_1647 = vector.broadcast %add3A_1646 : f32 to vector<16xf32>
        %add3A_1648 = arith.addf %sub3A_1645, %add3A_1647 : vector<16xf32>
        %div3A_1649 = arith.divf %mul3A_1643, %add3A_1648 : vector<16xf32>
        %gt3A_1650 = arith.constant 0.000000e+00 : f32
        %gt3A_1651 = vector.broadcast %gt3A_1650 : f32 to vector<16xf32>
        %gt3A_1652 = arith.cmpf ogt, %gather3A_1630, %gt3A_1651 : vector<16xf32>
        %jit3A_1653 = arith.constant 3.000000e-01 : f32
        %jit3A_1654 = arith.constant 2.000000e+30 : f32
        %broadcast_in_dim3A_1655 = vector.broadcast %jit3A_1653 : f32 to vector<16xf32>
        %broadcast_in_dim3A_1656 = vector.broadcast %jit3A_1654 : f32 to vector<16xf32>
        %select_n3A_1657 = arith.select %gt3A_1652, %broadcast_in_dim3A_1655, %broadcast_in_dim3A_1656 : vector<16xi1>, vector<16xf32>
        %gt3A_1658 = arith.cmpf ogt, %div3A_1649, %select_n3A_1657 : vector<16xf32>
        %gt3A_1659 = arith.constant 7 : i32
        %gt3A_1660 = vector.broadcast %gt3A_1659 : i32 to vector<16xi32>
        %gt3A_1661 = arith.cmpi sgt, %iota3A, %gt3A_1660 : vector<16xi32>
        %and3A_1662 = arith.andi %gt3A_1658, %gt3A_1661 : vector<16xi1>
        %jit3A_1663 = arith.constant 0.000000e+00 : f32
        %broadcast_in_dim3A_1664 = vector.broadcast %jit3A_1663 : f32 to vector<16xf32>
        %select_n3A_1665 = arith.select %and3A_1662, %broadcast_in_dim3A_1664, %select_n3A_1567 : vector<16xi1>, vector<16xf32>
        %broadcast_in_dim3A_1666 = arith.constant 8 : i32
        %broadcast_in_dim3A_1667 = vector.broadcast %broadcast_in_dim3A_1666 : i32 to vector<16xi32>
        %lt3A_1668 = arith.constant 0 : i32
        %lt3A_1669 = vector.broadcast %lt3A_1668 : i32 to vector<16xi32>
        %lt3A_1670 = arith.cmpi slt, %broadcast_in_dim3A_1667, %lt3A_1669 : vector<16xi32>
        %add3A_1671 = arith.constant 16 : i32
        %add3A_1672 = vector.broadcast %add3A_1671 : i32 to vector<16xi32>
        %add3A_1673 = arith.addi %broadcast_in_dim3A_1667, %add3A_1672 : vector<16xi32>
        %select_n3A_1674 = arith.select %lt3A_1670, %add3A_1673, %broadcast_in_dim3A_1667 : vector<16xi1>, vector<16xi32>
        %broadcast_in_dim3A_1675 = vector.shape_cast %select_n3A_1674 : vector<16xi32> to vector<16x1xi32>
        %gather3A_1676 = vector.shape_cast %broadcast_in_dim3A_1675 : vector<16x1xi32> to vector<16xi32>
        %gather3A_1677 = tpu.dynamic_gather %get3A_874[%gather3A_1676] in [0] : vector<16xf32>, vector<16xi32> -> vector<16xf32>
        %broadcast_in_dim3A_1678 = arith.constant 8 : i32
        %broadcast_in_dim3A_1679 = vector.broadcast %broadcast_in_dim3A_1678 : i32 to vector<16xi32>
        %lt3A_1680 = arith.constant 0 : i32
        %lt3A_1681 = vector.broadcast %lt3A_1680 : i32 to vector<16xi32>
        %lt3A_1682 = arith.cmpi slt, %broadcast_in_dim3A_1679, %lt3A_1681 : vector<16xi32>
        %add3A_1683 = arith.constant 16 : i32
        %add3A_1684 = vector.broadcast %add3A_1683 : i32 to vector<16xi32>
        %add3A_1685 = arith.addi %broadcast_in_dim3A_1679, %add3A_1684 : vector<16xi32>
        %select_n3A_1686 = arith.select %lt3A_1682, %add3A_1685, %broadcast_in_dim3A_1679 : vector<16xi1>, vector<16xi32>
        %broadcast_in_dim3A_1687 = vector.shape_cast %select_n3A_1686 : vector<16xi32> to vector<16x1xi32>
        %gather3A_1688 = vector.shape_cast %broadcast_in_dim3A_1687 : vector<16x1xi32> to vector<16xi32>
        %gather3A_1689 = tpu.dynamic_gather %get3A_877[%gather3A_1688] in [0] : vector<16xf32>, vector<16xi32> -> vector<16xf32>
        %broadcast_in_dim3A_1690 = arith.constant 8 : i32
        %broadcast_in_dim3A_1691 = vector.broadcast %broadcast_in_dim3A_1690 : i32 to vector<16xi32>
        %lt3A_1692 = arith.constant 0 : i32
        %lt3A_1693 = vector.broadcast %lt3A_1692 : i32 to vector<16xi32>
        %lt3A_1694 = arith.cmpi slt, %broadcast_in_dim3A_1691, %lt3A_1693 : vector<16xi32>
        %add3A_1695 = arith.constant 16 : i32
        %add3A_1696 = vector.broadcast %add3A_1695 : i32 to vector<16xi32>
        %add3A_1697 = arith.addi %broadcast_in_dim3A_1691, %add3A_1696 : vector<16xi32>
        %select_n3A_1698 = arith.select %lt3A_1694, %add3A_1697, %broadcast_in_dim3A_1691 : vector<16xi1>, vector<16xi32>
        %broadcast_in_dim3A_1699 = vector.shape_cast %select_n3A_1698 : vector<16xi32> to vector<16x1xi32>
        %gather3A_1700 = vector.shape_cast %broadcast_in_dim3A_1699 : vector<16x1xi32> to vector<16xi32>
        %gather3A_1701 = tpu.dynamic_gather %get3A_880[%gather3A_1700] in [0] : vector<16xf32>, vector<16xi32> -> vector<16xf32>
        %broadcast_in_dim3A_1702 = arith.constant 8 : i32
        %broadcast_in_dim3A_1703 = vector.broadcast %broadcast_in_dim3A_1702 : i32 to vector<16xi32>
        %lt3A_1704 = arith.constant 0 : i32
        %lt3A_1705 = vector.broadcast %lt3A_1704 : i32 to vector<16xi32>
        %lt3A_1706 = arith.cmpi slt, %broadcast_in_dim3A_1703, %lt3A_1705 : vector<16xi32>
        %add3A_1707 = arith.constant 16 : i32
        %add3A_1708 = vector.broadcast %add3A_1707 : i32 to vector<16xi32>
        %add3A_1709 = arith.addi %broadcast_in_dim3A_1703, %add3A_1708 : vector<16xi32>
        %select_n3A_1710 = arith.select %lt3A_1706, %add3A_1709, %broadcast_in_dim3A_1703 : vector<16xi1>, vector<16xi32>
        %broadcast_in_dim3A_1711 = vector.shape_cast %select_n3A_1710 : vector<16xi32> to vector<16x1xi32>
        %gather3A_1712 = vector.shape_cast %broadcast_in_dim3A_1711 : vector<16x1xi32> to vector<16xi32>
        %gather3A_1713 = tpu.dynamic_gather %get3A_883[%gather3A_1712] in [0] : vector<16xf32>, vector<16xi32> -> vector<16xf32>
        %sub3A_1714 = arith.subf %gather3A_1701, %gather3A_1677 : vector<16xf32>
        %sub3A_1715 = arith.subf %gather3A_1713, %gather3A_1689 : vector<16xf32>
        %mul3A_1716 = arith.mulf %sub3A_1714, %sub3A_1715 : vector<16xf32>
        %broadcast_in_dim3A_1717 = arith.constant 8 : i32
        %broadcast_in_dim3A_1718 = vector.broadcast %broadcast_in_dim3A_1717 : i32 to vector<16xi32>
        %lt3A_1719 = arith.constant 0 : i32
        %lt3A_1720 = vector.broadcast %lt3A_1719 : i32 to vector<16xi32>
        %lt3A_1721 = arith.cmpi slt, %broadcast_in_dim3A_1718, %lt3A_1720 : vector<16xi32>
        %add3A_1722 = arith.constant 16 : i32
        %add3A_1723 = vector.broadcast %add3A_1722 : i32 to vector<16xi32>
        %add3A_1724 = arith.addi %broadcast_in_dim3A_1718, %add3A_1723 : vector<16xi32>
        %select_n3A_1725 = arith.select %lt3A_1721, %add3A_1724, %broadcast_in_dim3A_1718 : vector<16xi1>, vector<16xi32>
        %broadcast_in_dim3A_1726 = vector.shape_cast %select_n3A_1725 : vector<16xi32> to vector<16x1xi32>
        %gather3A_1727 = vector.shape_cast %broadcast_in_dim3A_1726 : vector<16x1xi32> to vector<16xi32>
        %gather3A_1728 = tpu.dynamic_gather %select_n3A_1665[%gather3A_1727] in [0] : vector<16xf32>, vector<16xi32> -> vector<16xf32>
        %min3A_1729 = arith.minimumf %gather3A_1701, %get3A_880 : vector<16xf32>
        %max3A_1730 = arith.maximumf %gather3A_1677, %get3A_874 : vector<16xf32>
        %sub3A_1731 = arith.subf %min3A_1729, %max3A_1730 : vector<16xf32>
        %max3A_1732 = arith.constant 0.000000e+00 : f32
        %max3A_1733 = vector.broadcast %max3A_1732 : f32 to vector<16xf32>
        %max3A_1734 = arith.maximumf %sub3A_1731, %max3A_1733 : vector<16xf32>
        %min3A_1735 = arith.minimumf %gather3A_1713, %get3A_883 : vector<16xf32>
        %max3A_1736 = arith.maximumf %gather3A_1689, %get3A_877 : vector<16xf32>
        %sub3A_1737 = arith.subf %min3A_1735, %max3A_1736 : vector<16xf32>
        %max3A_1738 = arith.constant 0.000000e+00 : f32
        %max3A_1739 = vector.broadcast %max3A_1738 : f32 to vector<16xf32>
        %max3A_1740 = arith.maximumf %sub3A_1737, %max3A_1739 : vector<16xf32>
        %mul3A_1741 = arith.mulf %max3A_1734, %max3A_1740 : vector<16xf32>
        %add3A_1742 = arith.addf %mul3A_1716, %mul3A_886 : vector<16xf32>
        %sub3A_1743 = arith.subf %add3A_1742, %mul3A_1741 : vector<16xf32>
        %add3A_1744 = arith.constant 9.99999971E-10 : f32
        %add3A_1745 = vector.broadcast %add3A_1744 : f32 to vector<16xf32>
        %add3A_1746 = arith.addf %sub3A_1743, %add3A_1745 : vector<16xf32>
        %div3A_1747 = arith.divf %mul3A_1741, %add3A_1746 : vector<16xf32>
        %gt3A_1748 = arith.constant 0.000000e+00 : f32
        %gt3A_1749 = vector.broadcast %gt3A_1748 : f32 to vector<16xf32>
        %gt3A_1750 = arith.cmpf ogt, %gather3A_1728, %gt3A_1749 : vector<16xf32>
        %jit3A_1751 = arith.constant 3.000000e-01 : f32
        %jit3A_1752 = arith.constant 2.000000e+30 : f32
        %broadcast_in_dim3A_1753 = vector.broadcast %jit3A_1751 : f32 to vector<16xf32>
        %broadcast_in_dim3A_1754 = vector.broadcast %jit3A_1752 : f32 to vector<16xf32>
        %select_n3A_1755 = arith.select %gt3A_1750, %broadcast_in_dim3A_1753, %broadcast_in_dim3A_1754 : vector<16xi1>, vector<16xf32>
        %gt3A_1756 = arith.cmpf ogt, %div3A_1747, %select_n3A_1755 : vector<16xf32>
        %gt3A_1757 = arith.constant 8 : i32
        %gt3A_1758 = vector.broadcast %gt3A_1757 : i32 to vector<16xi32>
        %gt3A_1759 = arith.cmpi sgt, %iota3A, %gt3A_1758 : vector<16xi32>
        %and3A_1760 = arith.andi %gt3A_1756, %gt3A_1759 : vector<16xi1>
        %jit3A_1761 = arith.constant 0.000000e+00 : f32
        %broadcast_in_dim3A_1762 = vector.broadcast %jit3A_1761 : f32 to vector<16xf32>
        %select_n3A_1763 = arith.select %and3A_1760, %broadcast_in_dim3A_1762, %select_n3A_1665 : vector<16xi1>, vector<16xf32>
        %broadcast_in_dim3A_1764 = arith.constant 9 : i32
        %broadcast_in_dim3A_1765 = vector.broadcast %broadcast_in_dim3A_1764 : i32 to vector<16xi32>
        %lt3A_1766 = arith.constant 0 : i32
        %lt3A_1767 = vector.broadcast %lt3A_1766 : i32 to vector<16xi32>
        %lt3A_1768 = arith.cmpi slt, %broadcast_in_dim3A_1765, %lt3A_1767 : vector<16xi32>
        %add3A_1769 = arith.constant 16 : i32
        %add3A_1770 = vector.broadcast %add3A_1769 : i32 to vector<16xi32>
        %add3A_1771 = arith.addi %broadcast_in_dim3A_1765, %add3A_1770 : vector<16xi32>
        %select_n3A_1772 = arith.select %lt3A_1768, %add3A_1771, %broadcast_in_dim3A_1765 : vector<16xi1>, vector<16xi32>
        %broadcast_in_dim3A_1773 = vector.shape_cast %select_n3A_1772 : vector<16xi32> to vector<16x1xi32>
        %gather3A_1774 = vector.shape_cast %broadcast_in_dim3A_1773 : vector<16x1xi32> to vector<16xi32>
        %gather3A_1775 = tpu.dynamic_gather %get3A_874[%gather3A_1774] in [0] : vector<16xf32>, vector<16xi32> -> vector<16xf32>
        %broadcast_in_dim3A_1776 = arith.constant 9 : i32
        %broadcast_in_dim3A_1777 = vector.broadcast %broadcast_in_dim3A_1776 : i32 to vector<16xi32>
        %lt3A_1778 = arith.constant 0 : i32
        %lt3A_1779 = vector.broadcast %lt3A_1778 : i32 to vector<16xi32>
        %lt3A_1780 = arith.cmpi slt, %broadcast_in_dim3A_1777, %lt3A_1779 : vector<16xi32>
        %add3A_1781 = arith.constant 16 : i32
        %add3A_1782 = vector.broadcast %add3A_1781 : i32 to vector<16xi32>
        %add3A_1783 = arith.addi %broadcast_in_dim3A_1777, %add3A_1782 : vector<16xi32>
        %select_n3A_1784 = arith.select %lt3A_1780, %add3A_1783, %broadcast_in_dim3A_1777 : vector<16xi1>, vector<16xi32>
        %broadcast_in_dim3A_1785 = vector.shape_cast %select_n3A_1784 : vector<16xi32> to vector<16x1xi32>
        %gather3A_1786 = vector.shape_cast %broadcast_in_dim3A_1785 : vector<16x1xi32> to vector<16xi32>
        %gather3A_1787 = tpu.dynamic_gather %get3A_877[%gather3A_1786] in [0] : vector<16xf32>, vector<16xi32> -> vector<16xf32>
        %broadcast_in_dim3A_1788 = arith.constant 9 : i32
        %broadcast_in_dim3A_1789 = vector.broadcast %broadcast_in_dim3A_1788 : i32 to vector<16xi32>
        %lt3A_1790 = arith.constant 0 : i32
        %lt3A_1791 = vector.broadcast %lt3A_1790 : i32 to vector<16xi32>
        %lt3A_1792 = arith.cmpi slt, %broadcast_in_dim3A_1789, %lt3A_1791 : vector<16xi32>
        %add3A_1793 = arith.constant 16 : i32
        %add3A_1794 = vector.broadcast %add3A_1793 : i32 to vector<16xi32>
        %add3A_1795 = arith.addi %broadcast_in_dim3A_1789, %add3A_1794 : vector<16xi32>
        %select_n3A_1796 = arith.select %lt3A_1792, %add3A_1795, %broadcast_in_dim3A_1789 : vector<16xi1>, vector<16xi32>
        %broadcast_in_dim3A_1797 = vector.shape_cast %select_n3A_1796 : vector<16xi32> to vector<16x1xi32>
        %gather3A_1798 = vector.shape_cast %broadcast_in_dim3A_1797 : vector<16x1xi32> to vector<16xi32>
        %gather3A_1799 = tpu.dynamic_gather %get3A_880[%gather3A_1798] in [0] : vector<16xf32>, vector<16xi32> -> vector<16xf32>
        %broadcast_in_dim3A_1800 = arith.constant 9 : i32
        %broadcast_in_dim3A_1801 = vector.broadcast %broadcast_in_dim3A_1800 : i32 to vector<16xi32>
        %lt3A_1802 = arith.constant 0 : i32
        %lt3A_1803 = vector.broadcast %lt3A_1802 : i32 to vector<16xi32>
        %lt3A_1804 = arith.cmpi slt, %broadcast_in_dim3A_1801, %lt3A_1803 : vector<16xi32>
        %add3A_1805 = arith.constant 16 : i32
        %add3A_1806 = vector.broadcast %add3A_1805 : i32 to vector<16xi32>
        %add3A_1807 = arith.addi %broadcast_in_dim3A_1801, %add3A_1806 : vector<16xi32>
        %select_n3A_1808 = arith.select %lt3A_1804, %add3A_1807, %broadcast_in_dim3A_1801 : vector<16xi1>, vector<16xi32>
        %broadcast_in_dim3A_1809 = vector.shape_cast %select_n3A_1808 : vector<16xi32> to vector<16x1xi32>
        %gather3A_1810 = vector.shape_cast %broadcast_in_dim3A_1809 : vector<16x1xi32> to vector<16xi32>
        %gather3A_1811 = tpu.dynamic_gather %get3A_883[%gather3A_1810] in [0] : vector<16xf32>, vector<16xi32> -> vector<16xf32>
        %sub3A_1812 = arith.subf %gather3A_1799, %gather3A_1775 : vector<16xf32>
        %sub3A_1813 = arith.subf %gather3A_1811, %gather3A_1787 : vector<16xf32>
        %mul3A_1814 = arith.mulf %sub3A_1812, %sub3A_1813 : vector<16xf32>
        %broadcast_in_dim3A_1815 = arith.constant 9 : i32
        %broadcast_in_dim3A_1816 = vector.broadcast %broadcast_in_dim3A_1815 : i32 to vector<16xi32>
        %lt3A_1817 = arith.constant 0 : i32
        %lt3A_1818 = vector.broadcast %lt3A_1817 : i32 to vector<16xi32>
        %lt3A_1819 = arith.cmpi slt, %broadcast_in_dim3A_1816, %lt3A_1818 : vector<16xi32>
        %add3A_1820 = arith.constant 16 : i32
        %add3A_1821 = vector.broadcast %add3A_1820 : i32 to vector<16xi32>
        %add3A_1822 = arith.addi %broadcast_in_dim3A_1816, %add3A_1821 : vector<16xi32>
        %select_n3A_1823 = arith.select %lt3A_1819, %add3A_1822, %broadcast_in_dim3A_1816 : vector<16xi1>, vector<16xi32>
        %broadcast_in_dim3A_1824 = vector.shape_cast %select_n3A_1823 : vector<16xi32> to vector<16x1xi32>
        %gather3A_1825 = vector.shape_cast %broadcast_in_dim3A_1824 : vector<16x1xi32> to vector<16xi32>
        %gather3A_1826 = tpu.dynamic_gather %select_n3A_1763[%gather3A_1825] in [0] : vector<16xf32>, vector<16xi32> -> vector<16xf32>
        %min3A_1827 = arith.minimumf %gather3A_1799, %get3A_880 : vector<16xf32>
        %max3A_1828 = arith.maximumf %gather3A_1775, %get3A_874 : vector<16xf32>
        %sub3A_1829 = arith.subf %min3A_1827, %max3A_1828 : vector<16xf32>
        %max3A_1830 = arith.constant 0.000000e+00 : f32
        %max3A_1831 = vector.broadcast %max3A_1830 : f32 to vector<16xf32>
        %max3A_1832 = arith.maximumf %sub3A_1829, %max3A_1831 : vector<16xf32>
        %min3A_1833 = arith.minimumf %gather3A_1811, %get3A_883 : vector<16xf32>
        %max3A_1834 = arith.maximumf %gather3A_1787, %get3A_877 : vector<16xf32>
        %sub3A_1835 = arith.subf %min3A_1833, %max3A_1834 : vector<16xf32>
        %max3A_1836 = arith.constant 0.000000e+00 : f32
        %max3A_1837 = vector.broadcast %max3A_1836 : f32 to vector<16xf32>
        %max3A_1838 = arith.maximumf %sub3A_1835, %max3A_1837 : vector<16xf32>
        %mul3A_1839 = arith.mulf %max3A_1832, %max3A_1838 : vector<16xf32>
        %add3A_1840 = arith.addf %mul3A_1814, %mul3A_886 : vector<16xf32>
        %sub3A_1841 = arith.subf %add3A_1840, %mul3A_1839 : vector<16xf32>
        %add3A_1842 = arith.constant 9.99999971E-10 : f32
        %add3A_1843 = vector.broadcast %add3A_1842 : f32 to vector<16xf32>
        %add3A_1844 = arith.addf %sub3A_1841, %add3A_1843 : vector<16xf32>
        %div3A_1845 = arith.divf %mul3A_1839, %add3A_1844 : vector<16xf32>
        %gt3A_1846 = arith.constant 0.000000e+00 : f32
        %gt3A_1847 = vector.broadcast %gt3A_1846 : f32 to vector<16xf32>
        %gt3A_1848 = arith.cmpf ogt, %gather3A_1826, %gt3A_1847 : vector<16xf32>
        %jit3A_1849 = arith.constant 3.000000e-01 : f32
        %jit3A_1850 = arith.constant 2.000000e+30 : f32
        %broadcast_in_dim3A_1851 = vector.broadcast %jit3A_1849 : f32 to vector<16xf32>
        %broadcast_in_dim3A_1852 = vector.broadcast %jit3A_1850 : f32 to vector<16xf32>
        %select_n3A_1853 = arith.select %gt3A_1848, %broadcast_in_dim3A_1851, %broadcast_in_dim3A_1852 : vector<16xi1>, vector<16xf32>
        %gt3A_1854 = arith.cmpf ogt, %div3A_1845, %select_n3A_1853 : vector<16xf32>
        %gt3A_1855 = arith.constant 9 : i32
        %gt3A_1856 = vector.broadcast %gt3A_1855 : i32 to vector<16xi32>
        %gt3A_1857 = arith.cmpi sgt, %iota3A, %gt3A_1856 : vector<16xi32>
        %and3A_1858 = arith.andi %gt3A_1854, %gt3A_1857 : vector<16xi1>
        %jit3A_1859 = arith.constant 0.000000e+00 : f32
        %broadcast_in_dim3A_1860 = vector.broadcast %jit3A_1859 : f32 to vector<16xf32>
        %select_n3A_1861 = arith.select %and3A_1858, %broadcast_in_dim3A_1860, %select_n3A_1763 : vector<16xi1>, vector<16xf32>
        %broadcast_in_dim3A_1862 = arith.constant 10 : i32
        %broadcast_in_dim3A_1863 = vector.broadcast %broadcast_in_dim3A_1862 : i32 to vector<16xi32>
        %lt3A_1864 = arith.constant 0 : i32
        %lt3A_1865 = vector.broadcast %lt3A_1864 : i32 to vector<16xi32>
        %lt3A_1866 = arith.cmpi slt, %broadcast_in_dim3A_1863, %lt3A_1865 : vector<16xi32>
        %add3A_1867 = arith.constant 16 : i32
        %add3A_1868 = vector.broadcast %add3A_1867 : i32 to vector<16xi32>
        %add3A_1869 = arith.addi %broadcast_in_dim3A_1863, %add3A_1868 : vector<16xi32>
        %select_n3A_1870 = arith.select %lt3A_1866, %add3A_1869, %broadcast_in_dim3A_1863 : vector<16xi1>, vector<16xi32>
        %broadcast_in_dim3A_1871 = vector.shape_cast %select_n3A_1870 : vector<16xi32> to vector<16x1xi32>
        %gather3A_1872 = vector.shape_cast %broadcast_in_dim3A_1871 : vector<16x1xi32> to vector<16xi32>
        %gather3A_1873 = tpu.dynamic_gather %get3A_874[%gather3A_1872] in [0] : vector<16xf32>, vector<16xi32> -> vector<16xf32>
        %broadcast_in_dim3A_1874 = arith.constant 10 : i32
        %broadcast_in_dim3A_1875 = vector.broadcast %broadcast_in_dim3A_1874 : i32 to vector<16xi32>
        %lt3A_1876 = arith.constant 0 : i32
        %lt3A_1877 = vector.broadcast %lt3A_1876 : i32 to vector<16xi32>
        %lt3A_1878 = arith.cmpi slt, %broadcast_in_dim3A_1875, %lt3A_1877 : vector<16xi32>
        %add3A_1879 = arith.constant 16 : i32
        %add3A_1880 = vector.broadcast %add3A_1879 : i32 to vector<16xi32>
        %add3A_1881 = arith.addi %broadcast_in_dim3A_1875, %add3A_1880 : vector<16xi32>
        %select_n3A_1882 = arith.select %lt3A_1878, %add3A_1881, %broadcast_in_dim3A_1875 : vector<16xi1>, vector<16xi32>
        %broadcast_in_dim3A_1883 = vector.shape_cast %select_n3A_1882 : vector<16xi32> to vector<16x1xi32>
        %gather3A_1884 = vector.shape_cast %broadcast_in_dim3A_1883 : vector<16x1xi32> to vector<16xi32>
        %gather3A_1885 = tpu.dynamic_gather %get3A_877[%gather3A_1884] in [0] : vector<16xf32>, vector<16xi32> -> vector<16xf32>
        %broadcast_in_dim3A_1886 = arith.constant 10 : i32
        %broadcast_in_dim3A_1887 = vector.broadcast %broadcast_in_dim3A_1886 : i32 to vector<16xi32>
        %lt3A_1888 = arith.constant 0 : i32
        %lt3A_1889 = vector.broadcast %lt3A_1888 : i32 to vector<16xi32>
        %lt3A_1890 = arith.cmpi slt, %broadcast_in_dim3A_1887, %lt3A_1889 : vector<16xi32>
        %add3A_1891 = arith.constant 16 : i32
        %add3A_1892 = vector.broadcast %add3A_1891 : i32 to vector<16xi32>
        %add3A_1893 = arith.addi %broadcast_in_dim3A_1887, %add3A_1892 : vector<16xi32>
        %select_n3A_1894 = arith.select %lt3A_1890, %add3A_1893, %broadcast_in_dim3A_1887 : vector<16xi1>, vector<16xi32>
        %broadcast_in_dim3A_1895 = vector.shape_cast %select_n3A_1894 : vector<16xi32> to vector<16x1xi32>
        %gather3A_1896 = vector.shape_cast %broadcast_in_dim3A_1895 : vector<16x1xi32> to vector<16xi32>
        %gather3A_1897 = tpu.dynamic_gather %get3A_880[%gather3A_1896] in [0] : vector<16xf32>, vector<16xi32> -> vector<16xf32>
        %broadcast_in_dim3A_1898 = arith.constant 10 : i32
        %broadcast_in_dim3A_1899 = vector.broadcast %broadcast_in_dim3A_1898 : i32 to vector<16xi32>
        %lt3A_1900 = arith.constant 0 : i32
        %lt3A_1901 = vector.broadcast %lt3A_1900 : i32 to vector<16xi32>
        %lt3A_1902 = arith.cmpi slt, %broadcast_in_dim3A_1899, %lt3A_1901 : vector<16xi32>
        %add3A_1903 = arith.constant 16 : i32
        %add3A_1904 = vector.broadcast %add3A_1903 : i32 to vector<16xi32>
        %add3A_1905 = arith.addi %broadcast_in_dim3A_1899, %add3A_1904 : vector<16xi32>
        %select_n3A_1906 = arith.select %lt3A_1902, %add3A_1905, %broadcast_in_dim3A_1899 : vector<16xi1>, vector<16xi32>
        %broadcast_in_dim3A_1907 = vector.shape_cast %select_n3A_1906 : vector<16xi32> to vector<16x1xi32>
        %gather3A_1908 = vector.shape_cast %broadcast_in_dim3A_1907 : vector<16x1xi32> to vector<16xi32>
        %gather3A_1909 = tpu.dynamic_gather %get3A_883[%gather3A_1908] in [0] : vector<16xf32>, vector<16xi32> -> vector<16xf32>
        %sub3A_1910 = arith.subf %gather3A_1897, %gather3A_1873 : vector<16xf32>
        %sub3A_1911 = arith.subf %gather3A_1909, %gather3A_1885 : vector<16xf32>
        %mul3A_1912 = arith.mulf %sub3A_1910, %sub3A_1911 : vector<16xf32>
        %broadcast_in_dim3A_1913 = arith.constant 10 : i32
        %broadcast_in_dim3A_1914 = vector.broadcast %broadcast_in_dim3A_1913 : i32 to vector<16xi32>
        %lt3A_1915 = arith.constant 0 : i32
        %lt3A_1916 = vector.broadcast %lt3A_1915 : i32 to vector<16xi32>
        %lt3A_1917 = arith.cmpi slt, %broadcast_in_dim3A_1914, %lt3A_1916 : vector<16xi32>
        %add3A_1918 = arith.constant 16 : i32
        %add3A_1919 = vector.broadcast %add3A_1918 : i32 to vector<16xi32>
        %add3A_1920 = arith.addi %broadcast_in_dim3A_1914, %add3A_1919 : vector<16xi32>
        %select_n3A_1921 = arith.select %lt3A_1917, %add3A_1920, %broadcast_in_dim3A_1914 : vector<16xi1>, vector<16xi32>
        %broadcast_in_dim3A_1922 = vector.shape_cast %select_n3A_1921 : vector<16xi32> to vector<16x1xi32>
        %gather3A_1923 = vector.shape_cast %broadcast_in_dim3A_1922 : vector<16x1xi32> to vector<16xi32>
        %gather3A_1924 = tpu.dynamic_gather %select_n3A_1861[%gather3A_1923] in [0] : vector<16xf32>, vector<16xi32> -> vector<16xf32>
        %min3A_1925 = arith.minimumf %gather3A_1897, %get3A_880 : vector<16xf32>
        %max3A_1926 = arith.maximumf %gather3A_1873, %get3A_874 : vector<16xf32>
        %sub3A_1927 = arith.subf %min3A_1925, %max3A_1926 : vector<16xf32>
        %max3A_1928 = arith.constant 0.000000e+00 : f32
        %max3A_1929 = vector.broadcast %max3A_1928 : f32 to vector<16xf32>
        %max3A_1930 = arith.maximumf %sub3A_1927, %max3A_1929 : vector<16xf32>
        %min3A_1931 = arith.minimumf %gather3A_1909, %get3A_883 : vector<16xf32>
        %max3A_1932 = arith.maximumf %gather3A_1885, %get3A_877 : vector<16xf32>
        %sub3A_1933 = arith.subf %min3A_1931, %max3A_1932 : vector<16xf32>
        %max3A_1934 = arith.constant 0.000000e+00 : f32
        %max3A_1935 = vector.broadcast %max3A_1934 : f32 to vector<16xf32>
        %max3A_1936 = arith.maximumf %sub3A_1933, %max3A_1935 : vector<16xf32>
        %mul3A_1937 = arith.mulf %max3A_1930, %max3A_1936 : vector<16xf32>
        %add3A_1938 = arith.addf %mul3A_1912, %mul3A_886 : vector<16xf32>
        %sub3A_1939 = arith.subf %add3A_1938, %mul3A_1937 : vector<16xf32>
        %add3A_1940 = arith.constant 9.99999971E-10 : f32
        %add3A_1941 = vector.broadcast %add3A_1940 : f32 to vector<16xf32>
        %add3A_1942 = arith.addf %sub3A_1939, %add3A_1941 : vector<16xf32>
        %div3A_1943 = arith.divf %mul3A_1937, %add3A_1942 : vector<16xf32>
        %gt3A_1944 = arith.constant 0.000000e+00 : f32
        %gt3A_1945 = vector.broadcast %gt3A_1944 : f32 to vector<16xf32>
        %gt3A_1946 = arith.cmpf ogt, %gather3A_1924, %gt3A_1945 : vector<16xf32>
        %jit3A_1947 = arith.constant 3.000000e-01 : f32
        %jit3A_1948 = arith.constant 2.000000e+30 : f32
        %broadcast_in_dim3A_1949 = vector.broadcast %jit3A_1947 : f32 to vector<16xf32>
        %broadcast_in_dim3A_1950 = vector.broadcast %jit3A_1948 : f32 to vector<16xf32>
        %select_n3A_1951 = arith.select %gt3A_1946, %broadcast_in_dim3A_1949, %broadcast_in_dim3A_1950 : vector<16xi1>, vector<16xf32>
        %gt3A_1952 = arith.cmpf ogt, %div3A_1943, %select_n3A_1951 : vector<16xf32>
        %gt3A_1953 = arith.constant 10 : i32
        %gt3A_1954 = vector.broadcast %gt3A_1953 : i32 to vector<16xi32>
        %gt3A_1955 = arith.cmpi sgt, %iota3A, %gt3A_1954 : vector<16xi32>
        %and3A_1956 = arith.andi %gt3A_1952, %gt3A_1955 : vector<16xi1>
        %jit3A_1957 = arith.constant 0.000000e+00 : f32
        %broadcast_in_dim3A_1958 = vector.broadcast %jit3A_1957 : f32 to vector<16xf32>
        %select_n3A_1959 = arith.select %and3A_1956, %broadcast_in_dim3A_1958, %select_n3A_1861 : vector<16xi1>, vector<16xf32>
        %broadcast_in_dim3A_1960 = arith.constant 11 : i32
        %broadcast_in_dim3A_1961 = vector.broadcast %broadcast_in_dim3A_1960 : i32 to vector<16xi32>
        %lt3A_1962 = arith.constant 0 : i32
        %lt3A_1963 = vector.broadcast %lt3A_1962 : i32 to vector<16xi32>
        %lt3A_1964 = arith.cmpi slt, %broadcast_in_dim3A_1961, %lt3A_1963 : vector<16xi32>
        %add3A_1965 = arith.constant 16 : i32
        %add3A_1966 = vector.broadcast %add3A_1965 : i32 to vector<16xi32>
        %add3A_1967 = arith.addi %broadcast_in_dim3A_1961, %add3A_1966 : vector<16xi32>
        %select_n3A_1968 = arith.select %lt3A_1964, %add3A_1967, %broadcast_in_dim3A_1961 : vector<16xi1>, vector<16xi32>
        %broadcast_in_dim3A_1969 = vector.shape_cast %select_n3A_1968 : vector<16xi32> to vector<16x1xi32>
        %gather3A_1970 = vector.shape_cast %broadcast_in_dim3A_1969 : vector<16x1xi32> to vector<16xi32>
        %gather3A_1971 = tpu.dynamic_gather %get3A_874[%gather3A_1970] in [0] : vector<16xf32>, vector<16xi32> -> vector<16xf32>
        %broadcast_in_dim3A_1972 = arith.constant 11 : i32
        %broadcast_in_dim3A_1973 = vector.broadcast %broadcast_in_dim3A_1972 : i32 to vector<16xi32>
        %lt3A_1974 = arith.constant 0 : i32
        %lt3A_1975 = vector.broadcast %lt3A_1974 : i32 to vector<16xi32>
        %lt3A_1976 = arith.cmpi slt, %broadcast_in_dim3A_1973, %lt3A_1975 : vector<16xi32>
        %add3A_1977 = arith.constant 16 : i32
        %add3A_1978 = vector.broadcast %add3A_1977 : i32 to vector<16xi32>
        %add3A_1979 = arith.addi %broadcast_in_dim3A_1973, %add3A_1978 : vector<16xi32>
        %select_n3A_1980 = arith.select %lt3A_1976, %add3A_1979, %broadcast_in_dim3A_1973 : vector<16xi1>, vector<16xi32>
        %broadcast_in_dim3A_1981 = vector.shape_cast %select_n3A_1980 : vector<16xi32> to vector<16x1xi32>
        %gather3A_1982 = vector.shape_cast %broadcast_in_dim3A_1981 : vector<16x1xi32> to vector<16xi32>
        %gather3A_1983 = tpu.dynamic_gather %get3A_877[%gather3A_1982] in [0] : vector<16xf32>, vector<16xi32> -> vector<16xf32>
        %broadcast_in_dim3A_1984 = arith.constant 11 : i32
        %broadcast_in_dim3A_1985 = vector.broadcast %broadcast_in_dim3A_1984 : i32 to vector<16xi32>
        %lt3A_1986 = arith.constant 0 : i32
        %lt3A_1987 = vector.broadcast %lt3A_1986 : i32 to vector<16xi32>
        %lt3A_1988 = arith.cmpi slt, %broadcast_in_dim3A_1985, %lt3A_1987 : vector<16xi32>
        %add3A_1989 = arith.constant 16 : i32
        %add3A_1990 = vector.broadcast %add3A_1989 : i32 to vector<16xi32>
        %add3A_1991 = arith.addi %broadcast_in_dim3A_1985, %add3A_1990 : vector<16xi32>
        %select_n3A_1992 = arith.select %lt3A_1988, %add3A_1991, %broadcast_in_dim3A_1985 : vector<16xi1>, vector<16xi32>
        %broadcast_in_dim3A_1993 = vector.shape_cast %select_n3A_1992 : vector<16xi32> to vector<16x1xi32>
        %gather3A_1994 = vector.shape_cast %broadcast_in_dim3A_1993 : vector<16x1xi32> to vector<16xi32>
        %gather3A_1995 = tpu.dynamic_gather %get3A_880[%gather3A_1994] in [0] : vector<16xf32>, vector<16xi32> -> vector<16xf32>
        %broadcast_in_dim3A_1996 = arith.constant 11 : i32
        %broadcast_in_dim3A_1997 = vector.broadcast %broadcast_in_dim3A_1996 : i32 to vector<16xi32>
        %lt3A_1998 = arith.constant 0 : i32
        %lt3A_1999 = vector.broadcast %lt3A_1998 : i32 to vector<16xi32>
        %lt3A_2000 = arith.cmpi slt, %broadcast_in_dim3A_1997, %lt3A_1999 : vector<16xi32>
        %add3A_2001 = arith.constant 16 : i32
        %add3A_2002 = vector.broadcast %add3A_2001 : i32 to vector<16xi32>
        %add3A_2003 = arith.addi %broadcast_in_dim3A_1997, %add3A_2002 : vector<16xi32>
        %select_n3A_2004 = arith.select %lt3A_2000, %add3A_2003, %broadcast_in_dim3A_1997 : vector<16xi1>, vector<16xi32>
        %broadcast_in_dim3A_2005 = vector.shape_cast %select_n3A_2004 : vector<16xi32> to vector<16x1xi32>
        %gather3A_2006 = vector.shape_cast %broadcast_in_dim3A_2005 : vector<16x1xi32> to vector<16xi32>
        %gather3A_2007 = tpu.dynamic_gather %get3A_883[%gather3A_2006] in [0] : vector<16xf32>, vector<16xi32> -> vector<16xf32>
        %sub3A_2008 = arith.subf %gather3A_1995, %gather3A_1971 : vector<16xf32>
        %sub3A_2009 = arith.subf %gather3A_2007, %gather3A_1983 : vector<16xf32>
        %mul3A_2010 = arith.mulf %sub3A_2008, %sub3A_2009 : vector<16xf32>
        %broadcast_in_dim3A_2011 = arith.constant 11 : i32
        %broadcast_in_dim3A_2012 = vector.broadcast %broadcast_in_dim3A_2011 : i32 to vector<16xi32>
        %lt3A_2013 = arith.constant 0 : i32
        %lt3A_2014 = vector.broadcast %lt3A_2013 : i32 to vector<16xi32>
        %lt3A_2015 = arith.cmpi slt, %broadcast_in_dim3A_2012, %lt3A_2014 : vector<16xi32>
        %add3A_2016 = arith.constant 16 : i32
        %add3A_2017 = vector.broadcast %add3A_2016 : i32 to vector<16xi32>
        %add3A_2018 = arith.addi %broadcast_in_dim3A_2012, %add3A_2017 : vector<16xi32>
        %select_n3A_2019 = arith.select %lt3A_2015, %add3A_2018, %broadcast_in_dim3A_2012 : vector<16xi1>, vector<16xi32>
        %broadcast_in_dim3A_2020 = vector.shape_cast %select_n3A_2019 : vector<16xi32> to vector<16x1xi32>
        %gather3A_2021 = vector.shape_cast %broadcast_in_dim3A_2020 : vector<16x1xi32> to vector<16xi32>
        %gather3A_2022 = tpu.dynamic_gather %select_n3A_1959[%gather3A_2021] in [0] : vector<16xf32>, vector<16xi32> -> vector<16xf32>
        %min3A_2023 = arith.minimumf %gather3A_1995, %get3A_880 : vector<16xf32>
        %max3A_2024 = arith.maximumf %gather3A_1971, %get3A_874 : vector<16xf32>
        %sub3A_2025 = arith.subf %min3A_2023, %max3A_2024 : vector<16xf32>
        %max3A_2026 = arith.constant 0.000000e+00 : f32
        %max3A_2027 = vector.broadcast %max3A_2026 : f32 to vector<16xf32>
        %max3A_2028 = arith.maximumf %sub3A_2025, %max3A_2027 : vector<16xf32>
        %min3A_2029 = arith.minimumf %gather3A_2007, %get3A_883 : vector<16xf32>
        %max3A_2030 = arith.maximumf %gather3A_1983, %get3A_877 : vector<16xf32>
        %sub3A_2031 = arith.subf %min3A_2029, %max3A_2030 : vector<16xf32>
        %max3A_2032 = arith.constant 0.000000e+00 : f32
        %max3A_2033 = vector.broadcast %max3A_2032 : f32 to vector<16xf32>
        %max3A_2034 = arith.maximumf %sub3A_2031, %max3A_2033 : vector<16xf32>
        %mul3A_2035 = arith.mulf %max3A_2028, %max3A_2034 : vector<16xf32>
        %add3A_2036 = arith.addf %mul3A_2010, %mul3A_886 : vector<16xf32>
        %sub3A_2037 = arith.subf %add3A_2036, %mul3A_2035 : vector<16xf32>
        %add3A_2038 = arith.constant 9.99999971E-10 : f32
        %add3A_2039 = vector.broadcast %add3A_2038 : f32 to vector<16xf32>
        %add3A_2040 = arith.addf %sub3A_2037, %add3A_2039 : vector<16xf32>
        %div3A_2041 = arith.divf %mul3A_2035, %add3A_2040 : vector<16xf32>
        %gt3A_2042 = arith.constant 0.000000e+00 : f32
        %gt3A_2043 = vector.broadcast %gt3A_2042 : f32 to vector<16xf32>
        %gt3A_2044 = arith.cmpf ogt, %gather3A_2022, %gt3A_2043 : vector<16xf32>
        %jit3A_2045 = arith.constant 3.000000e-01 : f32
        %jit3A_2046 = arith.constant 2.000000e+30 : f32
        %broadcast_in_dim3A_2047 = vector.broadcast %jit3A_2045 : f32 to vector<16xf32>
        %broadcast_in_dim3A_2048 = vector.broadcast %jit3A_2046 : f32 to vector<16xf32>
        %select_n3A_2049 = arith.select %gt3A_2044, %broadcast_in_dim3A_2047, %broadcast_in_dim3A_2048 : vector<16xi1>, vector<16xf32>
        %gt3A_2050 = arith.cmpf ogt, %div3A_2041, %select_n3A_2049 : vector<16xf32>
        %gt3A_2051 = arith.constant 11 : i32
        %gt3A_2052 = vector.broadcast %gt3A_2051 : i32 to vector<16xi32>
        %gt3A_2053 = arith.cmpi sgt, %iota3A, %gt3A_2052 : vector<16xi32>
        %and3A_2054 = arith.andi %gt3A_2050, %gt3A_2053 : vector<16xi1>
        %jit3A_2055 = arith.constant 0.000000e+00 : f32
        %broadcast_in_dim3A_2056 = vector.broadcast %jit3A_2055 : f32 to vector<16xf32>
        %select_n3A_2057 = arith.select %and3A_2054, %broadcast_in_dim3A_2056, %select_n3A_1959 : vector<16xi1>, vector<16xf32>
        %broadcast_in_dim3A_2058 = arith.constant 12 : i32
        %broadcast_in_dim3A_2059 = vector.broadcast %broadcast_in_dim3A_2058 : i32 to vector<16xi32>
        %lt3A_2060 = arith.constant 0 : i32
        %lt3A_2061 = vector.broadcast %lt3A_2060 : i32 to vector<16xi32>
        %lt3A_2062 = arith.cmpi slt, %broadcast_in_dim3A_2059, %lt3A_2061 : vector<16xi32>
        %add3A_2063 = arith.constant 16 : i32
        %add3A_2064 = vector.broadcast %add3A_2063 : i32 to vector<16xi32>
        %add3A_2065 = arith.addi %broadcast_in_dim3A_2059, %add3A_2064 : vector<16xi32>
        %select_n3A_2066 = arith.select %lt3A_2062, %add3A_2065, %broadcast_in_dim3A_2059 : vector<16xi1>, vector<16xi32>
        %broadcast_in_dim3A_2067 = vector.shape_cast %select_n3A_2066 : vector<16xi32> to vector<16x1xi32>
        %gather3A_2068 = vector.shape_cast %broadcast_in_dim3A_2067 : vector<16x1xi32> to vector<16xi32>
        %gather3A_2069 = tpu.dynamic_gather %get3A_874[%gather3A_2068] in [0] : vector<16xf32>, vector<16xi32> -> vector<16xf32>
        %broadcast_in_dim3A_2070 = arith.constant 12 : i32
        %broadcast_in_dim3A_2071 = vector.broadcast %broadcast_in_dim3A_2070 : i32 to vector<16xi32>
        %lt3A_2072 = arith.constant 0 : i32
        %lt3A_2073 = vector.broadcast %lt3A_2072 : i32 to vector<16xi32>
        %lt3A_2074 = arith.cmpi slt, %broadcast_in_dim3A_2071, %lt3A_2073 : vector<16xi32>
        %add3A_2075 = arith.constant 16 : i32
        %add3A_2076 = vector.broadcast %add3A_2075 : i32 to vector<16xi32>
        %add3A_2077 = arith.addi %broadcast_in_dim3A_2071, %add3A_2076 : vector<16xi32>
        %select_n3A_2078 = arith.select %lt3A_2074, %add3A_2077, %broadcast_in_dim3A_2071 : vector<16xi1>, vector<16xi32>
        %broadcast_in_dim3A_2079 = vector.shape_cast %select_n3A_2078 : vector<16xi32> to vector<16x1xi32>
        %gather3A_2080 = vector.shape_cast %broadcast_in_dim3A_2079 : vector<16x1xi32> to vector<16xi32>
        %gather3A_2081 = tpu.dynamic_gather %get3A_877[%gather3A_2080] in [0] : vector<16xf32>, vector<16xi32> -> vector<16xf32>
        %broadcast_in_dim3A_2082 = arith.constant 12 : i32
        %broadcast_in_dim3A_2083 = vector.broadcast %broadcast_in_dim3A_2082 : i32 to vector<16xi32>
        %lt3A_2084 = arith.constant 0 : i32
        %lt3A_2085 = vector.broadcast %lt3A_2084 : i32 to vector<16xi32>
        %lt3A_2086 = arith.cmpi slt, %broadcast_in_dim3A_2083, %lt3A_2085 : vector<16xi32>
        %add3A_2087 = arith.constant 16 : i32
        %add3A_2088 = vector.broadcast %add3A_2087 : i32 to vector<16xi32>
        %add3A_2089 = arith.addi %broadcast_in_dim3A_2083, %add3A_2088 : vector<16xi32>
        %select_n3A_2090 = arith.select %lt3A_2086, %add3A_2089, %broadcast_in_dim3A_2083 : vector<16xi1>, vector<16xi32>
        %broadcast_in_dim3A_2091 = vector.shape_cast %select_n3A_2090 : vector<16xi32> to vector<16x1xi32>
        %gather3A_2092 = vector.shape_cast %broadcast_in_dim3A_2091 : vector<16x1xi32> to vector<16xi32>
        %gather3A_2093 = tpu.dynamic_gather %get3A_880[%gather3A_2092] in [0] : vector<16xf32>, vector<16xi32> -> vector<16xf32>
        %broadcast_in_dim3A_2094 = arith.constant 12 : i32
        %broadcast_in_dim3A_2095 = vector.broadcast %broadcast_in_dim3A_2094 : i32 to vector<16xi32>
        %lt3A_2096 = arith.constant 0 : i32
        %lt3A_2097 = vector.broadcast %lt3A_2096 : i32 to vector<16xi32>
        %lt3A_2098 = arith.cmpi slt, %broadcast_in_dim3A_2095, %lt3A_2097 : vector<16xi32>
        %add3A_2099 = arith.constant 16 : i32
        %add3A_2100 = vector.broadcast %add3A_2099 : i32 to vector<16xi32>
        %add3A_2101 = arith.addi %broadcast_in_dim3A_2095, %add3A_2100 : vector<16xi32>
        %select_n3A_2102 = arith.select %lt3A_2098, %add3A_2101, %broadcast_in_dim3A_2095 : vector<16xi1>, vector<16xi32>
        %broadcast_in_dim3A_2103 = vector.shape_cast %select_n3A_2102 : vector<16xi32> to vector<16x1xi32>
        %gather3A_2104 = vector.shape_cast %broadcast_in_dim3A_2103 : vector<16x1xi32> to vector<16xi32>
        %gather3A_2105 = tpu.dynamic_gather %get3A_883[%gather3A_2104] in [0] : vector<16xf32>, vector<16xi32> -> vector<16xf32>
        %sub3A_2106 = arith.subf %gather3A_2093, %gather3A_2069 : vector<16xf32>
        %sub3A_2107 = arith.subf %gather3A_2105, %gather3A_2081 : vector<16xf32>
        %mul3A_2108 = arith.mulf %sub3A_2106, %sub3A_2107 : vector<16xf32>
        %broadcast_in_dim3A_2109 = arith.constant 12 : i32
        %broadcast_in_dim3A_2110 = vector.broadcast %broadcast_in_dim3A_2109 : i32 to vector<16xi32>
        %lt3A_2111 = arith.constant 0 : i32
        %lt3A_2112 = vector.broadcast %lt3A_2111 : i32 to vector<16xi32>
        %lt3A_2113 = arith.cmpi slt, %broadcast_in_dim3A_2110, %lt3A_2112 : vector<16xi32>
        %add3A_2114 = arith.constant 16 : i32
        %add3A_2115 = vector.broadcast %add3A_2114 : i32 to vector<16xi32>
        %add3A_2116 = arith.addi %broadcast_in_dim3A_2110, %add3A_2115 : vector<16xi32>
        %select_n3A_2117 = arith.select %lt3A_2113, %add3A_2116, %broadcast_in_dim3A_2110 : vector<16xi1>, vector<16xi32>
        %broadcast_in_dim3A_2118 = vector.shape_cast %select_n3A_2117 : vector<16xi32> to vector<16x1xi32>
        %gather3A_2119 = vector.shape_cast %broadcast_in_dim3A_2118 : vector<16x1xi32> to vector<16xi32>
        %gather3A_2120 = tpu.dynamic_gather %select_n3A_2057[%gather3A_2119] in [0] : vector<16xf32>, vector<16xi32> -> vector<16xf32>
        %min3A_2121 = arith.minimumf %gather3A_2093, %get3A_880 : vector<16xf32>
        %max3A_2122 = arith.maximumf %gather3A_2069, %get3A_874 : vector<16xf32>
        %sub3A_2123 = arith.subf %min3A_2121, %max3A_2122 : vector<16xf32>
        %max3A_2124 = arith.constant 0.000000e+00 : f32
        %max3A_2125 = vector.broadcast %max3A_2124 : f32 to vector<16xf32>
        %max3A_2126 = arith.maximumf %sub3A_2123, %max3A_2125 : vector<16xf32>
        %min3A_2127 = arith.minimumf %gather3A_2105, %get3A_883 : vector<16xf32>
        %max3A_2128 = arith.maximumf %gather3A_2081, %get3A_877 : vector<16xf32>
        %sub3A_2129 = arith.subf %min3A_2127, %max3A_2128 : vector<16xf32>
        %max3A_2130 = arith.constant 0.000000e+00 : f32
        %max3A_2131 = vector.broadcast %max3A_2130 : f32 to vector<16xf32>
        %max3A_2132 = arith.maximumf %sub3A_2129, %max3A_2131 : vector<16xf32>
        %mul3A_2133 = arith.mulf %max3A_2126, %max3A_2132 : vector<16xf32>
        %add3A_2134 = arith.addf %mul3A_2108, %mul3A_886 : vector<16xf32>
        %sub3A_2135 = arith.subf %add3A_2134, %mul3A_2133 : vector<16xf32>
        %add3A_2136 = arith.constant 9.99999971E-10 : f32
        %add3A_2137 = vector.broadcast %add3A_2136 : f32 to vector<16xf32>
        %add3A_2138 = arith.addf %sub3A_2135, %add3A_2137 : vector<16xf32>
        %div3A_2139 = arith.divf %mul3A_2133, %add3A_2138 : vector<16xf32>
        %gt3A_2140 = arith.constant 0.000000e+00 : f32
        %gt3A_2141 = vector.broadcast %gt3A_2140 : f32 to vector<16xf32>
        %gt3A_2142 = arith.cmpf ogt, %gather3A_2120, %gt3A_2141 : vector<16xf32>
        %jit3A_2143 = arith.constant 3.000000e-01 : f32
        %jit3A_2144 = arith.constant 2.000000e+30 : f32
        %broadcast_in_dim3A_2145 = vector.broadcast %jit3A_2143 : f32 to vector<16xf32>
        %broadcast_in_dim3A_2146 = vector.broadcast %jit3A_2144 : f32 to vector<16xf32>
        %select_n3A_2147 = arith.select %gt3A_2142, %broadcast_in_dim3A_2145, %broadcast_in_dim3A_2146 : vector<16xi1>, vector<16xf32>
        %gt3A_2148 = arith.cmpf ogt, %div3A_2139, %select_n3A_2147 : vector<16xf32>
        %gt3A_2149 = arith.constant 12 : i32
        %gt3A_2150 = vector.broadcast %gt3A_2149 : i32 to vector<16xi32>
        %gt3A_2151 = arith.cmpi sgt, %iota3A, %gt3A_2150 : vector<16xi32>
        %and3A_2152 = arith.andi %gt3A_2148, %gt3A_2151 : vector<16xi1>
        %jit3A_2153 = arith.constant 0.000000e+00 : f32
        %broadcast_in_dim3A_2154 = vector.broadcast %jit3A_2153 : f32 to vector<16xf32>
        %select_n3A_2155 = arith.select %and3A_2152, %broadcast_in_dim3A_2154, %select_n3A_2057 : vector<16xi1>, vector<16xf32>
        %broadcast_in_dim3A_2156 = arith.constant 13 : i32
        %broadcast_in_dim3A_2157 = vector.broadcast %broadcast_in_dim3A_2156 : i32 to vector<16xi32>
        %lt3A_2158 = arith.constant 0 : i32
        %lt3A_2159 = vector.broadcast %lt3A_2158 : i32 to vector<16xi32>
        %lt3A_2160 = arith.cmpi slt, %broadcast_in_dim3A_2157, %lt3A_2159 : vector<16xi32>
        %add3A_2161 = arith.constant 16 : i32
        %add3A_2162 = vector.broadcast %add3A_2161 : i32 to vector<16xi32>
        %add3A_2163 = arith.addi %broadcast_in_dim3A_2157, %add3A_2162 : vector<16xi32>
        %select_n3A_2164 = arith.select %lt3A_2160, %add3A_2163, %broadcast_in_dim3A_2157 : vector<16xi1>, vector<16xi32>
        %broadcast_in_dim3A_2165 = vector.shape_cast %select_n3A_2164 : vector<16xi32> to vector<16x1xi32>
        %gather3A_2166 = vector.shape_cast %broadcast_in_dim3A_2165 : vector<16x1xi32> to vector<16xi32>
        %gather3A_2167 = tpu.dynamic_gather %get3A_874[%gather3A_2166] in [0] : vector<16xf32>, vector<16xi32> -> vector<16xf32>
        %broadcast_in_dim3A_2168 = arith.constant 13 : i32
        %broadcast_in_dim3A_2169 = vector.broadcast %broadcast_in_dim3A_2168 : i32 to vector<16xi32>
        %lt3A_2170 = arith.constant 0 : i32
        %lt3A_2171 = vector.broadcast %lt3A_2170 : i32 to vector<16xi32>
        %lt3A_2172 = arith.cmpi slt, %broadcast_in_dim3A_2169, %lt3A_2171 : vector<16xi32>
        %add3A_2173 = arith.constant 16 : i32
        %add3A_2174 = vector.broadcast %add3A_2173 : i32 to vector<16xi32>
        %add3A_2175 = arith.addi %broadcast_in_dim3A_2169, %add3A_2174 : vector<16xi32>
        %select_n3A_2176 = arith.select %lt3A_2172, %add3A_2175, %broadcast_in_dim3A_2169 : vector<16xi1>, vector<16xi32>
        %broadcast_in_dim3A_2177 = vector.shape_cast %select_n3A_2176 : vector<16xi32> to vector<16x1xi32>
        %gather3A_2178 = vector.shape_cast %broadcast_in_dim3A_2177 : vector<16x1xi32> to vector<16xi32>
        %gather3A_2179 = tpu.dynamic_gather %get3A_877[%gather3A_2178] in [0] : vector<16xf32>, vector<16xi32> -> vector<16xf32>
        %broadcast_in_dim3A_2180 = arith.constant 13 : i32
        %broadcast_in_dim3A_2181 = vector.broadcast %broadcast_in_dim3A_2180 : i32 to vector<16xi32>
        %lt3A_2182 = arith.constant 0 : i32
        %lt3A_2183 = vector.broadcast %lt3A_2182 : i32 to vector<16xi32>
        %lt3A_2184 = arith.cmpi slt, %broadcast_in_dim3A_2181, %lt3A_2183 : vector<16xi32>
        %add3A_2185 = arith.constant 16 : i32
        %add3A_2186 = vector.broadcast %add3A_2185 : i32 to vector<16xi32>
        %add3A_2187 = arith.addi %broadcast_in_dim3A_2181, %add3A_2186 : vector<16xi32>
        %select_n3A_2188 = arith.select %lt3A_2184, %add3A_2187, %broadcast_in_dim3A_2181 : vector<16xi1>, vector<16xi32>
        %broadcast_in_dim3A_2189 = vector.shape_cast %select_n3A_2188 : vector<16xi32> to vector<16x1xi32>
        %gather3A_2190 = vector.shape_cast %broadcast_in_dim3A_2189 : vector<16x1xi32> to vector<16xi32>
        %gather3A_2191 = tpu.dynamic_gather %get3A_880[%gather3A_2190] in [0] : vector<16xf32>, vector<16xi32> -> vector<16xf32>
        %broadcast_in_dim3A_2192 = arith.constant 13 : i32
        %broadcast_in_dim3A_2193 = vector.broadcast %broadcast_in_dim3A_2192 : i32 to vector<16xi32>
        %lt3A_2194 = arith.constant 0 : i32
        %lt3A_2195 = vector.broadcast %lt3A_2194 : i32 to vector<16xi32>
        %lt3A_2196 = arith.cmpi slt, %broadcast_in_dim3A_2193, %lt3A_2195 : vector<16xi32>
        %add3A_2197 = arith.constant 16 : i32
        %add3A_2198 = vector.broadcast %add3A_2197 : i32 to vector<16xi32>
        %add3A_2199 = arith.addi %broadcast_in_dim3A_2193, %add3A_2198 : vector<16xi32>
        %select_n3A_2200 = arith.select %lt3A_2196, %add3A_2199, %broadcast_in_dim3A_2193 : vector<16xi1>, vector<16xi32>
        %broadcast_in_dim3A_2201 = vector.shape_cast %select_n3A_2200 : vector<16xi32> to vector<16x1xi32>
        %gather3A_2202 = vector.shape_cast %broadcast_in_dim3A_2201 : vector<16x1xi32> to vector<16xi32>
        %gather3A_2203 = tpu.dynamic_gather %get3A_883[%gather3A_2202] in [0] : vector<16xf32>, vector<16xi32> -> vector<16xf32>
        %sub3A_2204 = arith.subf %gather3A_2191, %gather3A_2167 : vector<16xf32>
        %sub3A_2205 = arith.subf %gather3A_2203, %gather3A_2179 : vector<16xf32>
        %mul3A_2206 = arith.mulf %sub3A_2204, %sub3A_2205 : vector<16xf32>
        %broadcast_in_dim3A_2207 = arith.constant 13 : i32
        %broadcast_in_dim3A_2208 = vector.broadcast %broadcast_in_dim3A_2207 : i32 to vector<16xi32>
        %lt3A_2209 = arith.constant 0 : i32
        %lt3A_2210 = vector.broadcast %lt3A_2209 : i32 to vector<16xi32>
        %lt3A_2211 = arith.cmpi slt, %broadcast_in_dim3A_2208, %lt3A_2210 : vector<16xi32>
        %add3A_2212 = arith.constant 16 : i32
        %add3A_2213 = vector.broadcast %add3A_2212 : i32 to vector<16xi32>
        %add3A_2214 = arith.addi %broadcast_in_dim3A_2208, %add3A_2213 : vector<16xi32>
        %select_n3A_2215 = arith.select %lt3A_2211, %add3A_2214, %broadcast_in_dim3A_2208 : vector<16xi1>, vector<16xi32>
        %broadcast_in_dim3A_2216 = vector.shape_cast %select_n3A_2215 : vector<16xi32> to vector<16x1xi32>
        %gather3A_2217 = vector.shape_cast %broadcast_in_dim3A_2216 : vector<16x1xi32> to vector<16xi32>
        %gather3A_2218 = tpu.dynamic_gather %select_n3A_2155[%gather3A_2217] in [0] : vector<16xf32>, vector<16xi32> -> vector<16xf32>
        %min3A_2219 = arith.minimumf %gather3A_2191, %get3A_880 : vector<16xf32>
        %max3A_2220 = arith.maximumf %gather3A_2167, %get3A_874 : vector<16xf32>
        %sub3A_2221 = arith.subf %min3A_2219, %max3A_2220 : vector<16xf32>
        %max3A_2222 = arith.constant 0.000000e+00 : f32
        %max3A_2223 = vector.broadcast %max3A_2222 : f32 to vector<16xf32>
        %max3A_2224 = arith.maximumf %sub3A_2221, %max3A_2223 : vector<16xf32>
        %min3A_2225 = arith.minimumf %gather3A_2203, %get3A_883 : vector<16xf32>
        %max3A_2226 = arith.maximumf %gather3A_2179, %get3A_877 : vector<16xf32>
        %sub3A_2227 = arith.subf %min3A_2225, %max3A_2226 : vector<16xf32>
        %max3A_2228 = arith.constant 0.000000e+00 : f32
        %max3A_2229 = vector.broadcast %max3A_2228 : f32 to vector<16xf32>
        %max3A_2230 = arith.maximumf %sub3A_2227, %max3A_2229 : vector<16xf32>
        %mul3A_2231 = arith.mulf %max3A_2224, %max3A_2230 : vector<16xf32>
        %add3A_2232 = arith.addf %mul3A_2206, %mul3A_886 : vector<16xf32>
        %sub3A_2233 = arith.subf %add3A_2232, %mul3A_2231 : vector<16xf32>
        %add3A_2234 = arith.constant 9.99999971E-10 : f32
        %add3A_2235 = vector.broadcast %add3A_2234 : f32 to vector<16xf32>
        %add3A_2236 = arith.addf %sub3A_2233, %add3A_2235 : vector<16xf32>
        %div3A_2237 = arith.divf %mul3A_2231, %add3A_2236 : vector<16xf32>
        %gt3A_2238 = arith.constant 0.000000e+00 : f32
        %gt3A_2239 = vector.broadcast %gt3A_2238 : f32 to vector<16xf32>
        %gt3A_2240 = arith.cmpf ogt, %gather3A_2218, %gt3A_2239 : vector<16xf32>
        %jit3A_2241 = arith.constant 3.000000e-01 : f32
        %jit3A_2242 = arith.constant 2.000000e+30 : f32
        %broadcast_in_dim3A_2243 = vector.broadcast %jit3A_2241 : f32 to vector<16xf32>
        %broadcast_in_dim3A_2244 = vector.broadcast %jit3A_2242 : f32 to vector<16xf32>
        %select_n3A_2245 = arith.select %gt3A_2240, %broadcast_in_dim3A_2243, %broadcast_in_dim3A_2244 : vector<16xi1>, vector<16xf32>
        %gt3A_2246 = arith.cmpf ogt, %div3A_2237, %select_n3A_2245 : vector<16xf32>
        %gt3A_2247 = arith.constant 13 : i32
        %gt3A_2248 = vector.broadcast %gt3A_2247 : i32 to vector<16xi32>
        %gt3A_2249 = arith.cmpi sgt, %iota3A, %gt3A_2248 : vector<16xi32>
        %and3A_2250 = arith.andi %gt3A_2246, %gt3A_2249 : vector<16xi1>
        %jit3A_2251 = arith.constant 0.000000e+00 : f32
        %broadcast_in_dim3A_2252 = vector.broadcast %jit3A_2251 : f32 to vector<16xf32>
        %select_n3A_2253 = arith.select %and3A_2250, %broadcast_in_dim3A_2252, %select_n3A_2155 : vector<16xi1>, vector<16xf32>
        %broadcast_in_dim3A_2254 = arith.constant 14 : i32
        %broadcast_in_dim3A_2255 = vector.broadcast %broadcast_in_dim3A_2254 : i32 to vector<16xi32>
        %lt3A_2256 = arith.constant 0 : i32
        %lt3A_2257 = vector.broadcast %lt3A_2256 : i32 to vector<16xi32>
        %lt3A_2258 = arith.cmpi slt, %broadcast_in_dim3A_2255, %lt3A_2257 : vector<16xi32>
        %add3A_2259 = arith.constant 16 : i32
        %add3A_2260 = vector.broadcast %add3A_2259 : i32 to vector<16xi32>
        %add3A_2261 = arith.addi %broadcast_in_dim3A_2255, %add3A_2260 : vector<16xi32>
        %select_n3A_2262 = arith.select %lt3A_2258, %add3A_2261, %broadcast_in_dim3A_2255 : vector<16xi1>, vector<16xi32>
        %broadcast_in_dim3A_2263 = vector.shape_cast %select_n3A_2262 : vector<16xi32> to vector<16x1xi32>
        %gather3A_2264 = vector.shape_cast %broadcast_in_dim3A_2263 : vector<16x1xi32> to vector<16xi32>
        %gather3A_2265 = tpu.dynamic_gather %get3A_874[%gather3A_2264] in [0] : vector<16xf32>, vector<16xi32> -> vector<16xf32>
        %broadcast_in_dim3A_2266 = arith.constant 14 : i32
        %broadcast_in_dim3A_2267 = vector.broadcast %broadcast_in_dim3A_2266 : i32 to vector<16xi32>
        %lt3A_2268 = arith.constant 0 : i32
        %lt3A_2269 = vector.broadcast %lt3A_2268 : i32 to vector<16xi32>
        %lt3A_2270 = arith.cmpi slt, %broadcast_in_dim3A_2267, %lt3A_2269 : vector<16xi32>
        %add3A_2271 = arith.constant 16 : i32
        %add3A_2272 = vector.broadcast %add3A_2271 : i32 to vector<16xi32>
        %add3A_2273 = arith.addi %broadcast_in_dim3A_2267, %add3A_2272 : vector<16xi32>
        %select_n3A_2274 = arith.select %lt3A_2270, %add3A_2273, %broadcast_in_dim3A_2267 : vector<16xi1>, vector<16xi32>
        %broadcast_in_dim3A_2275 = vector.shape_cast %select_n3A_2274 : vector<16xi32> to vector<16x1xi32>
        %gather3A_2276 = vector.shape_cast %broadcast_in_dim3A_2275 : vector<16x1xi32> to vector<16xi32>
        %gather3A_2277 = tpu.dynamic_gather %get3A_877[%gather3A_2276] in [0] : vector<16xf32>, vector<16xi32> -> vector<16xf32>
        %broadcast_in_dim3A_2278 = arith.constant 14 : i32
        %broadcast_in_dim3A_2279 = vector.broadcast %broadcast_in_dim3A_2278 : i32 to vector<16xi32>
        %lt3A_2280 = arith.constant 0 : i32
        %lt3A_2281 = vector.broadcast %lt3A_2280 : i32 to vector<16xi32>
        %lt3A_2282 = arith.cmpi slt, %broadcast_in_dim3A_2279, %lt3A_2281 : vector<16xi32>
        %add3A_2283 = arith.constant 16 : i32
        %add3A_2284 = vector.broadcast %add3A_2283 : i32 to vector<16xi32>
        %add3A_2285 = arith.addi %broadcast_in_dim3A_2279, %add3A_2284 : vector<16xi32>
        %select_n3A_2286 = arith.select %lt3A_2282, %add3A_2285, %broadcast_in_dim3A_2279 : vector<16xi1>, vector<16xi32>
        %broadcast_in_dim3A_2287 = vector.shape_cast %select_n3A_2286 : vector<16xi32> to vector<16x1xi32>
        %gather3A_2288 = vector.shape_cast %broadcast_in_dim3A_2287 : vector<16x1xi32> to vector<16xi32>
        %gather3A_2289 = tpu.dynamic_gather %get3A_880[%gather3A_2288] in [0] : vector<16xf32>, vector<16xi32> -> vector<16xf32>
        %broadcast_in_dim3A_2290 = arith.constant 14 : i32
        %broadcast_in_dim3A_2291 = vector.broadcast %broadcast_in_dim3A_2290 : i32 to vector<16xi32>
        %lt3A_2292 = arith.constant 0 : i32
        %lt3A_2293 = vector.broadcast %lt3A_2292 : i32 to vector<16xi32>
        %lt3A_2294 = arith.cmpi slt, %broadcast_in_dim3A_2291, %lt3A_2293 : vector<16xi32>
        %add3A_2295 = arith.constant 16 : i32
        %add3A_2296 = vector.broadcast %add3A_2295 : i32 to vector<16xi32>
        %add3A_2297 = arith.addi %broadcast_in_dim3A_2291, %add3A_2296 : vector<16xi32>
        %select_n3A_2298 = arith.select %lt3A_2294, %add3A_2297, %broadcast_in_dim3A_2291 : vector<16xi1>, vector<16xi32>
        %broadcast_in_dim3A_2299 = vector.shape_cast %select_n3A_2298 : vector<16xi32> to vector<16x1xi32>
        %gather3A_2300 = vector.shape_cast %broadcast_in_dim3A_2299 : vector<16x1xi32> to vector<16xi32>
        %gather3A_2301 = tpu.dynamic_gather %get3A_883[%gather3A_2300] in [0] : vector<16xf32>, vector<16xi32> -> vector<16xf32>
        %sub3A_2302 = arith.subf %gather3A_2289, %gather3A_2265 : vector<16xf32>
        %sub3A_2303 = arith.subf %gather3A_2301, %gather3A_2277 : vector<16xf32>
        %mul3A_2304 = arith.mulf %sub3A_2302, %sub3A_2303 : vector<16xf32>
        %broadcast_in_dim3A_2305 = arith.constant 14 : i32
        %broadcast_in_dim3A_2306 = vector.broadcast %broadcast_in_dim3A_2305 : i32 to vector<16xi32>
        %lt3A_2307 = arith.constant 0 : i32
        %lt3A_2308 = vector.broadcast %lt3A_2307 : i32 to vector<16xi32>
        %lt3A_2309 = arith.cmpi slt, %broadcast_in_dim3A_2306, %lt3A_2308 : vector<16xi32>
        %add3A_2310 = arith.constant 16 : i32
        %add3A_2311 = vector.broadcast %add3A_2310 : i32 to vector<16xi32>
        %add3A_2312 = arith.addi %broadcast_in_dim3A_2306, %add3A_2311 : vector<16xi32>
        %select_n3A_2313 = arith.select %lt3A_2309, %add3A_2312, %broadcast_in_dim3A_2306 : vector<16xi1>, vector<16xi32>
        %broadcast_in_dim3A_2314 = vector.shape_cast %select_n3A_2313 : vector<16xi32> to vector<16x1xi32>
        %gather3A_2315 = vector.shape_cast %broadcast_in_dim3A_2314 : vector<16x1xi32> to vector<16xi32>
        %gather3A_2316 = tpu.dynamic_gather %select_n3A_2253[%gather3A_2315] in [0] : vector<16xf32>, vector<16xi32> -> vector<16xf32>
        %min3A_2317 = arith.minimumf %gather3A_2289, %get3A_880 : vector<16xf32>
        %max3A_2318 = arith.maximumf %gather3A_2265, %get3A_874 : vector<16xf32>
        %sub3A_2319 = arith.subf %min3A_2317, %max3A_2318 : vector<16xf32>
        %max3A_2320 = arith.constant 0.000000e+00 : f32
        %max3A_2321 = vector.broadcast %max3A_2320 : f32 to vector<16xf32>
        %max3A_2322 = arith.maximumf %sub3A_2319, %max3A_2321 : vector<16xf32>
        %min3A_2323 = arith.minimumf %gather3A_2301, %get3A_883 : vector<16xf32>
        %max3A_2324 = arith.maximumf %gather3A_2277, %get3A_877 : vector<16xf32>
        %sub3A_2325 = arith.subf %min3A_2323, %max3A_2324 : vector<16xf32>
        %max3A_2326 = arith.constant 0.000000e+00 : f32
        %max3A_2327 = vector.broadcast %max3A_2326 : f32 to vector<16xf32>
        %max3A_2328 = arith.maximumf %sub3A_2325, %max3A_2327 : vector<16xf32>
        %mul3A_2329 = arith.mulf %max3A_2322, %max3A_2328 : vector<16xf32>
        %add3A_2330 = arith.addf %mul3A_2304, %mul3A_886 : vector<16xf32>
        %sub3A_2331 = arith.subf %add3A_2330, %mul3A_2329 : vector<16xf32>
        %add3A_2332 = arith.constant 9.99999971E-10 : f32
        %add3A_2333 = vector.broadcast %add3A_2332 : f32 to vector<16xf32>
        %add3A_2334 = arith.addf %sub3A_2331, %add3A_2333 : vector<16xf32>
        %div3A_2335 = arith.divf %mul3A_2329, %add3A_2334 : vector<16xf32>
        %gt3A_2336 = arith.constant 0.000000e+00 : f32
        %gt3A_2337 = vector.broadcast %gt3A_2336 : f32 to vector<16xf32>
        %gt3A_2338 = arith.cmpf ogt, %gather3A_2316, %gt3A_2337 : vector<16xf32>
        %jit3A_2339 = arith.constant 3.000000e-01 : f32
        %jit3A_2340 = arith.constant 2.000000e+30 : f32
        %broadcast_in_dim3A_2341 = vector.broadcast %jit3A_2339 : f32 to vector<16xf32>
        %broadcast_in_dim3A_2342 = vector.broadcast %jit3A_2340 : f32 to vector<16xf32>
        %select_n3A_2343 = arith.select %gt3A_2338, %broadcast_in_dim3A_2341, %broadcast_in_dim3A_2342 : vector<16xi1>, vector<16xf32>
        %gt3A_2344 = arith.cmpf ogt, %div3A_2335, %select_n3A_2343 : vector<16xf32>
        %gt3A_2345 = arith.constant 14 : i32
        %gt3A_2346 = vector.broadcast %gt3A_2345 : i32 to vector<16xi32>
        %gt3A_2347 = arith.cmpi sgt, %iota3A, %gt3A_2346 : vector<16xi32>
        %and3A_2348 = arith.andi %gt3A_2344, %gt3A_2347 : vector<16xi1>
        %jit3A_2349 = arith.constant 0.000000e+00 : f32
        %broadcast_in_dim3A_2350 = vector.broadcast %jit3A_2349 : f32 to vector<16xf32>
        %select_n3A_2351 = arith.select %and3A_2348, %broadcast_in_dim3A_2350, %select_n3A_2253 : vector<16xi1>, vector<16xf32>
        %broadcast_in_dim3A_2352 = arith.constant 15 : i32
        %broadcast_in_dim3A_2353 = vector.broadcast %broadcast_in_dim3A_2352 : i32 to vector<16xi32>
        %lt3A_2354 = arith.constant 0 : i32
        %lt3A_2355 = vector.broadcast %lt3A_2354 : i32 to vector<16xi32>
        %lt3A_2356 = arith.cmpi slt, %broadcast_in_dim3A_2353, %lt3A_2355 : vector<16xi32>
        %add3A_2357 = arith.constant 16 : i32
        %add3A_2358 = vector.broadcast %add3A_2357 : i32 to vector<16xi32>
        %add3A_2359 = arith.addi %broadcast_in_dim3A_2353, %add3A_2358 : vector<16xi32>
        %select_n3A_2360 = arith.select %lt3A_2356, %add3A_2359, %broadcast_in_dim3A_2353 : vector<16xi1>, vector<16xi32>
        %broadcast_in_dim3A_2361 = vector.shape_cast %select_n3A_2360 : vector<16xi32> to vector<16x1xi32>
        %gather3A_2362 = vector.shape_cast %broadcast_in_dim3A_2361 : vector<16x1xi32> to vector<16xi32>
        %gather3A_2363 = tpu.dynamic_gather %get3A_874[%gather3A_2362] in [0] : vector<16xf32>, vector<16xi32> -> vector<16xf32>
        %broadcast_in_dim3A_2364 = arith.constant 15 : i32
        %broadcast_in_dim3A_2365 = vector.broadcast %broadcast_in_dim3A_2364 : i32 to vector<16xi32>
        %lt3A_2366 = arith.constant 0 : i32
        %lt3A_2367 = vector.broadcast %lt3A_2366 : i32 to vector<16xi32>
        %lt3A_2368 = arith.cmpi slt, %broadcast_in_dim3A_2365, %lt3A_2367 : vector<16xi32>
        %add3A_2369 = arith.constant 16 : i32
        %add3A_2370 = vector.broadcast %add3A_2369 : i32 to vector<16xi32>
        %add3A_2371 = arith.addi %broadcast_in_dim3A_2365, %add3A_2370 : vector<16xi32>
        %select_n3A_2372 = arith.select %lt3A_2368, %add3A_2371, %broadcast_in_dim3A_2365 : vector<16xi1>, vector<16xi32>
        %broadcast_in_dim3A_2373 = vector.shape_cast %select_n3A_2372 : vector<16xi32> to vector<16x1xi32>
        %gather3A_2374 = vector.shape_cast %broadcast_in_dim3A_2373 : vector<16x1xi32> to vector<16xi32>
        %gather3A_2375 = tpu.dynamic_gather %get3A_877[%gather3A_2374] in [0] : vector<16xf32>, vector<16xi32> -> vector<16xf32>
        %broadcast_in_dim3A_2376 = arith.constant 15 : i32
        %broadcast_in_dim3A_2377 = vector.broadcast %broadcast_in_dim3A_2376 : i32 to vector<16xi32>
        %lt3A_2378 = arith.constant 0 : i32
        %lt3A_2379 = vector.broadcast %lt3A_2378 : i32 to vector<16xi32>
        %lt3A_2380 = arith.cmpi slt, %broadcast_in_dim3A_2377, %lt3A_2379 : vector<16xi32>
        %add3A_2381 = arith.constant 16 : i32
        %add3A_2382 = vector.broadcast %add3A_2381 : i32 to vector<16xi32>
        %add3A_2383 = arith.addi %broadcast_in_dim3A_2377, %add3A_2382 : vector<16xi32>
        %select_n3A_2384 = arith.select %lt3A_2380, %add3A_2383, %broadcast_in_dim3A_2377 : vector<16xi1>, vector<16xi32>
        %broadcast_in_dim3A_2385 = vector.shape_cast %select_n3A_2384 : vector<16xi32> to vector<16x1xi32>
        %gather3A_2386 = vector.shape_cast %broadcast_in_dim3A_2385 : vector<16x1xi32> to vector<16xi32>
        %gather3A_2387 = tpu.dynamic_gather %get3A_880[%gather3A_2386] in [0] : vector<16xf32>, vector<16xi32> -> vector<16xf32>
        %broadcast_in_dim3A_2388 = arith.constant 15 : i32
        %broadcast_in_dim3A_2389 = vector.broadcast %broadcast_in_dim3A_2388 : i32 to vector<16xi32>
        %lt3A_2390 = arith.constant 0 : i32
        %lt3A_2391 = vector.broadcast %lt3A_2390 : i32 to vector<16xi32>
        %lt3A_2392 = arith.cmpi slt, %broadcast_in_dim3A_2389, %lt3A_2391 : vector<16xi32>
        %add3A_2393 = arith.constant 16 : i32
        %add3A_2394 = vector.broadcast %add3A_2393 : i32 to vector<16xi32>
        %add3A_2395 = arith.addi %broadcast_in_dim3A_2389, %add3A_2394 : vector<16xi32>
        %select_n3A_2396 = arith.select %lt3A_2392, %add3A_2395, %broadcast_in_dim3A_2389 : vector<16xi1>, vector<16xi32>
        %broadcast_in_dim3A_2397 = vector.shape_cast %select_n3A_2396 : vector<16xi32> to vector<16x1xi32>
        %gather3A_2398 = vector.shape_cast %broadcast_in_dim3A_2397 : vector<16x1xi32> to vector<16xi32>
        %gather3A_2399 = tpu.dynamic_gather %get3A_883[%gather3A_2398] in [0] : vector<16xf32>, vector<16xi32> -> vector<16xf32>
        %sub3A_2400 = arith.subf %gather3A_2387, %gather3A_2363 : vector<16xf32>
        %sub3A_2401 = arith.subf %gather3A_2399, %gather3A_2375 : vector<16xf32>
        %mul3A_2402 = arith.mulf %sub3A_2400, %sub3A_2401 : vector<16xf32>
        %broadcast_in_dim3A_2403 = arith.constant 15 : i32
        %broadcast_in_dim3A_2404 = vector.broadcast %broadcast_in_dim3A_2403 : i32 to vector<16xi32>
        %lt3A_2405 = arith.constant 0 : i32
        %lt3A_2406 = vector.broadcast %lt3A_2405 : i32 to vector<16xi32>
        %lt3A_2407 = arith.cmpi slt, %broadcast_in_dim3A_2404, %lt3A_2406 : vector<16xi32>
        %add3A_2408 = arith.constant 16 : i32
        %add3A_2409 = vector.broadcast %add3A_2408 : i32 to vector<16xi32>
        %add3A_2410 = arith.addi %broadcast_in_dim3A_2404, %add3A_2409 : vector<16xi32>
        %select_n3A_2411 = arith.select %lt3A_2407, %add3A_2410, %broadcast_in_dim3A_2404 : vector<16xi1>, vector<16xi32>
        %broadcast_in_dim3A_2412 = vector.shape_cast %select_n3A_2411 : vector<16xi32> to vector<16x1xi32>
        %gather3A_2413 = vector.shape_cast %broadcast_in_dim3A_2412 : vector<16x1xi32> to vector<16xi32>
        %gather3A_2414 = tpu.dynamic_gather %select_n3A_2351[%gather3A_2413] in [0] : vector<16xf32>, vector<16xi32> -> vector<16xf32>
        %min3A_2415 = arith.minimumf %gather3A_2387, %get3A_880 : vector<16xf32>
        %max3A_2416 = arith.maximumf %gather3A_2363, %get3A_874 : vector<16xf32>
        %sub3A_2417 = arith.subf %min3A_2415, %max3A_2416 : vector<16xf32>
        %max3A_2418 = arith.constant 0.000000e+00 : f32
        %max3A_2419 = vector.broadcast %max3A_2418 : f32 to vector<16xf32>
        %max3A_2420 = arith.maximumf %sub3A_2417, %max3A_2419 : vector<16xf32>
        %min3A_2421 = arith.minimumf %gather3A_2399, %get3A_883 : vector<16xf32>
        %max3A_2422 = arith.maximumf %gather3A_2375, %get3A_877 : vector<16xf32>
        %sub3A_2423 = arith.subf %min3A_2421, %max3A_2422 : vector<16xf32>
        %max3A_2424 = arith.constant 0.000000e+00 : f32
        %max3A_2425 = vector.broadcast %max3A_2424 : f32 to vector<16xf32>
        %max3A_2426 = arith.maximumf %sub3A_2423, %max3A_2425 : vector<16xf32>
        %mul3A_2427 = arith.mulf %max3A_2420, %max3A_2426 : vector<16xf32>
        %add3A_2428 = arith.addf %mul3A_2402, %mul3A_886 : vector<16xf32>
        %sub3A_2429 = arith.subf %add3A_2428, %mul3A_2427 : vector<16xf32>
        %add3A_2430 = arith.constant 9.99999971E-10 : f32
        %add3A_2431 = vector.broadcast %add3A_2430 : f32 to vector<16xf32>
        %add3A_2432 = arith.addf %sub3A_2429, %add3A_2431 : vector<16xf32>
        %div3A_2433 = arith.divf %mul3A_2427, %add3A_2432 : vector<16xf32>
        %gt3A_2434 = arith.constant 0.000000e+00 : f32
        %gt3A_2435 = vector.broadcast %gt3A_2434 : f32 to vector<16xf32>
        %gt3A_2436 = arith.cmpf ogt, %gather3A_2414, %gt3A_2435 : vector<16xf32>
        %jit3A_2437 = arith.constant 3.000000e-01 : f32
        %jit3A_2438 = arith.constant 2.000000e+30 : f32
        %broadcast_in_dim3A_2439 = vector.broadcast %jit3A_2437 : f32 to vector<16xf32>
        %broadcast_in_dim3A_2440 = vector.broadcast %jit3A_2438 : f32 to vector<16xf32>
        %select_n3A_2441 = arith.select %gt3A_2436, %broadcast_in_dim3A_2439, %broadcast_in_dim3A_2440 : vector<16xi1>, vector<16xf32>
        %gt3A_2442 = arith.cmpf ogt, %div3A_2433, %select_n3A_2441 : vector<16xf32>
        %gt3A_2443 = arith.constant 15 : i32
        %gt3A_2444 = vector.broadcast %gt3A_2443 : i32 to vector<16xi32>
        %gt3A_2445 = arith.cmpi sgt, %iota3A, %gt3A_2444 : vector<16xi32>
        %and3A_2446 = arith.andi %gt3A_2442, %gt3A_2445 : vector<16xi1>
        %jit3A_2447 = arith.constant 0.000000e+00 : f32
        %broadcast_in_dim3A_2448 = vector.broadcast %jit3A_2447 : f32 to vector<16xf32>
        %select_n3A_2449 = arith.select %and3A_2446, %broadcast_in_dim3A_2448, %select_n3A_2351 : vector<16xi1>, vector<16xf32>
        %swap3A = arith.index_cast %mul3A_23 : i32 to index
        %swap3A_2450 = tpu.vector_load %arg13[%swap3A] {strides = array<i32>} : memref<5120xf32, #tpu.memory_space<vmem>>, vector<16xf32>,
        %swap3A_2451 = vector.shape_cast %swap3A_2450 : vector<16xf32> to vector<16xf32>
        %swap3A_2452 = vector.shape_cast %select_n3A_2449 : vector<16xf32> to vector<16xf32>
        tpu.vector_store %arg13[%swap3A], %swap3A_2452 {strides = array<i32>} : memref<5120xf32, #tpu.memory_space<vmem>>, vector<16xf32>,
        "tpu.region"() ({
          %run_scoped3A = tpu.sem_alloc : memref<!tpu.dma_semaphore, #tpu.memory_space<semaphore_mem>>
          %dma_start3A = tpu.memref_slice %arg13[%mul3A_23] : memref<5120xf32, #tpu.memory_space<vmem>> -> memref<16xf32, #tpu.memory_space<vmem>>
          %dma_start3A_2453 = tpu.memref_slice %arg16[%mul3A_23] : memref<5120xf32, #tpu.memory_space<vmem_shared>> -> memref<16xf32, #tpu.memory_space<vmem_shared>>
          %dma_start3A_2454 = tpu.memref_slice %arg16[%mul3A_23] : memref<5120xf32, #tpu.memory_space<vmem_shared>> -> memref<16xf32, #tpu.memory_space<vmem_shared>>
          %dma_start3A_2455 = tpu.memref_slice %arg13[%mul3A_23] : memref<5120xf32, #tpu.memory_space<vmem>> -> memref<16xf32, #tpu.memory_space<vmem>>
          tpu.enqueue_dma source(%dma_start3A_2455 : memref<16xf32, #tpu.memory_space<vmem>>) target(%dma_start3A_2454 : memref<16xf32, #tpu.memory_space<vmem_shared>>) target_semaphore(%run_scoped3A : memref<!tpu.dma_semaphore, #tpu.memory_space<semaphore_mem>>)
          %dma_wait3A = tpu.memref_slice %arg13[%mul3A_23] : memref<5120xf32, #tpu.memory_space<vmem>> -> memref<16xf32, #tpu.memory_space<vmem>>
          %dma_wait3A_2456 = tpu.memref_slice %arg16[%mul3A_23] : memref<5120xf32, #tpu.memory_space<vmem_shared>> -> memref<16xf32, #tpu.memory_space<vmem_shared>>
          %dma_wait3A_2457 = tpu.memref_slice %arg16[%mul3A_23] : memref<5120xf32, #tpu.memory_space<vmem_shared>> -> memref<16xf32, #tpu.memory_space<vmem_shared>>
          %dma_wait3A_2458 = tpu.memref_slice %arg13[%mul3A_23] : memref<5120xf32, #tpu.memory_space<vmem>> -> memref<16xf32, #tpu.memory_space<vmem>>
          tpu.wait_dma2 semaphore(%run_scoped3A : memref<!tpu.dma_semaphore, #tpu.memory_space<semaphore_mem>>) src(%dma_wait3A_2458 : memref<16xf32, #tpu.memory_space<vmem>>) dst(%dma_wait3A_2457 : memref<16xf32, #tpu.memory_space<vmem_shared>>)
          tpu.yield
        }) : () -> ()
      } else {
      }
      %barrier3A = arith.constant 0 : index
      tpu.barrier barrier_id(%barrier3A)
      "tpu.region"() ({
        %run_scoped3A = tpu.sem_alloc : memref<!tpu.dma_semaphore, #tpu.memory_space<semaphore_mem>>
        %dma_start3A = tpu.memref_slice %arg16[%mul3A_23] : memref<5120xf32, #tpu.memory_space<vmem_shared>> -> memref<16xf32, #tpu.memory_space<vmem_shared>>
        %dma_start3A_869 = tpu.memref_slice %arg16[%mul3A_23] : memref<5120xf32, #tpu.memory_space<vmem_shared>> -> memref<16xf32, #tpu.memory_space<vmem_shared>>
        tpu.enqueue_dma source(%dma_start3A_869 : memref<16xf32, #tpu.memory_space<vmem_shared>>) target(%arg14 : memref<16xf32, #tpu.memory_space<vmem>>) target_semaphore(%run_scoped3A : memref<!tpu.dma_semaphore, #tpu.memory_space<semaphore_mem>>)
        %dma_wait3A = tpu.memref_slice %arg16[%mul3A_23] : memref<5120xf32, #tpu.memory_space<vmem_shared>> -> memref<16xf32, #tpu.memory_space<vmem_shared>>
        %dma_wait3A_870 = tpu.memref_slice %arg16[%mul3A_23] : memref<5120xf32, #tpu.memory_space<vmem_shared>> -> memref<16xf32, #tpu.memory_space<vmem_shared>>
        tpu.wait_dma2 semaphore(%run_scoped3A : memref<!tpu.dma_semaphore, #tpu.memory_space<semaphore_mem>>) src(%dma_wait3A_870 : memref<16xf32, #tpu.memory_space<vmem_shared>>) dst(%arg14 : memref<16xf32, #tpu.memory_space<vmem>>)
        tpu.yield
      }) : () -> ()
      %get3A = arith.constant 0 : index
      %get3A_25 = tpu.vector_load %arg14[%get3A] {strides = array<i32>} : memref<16xf32, #tpu.memory_space<vmem>>, vector<16xf32>,
      %get3A_26 = vector.shape_cast %get3A_25 : vector<16xf32> to vector<16xf32>
      %get3A_27 = arith.index_cast %mul3A_23 : i32 to index
      %get3A_28 = tpu.vector_load %arg8[%get3A_27] {strides = array<i32>} : memref<5120xf32, #tpu.memory_space<vmem>>, vector<16xf32>,
      %get3A_29 = vector.shape_cast %get3A_28 : vector<16xf32> to vector<16xf32>
      %mul3A_30 = arith.mulf %get3A_29, %get3A_26 : vector<16xf32>
      %get3A_31 = arith.index_cast %mul3A_23 : i32 to index
      %get3A_32 = tpu.vector_load %arg9[%get3A_31] {strides = array<i32>} : memref<5120xf32, #tpu.memory_space<vmem>>, vector<16xf32>,
      %get3A_33 = vector.shape_cast %get3A_32 : vector<16xf32> to vector<16xf32>
      %mul3A_34 = arith.mulf %get3A_33, %get3A_26 : vector<16xf32>
      %get3A_35 = arith.index_cast %mul3A_23 : i32 to index
      %get3A_36 = tpu.vector_load %arg10[%get3A_35] {strides = array<i32>} : memref<5120xf32, #tpu.memory_space<vmem>>, vector<16xf32>,
      %get3A_37 = vector.shape_cast %get3A_36 : vector<16xf32> to vector<16xf32>
      %mul3A_38 = arith.mulf %get3A_37, %get3A_26 : vector<16xf32>
      %get3A_39 = arith.index_cast %mul3A_23 : i32 to index
      %get3A_40 = tpu.vector_load %arg11[%get3A_39] {strides = array<i32>} : memref<5120xf32, #tpu.memory_space<vmem>>, vector<16xf32>,
      %get3A_41 = vector.shape_cast %get3A_40 : vector<16xf32> to vector<16xf32>
      %mul3A_42 = arith.mulf %get3A_41, %get3A_26 : vector<16xf32>
      %broadcast_in_dim3A = arith.constant 0 : i32
      %broadcast_in_dim3A_43 = vector.broadcast %broadcast_in_dim3A : i32 to vector<16xi32>
      %lt3A = arith.constant 0 : i32
      %lt3A_44 = vector.broadcast %lt3A : i32 to vector<16xi32>
      %lt3A_45 = arith.cmpi slt, %broadcast_in_dim3A_43, %lt3A_44 : vector<16xi32>
      %add3A = arith.constant 16 : i32
      %add3A_46 = vector.broadcast %add3A : i32 to vector<16xi32>
      %add3A_47 = arith.addi %broadcast_in_dim3A_43, %add3A_46 : vector<16xi32>
      %select_n3A = arith.select %lt3A_45, %add3A_47, %broadcast_in_dim3A_43 : vector<16xi1>, vector<16xi32>
      %broadcast_in_dim3A_48 = vector.shape_cast %select_n3A : vector<16xi32> to vector<16x1xi32>
      %gather3A = vector.shape_cast %broadcast_in_dim3A_48 : vector<16x1xi32> to vector<16xi32>
      %gather3A_49 = tpu.dynamic_gather %mul3A_30[%gather3A] in [0] : vector<16xf32>, vector<16xi32> -> vector<16xf32>
      %broadcast_in_dim3A_50 = arith.constant 0 : i32
      %broadcast_in_dim3A_51 = vector.broadcast %broadcast_in_dim3A_50 : i32 to vector<16xi32>
      %lt3A_52 = arith.constant 0 : i32
      %lt3A_53 = vector.broadcast %lt3A_52 : i32 to vector<16xi32>
      %lt3A_54 = arith.cmpi slt, %broadcast_in_dim3A_51, %lt3A_53 : vector<16xi32>
      %add3A_55 = arith.constant 16 : i32
      %add3A_56 = vector.broadcast %add3A_55 : i32 to vector<16xi32>
      %add3A_57 = arith.addi %broadcast_in_dim3A_51, %add3A_56 : vector<16xi32>
      %select_n3A_58 = arith.select %lt3A_54, %add3A_57, %broadcast_in_dim3A_51 : vector<16xi1>, vector<16xi32>
      %broadcast_in_dim3A_59 = vector.shape_cast %select_n3A_58 : vector<16xi32> to vector<16x1xi32>
      %gather3A_60 = vector.shape_cast %broadcast_in_dim3A_59 : vector<16x1xi32> to vector<16xi32>
      %gather3A_61 = tpu.dynamic_gather %mul3A_34[%gather3A_60] in [0] : vector<16xf32>, vector<16xi32> -> vector<16xf32>
      %broadcast_in_dim3A_62 = arith.constant 0 : i32
      %broadcast_in_dim3A_63 = vector.broadcast %broadcast_in_dim3A_62 : i32 to vector<16xi32>
      %lt3A_64 = arith.constant 0 : i32
      %lt3A_65 = vector.broadcast %lt3A_64 : i32 to vector<16xi32>
      %lt3A_66 = arith.cmpi slt, %broadcast_in_dim3A_63, %lt3A_65 : vector<16xi32>
      %add3A_67 = arith.constant 16 : i32
      %add3A_68 = vector.broadcast %add3A_67 : i32 to vector<16xi32>
      %add3A_69 = arith.addi %broadcast_in_dim3A_63, %add3A_68 : vector<16xi32>
      %select_n3A_70 = arith.select %lt3A_66, %add3A_69, %broadcast_in_dim3A_63 : vector<16xi1>, vector<16xi32>
      %broadcast_in_dim3A_71 = vector.shape_cast %select_n3A_70 : vector<16xi32> to vector<16x1xi32>
      %gather3A_72 = vector.shape_cast %broadcast_in_dim3A_71 : vector<16x1xi32> to vector<16xi32>
      %gather3A_73 = tpu.dynamic_gather %mul3A_38[%gather3A_72] in [0] : vector<16xf32>, vector<16xi32> -> vector<16xf32>
      %broadcast_in_dim3A_74 = arith.constant 0 : i32
      %broadcast_in_dim3A_75 = vector.broadcast %broadcast_in_dim3A_74 : i32 to vector<16xi32>
      %lt3A_76 = arith.constant 0 : i32
      %lt3A_77 = vector.broadcast %lt3A_76 : i32 to vector<16xi32>
      %lt3A_78 = arith.cmpi slt, %broadcast_in_dim3A_75, %lt3A_77 : vector<16xi32>
      %add3A_79 = arith.constant 16 : i32
      %add3A_80 = vector.broadcast %add3A_79 : i32 to vector<16xi32>
      %add3A_81 = arith.addi %broadcast_in_dim3A_75, %add3A_80 : vector<16xi32>
      %select_n3A_82 = arith.select %lt3A_78, %add3A_81, %broadcast_in_dim3A_75 : vector<16xi1>, vector<16xi32>
      %broadcast_in_dim3A_83 = vector.shape_cast %select_n3A_82 : vector<16xi32> to vector<16x1xi32>
      %gather3A_84 = vector.shape_cast %broadcast_in_dim3A_83 : vector<16x1xi32> to vector<16xi32>
      %gather3A_85 = tpu.dynamic_gather %mul3A_42[%gather3A_84] in [0] : vector<16xf32>, vector<16xi32> -> vector<16xf32>
      %broadcast_in_dim3A_86 = arith.constant 1 : i32
      %broadcast_in_dim3A_87 = vector.broadcast %broadcast_in_dim3A_86 : i32 to vector<16xi32>
      %lt3A_88 = arith.constant 0 : i32
      %lt3A_89 = vector.broadcast %lt3A_88 : i32 to vector<16xi32>
      %lt3A_90 = arith.cmpi slt, %broadcast_in_dim3A_87, %lt3A_89 : vector<16xi32>
      %add3A_91 = arith.constant 16 : i32
      %add3A_92 = vector.broadcast %add3A_91 : i32 to vector<16xi32>
      %add3A_93 = arith.addi %broadcast_in_dim3A_87, %add3A_92 : vector<16xi32>
      %select_n3A_94 = arith.select %lt3A_90, %add3A_93, %broadcast_in_dim3A_87 : vector<16xi1>, vector<16xi32>
      %broadcast_in_dim3A_95 = vector.shape_cast %select_n3A_94 : vector<16xi32> to vector<16x1xi32>
      %gather3A_96 = vector.shape_cast %broadcast_in_dim3A_95 : vector<16x1xi32> to vector<16xi32>
      %gather3A_97 = tpu.dynamic_gather %mul3A_30[%gather3A_96] in [0] : vector<16xf32>, vector<16xi32> -> vector<16xf32>
      %broadcast_in_dim3A_98 = arith.constant 1 : i32
      %broadcast_in_dim3A_99 = vector.broadcast %broadcast_in_dim3A_98 : i32 to vector<16xi32>
      %lt3A_100 = arith.constant 0 : i32
      %lt3A_101 = vector.broadcast %lt3A_100 : i32 to vector<16xi32>
      %lt3A_102 = arith.cmpi slt, %broadcast_in_dim3A_99, %lt3A_101 : vector<16xi32>
      %add3A_103 = arith.constant 16 : i32
      %add3A_104 = vector.broadcast %add3A_103 : i32 to vector<16xi32>
      %add3A_105 = arith.addi %broadcast_in_dim3A_99, %add3A_104 : vector<16xi32>
      %select_n3A_106 = arith.select %lt3A_102, %add3A_105, %broadcast_in_dim3A_99 : vector<16xi1>, vector<16xi32>
      %broadcast_in_dim3A_107 = vector.shape_cast %select_n3A_106 : vector<16xi32> to vector<16x1xi32>
      %gather3A_108 = vector.shape_cast %broadcast_in_dim3A_107 : vector<16x1xi32> to vector<16xi32>
      %gather3A_109 = tpu.dynamic_gather %mul3A_34[%gather3A_108] in [0] : vector<16xf32>, vector<16xi32> -> vector<16xf32>
      %broadcast_in_dim3A_110 = arith.constant 1 : i32
      %broadcast_in_dim3A_111 = vector.broadcast %broadcast_in_dim3A_110 : i32 to vector<16xi32>
      %lt3A_112 = arith.constant 0 : i32
      %lt3A_113 = vector.broadcast %lt3A_112 : i32 to vector<16xi32>
      %lt3A_114 = arith.cmpi slt, %broadcast_in_dim3A_111, %lt3A_113 : vector<16xi32>
      %add3A_115 = arith.constant 16 : i32
      %add3A_116 = vector.broadcast %add3A_115 : i32 to vector<16xi32>
      %add3A_117 = arith.addi %broadcast_in_dim3A_111, %add3A_116 : vector<16xi32>
      %select_n3A_118 = arith.select %lt3A_114, %add3A_117, %broadcast_in_dim3A_111 : vector<16xi1>, vector<16xi32>
      %broadcast_in_dim3A_119 = vector.shape_cast %select_n3A_118 : vector<16xi32> to vector<16x1xi32>
      %gather3A_120 = vector.shape_cast %broadcast_in_dim3A_119 : vector<16x1xi32> to vector<16xi32>
      %gather3A_121 = tpu.dynamic_gather %mul3A_38[%gather3A_120] in [0] : vector<16xf32>, vector<16xi32> -> vector<16xf32>
      %broadcast_in_dim3A_122 = arith.constant 1 : i32
      %broadcast_in_dim3A_123 = vector.broadcast %broadcast_in_dim3A_122 : i32 to vector<16xi32>
      %lt3A_124 = arith.constant 0 : i32
      %lt3A_125 = vector.broadcast %lt3A_124 : i32 to vector<16xi32>
      %lt3A_126 = arith.cmpi slt, %broadcast_in_dim3A_123, %lt3A_125 : vector<16xi32>
      %add3A_127 = arith.constant 16 : i32
      %add3A_128 = vector.broadcast %add3A_127 : i32 to vector<16xi32>
      %add3A_129 = arith.addi %broadcast_in_dim3A_123, %add3A_128 : vector<16xi32>
      %select_n3A_130 = arith.select %lt3A_126, %add3A_129, %broadcast_in_dim3A_123 : vector<16xi1>, vector<16xi32>
      %broadcast_in_dim3A_131 = vector.shape_cast %select_n3A_130 : vector<16xi32> to vector<16x1xi32>
      %gather3A_132 = vector.shape_cast %broadcast_in_dim3A_131 : vector<16x1xi32> to vector<16xi32>
      %gather3A_133 = tpu.dynamic_gather %mul3A_42[%gather3A_132] in [0] : vector<16xf32>, vector<16xi32> -> vector<16xf32>
      %broadcast_in_dim3A_134 = arith.constant 2 : i32
      %broadcast_in_dim3A_135 = vector.broadcast %broadcast_in_dim3A_134 : i32 to vector<16xi32>
      %lt3A_136 = arith.constant 0 : i32
      %lt3A_137 = vector.broadcast %lt3A_136 : i32 to vector<16xi32>
      %lt3A_138 = arith.cmpi slt, %broadcast_in_dim3A_135, %lt3A_137 : vector<16xi32>
      %add3A_139 = arith.constant 16 : i32
      %add3A_140 = vector.broadcast %add3A_139 : i32 to vector<16xi32>
      %add3A_141 = arith.addi %broadcast_in_dim3A_135, %add3A_140 : vector<16xi32>
      %select_n3A_142 = arith.select %lt3A_138, %add3A_141, %broadcast_in_dim3A_135 : vector<16xi1>, vector<16xi32>
      %broadcast_in_dim3A_143 = vector.shape_cast %select_n3A_142 : vector<16xi32> to vector<16x1xi32>
      %gather3A_144 = vector.shape_cast %broadcast_in_dim3A_143 : vector<16x1xi32> to vector<16xi32>
      %gather3A_145 = tpu.dynamic_gather %mul3A_30[%gather3A_144] in [0] : vector<16xf32>, vector<16xi32> -> vector<16xf32>
      %broadcast_in_dim3A_146 = arith.constant 2 : i32
      %broadcast_in_dim3A_147 = vector.broadcast %broadcast_in_dim3A_146 : i32 to vector<16xi32>
      %lt3A_148 = arith.constant 0 : i32
      %lt3A_149 = vector.broadcast %lt3A_148 : i32 to vector<16xi32>
      %lt3A_150 = arith.cmpi slt, %broadcast_in_dim3A_147, %lt3A_149 : vector<16xi32>
      %add3A_151 = arith.constant 16 : i32
      %add3A_152 = vector.broadcast %add3A_151 : i32 to vector<16xi32>
      %add3A_153 = arith.addi %broadcast_in_dim3A_147, %add3A_152 : vector<16xi32>
      %select_n3A_154 = arith.select %lt3A_150, %add3A_153, %broadcast_in_dim3A_147 : vector<16xi1>, vector<16xi32>
      %broadcast_in_dim3A_155 = vector.shape_cast %select_n3A_154 : vector<16xi32> to vector<16x1xi32>
      %gather3A_156 = vector.shape_cast %broadcast_in_dim3A_155 : vector<16x1xi32> to vector<16xi32>
      %gather3A_157 = tpu.dynamic_gather %mul3A_34[%gather3A_156] in [0] : vector<16xf32>, vector<16xi32> -> vector<16xf32>
      %broadcast_in_dim3A_158 = arith.constant 2 : i32
      %broadcast_in_dim3A_159 = vector.broadcast %broadcast_in_dim3A_158 : i32 to vector<16xi32>
      %lt3A_160 = arith.constant 0 : i32
      %lt3A_161 = vector.broadcast %lt3A_160 : i32 to vector<16xi32>
      %lt3A_162 = arith.cmpi slt, %broadcast_in_dim3A_159, %lt3A_161 : vector<16xi32>
      %add3A_163 = arith.constant 16 : i32
      %add3A_164 = vector.broadcast %add3A_163 : i32 to vector<16xi32>
      %add3A_165 = arith.addi %broadcast_in_dim3A_159, %add3A_164 : vector<16xi32>
      %select_n3A_166 = arith.select %lt3A_162, %add3A_165, %broadcast_in_dim3A_159 : vector<16xi1>, vector<16xi32>
      %broadcast_in_dim3A_167 = vector.shape_cast %select_n3A_166 : vector<16xi32> to vector<16x1xi32>
      %gather3A_168 = vector.shape_cast %broadcast_in_dim3A_167 : vector<16x1xi32> to vector<16xi32>
      %gather3A_169 = tpu.dynamic_gather %mul3A_38[%gather3A_168] in [0] : vector<16xf32>, vector<16xi32> -> vector<16xf32>
      %broadcast_in_dim3A_170 = arith.constant 2 : i32
      %broadcast_in_dim3A_171 = vector.broadcast %broadcast_in_dim3A_170 : i32 to vector<16xi32>
      %lt3A_172 = arith.constant 0 : i32
      %lt3A_173 = vector.broadcast %lt3A_172 : i32 to vector<16xi32>
      %lt3A_174 = arith.cmpi slt, %broadcast_in_dim3A_171, %lt3A_173 : vector<16xi32>
      %add3A_175 = arith.constant 16 : i32
      %add3A_176 = vector.broadcast %add3A_175 : i32 to vector<16xi32>
      %add3A_177 = arith.addi %broadcast_in_dim3A_171, %add3A_176 : vector<16xi32>
      %select_n3A_178 = arith.select %lt3A_174, %add3A_177, %broadcast_in_dim3A_171 : vector<16xi1>, vector<16xi32>
      %broadcast_in_dim3A_179 = vector.shape_cast %select_n3A_178 : vector<16xi32> to vector<16x1xi32>
      %gather3A_180 = vector.shape_cast %broadcast_in_dim3A_179 : vector<16x1xi32> to vector<16xi32>
      %gather3A_181 = tpu.dynamic_gather %mul3A_42[%gather3A_180] in [0] : vector<16xf32>, vector<16xi32> -> vector<16xf32>
      %broadcast_in_dim3A_182 = arith.constant 3 : i32
      %broadcast_in_dim3A_183 = vector.broadcast %broadcast_in_dim3A_182 : i32 to vector<16xi32>
      %lt3A_184 = arith.constant 0 : i32
      %lt3A_185 = vector.broadcast %lt3A_184 : i32 to vector<16xi32>
      %lt3A_186 = arith.cmpi slt, %broadcast_in_dim3A_183, %lt3A_185 : vector<16xi32>
      %add3A_187 = arith.constant 16 : i32
      %add3A_188 = vector.broadcast %add3A_187 : i32 to vector<16xi32>
      %add3A_189 = arith.addi %broadcast_in_dim3A_183, %add3A_188 : vector<16xi32>
      %select_n3A_190 = arith.select %lt3A_186, %add3A_189, %broadcast_in_dim3A_183 : vector<16xi1>, vector<16xi32>
      %broadcast_in_dim3A_191 = vector.shape_cast %select_n3A_190 : vector<16xi32> to vector<16x1xi32>
      %gather3A_192 = vector.shape_cast %broadcast_in_dim3A_191 : vector<16x1xi32> to vector<16xi32>
      %gather3A_193 = tpu.dynamic_gather %mul3A_30[%gather3A_192] in [0] : vector<16xf32>, vector<16xi32> -> vector<16xf32>
      %broadcast_in_dim3A_194 = arith.constant 3 : i32
      %broadcast_in_dim3A_195 = vector.broadcast %broadcast_in_dim3A_194 : i32 to vector<16xi32>
      %lt3A_196 = arith.constant 0 : i32
      %lt3A_197 = vector.broadcast %lt3A_196 : i32 to vector<16xi32>
      %lt3A_198 = arith.cmpi slt, %broadcast_in_dim3A_195, %lt3A_197 : vector<16xi32>
      %add3A_199 = arith.constant 16 : i32
      %add3A_200 = vector.broadcast %add3A_199 : i32 to vector<16xi32>
      %add3A_201 = arith.addi %broadcast_in_dim3A_195, %add3A_200 : vector<16xi32>
      %select_n3A_202 = arith.select %lt3A_198, %add3A_201, %broadcast_in_dim3A_195 : vector<16xi1>, vector<16xi32>
      %broadcast_in_dim3A_203 = vector.shape_cast %select_n3A_202 : vector<16xi32> to vector<16x1xi32>
      %gather3A_204 = vector.shape_cast %broadcast_in_dim3A_203 : vector<16x1xi32> to vector<16xi32>
      %gather3A_205 = tpu.dynamic_gather %mul3A_34[%gather3A_204] in [0] : vector<16xf32>, vector<16xi32> -> vector<16xf32>
      %broadcast_in_dim3A_206 = arith.constant 3 : i32
      %broadcast_in_dim3A_207 = vector.broadcast %broadcast_in_dim3A_206 : i32 to vector<16xi32>
      %lt3A_208 = arith.constant 0 : i32
      %lt3A_209 = vector.broadcast %lt3A_208 : i32 to vector<16xi32>
      %lt3A_210 = arith.cmpi slt, %broadcast_in_dim3A_207, %lt3A_209 : vector<16xi32>
      %add3A_211 = arith.constant 16 : i32
      %add3A_212 = vector.broadcast %add3A_211 : i32 to vector<16xi32>
      %add3A_213 = arith.addi %broadcast_in_dim3A_207, %add3A_212 : vector<16xi32>
      %select_n3A_214 = arith.select %lt3A_210, %add3A_213, %broadcast_in_dim3A_207 : vector<16xi1>, vector<16xi32>
      %broadcast_in_dim3A_215 = vector.shape_cast %select_n3A_214 : vector<16xi32> to vector<16x1xi32>
      %gather3A_216 = vector.shape_cast %broadcast_in_dim3A_215 : vector<16x1xi32> to vector<16xi32>
      %gather3A_217 = tpu.dynamic_gather %mul3A_38[%gather3A_216] in [0] : vector<16xf32>, vector<16xi32> -> vector<16xf32>
      %broadcast_in_dim3A_218 = arith.constant 3 : i32
      %broadcast_in_dim3A_219 = vector.broadcast %broadcast_in_dim3A_218 : i32 to vector<16xi32>
      %lt3A_220 = arith.constant 0 : i32
      %lt3A_221 = vector.broadcast %lt3A_220 : i32 to vector<16xi32>
      %lt3A_222 = arith.cmpi slt, %broadcast_in_dim3A_219, %lt3A_221 : vector<16xi32>
      %add3A_223 = arith.constant 16 : i32
      %add3A_224 = vector.broadcast %add3A_223 : i32 to vector<16xi32>
      %add3A_225 = arith.addi %broadcast_in_dim3A_219, %add3A_224 : vector<16xi32>
      %select_n3A_226 = arith.select %lt3A_222, %add3A_225, %broadcast_in_dim3A_219 : vector<16xi1>, vector<16xi32>
      %broadcast_in_dim3A_227 = vector.shape_cast %select_n3A_226 : vector<16xi32> to vector<16x1xi32>
      %gather3A_228 = vector.shape_cast %broadcast_in_dim3A_227 : vector<16x1xi32> to vector<16xi32>
      %gather3A_229 = tpu.dynamic_gather %mul3A_42[%gather3A_228] in [0] : vector<16xf32>, vector<16xi32> -> vector<16xf32>
      %broadcast_in_dim3A_230 = arith.constant 4 : i32
      %broadcast_in_dim3A_231 = vector.broadcast %broadcast_in_dim3A_230 : i32 to vector<16xi32>
      %lt3A_232 = arith.constant 0 : i32
      %lt3A_233 = vector.broadcast %lt3A_232 : i32 to vector<16xi32>
      %lt3A_234 = arith.cmpi slt, %broadcast_in_dim3A_231, %lt3A_233 : vector<16xi32>
      %add3A_235 = arith.constant 16 : i32
      %add3A_236 = vector.broadcast %add3A_235 : i32 to vector<16xi32>
      %add3A_237 = arith.addi %broadcast_in_dim3A_231, %add3A_236 : vector<16xi32>
      %select_n3A_238 = arith.select %lt3A_234, %add3A_237, %broadcast_in_dim3A_231 : vector<16xi1>, vector<16xi32>
      %broadcast_in_dim3A_239 = vector.shape_cast %select_n3A_238 : vector<16xi32> to vector<16x1xi32>
      %gather3A_240 = vector.shape_cast %broadcast_in_dim3A_239 : vector<16x1xi32> to vector<16xi32>
      %gather3A_241 = tpu.dynamic_gather %mul3A_30[%gather3A_240] in [0] : vector<16xf32>, vector<16xi32> -> vector<16xf32>
      %broadcast_in_dim3A_242 = arith.constant 4 : i32
      %broadcast_in_dim3A_243 = vector.broadcast %broadcast_in_dim3A_242 : i32 to vector<16xi32>
      %lt3A_244 = arith.constant 0 : i32
      %lt3A_245 = vector.broadcast %lt3A_244 : i32 to vector<16xi32>
      %lt3A_246 = arith.cmpi slt, %broadcast_in_dim3A_243, %lt3A_245 : vector<16xi32>
      %add3A_247 = arith.constant 16 : i32
      %add3A_248 = vector.broadcast %add3A_247 : i32 to vector<16xi32>
      %add3A_249 = arith.addi %broadcast_in_dim3A_243, %add3A_248 : vector<16xi32>
      %select_n3A_250 = arith.select %lt3A_246, %add3A_249, %broadcast_in_dim3A_243 : vector<16xi1>, vector<16xi32>
      %broadcast_in_dim3A_251 = vector.shape_cast %select_n3A_250 : vector<16xi32> to vector<16x1xi32>
      %gather3A_252 = vector.shape_cast %broadcast_in_dim3A_251 : vector<16x1xi32> to vector<16xi32>
      %gather3A_253 = tpu.dynamic_gather %mul3A_34[%gather3A_252] in [0] : vector<16xf32>, vector<16xi32> -> vector<16xf32>
      %broadcast_in_dim3A_254 = arith.constant 4 : i32
      %broadcast_in_dim3A_255 = vector.broadcast %broadcast_in_dim3A_254 : i32 to vector<16xi32>
      %lt3A_256 = arith.constant 0 : i32
      %lt3A_257 = vector.broadcast %lt3A_256 : i32 to vector<16xi32>
      %lt3A_258 = arith.cmpi slt, %broadcast_in_dim3A_255, %lt3A_257 : vector<16xi32>
      %add3A_259 = arith.constant 16 : i32
      %add3A_260 = vector.broadcast %add3A_259 : i32 to vector<16xi32>
      %add3A_261 = arith.addi %broadcast_in_dim3A_255, %add3A_260 : vector<16xi32>
      %select_n3A_262 = arith.select %lt3A_258, %add3A_261, %broadcast_in_dim3A_255 : vector<16xi1>, vector<16xi32>
      %broadcast_in_dim3A_263 = vector.shape_cast %select_n3A_262 : vector<16xi32> to vector<16x1xi32>
      %gather3A_264 = vector.shape_cast %broadcast_in_dim3A_263 : vector<16x1xi32> to vector<16xi32>
      %gather3A_265 = tpu.dynamic_gather %mul3A_38[%gather3A_264] in [0] : vector<16xf32>, vector<16xi32> -> vector<16xf32>
      %broadcast_in_dim3A_266 = arith.constant 4 : i32
      %broadcast_in_dim3A_267 = vector.broadcast %broadcast_in_dim3A_266 : i32 to vector<16xi32>
      %lt3A_268 = arith.constant 0 : i32
      %lt3A_269 = vector.broadcast %lt3A_268 : i32 to vector<16xi32>
      %lt3A_270 = arith.cmpi slt, %broadcast_in_dim3A_267, %lt3A_269 : vector<16xi32>
      %add3A_271 = arith.constant 16 : i32
      %add3A_272 = vector.broadcast %add3A_271 : i32 to vector<16xi32>
      %add3A_273 = arith.addi %broadcast_in_dim3A_267, %add3A_272 : vector<16xi32>
      %select_n3A_274 = arith.select %lt3A_270, %add3A_273, %broadcast_in_dim3A_267 : vector<16xi1>, vector<16xi32>
      %broadcast_in_dim3A_275 = vector.shape_cast %select_n3A_274 : vector<16xi32> to vector<16x1xi32>
      %gather3A_276 = vector.shape_cast %broadcast_in_dim3A_275 : vector<16x1xi32> to vector<16xi32>
      %gather3A_277 = tpu.dynamic_gather %mul3A_42[%gather3A_276] in [0] : vector<16xf32>, vector<16xi32> -> vector<16xf32>
      %broadcast_in_dim3A_278 = arith.constant 5 : i32
      %broadcast_in_dim3A_279 = vector.broadcast %broadcast_in_dim3A_278 : i32 to vector<16xi32>
      %lt3A_280 = arith.constant 0 : i32
      %lt3A_281 = vector.broadcast %lt3A_280 : i32 to vector<16xi32>
      %lt3A_282 = arith.cmpi slt, %broadcast_in_dim3A_279, %lt3A_281 : vector<16xi32>
      %add3A_283 = arith.constant 16 : i32
      %add3A_284 = vector.broadcast %add3A_283 : i32 to vector<16xi32>
      %add3A_285 = arith.addi %broadcast_in_dim3A_279, %add3A_284 : vector<16xi32>
      %select_n3A_286 = arith.select %lt3A_282, %add3A_285, %broadcast_in_dim3A_279 : vector<16xi1>, vector<16xi32>
      %broadcast_in_dim3A_287 = vector.shape_cast %select_n3A_286 : vector<16xi32> to vector<16x1xi32>
      %gather3A_288 = vector.shape_cast %broadcast_in_dim3A_287 : vector<16x1xi32> to vector<16xi32>
      %gather3A_289 = tpu.dynamic_gather %mul3A_30[%gather3A_288] in [0] : vector<16xf32>, vector<16xi32> -> vector<16xf32>
      %broadcast_in_dim3A_290 = arith.constant 5 : i32
      %broadcast_in_dim3A_291 = vector.broadcast %broadcast_in_dim3A_290 : i32 to vector<16xi32>
      %lt3A_292 = arith.constant 0 : i32
      %lt3A_293 = vector.broadcast %lt3A_292 : i32 to vector<16xi32>
      %lt3A_294 = arith.cmpi slt, %broadcast_in_dim3A_291, %lt3A_293 : vector<16xi32>
      %add3A_295 = arith.constant 16 : i32
      %add3A_296 = vector.broadcast %add3A_295 : i32 to vector<16xi32>
      %add3A_297 = arith.addi %broadcast_in_dim3A_291, %add3A_296 : vector<16xi32>
      %select_n3A_298 = arith.select %lt3A_294, %add3A_297, %broadcast_in_dim3A_291 : vector<16xi1>, vector<16xi32>
      %broadcast_in_dim3A_299 = vector.shape_cast %select_n3A_298 : vector<16xi32> to vector<16x1xi32>
      %gather3A_300 = vector.shape_cast %broadcast_in_dim3A_299 : vector<16x1xi32> to vector<16xi32>
      %gather3A_301 = tpu.dynamic_gather %mul3A_34[%gather3A_300] in [0] : vector<16xf32>, vector<16xi32> -> vector<16xf32>
      %broadcast_in_dim3A_302 = arith.constant 5 : i32
      %broadcast_in_dim3A_303 = vector.broadcast %broadcast_in_dim3A_302 : i32 to vector<16xi32>
      %lt3A_304 = arith.constant 0 : i32
      %lt3A_305 = vector.broadcast %lt3A_304 : i32 to vector<16xi32>
      %lt3A_306 = arith.cmpi slt, %broadcast_in_dim3A_303, %lt3A_305 : vector<16xi32>
      %add3A_307 = arith.constant 16 : i32
      %add3A_308 = vector.broadcast %add3A_307 : i32 to vector<16xi32>
      %add3A_309 = arith.addi %broadcast_in_dim3A_303, %add3A_308 : vector<16xi32>
      %select_n3A_310 = arith.select %lt3A_306, %add3A_309, %broadcast_in_dim3A_303 : vector<16xi1>, vector<16xi32>
      %broadcast_in_dim3A_311 = vector.shape_cast %select_n3A_310 : vector<16xi32> to vector<16x1xi32>
      %gather3A_312 = vector.shape_cast %broadcast_in_dim3A_311 : vector<16x1xi32> to vector<16xi32>
      %gather3A_313 = tpu.dynamic_gather %mul3A_38[%gather3A_312] in [0] : vector<16xf32>, vector<16xi32> -> vector<16xf32>
      %broadcast_in_dim3A_314 = arith.constant 5 : i32
      %broadcast_in_dim3A_315 = vector.broadcast %broadcast_in_dim3A_314 : i32 to vector<16xi32>
      %lt3A_316 = arith.constant 0 : i32
      %lt3A_317 = vector.broadcast %lt3A_316 : i32 to vector<16xi32>
      %lt3A_318 = arith.cmpi slt, %broadcast_in_dim3A_315, %lt3A_317 : vector<16xi32>
      %add3A_319 = arith.constant 16 : i32
      %add3A_320 = vector.broadcast %add3A_319 : i32 to vector<16xi32>
      %add3A_321 = arith.addi %broadcast_in_dim3A_315, %add3A_320 : vector<16xi32>
      %select_n3A_322 = arith.select %lt3A_318, %add3A_321, %broadcast_in_dim3A_315 : vector<16xi1>, vector<16xi32>
      %broadcast_in_dim3A_323 = vector.shape_cast %select_n3A_322 : vector<16xi32> to vector<16x1xi32>
      %gather3A_324 = vector.shape_cast %broadcast_in_dim3A_323 : vector<16x1xi32> to vector<16xi32>
      %gather3A_325 = tpu.dynamic_gather %mul3A_42[%gather3A_324] in [0] : vector<16xf32>, vector<16xi32> -> vector<16xf32>
      %broadcast_in_dim3A_326 = arith.constant 6 : i32
      %broadcast_in_dim3A_327 = vector.broadcast %broadcast_in_dim3A_326 : i32 to vector<16xi32>
      %lt3A_328 = arith.constant 0 : i32
      %lt3A_329 = vector.broadcast %lt3A_328 : i32 to vector<16xi32>
      %lt3A_330 = arith.cmpi slt, %broadcast_in_dim3A_327, %lt3A_329 : vector<16xi32>
      %add3A_331 = arith.constant 16 : i32
      %add3A_332 = vector.broadcast %add3A_331 : i32 to vector<16xi32>
      %add3A_333 = arith.addi %broadcast_in_dim3A_327, %add3A_332 : vector<16xi32>
      %select_n3A_334 = arith.select %lt3A_330, %add3A_333, %broadcast_in_dim3A_327 : vector<16xi1>, vector<16xi32>
      %broadcast_in_dim3A_335 = vector.shape_cast %select_n3A_334 : vector<16xi32> to vector<16x1xi32>
      %gather3A_336 = vector.shape_cast %broadcast_in_dim3A_335 : vector<16x1xi32> to vector<16xi32>
      %gather3A_337 = tpu.dynamic_gather %mul3A_30[%gather3A_336] in [0] : vector<16xf32>, vector<16xi32> -> vector<16xf32>
      %broadcast_in_dim3A_338 = arith.constant 6 : i32
      %broadcast_in_dim3A_339 = vector.broadcast %broadcast_in_dim3A_338 : i32 to vector<16xi32>
      %lt3A_340 = arith.constant 0 : i32
      %lt3A_341 = vector.broadcast %lt3A_340 : i32 to vector<16xi32>
      %lt3A_342 = arith.cmpi slt, %broadcast_in_dim3A_339, %lt3A_341 : vector<16xi32>
      %add3A_343 = arith.constant 16 : i32
      %add3A_344 = vector.broadcast %add3A_343 : i32 to vector<16xi32>
      %add3A_345 = arith.addi %broadcast_in_dim3A_339, %add3A_344 : vector<16xi32>
      %select_n3A_346 = arith.select %lt3A_342, %add3A_345, %broadcast_in_dim3A_339 : vector<16xi1>, vector<16xi32>
      %broadcast_in_dim3A_347 = vector.shape_cast %select_n3A_346 : vector<16xi32> to vector<16x1xi32>
      %gather3A_348 = vector.shape_cast %broadcast_in_dim3A_347 : vector<16x1xi32> to vector<16xi32>
      %gather3A_349 = tpu.dynamic_gather %mul3A_34[%gather3A_348] in [0] : vector<16xf32>, vector<16xi32> -> vector<16xf32>
      %broadcast_in_dim3A_350 = arith.constant 6 : i32
      %broadcast_in_dim3A_351 = vector.broadcast %broadcast_in_dim3A_350 : i32 to vector<16xi32>
      %lt3A_352 = arith.constant 0 : i32
      %lt3A_353 = vector.broadcast %lt3A_352 : i32 to vector<16xi32>
      %lt3A_354 = arith.cmpi slt, %broadcast_in_dim3A_351, %lt3A_353 : vector<16xi32>
      %add3A_355 = arith.constant 16 : i32
      %add3A_356 = vector.broadcast %add3A_355 : i32 to vector<16xi32>
      %add3A_357 = arith.addi %broadcast_in_dim3A_351, %add3A_356 : vector<16xi32>
      %select_n3A_358 = arith.select %lt3A_354, %add3A_357, %broadcast_in_dim3A_351 : vector<16xi1>, vector<16xi32>
      %broadcast_in_dim3A_359 = vector.shape_cast %select_n3A_358 : vector<16xi32> to vector<16x1xi32>
      %gather3A_360 = vector.shape_cast %broadcast_in_dim3A_359 : vector<16x1xi32> to vector<16xi32>
      %gather3A_361 = tpu.dynamic_gather %mul3A_38[%gather3A_360] in [0] : vector<16xf32>, vector<16xi32> -> vector<16xf32>
      %broadcast_in_dim3A_362 = arith.constant 6 : i32
      %broadcast_in_dim3A_363 = vector.broadcast %broadcast_in_dim3A_362 : i32 to vector<16xi32>
      %lt3A_364 = arith.constant 0 : i32
      %lt3A_365 = vector.broadcast %lt3A_364 : i32 to vector<16xi32>
      %lt3A_366 = arith.cmpi slt, %broadcast_in_dim3A_363, %lt3A_365 : vector<16xi32>
      %add3A_367 = arith.constant 16 : i32
      %add3A_368 = vector.broadcast %add3A_367 : i32 to vector<16xi32>
      %add3A_369 = arith.addi %broadcast_in_dim3A_363, %add3A_368 : vector<16xi32>
      %select_n3A_370 = arith.select %lt3A_366, %add3A_369, %broadcast_in_dim3A_363 : vector<16xi1>, vector<16xi32>
      %broadcast_in_dim3A_371 = vector.shape_cast %select_n3A_370 : vector<16xi32> to vector<16x1xi32>
      %gather3A_372 = vector.shape_cast %broadcast_in_dim3A_371 : vector<16x1xi32> to vector<16xi32>
      %gather3A_373 = tpu.dynamic_gather %mul3A_42[%gather3A_372] in [0] : vector<16xf32>, vector<16xi32> -> vector<16xf32>
      %broadcast_in_dim3A_374 = arith.constant 7 : i32
      %broadcast_in_dim3A_375 = vector.broadcast %broadcast_in_dim3A_374 : i32 to vector<16xi32>
      %lt3A_376 = arith.constant 0 : i32
      %lt3A_377 = vector.broadcast %lt3A_376 : i32 to vector<16xi32>
      %lt3A_378 = arith.cmpi slt, %broadcast_in_dim3A_375, %lt3A_377 : vector<16xi32>
      %add3A_379 = arith.constant 16 : i32
      %add3A_380 = vector.broadcast %add3A_379 : i32 to vector<16xi32>
      %add3A_381 = arith.addi %broadcast_in_dim3A_375, %add3A_380 : vector<16xi32>
      %select_n3A_382 = arith.select %lt3A_378, %add3A_381, %broadcast_in_dim3A_375 : vector<16xi1>, vector<16xi32>
      %broadcast_in_dim3A_383 = vector.shape_cast %select_n3A_382 : vector<16xi32> to vector<16x1xi32>
      %gather3A_384 = vector.shape_cast %broadcast_in_dim3A_383 : vector<16x1xi32> to vector<16xi32>
      %gather3A_385 = tpu.dynamic_gather %mul3A_30[%gather3A_384] in [0] : vector<16xf32>, vector<16xi32> -> vector<16xf32>
      %broadcast_in_dim3A_386 = arith.constant 7 : i32
      %broadcast_in_dim3A_387 = vector.broadcast %broadcast_in_dim3A_386 : i32 to vector<16xi32>
      %lt3A_388 = arith.constant 0 : i32
      %lt3A_389 = vector.broadcast %lt3A_388 : i32 to vector<16xi32>
      %lt3A_390 = arith.cmpi slt, %broadcast_in_dim3A_387, %lt3A_389 : vector<16xi32>
      %add3A_391 = arith.constant 16 : i32
      %add3A_392 = vector.broadcast %add3A_391 : i32 to vector<16xi32>
      %add3A_393 = arith.addi %broadcast_in_dim3A_387, %add3A_392 : vector<16xi32>
      %select_n3A_394 = arith.select %lt3A_390, %add3A_393, %broadcast_in_dim3A_387 : vector<16xi1>, vector<16xi32>
      %broadcast_in_dim3A_395 = vector.shape_cast %select_n3A_394 : vector<16xi32> to vector<16x1xi32>
      %gather3A_396 = vector.shape_cast %broadcast_in_dim3A_395 : vector<16x1xi32> to vector<16xi32>
      %gather3A_397 = tpu.dynamic_gather %mul3A_34[%gather3A_396] in [0] : vector<16xf32>, vector<16xi32> -> vector<16xf32>
      %broadcast_in_dim3A_398 = arith.constant 7 : i32
      %broadcast_in_dim3A_399 = vector.broadcast %broadcast_in_dim3A_398 : i32 to vector<16xi32>
      %lt3A_400 = arith.constant 0 : i32
      %lt3A_401 = vector.broadcast %lt3A_400 : i32 to vector<16xi32>
      %lt3A_402 = arith.cmpi slt, %broadcast_in_dim3A_399, %lt3A_401 : vector<16xi32>
      %add3A_403 = arith.constant 16 : i32
      %add3A_404 = vector.broadcast %add3A_403 : i32 to vector<16xi32>
      %add3A_405 = arith.addi %broadcast_in_dim3A_399, %add3A_404 : vector<16xi32>
      %select_n3A_406 = arith.select %lt3A_402, %add3A_405, %broadcast_in_dim3A_399 : vector<16xi1>, vector<16xi32>
      %broadcast_in_dim3A_407 = vector.shape_cast %select_n3A_406 : vector<16xi32> to vector<16x1xi32>
      %gather3A_408 = vector.shape_cast %broadcast_in_dim3A_407 : vector<16x1xi32> to vector<16xi32>
      %gather3A_409 = tpu.dynamic_gather %mul3A_38[%gather3A_408] in [0] : vector<16xf32>, vector<16xi32> -> vector<16xf32>
      %broadcast_in_dim3A_410 = arith.constant 7 : i32
      %broadcast_in_dim3A_411 = vector.broadcast %broadcast_in_dim3A_410 : i32 to vector<16xi32>
      %lt3A_412 = arith.constant 0 : i32
      %lt3A_413 = vector.broadcast %lt3A_412 : i32 to vector<16xi32>
      %lt3A_414 = arith.cmpi slt, %broadcast_in_dim3A_411, %lt3A_413 : vector<16xi32>
      %add3A_415 = arith.constant 16 : i32
      %add3A_416 = vector.broadcast %add3A_415 : i32 to vector<16xi32>
      %add3A_417 = arith.addi %broadcast_in_dim3A_411, %add3A_416 : vector<16xi32>
      %select_n3A_418 = arith.select %lt3A_414, %add3A_417, %broadcast_in_dim3A_411 : vector<16xi1>, vector<16xi32>
      %broadcast_in_dim3A_419 = vector.shape_cast %select_n3A_418 : vector<16xi32> to vector<16x1xi32>
      %gather3A_420 = vector.shape_cast %broadcast_in_dim3A_419 : vector<16x1xi32> to vector<16xi32>
      %gather3A_421 = tpu.dynamic_gather %mul3A_42[%gather3A_420] in [0] : vector<16xf32>, vector<16xi32> -> vector<16xf32>
      %broadcast_in_dim3A_422 = arith.constant 8 : i32
      %broadcast_in_dim3A_423 = vector.broadcast %broadcast_in_dim3A_422 : i32 to vector<16xi32>
      %lt3A_424 = arith.constant 0 : i32
      %lt3A_425 = vector.broadcast %lt3A_424 : i32 to vector<16xi32>
      %lt3A_426 = arith.cmpi slt, %broadcast_in_dim3A_423, %lt3A_425 : vector<16xi32>
      %add3A_427 = arith.constant 16 : i32
      %add3A_428 = vector.broadcast %add3A_427 : i32 to vector<16xi32>
      %add3A_429 = arith.addi %broadcast_in_dim3A_423, %add3A_428 : vector<16xi32>
      %select_n3A_430 = arith.select %lt3A_426, %add3A_429, %broadcast_in_dim3A_423 : vector<16xi1>, vector<16xi32>
      %broadcast_in_dim3A_431 = vector.shape_cast %select_n3A_430 : vector<16xi32> to vector<16x1xi32>
      %gather3A_432 = vector.shape_cast %broadcast_in_dim3A_431 : vector<16x1xi32> to vector<16xi32>
      %gather3A_433 = tpu.dynamic_gather %mul3A_30[%gather3A_432] in [0] : vector<16xf32>, vector<16xi32> -> vector<16xf32>
      %broadcast_in_dim3A_434 = arith.constant 8 : i32
      %broadcast_in_dim3A_435 = vector.broadcast %broadcast_in_dim3A_434 : i32 to vector<16xi32>
      %lt3A_436 = arith.constant 0 : i32
      %lt3A_437 = vector.broadcast %lt3A_436 : i32 to vector<16xi32>
      %lt3A_438 = arith.cmpi slt, %broadcast_in_dim3A_435, %lt3A_437 : vector<16xi32>
      %add3A_439 = arith.constant 16 : i32
      %add3A_440 = vector.broadcast %add3A_439 : i32 to vector<16xi32>
      %add3A_441 = arith.addi %broadcast_in_dim3A_435, %add3A_440 : vector<16xi32>
      %select_n3A_442 = arith.select %lt3A_438, %add3A_441, %broadcast_in_dim3A_435 : vector<16xi1>, vector<16xi32>
      %broadcast_in_dim3A_443 = vector.shape_cast %select_n3A_442 : vector<16xi32> to vector<16x1xi32>
      %gather3A_444 = vector.shape_cast %broadcast_in_dim3A_443 : vector<16x1xi32> to vector<16xi32>
      %gather3A_445 = tpu.dynamic_gather %mul3A_34[%gather3A_444] in [0] : vector<16xf32>, vector<16xi32> -> vector<16xf32>
      %broadcast_in_dim3A_446 = arith.constant 8 : i32
      %broadcast_in_dim3A_447 = vector.broadcast %broadcast_in_dim3A_446 : i32 to vector<16xi32>
      %lt3A_448 = arith.constant 0 : i32
      %lt3A_449 = vector.broadcast %lt3A_448 : i32 to vector<16xi32>
      %lt3A_450 = arith.cmpi slt, %broadcast_in_dim3A_447, %lt3A_449 : vector<16xi32>
      %add3A_451 = arith.constant 16 : i32
      %add3A_452 = vector.broadcast %add3A_451 : i32 to vector<16xi32>
      %add3A_453 = arith.addi %broadcast_in_dim3A_447, %add3A_452 : vector<16xi32>
      %select_n3A_454 = arith.select %lt3A_450, %add3A_453, %broadcast_in_dim3A_447 : vector<16xi1>, vector<16xi32>
      %broadcast_in_dim3A_455 = vector.shape_cast %select_n3A_454 : vector<16xi32> to vector<16x1xi32>
      %gather3A_456 = vector.shape_cast %broadcast_in_dim3A_455 : vector<16x1xi32> to vector<16xi32>
      %gather3A_457 = tpu.dynamic_gather %mul3A_38[%gather3A_456] in [0] : vector<16xf32>, vector<16xi32> -> vector<16xf32>
      %broadcast_in_dim3A_458 = arith.constant 8 : i32
      %broadcast_in_dim3A_459 = vector.broadcast %broadcast_in_dim3A_458 : i32 to vector<16xi32>
      %lt3A_460 = arith.constant 0 : i32
      %lt3A_461 = vector.broadcast %lt3A_460 : i32 to vector<16xi32>
      %lt3A_462 = arith.cmpi slt, %broadcast_in_dim3A_459, %lt3A_461 : vector<16xi32>
      %add3A_463 = arith.constant 16 : i32
      %add3A_464 = vector.broadcast %add3A_463 : i32 to vector<16xi32>
      %add3A_465 = arith.addi %broadcast_in_dim3A_459, %add3A_464 : vector<16xi32>
      %select_n3A_466 = arith.select %lt3A_462, %add3A_465, %broadcast_in_dim3A_459 : vector<16xi1>, vector<16xi32>
      %broadcast_in_dim3A_467 = vector.shape_cast %select_n3A_466 : vector<16xi32> to vector<16x1xi32>
      %gather3A_468 = vector.shape_cast %broadcast_in_dim3A_467 : vector<16x1xi32> to vector<16xi32>
      %gather3A_469 = tpu.dynamic_gather %mul3A_42[%gather3A_468] in [0] : vector<16xf32>, vector<16xi32> -> vector<16xf32>
      %broadcast_in_dim3A_470 = arith.constant 9 : i32
      %broadcast_in_dim3A_471 = vector.broadcast %broadcast_in_dim3A_470 : i32 to vector<16xi32>
      %lt3A_472 = arith.constant 0 : i32
      %lt3A_473 = vector.broadcast %lt3A_472 : i32 to vector<16xi32>
      %lt3A_474 = arith.cmpi slt, %broadcast_in_dim3A_471, %lt3A_473 : vector<16xi32>
      %add3A_475 = arith.constant 16 : i32
      %add3A_476 = vector.broadcast %add3A_475 : i32 to vector<16xi32>
      %add3A_477 = arith.addi %broadcast_in_dim3A_471, %add3A_476 : vector<16xi32>
      %select_n3A_478 = arith.select %lt3A_474, %add3A_477, %broadcast_in_dim3A_471 : vector<16xi1>, vector<16xi32>
      %broadcast_in_dim3A_479 = vector.shape_cast %select_n3A_478 : vector<16xi32> to vector<16x1xi32>
      %gather3A_480 = vector.shape_cast %broadcast_in_dim3A_479 : vector<16x1xi32> to vector<16xi32>
      %gather3A_481 = tpu.dynamic_gather %mul3A_30[%gather3A_480] in [0] : vector<16xf32>, vector<16xi32> -> vector<16xf32>
      %broadcast_in_dim3A_482 = arith.constant 9 : i32
      %broadcast_in_dim3A_483 = vector.broadcast %broadcast_in_dim3A_482 : i32 to vector<16xi32>
      %lt3A_484 = arith.constant 0 : i32
      %lt3A_485 = vector.broadcast %lt3A_484 : i32 to vector<16xi32>
      %lt3A_486 = arith.cmpi slt, %broadcast_in_dim3A_483, %lt3A_485 : vector<16xi32>
      %add3A_487 = arith.constant 16 : i32
      %add3A_488 = vector.broadcast %add3A_487 : i32 to vector<16xi32>
      %add3A_489 = arith.addi %broadcast_in_dim3A_483, %add3A_488 : vector<16xi32>
      %select_n3A_490 = arith.select %lt3A_486, %add3A_489, %broadcast_in_dim3A_483 : vector<16xi1>, vector<16xi32>
      %broadcast_in_dim3A_491 = vector.shape_cast %select_n3A_490 : vector<16xi32> to vector<16x1xi32>
      %gather3A_492 = vector.shape_cast %broadcast_in_dim3A_491 : vector<16x1xi32> to vector<16xi32>
      %gather3A_493 = tpu.dynamic_gather %mul3A_34[%gather3A_492] in [0] : vector<16xf32>, vector<16xi32> -> vector<16xf32>
      %broadcast_in_dim3A_494 = arith.constant 9 : i32
      %broadcast_in_dim3A_495 = vector.broadcast %broadcast_in_dim3A_494 : i32 to vector<16xi32>
      %lt3A_496 = arith.constant 0 : i32
      %lt3A_497 = vector.broadcast %lt3A_496 : i32 to vector<16xi32>
      %lt3A_498 = arith.cmpi slt, %broadcast_in_dim3A_495, %lt3A_497 : vector<16xi32>
      %add3A_499 = arith.constant 16 : i32
      %add3A_500 = vector.broadcast %add3A_499 : i32 to vector<16xi32>
      %add3A_501 = arith.addi %broadcast_in_dim3A_495, %add3A_500 : vector<16xi32>
      %select_n3A_502 = arith.select %lt3A_498, %add3A_501, %broadcast_in_dim3A_495 : vector<16xi1>, vector<16xi32>
      %broadcast_in_dim3A_503 = vector.shape_cast %select_n3A_502 : vector<16xi32> to vector<16x1xi32>
      %gather3A_504 = vector.shape_cast %broadcast_in_dim3A_503 : vector<16x1xi32> to vector<16xi32>
      %gather3A_505 = tpu.dynamic_gather %mul3A_38[%gather3A_504] in [0] : vector<16xf32>, vector<16xi32> -> vector<16xf32>
      %broadcast_in_dim3A_506 = arith.constant 9 : i32
      %broadcast_in_dim3A_507 = vector.broadcast %broadcast_in_dim3A_506 : i32 to vector<16xi32>
      %lt3A_508 = arith.constant 0 : i32
      %lt3A_509 = vector.broadcast %lt3A_508 : i32 to vector<16xi32>
      %lt3A_510 = arith.cmpi slt, %broadcast_in_dim3A_507, %lt3A_509 : vector<16xi32>
      %add3A_511 = arith.constant 16 : i32
      %add3A_512 = vector.broadcast %add3A_511 : i32 to vector<16xi32>
      %add3A_513 = arith.addi %broadcast_in_dim3A_507, %add3A_512 : vector<16xi32>
      %select_n3A_514 = arith.select %lt3A_510, %add3A_513, %broadcast_in_dim3A_507 : vector<16xi1>, vector<16xi32>
      %broadcast_in_dim3A_515 = vector.shape_cast %select_n3A_514 : vector<16xi32> to vector<16x1xi32>
      %gather3A_516 = vector.shape_cast %broadcast_in_dim3A_515 : vector<16x1xi32> to vector<16xi32>
      %gather3A_517 = tpu.dynamic_gather %mul3A_42[%gather3A_516] in [0] : vector<16xf32>, vector<16xi32> -> vector<16xf32>
      %broadcast_in_dim3A_518 = arith.constant 10 : i32
      %broadcast_in_dim3A_519 = vector.broadcast %broadcast_in_dim3A_518 : i32 to vector<16xi32>
      %lt3A_520 = arith.constant 0 : i32
      %lt3A_521 = vector.broadcast %lt3A_520 : i32 to vector<16xi32>
      %lt3A_522 = arith.cmpi slt, %broadcast_in_dim3A_519, %lt3A_521 : vector<16xi32>
      %add3A_523 = arith.constant 16 : i32
      %add3A_524 = vector.broadcast %add3A_523 : i32 to vector<16xi32>
      %add3A_525 = arith.addi %broadcast_in_dim3A_519, %add3A_524 : vector<16xi32>
      %select_n3A_526 = arith.select %lt3A_522, %add3A_525, %broadcast_in_dim3A_519 : vector<16xi1>, vector<16xi32>
      %broadcast_in_dim3A_527 = vector.shape_cast %select_n3A_526 : vector<16xi32> to vector<16x1xi32>
      %gather3A_528 = vector.shape_cast %broadcast_in_dim3A_527 : vector<16x1xi32> to vector<16xi32>
      %gather3A_529 = tpu.dynamic_gather %mul3A_30[%gather3A_528] in [0] : vector<16xf32>, vector<16xi32> -> vector<16xf32>
      %broadcast_in_dim3A_530 = arith.constant 10 : i32
      %broadcast_in_dim3A_531 = vector.broadcast %broadcast_in_dim3A_530 : i32 to vector<16xi32>
      %lt3A_532 = arith.constant 0 : i32
      %lt3A_533 = vector.broadcast %lt3A_532 : i32 to vector<16xi32>
      %lt3A_534 = arith.cmpi slt, %broadcast_in_dim3A_531, %lt3A_533 : vector<16xi32>
      %add3A_535 = arith.constant 16 : i32
      %add3A_536 = vector.broadcast %add3A_535 : i32 to vector<16xi32>
      %add3A_537 = arith.addi %broadcast_in_dim3A_531, %add3A_536 : vector<16xi32>
      %select_n3A_538 = arith.select %lt3A_534, %add3A_537, %broadcast_in_dim3A_531 : vector<16xi1>, vector<16xi32>
      %broadcast_in_dim3A_539 = vector.shape_cast %select_n3A_538 : vector<16xi32> to vector<16x1xi32>
      %gather3A_540 = vector.shape_cast %broadcast_in_dim3A_539 : vector<16x1xi32> to vector<16xi32>
      %gather3A_541 = tpu.dynamic_gather %mul3A_34[%gather3A_540] in [0] : vector<16xf32>, vector<16xi32> -> vector<16xf32>
      %broadcast_in_dim3A_542 = arith.constant 10 : i32
      %broadcast_in_dim3A_543 = vector.broadcast %broadcast_in_dim3A_542 : i32 to vector<16xi32>
      %lt3A_544 = arith.constant 0 : i32
      %lt3A_545 = vector.broadcast %lt3A_544 : i32 to vector<16xi32>
      %lt3A_546 = arith.cmpi slt, %broadcast_in_dim3A_543, %lt3A_545 : vector<16xi32>
      %add3A_547 = arith.constant 16 : i32
      %add3A_548 = vector.broadcast %add3A_547 : i32 to vector<16xi32>
      %add3A_549 = arith.addi %broadcast_in_dim3A_543, %add3A_548 : vector<16xi32>
      %select_n3A_550 = arith.select %lt3A_546, %add3A_549, %broadcast_in_dim3A_543 : vector<16xi1>, vector<16xi32>
      %broadcast_in_dim3A_551 = vector.shape_cast %select_n3A_550 : vector<16xi32> to vector<16x1xi32>
      %gather3A_552 = vector.shape_cast %broadcast_in_dim3A_551 : vector<16x1xi32> to vector<16xi32>
      %gather3A_553 = tpu.dynamic_gather %mul3A_38[%gather3A_552] in [0] : vector<16xf32>, vector<16xi32> -> vector<16xf32>
      %broadcast_in_dim3A_554 = arith.constant 10 : i32
      %broadcast_in_dim3A_555 = vector.broadcast %broadcast_in_dim3A_554 : i32 to vector<16xi32>
      %lt3A_556 = arith.constant 0 : i32
      %lt3A_557 = vector.broadcast %lt3A_556 : i32 to vector<16xi32>
      %lt3A_558 = arith.cmpi slt, %broadcast_in_dim3A_555, %lt3A_557 : vector<16xi32>
      %add3A_559 = arith.constant 16 : i32
      %add3A_560 = vector.broadcast %add3A_559 : i32 to vector<16xi32>
      %add3A_561 = arith.addi %broadcast_in_dim3A_555, %add3A_560 : vector<16xi32>
      %select_n3A_562 = arith.select %lt3A_558, %add3A_561, %broadcast_in_dim3A_555 : vector<16xi1>, vector<16xi32>
      %broadcast_in_dim3A_563 = vector.shape_cast %select_n3A_562 : vector<16xi32> to vector<16x1xi32>
      %gather3A_564 = vector.shape_cast %broadcast_in_dim3A_563 : vector<16x1xi32> to vector<16xi32>
      %gather3A_565 = tpu.dynamic_gather %mul3A_42[%gather3A_564] in [0] : vector<16xf32>, vector<16xi32> -> vector<16xf32>
      %broadcast_in_dim3A_566 = arith.constant 11 : i32
      %broadcast_in_dim3A_567 = vector.broadcast %broadcast_in_dim3A_566 : i32 to vector<16xi32>
      %lt3A_568 = arith.constant 0 : i32
      %lt3A_569 = vector.broadcast %lt3A_568 : i32 to vector<16xi32>
      %lt3A_570 = arith.cmpi slt, %broadcast_in_dim3A_567, %lt3A_569 : vector<16xi32>
      %add3A_571 = arith.constant 16 : i32
      %add3A_572 = vector.broadcast %add3A_571 : i32 to vector<16xi32>
      %add3A_573 = arith.addi %broadcast_in_dim3A_567, %add3A_572 : vector<16xi32>
      %select_n3A_574 = arith.select %lt3A_570, %add3A_573, %broadcast_in_dim3A_567 : vector<16xi1>, vector<16xi32>
      %broadcast_in_dim3A_575 = vector.shape_cast %select_n3A_574 : vector<16xi32> to vector<16x1xi32>
      %gather3A_576 = vector.shape_cast %broadcast_in_dim3A_575 : vector<16x1xi32> to vector<16xi32>
      %gather3A_577 = tpu.dynamic_gather %mul3A_30[%gather3A_576] in [0] : vector<16xf32>, vector<16xi32> -> vector<16xf32>
      %broadcast_in_dim3A_578 = arith.constant 11 : i32
      %broadcast_in_dim3A_579 = vector.broadcast %broadcast_in_dim3A_578 : i32 to vector<16xi32>
      %lt3A_580 = arith.constant 0 : i32
      %lt3A_581 = vector.broadcast %lt3A_580 : i32 to vector<16xi32>
      %lt3A_582 = arith.cmpi slt, %broadcast_in_dim3A_579, %lt3A_581 : vector<16xi32>
      %add3A_583 = arith.constant 16 : i32
      %add3A_584 = vector.broadcast %add3A_583 : i32 to vector<16xi32>
      %add3A_585 = arith.addi %broadcast_in_dim3A_579, %add3A_584 : vector<16xi32>
      %select_n3A_586 = arith.select %lt3A_582, %add3A_585, %broadcast_in_dim3A_579 : vector<16xi1>, vector<16xi32>
      %broadcast_in_dim3A_587 = vector.shape_cast %select_n3A_586 : vector<16xi32> to vector<16x1xi32>
      %gather3A_588 = vector.shape_cast %broadcast_in_dim3A_587 : vector<16x1xi32> to vector<16xi32>
      %gather3A_589 = tpu.dynamic_gather %mul3A_34[%gather3A_588] in [0] : vector<16xf32>, vector<16xi32> -> vector<16xf32>
      %broadcast_in_dim3A_590 = arith.constant 11 : i32
      %broadcast_in_dim3A_591 = vector.broadcast %broadcast_in_dim3A_590 : i32 to vector<16xi32>
      %lt3A_592 = arith.constant 0 : i32
      %lt3A_593 = vector.broadcast %lt3A_592 : i32 to vector<16xi32>
      %lt3A_594 = arith.cmpi slt, %broadcast_in_dim3A_591, %lt3A_593 : vector<16xi32>
      %add3A_595 = arith.constant 16 : i32
      %add3A_596 = vector.broadcast %add3A_595 : i32 to vector<16xi32>
      %add3A_597 = arith.addi %broadcast_in_dim3A_591, %add3A_596 : vector<16xi32>
      %select_n3A_598 = arith.select %lt3A_594, %add3A_597, %broadcast_in_dim3A_591 : vector<16xi1>, vector<16xi32>
      %broadcast_in_dim3A_599 = vector.shape_cast %select_n3A_598 : vector<16xi32> to vector<16x1xi32>
      %gather3A_600 = vector.shape_cast %broadcast_in_dim3A_599 : vector<16x1xi32> to vector<16xi32>
      %gather3A_601 = tpu.dynamic_gather %mul3A_38[%gather3A_600] in [0] : vector<16xf32>, vector<16xi32> -> vector<16xf32>
      %broadcast_in_dim3A_602 = arith.constant 11 : i32
      %broadcast_in_dim3A_603 = vector.broadcast %broadcast_in_dim3A_602 : i32 to vector<16xi32>
      %lt3A_604 = arith.constant 0 : i32
      %lt3A_605 = vector.broadcast %lt3A_604 : i32 to vector<16xi32>
      %lt3A_606 = arith.cmpi slt, %broadcast_in_dim3A_603, %lt3A_605 : vector<16xi32>
      %add3A_607 = arith.constant 16 : i32
      %add3A_608 = vector.broadcast %add3A_607 : i32 to vector<16xi32>
      %add3A_609 = arith.addi %broadcast_in_dim3A_603, %add3A_608 : vector<16xi32>
      %select_n3A_610 = arith.select %lt3A_606, %add3A_609, %broadcast_in_dim3A_603 : vector<16xi1>, vector<16xi32>
      %broadcast_in_dim3A_611 = vector.shape_cast %select_n3A_610 : vector<16xi32> to vector<16x1xi32>
      %gather3A_612 = vector.shape_cast %broadcast_in_dim3A_611 : vector<16x1xi32> to vector<16xi32>
      %gather3A_613 = tpu.dynamic_gather %mul3A_42[%gather3A_612] in [0] : vector<16xf32>, vector<16xi32> -> vector<16xf32>
      %broadcast_in_dim3A_614 = arith.constant 12 : i32
      %broadcast_in_dim3A_615 = vector.broadcast %broadcast_in_dim3A_614 : i32 to vector<16xi32>
      %lt3A_616 = arith.constant 0 : i32
      %lt3A_617 = vector.broadcast %lt3A_616 : i32 to vector<16xi32>
      %lt3A_618 = arith.cmpi slt, %broadcast_in_dim3A_615, %lt3A_617 : vector<16xi32>
      %add3A_619 = arith.constant 16 : i32
      %add3A_620 = vector.broadcast %add3A_619 : i32 to vector<16xi32>
      %add3A_621 = arith.addi %broadcast_in_dim3A_615, %add3A_620 : vector<16xi32>
      %select_n3A_622 = arith.select %lt3A_618, %add3A_621, %broadcast_in_dim3A_615 : vector<16xi1>, vector<16xi32>
      %broadcast_in_dim3A_623 = vector.shape_cast %select_n3A_622 : vector<16xi32> to vector<16x1xi32>
      %gather3A_624 = vector.shape_cast %broadcast_in_dim3A_623 : vector<16x1xi32> to vector<16xi32>
      %gather3A_625 = tpu.dynamic_gather %mul3A_30[%gather3A_624] in [0] : vector<16xf32>, vector<16xi32> -> vector<16xf32>
      %broadcast_in_dim3A_626 = arith.constant 12 : i32
      %broadcast_in_dim3A_627 = vector.broadcast %broadcast_in_dim3A_626 : i32 to vector<16xi32>
      %lt3A_628 = arith.constant 0 : i32
      %lt3A_629 = vector.broadcast %lt3A_628 : i32 to vector<16xi32>
      %lt3A_630 = arith.cmpi slt, %broadcast_in_dim3A_627, %lt3A_629 : vector<16xi32>
      %add3A_631 = arith.constant 16 : i32
      %add3A_632 = vector.broadcast %add3A_631 : i32 to vector<16xi32>
      %add3A_633 = arith.addi %broadcast_in_dim3A_627, %add3A_632 : vector<16xi32>
      %select_n3A_634 = arith.select %lt3A_630, %add3A_633, %broadcast_in_dim3A_627 : vector<16xi1>, vector<16xi32>
      %broadcast_in_dim3A_635 = vector.shape_cast %select_n3A_634 : vector<16xi32> to vector<16x1xi32>
      %gather3A_636 = vector.shape_cast %broadcast_in_dim3A_635 : vector<16x1xi32> to vector<16xi32>
      %gather3A_637 = tpu.dynamic_gather %mul3A_34[%gather3A_636] in [0] : vector<16xf32>, vector<16xi32> -> vector<16xf32>
      %broadcast_in_dim3A_638 = arith.constant 12 : i32
      %broadcast_in_dim3A_639 = vector.broadcast %broadcast_in_dim3A_638 : i32 to vector<16xi32>
      %lt3A_640 = arith.constant 0 : i32
      %lt3A_641 = vector.broadcast %lt3A_640 : i32 to vector<16xi32>
      %lt3A_642 = arith.cmpi slt, %broadcast_in_dim3A_639, %lt3A_641 : vector<16xi32>
      %add3A_643 = arith.constant 16 : i32
      %add3A_644 = vector.broadcast %add3A_643 : i32 to vector<16xi32>
      %add3A_645 = arith.addi %broadcast_in_dim3A_639, %add3A_644 : vector<16xi32>
      %select_n3A_646 = arith.select %lt3A_642, %add3A_645, %broadcast_in_dim3A_639 : vector<16xi1>, vector<16xi32>
      %broadcast_in_dim3A_647 = vector.shape_cast %select_n3A_646 : vector<16xi32> to vector<16x1xi32>
      %gather3A_648 = vector.shape_cast %broadcast_in_dim3A_647 : vector<16x1xi32> to vector<16xi32>
      %gather3A_649 = tpu.dynamic_gather %mul3A_38[%gather3A_648] in [0] : vector<16xf32>, vector<16xi32> -> vector<16xf32>
      %broadcast_in_dim3A_650 = arith.constant 12 : i32
      %broadcast_in_dim3A_651 = vector.broadcast %broadcast_in_dim3A_650 : i32 to vector<16xi32>
      %lt3A_652 = arith.constant 0 : i32
      %lt3A_653 = vector.broadcast %lt3A_652 : i32 to vector<16xi32>
      %lt3A_654 = arith.cmpi slt, %broadcast_in_dim3A_651, %lt3A_653 : vector<16xi32>
      %add3A_655 = arith.constant 16 : i32
      %add3A_656 = vector.broadcast %add3A_655 : i32 to vector<16xi32>
      %add3A_657 = arith.addi %broadcast_in_dim3A_651, %add3A_656 : vector<16xi32>
      %select_n3A_658 = arith.select %lt3A_654, %add3A_657, %broadcast_in_dim3A_651 : vector<16xi1>, vector<16xi32>
      %broadcast_in_dim3A_659 = vector.shape_cast %select_n3A_658 : vector<16xi32> to vector<16x1xi32>
      %gather3A_660 = vector.shape_cast %broadcast_in_dim3A_659 : vector<16x1xi32> to vector<16xi32>
      %gather3A_661 = tpu.dynamic_gather %mul3A_42[%gather3A_660] in [0] : vector<16xf32>, vector<16xi32> -> vector<16xf32>
      %broadcast_in_dim3A_662 = arith.constant 13 : i32
      %broadcast_in_dim3A_663 = vector.broadcast %broadcast_in_dim3A_662 : i32 to vector<16xi32>
      %lt3A_664 = arith.constant 0 : i32
      %lt3A_665 = vector.broadcast %lt3A_664 : i32 to vector<16xi32>
      %lt3A_666 = arith.cmpi slt, %broadcast_in_dim3A_663, %lt3A_665 : vector<16xi32>
      %add3A_667 = arith.constant 16 : i32
      %add3A_668 = vector.broadcast %add3A_667 : i32 to vector<16xi32>
      %add3A_669 = arith.addi %broadcast_in_dim3A_663, %add3A_668 : vector<16xi32>
      %select_n3A_670 = arith.select %lt3A_666, %add3A_669, %broadcast_in_dim3A_663 : vector<16xi1>, vector<16xi32>
      %broadcast_in_dim3A_671 = vector.shape_cast %select_n3A_670 : vector<16xi32> to vector<16x1xi32>
      %gather3A_672 = vector.shape_cast %broadcast_in_dim3A_671 : vector<16x1xi32> to vector<16xi32>
      %gather3A_673 = tpu.dynamic_gather %mul3A_30[%gather3A_672] in [0] : vector<16xf32>, vector<16xi32> -> vector<16xf32>
      %broadcast_in_dim3A_674 = arith.constant 13 : i32
      %broadcast_in_dim3A_675 = vector.broadcast %broadcast_in_dim3A_674 : i32 to vector<16xi32>
      %lt3A_676 = arith.constant 0 : i32
      %lt3A_677 = vector.broadcast %lt3A_676 : i32 to vector<16xi32>
      %lt3A_678 = arith.cmpi slt, %broadcast_in_dim3A_675, %lt3A_677 : vector<16xi32>
      %add3A_679 = arith.constant 16 : i32
      %add3A_680 = vector.broadcast %add3A_679 : i32 to vector<16xi32>
      %add3A_681 = arith.addi %broadcast_in_dim3A_675, %add3A_680 : vector<16xi32>
      %select_n3A_682 = arith.select %lt3A_678, %add3A_681, %broadcast_in_dim3A_675 : vector<16xi1>, vector<16xi32>
      %broadcast_in_dim3A_683 = vector.shape_cast %select_n3A_682 : vector<16xi32> to vector<16x1xi32>
      %gather3A_684 = vector.shape_cast %broadcast_in_dim3A_683 : vector<16x1xi32> to vector<16xi32>
      %gather3A_685 = tpu.dynamic_gather %mul3A_34[%gather3A_684] in [0] : vector<16xf32>, vector<16xi32> -> vector<16xf32>
      %broadcast_in_dim3A_686 = arith.constant 13 : i32
      %broadcast_in_dim3A_687 = vector.broadcast %broadcast_in_dim3A_686 : i32 to vector<16xi32>
      %lt3A_688 = arith.constant 0 : i32
      %lt3A_689 = vector.broadcast %lt3A_688 : i32 to vector<16xi32>
      %lt3A_690 = arith.cmpi slt, %broadcast_in_dim3A_687, %lt3A_689 : vector<16xi32>
      %add3A_691 = arith.constant 16 : i32
      %add3A_692 = vector.broadcast %add3A_691 : i32 to vector<16xi32>
      %add3A_693 = arith.addi %broadcast_in_dim3A_687, %add3A_692 : vector<16xi32>
      %select_n3A_694 = arith.select %lt3A_690, %add3A_693, %broadcast_in_dim3A_687 : vector<16xi1>, vector<16xi32>
      %broadcast_in_dim3A_695 = vector.shape_cast %select_n3A_694 : vector<16xi32> to vector<16x1xi32>
      %gather3A_696 = vector.shape_cast %broadcast_in_dim3A_695 : vector<16x1xi32> to vector<16xi32>
      %gather3A_697 = tpu.dynamic_gather %mul3A_38[%gather3A_696] in [0] : vector<16xf32>, vector<16xi32> -> vector<16xf32>
      %broadcast_in_dim3A_698 = arith.constant 13 : i32
      %broadcast_in_dim3A_699 = vector.broadcast %broadcast_in_dim3A_698 : i32 to vector<16xi32>
      %lt3A_700 = arith.constant 0 : i32
      %lt3A_701 = vector.broadcast %lt3A_700 : i32 to vector<16xi32>
      %lt3A_702 = arith.cmpi slt, %broadcast_in_dim3A_699, %lt3A_701 : vector<16xi32>
      %add3A_703 = arith.constant 16 : i32
      %add3A_704 = vector.broadcast %add3A_703 : i32 to vector<16xi32>
      %add3A_705 = arith.addi %broadcast_in_dim3A_699, %add3A_704 : vector<16xi32>
      %select_n3A_706 = arith.select %lt3A_702, %add3A_705, %broadcast_in_dim3A_699 : vector<16xi1>, vector<16xi32>
      %broadcast_in_dim3A_707 = vector.shape_cast %select_n3A_706 : vector<16xi32> to vector<16x1xi32>
      %gather3A_708 = vector.shape_cast %broadcast_in_dim3A_707 : vector<16x1xi32> to vector<16xi32>
      %gather3A_709 = tpu.dynamic_gather %mul3A_42[%gather3A_708] in [0] : vector<16xf32>, vector<16xi32> -> vector<16xf32>
      %broadcast_in_dim3A_710 = arith.constant 14 : i32
      %broadcast_in_dim3A_711 = vector.broadcast %broadcast_in_dim3A_710 : i32 to vector<16xi32>
      %lt3A_712 = arith.constant 0 : i32
      %lt3A_713 = vector.broadcast %lt3A_712 : i32 to vector<16xi32>
      %lt3A_714 = arith.cmpi slt, %broadcast_in_dim3A_711, %lt3A_713 : vector<16xi32>
      %add3A_715 = arith.constant 16 : i32
      %add3A_716 = vector.broadcast %add3A_715 : i32 to vector<16xi32>
      %add3A_717 = arith.addi %broadcast_in_dim3A_711, %add3A_716 : vector<16xi32>
      %select_n3A_718 = arith.select %lt3A_714, %add3A_717, %broadcast_in_dim3A_711 : vector<16xi1>, vector<16xi32>
      %broadcast_in_dim3A_719 = vector.shape_cast %select_n3A_718 : vector<16xi32> to vector<16x1xi32>
      %gather3A_720 = vector.shape_cast %broadcast_in_dim3A_719 : vector<16x1xi32> to vector<16xi32>
      %gather3A_721 = tpu.dynamic_gather %mul3A_30[%gather3A_720] in [0] : vector<16xf32>, vector<16xi32> -> vector<16xf32>
      %broadcast_in_dim3A_722 = arith.constant 14 : i32
      %broadcast_in_dim3A_723 = vector.broadcast %broadcast_in_dim3A_722 : i32 to vector<16xi32>
      %lt3A_724 = arith.constant 0 : i32
      %lt3A_725 = vector.broadcast %lt3A_724 : i32 to vector<16xi32>
      %lt3A_726 = arith.cmpi slt, %broadcast_in_dim3A_723, %lt3A_725 : vector<16xi32>
      %add3A_727 = arith.constant 16 : i32
      %add3A_728 = vector.broadcast %add3A_727 : i32 to vector<16xi32>
      %add3A_729 = arith.addi %broadcast_in_dim3A_723, %add3A_728 : vector<16xi32>
      %select_n3A_730 = arith.select %lt3A_726, %add3A_729, %broadcast_in_dim3A_723 : vector<16xi1>, vector<16xi32>
      %broadcast_in_dim3A_731 = vector.shape_cast %select_n3A_730 : vector<16xi32> to vector<16x1xi32>
      %gather3A_732 = vector.shape_cast %broadcast_in_dim3A_731 : vector<16x1xi32> to vector<16xi32>
      %gather3A_733 = tpu.dynamic_gather %mul3A_34[%gather3A_732] in [0] : vector<16xf32>, vector<16xi32> -> vector<16xf32>
      %broadcast_in_dim3A_734 = arith.constant 14 : i32
      %broadcast_in_dim3A_735 = vector.broadcast %broadcast_in_dim3A_734 : i32 to vector<16xi32>
      %lt3A_736 = arith.constant 0 : i32
      %lt3A_737 = vector.broadcast %lt3A_736 : i32 to vector<16xi32>
      %lt3A_738 = arith.cmpi slt, %broadcast_in_dim3A_735, %lt3A_737 : vector<16xi32>
      %add3A_739 = arith.constant 16 : i32
      %add3A_740 = vector.broadcast %add3A_739 : i32 to vector<16xi32>
      %add3A_741 = arith.addi %broadcast_in_dim3A_735, %add3A_740 : vector<16xi32>
      %select_n3A_742 = arith.select %lt3A_738, %add3A_741, %broadcast_in_dim3A_735 : vector<16xi1>, vector<16xi32>
      %broadcast_in_dim3A_743 = vector.shape_cast %select_n3A_742 : vector<16xi32> to vector<16x1xi32>
      %gather3A_744 = vector.shape_cast %broadcast_in_dim3A_743 : vector<16x1xi32> to vector<16xi32>
      %gather3A_745 = tpu.dynamic_gather %mul3A_38[%gather3A_744] in [0] : vector<16xf32>, vector<16xi32> -> vector<16xf32>
      %broadcast_in_dim3A_746 = arith.constant 14 : i32
      %broadcast_in_dim3A_747 = vector.broadcast %broadcast_in_dim3A_746 : i32 to vector<16xi32>
      %lt3A_748 = arith.constant 0 : i32
      %lt3A_749 = vector.broadcast %lt3A_748 : i32 to vector<16xi32>
      %lt3A_750 = arith.cmpi slt, %broadcast_in_dim3A_747, %lt3A_749 : vector<16xi32>
      %add3A_751 = arith.constant 16 : i32
      %add3A_752 = vector.broadcast %add3A_751 : i32 to vector<16xi32>
      %add3A_753 = arith.addi %broadcast_in_dim3A_747, %add3A_752 : vector<16xi32>
      %select_n3A_754 = arith.select %lt3A_750, %add3A_753, %broadcast_in_dim3A_747 : vector<16xi1>, vector<16xi32>
      %broadcast_in_dim3A_755 = vector.shape_cast %select_n3A_754 : vector<16xi32> to vector<16x1xi32>
      %gather3A_756 = vector.shape_cast %broadcast_in_dim3A_755 : vector<16x1xi32> to vector<16xi32>
      %gather3A_757 = tpu.dynamic_gather %mul3A_42[%gather3A_756] in [0] : vector<16xf32>, vector<16xi32> -> vector<16xf32>
      %broadcast_in_dim3A_758 = arith.constant 15 : i32
      %broadcast_in_dim3A_759 = vector.broadcast %broadcast_in_dim3A_758 : i32 to vector<16xi32>
      %lt3A_760 = arith.constant 0 : i32
      %lt3A_761 = vector.broadcast %lt3A_760 : i32 to vector<16xi32>
      %lt3A_762 = arith.cmpi slt, %broadcast_in_dim3A_759, %lt3A_761 : vector<16xi32>
      %add3A_763 = arith.constant 16 : i32
      %add3A_764 = vector.broadcast %add3A_763 : i32 to vector<16xi32>
      %add3A_765 = arith.addi %broadcast_in_dim3A_759, %add3A_764 : vector<16xi32>
      %select_n3A_766 = arith.select %lt3A_762, %add3A_765, %broadcast_in_dim3A_759 : vector<16xi1>, vector<16xi32>
      %broadcast_in_dim3A_767 = vector.shape_cast %select_n3A_766 : vector<16xi32> to vector<16x1xi32>
      %gather3A_768 = vector.shape_cast %broadcast_in_dim3A_767 : vector<16x1xi32> to vector<16xi32>
      %gather3A_769 = tpu.dynamic_gather %mul3A_30[%gather3A_768] in [0] : vector<16xf32>, vector<16xi32> -> vector<16xf32>
      %broadcast_in_dim3A_770 = arith.constant 15 : i32
      %broadcast_in_dim3A_771 = vector.broadcast %broadcast_in_dim3A_770 : i32 to vector<16xi32>
      %lt3A_772 = arith.constant 0 : i32
      %lt3A_773 = vector.broadcast %lt3A_772 : i32 to vector<16xi32>
      %lt3A_774 = arith.cmpi slt, %broadcast_in_dim3A_771, %lt3A_773 : vector<16xi32>
      %add3A_775 = arith.constant 16 : i32
      %add3A_776 = vector.broadcast %add3A_775 : i32 to vector<16xi32>
      %add3A_777 = arith.addi %broadcast_in_dim3A_771, %add3A_776 : vector<16xi32>
      %select_n3A_778 = arith.select %lt3A_774, %add3A_777, %broadcast_in_dim3A_771 : vector<16xi1>, vector<16xi32>
      %broadcast_in_dim3A_779 = vector.shape_cast %select_n3A_778 : vector<16xi32> to vector<16x1xi32>
      %gather3A_780 = vector.shape_cast %broadcast_in_dim3A_779 : vector<16x1xi32> to vector<16xi32>
      %gather3A_781 = tpu.dynamic_gather %mul3A_34[%gather3A_780] in [0] : vector<16xf32>, vector<16xi32> -> vector<16xf32>
      %broadcast_in_dim3A_782 = arith.constant 15 : i32
      %broadcast_in_dim3A_783 = vector.broadcast %broadcast_in_dim3A_782 : i32 to vector<16xi32>
      %lt3A_784 = arith.constant 0 : i32
      %lt3A_785 = vector.broadcast %lt3A_784 : i32 to vector<16xi32>
      %lt3A_786 = arith.cmpi slt, %broadcast_in_dim3A_783, %lt3A_785 : vector<16xi32>
      %add3A_787 = arith.constant 16 : i32
      %add3A_788 = vector.broadcast %add3A_787 : i32 to vector<16xi32>
      %add3A_789 = arith.addi %broadcast_in_dim3A_783, %add3A_788 : vector<16xi32>
      %select_n3A_790 = arith.select %lt3A_786, %add3A_789, %broadcast_in_dim3A_783 : vector<16xi1>, vector<16xi32>
      %broadcast_in_dim3A_791 = vector.shape_cast %select_n3A_790 : vector<16xi32> to vector<16x1xi32>
      %gather3A_792 = vector.shape_cast %broadcast_in_dim3A_791 : vector<16x1xi32> to vector<16xi32>
      %gather3A_793 = tpu.dynamic_gather %mul3A_38[%gather3A_792] in [0] : vector<16xf32>, vector<16xi32> -> vector<16xf32>
      %broadcast_in_dim3A_794 = arith.constant 15 : i32
      %broadcast_in_dim3A_795 = vector.broadcast %broadcast_in_dim3A_794 : i32 to vector<16xi32>
      %lt3A_796 = arith.constant 0 : i32
      %lt3A_797 = vector.broadcast %lt3A_796 : i32 to vector<16xi32>
      %lt3A_798 = arith.cmpi slt, %broadcast_in_dim3A_795, %lt3A_797 : vector<16xi32>
      %add3A_799 = arith.constant 16 : i32
      %add3A_800 = vector.broadcast %add3A_799 : i32 to vector<16xi32>
      %add3A_801 = arith.addi %broadcast_in_dim3A_795, %add3A_800 : vector<16xi32>
      %select_n3A_802 = arith.select %lt3A_798, %add3A_801, %broadcast_in_dim3A_795 : vector<16xi1>, vector<16xi32>
      %broadcast_in_dim3A_803 = vector.shape_cast %select_n3A_802 : vector<16xi32> to vector<16x1xi32>
      %gather3A_804 = vector.shape_cast %broadcast_in_dim3A_803 : vector<16x1xi32> to vector<16xi32>
      %gather3A_805 = tpu.dynamic_gather %mul3A_42[%gather3A_804] in [0] : vector<16xf32>, vector<16xi32> -> vector<16xf32>
      %sub3A = arith.subf %gather3A_73, %gather3A_49 : vector<16xf32>
      %sub3A_806 = arith.subf %gather3A_85, %gather3A_61 : vector<16xf32>
      %mul3A_807 = arith.mulf %sub3A, %sub3A_806 : vector<16xf32>
      %sub3A_808 = arith.subf %gather3A_121, %gather3A_97 : vector<16xf32>
      %sub3A_809 = arith.subf %gather3A_133, %gather3A_109 : vector<16xf32>
      %mul3A_810 = arith.mulf %sub3A_808, %sub3A_809 : vector<16xf32>
      %sub3A_811 = arith.subf %gather3A_169, %gather3A_145 : vector<16xf32>
      %sub3A_812 = arith.subf %gather3A_181, %gather3A_157 : vector<16xf32>
      %mul3A_813 = arith.mulf %sub3A_811, %sub3A_812 : vector<16xf32>
      %sub3A_814 = arith.subf %gather3A_217, %gather3A_193 : vector<16xf32>
      %sub3A_815 = arith.subf %gather3A_229, %gather3A_205 : vector<16xf32>
      %mul3A_816 = arith.mulf %sub3A_814, %sub3A_815 : vector<16xf32>
      %sub3A_817 = arith.subf %gather3A_265, %gather3A_241 : vector<16xf32>
      %sub3A_818 = arith.subf %gather3A_277, %gather3A_253 : vector<16xf32>
      %mul3A_819 = arith.mulf %sub3A_817, %sub3A_818 : vector<16xf32>
      %sub3A_820 = arith.subf %gather3A_313, %gather3A_289 : vector<16xf32>
      %sub3A_821 = arith.subf %gather3A_325, %gather3A_301 : vector<16xf32>
      %mul3A_822 = arith.mulf %sub3A_820, %sub3A_821 : vector<16xf32>
      %sub3A_823 = arith.subf %gather3A_361, %gather3A_337 : vector<16xf32>
      %sub3A_824 = arith.subf %gather3A_373, %gather3A_349 : vector<16xf32>
      %mul3A_825 = arith.mulf %sub3A_823, %sub3A_824 : vector<16xf32>
      %sub3A_826 = arith.subf %gather3A_409, %gather3A_385 : vector<16xf32>
      %sub3A_827 = arith.subf %gather3A_421, %gather3A_397 : vector<16xf32>
      %mul3A_828 = arith.mulf %sub3A_826, %sub3A_827 : vector<16xf32>
      %sub3A_829 = arith.subf %gather3A_457, %gather3A_433 : vector<16xf32>
      %sub3A_830 = arith.subf %gather3A_469, %gather3A_445 : vector<16xf32>
      %mul3A_831 = arith.mulf %sub3A_829, %sub3A_830 : vector<16xf32>
      %sub3A_832 = arith.subf %gather3A_505, %gather3A_481 : vector<16xf32>
      %sub3A_833 = arith.subf %gather3A_517, %gather3A_493 : vector<16xf32>
      %mul3A_834 = arith.mulf %sub3A_832, %sub3A_833 : vector<16xf32>
      %sub3A_835 = arith.subf %gather3A_553, %gather3A_529 : vector<16xf32>
      %sub3A_836 = arith.subf %gather3A_565, %gather3A_541 : vector<16xf32>
      %mul3A_837 = arith.mulf %sub3A_835, %sub3A_836 : vector<16xf32>
      %sub3A_838 = arith.subf %gather3A_601, %gather3A_577 : vector<16xf32>
      %sub3A_839 = arith.subf %gather3A_613, %gather3A_589 : vector<16xf32>
      %mul3A_840 = arith.mulf %sub3A_838, %sub3A_839 : vector<16xf32>
      %sub3A_841 = arith.subf %gather3A_649, %gather3A_625 : vector<16xf32>
      %sub3A_842 = arith.subf %gather3A_661, %gather3A_637 : vector<16xf32>
      %mul3A_843 = arith.mulf %sub3A_841, %sub3A_842 : vector<16xf32>
      %sub3A_844 = arith.subf %gather3A_697, %gather3A_673 : vector<16xf32>
      %sub3A_845 = arith.subf %gather3A_709, %gather3A_685 : vector<16xf32>
      %mul3A_846 = arith.mulf %sub3A_844, %sub3A_845 : vector<16xf32>
      %sub3A_847 = arith.subf %gather3A_745, %gather3A_721 : vector<16xf32>
      %sub3A_848 = arith.subf %gather3A_757, %gather3A_733 : vector<16xf32>
      %mul3A_849 = arith.mulf %sub3A_847, %sub3A_848 : vector<16xf32>
      %sub3A_850 = arith.subf %gather3A_793, %gather3A_769 : vector<16xf32>
      %sub3A_851 = arith.subf %gather3A_805, %gather3A_781 : vector<16xf32>
      %mul3A_852 = arith.mulf %sub3A_850, %sub3A_851 : vector<16xf32>
      %sub3A_853 = arith.subi %scan3A_20, %arg1 : i32
      %add3A_854 = arith.constant 16 : i32
      %add3A_855 = arith.addi %sub3A_853, %add3A_854 : i32
      %div3A = arith.constant 16 : i32
      %div3A_856 = arith.divsi %add3A_855, %div3A : i32
      %while3A = arith.constant 20 : i32
      %while3A_857 = arith.constant 0 : i32
      %while3A_858 = arith.subi %while3A, %div3A_856 : i32
      %while3A_859 = arith.addi %div3A_856, %while3A_858 : i32
      %while3A_860 = arith.constant 1 : i32
      %while3A_861 = arith.divsi %while3A_858, %while3A_860 : i32
      %while3A_862 = arith.muli %while3A_861, %while3A_860 : i32
      %while3A_863 = arith.addi %div3A_856, %while3A_862 : i32
      %while3A_864 = arith.constant 1 : i32
      %while3A_865 = scf.for %while3A_869 = %div3A_856 to %while3A_863 step %while3A_864 iter_args(%while3A_870 = %while3A_857) -> (i32)  : i32 {
        %mul3A_871 = arith.constant 16 : i32
        %mul3A_872 = arith.muli %while3A_869, %mul3A_871 : i32
        %add3A_873 = arith.addi %mul3A_872, %arg1 : i32
        %mul3A_874 = arith.constant 16 : i32
        %mul3A_875 = arith.muli %add3A_873, %mul3A_874 : i32
        %get3A_876 = arith.index_cast %mul3A_875 : i32 to index
        %get3A_877 = tpu.vector_load %arg8[%get3A_876] {strides = array<i32>} : memref<5120xf32, #tpu.memory_space<vmem>>, vector<16xf32>,
        %get3A_878 = vector.shape_cast %get3A_877 : vector<16xf32> to vector<16xf32>
        %get3A_879 = arith.index_cast %mul3A_875 : i32 to index
        %get3A_880 = tpu.vector_load %arg9[%get3A_879] {strides = array<i32>} : memref<5120xf32, #tpu.memory_space<vmem>>, vector<16xf32>,
        %get3A_881 = vector.shape_cast %get3A_880 : vector<16xf32> to vector<16xf32>
        %get3A_882 = arith.index_cast %mul3A_875 : i32 to index
        %get3A_883 = tpu.vector_load %arg10[%get3A_882] {strides = array<i32>} : memref<5120xf32, #tpu.memory_space<vmem>>, vector<16xf32>,
        %get3A_884 = vector.shape_cast %get3A_883 : vector<16xf32> to vector<16xf32>
        %get3A_885 = arith.index_cast %mul3A_875 : i32 to index
        %get3A_886 = tpu.vector_load %arg11[%get3A_885] {strides = array<i32>} : memref<5120xf32, #tpu.memory_space<vmem>>, vector<16xf32>,
        %get3A_887 = vector.shape_cast %get3A_886 : vector<16xf32> to vector<16xf32>
        %sub3A_888 = arith.subf %get3A_884, %get3A_878 : vector<16xf32>
        %sub3A_889 = arith.subf %get3A_887, %get3A_881 : vector<16xf32>
        %mul3A_890 = arith.mulf %sub3A_888, %sub3A_889 : vector<16xf32>
        %get3A_891 = arith.index_cast %mul3A_875 : i32 to index
        %get3A_892 = tpu.vector_load %arg13[%get3A_891] {strides = array<i32>} : memref<5120xf32, #tpu.memory_space<vmem>>, vector<16xf32>,
        %get3A_893 = vector.shape_cast %get3A_892 : vector<16xf32> to vector<16xf32>
        %min3A = arith.minimumf %gather3A_73, %get3A_884 : vector<16xf32>
        %max3A = arith.maximumf %gather3A_49, %get3A_878 : vector<16xf32>
        %sub3A_894 = arith.subf %min3A, %max3A : vector<16xf32>
        %max3A_895 = arith.constant 0.000000e+00 : f32
        %max3A_896 = vector.broadcast %max3A_895 : f32 to vector<16xf32>
        %max3A_897 = arith.maximumf %sub3A_894, %max3A_896 : vector<16xf32>
        %min3A_898 = arith.minimumf %gather3A_85, %get3A_887 : vector<16xf32>
        %max3A_899 = arith.maximumf %gather3A_61, %get3A_881 : vector<16xf32>
        %sub3A_900 = arith.subf %min3A_898, %max3A_899 : vector<16xf32>
        %max3A_901 = arith.constant 0.000000e+00 : f32
        %max3A_902 = vector.broadcast %max3A_901 : f32 to vector<16xf32>
        %max3A_903 = arith.maximumf %sub3A_900, %max3A_902 : vector<16xf32>
        %mul3A_904 = arith.mulf %max3A_897, %max3A_903 : vector<16xf32>
        %add3A_905 = arith.addf %mul3A_807, %mul3A_890 : vector<16xf32>
        %sub3A_906 = arith.subf %add3A_905, %mul3A_904 : vector<16xf32>
        %add3A_907 = arith.constant 9.99999971E-10 : f32
        %add3A_908 = vector.broadcast %add3A_907 : f32 to vector<16xf32>
        %add3A_909 = arith.addf %sub3A_906, %add3A_908 : vector<16xf32>
        %div3A_910 = arith.divf %mul3A_904, %add3A_909 : vector<16xf32>
        %gt3A = arith.constant 3.000000e-01 : f32
        %gt3A_911 = vector.broadcast %gt3A : f32 to vector<16xf32>
        %gt3A_912 = arith.cmpf ogt, %div3A_910, %gt3A_911 : vector<16xf32>
        %jit3A = arith.constant 0.000000e+00 : f32
        %broadcast_in_dim3A_913 = vector.broadcast %jit3A : f32 to vector<16xf32>
        %select_n3A_914 = arith.select %gt3A_912, %broadcast_in_dim3A_913, %get3A_893 : vector<16xi1>, vector<16xf32>
        %min3A_915 = arith.minimumf %gather3A_121, %get3A_884 : vector<16xf32>
        %max3A_916 = arith.maximumf %gather3A_97, %get3A_878 : vector<16xf32>
        %sub3A_917 = arith.subf %min3A_915, %max3A_916 : vector<16xf32>
        %max3A_918 = arith.constant 0.000000e+00 : f32
        %max3A_919 = vector.broadcast %max3A_918 : f32 to vector<16xf32>
        %max3A_920 = arith.maximumf %sub3A_917, %max3A_919 : vector<16xf32>
        %min3A_921 = arith.minimumf %gather3A_133, %get3A_887 : vector<16xf32>
        %max3A_922 = arith.maximumf %gather3A_109, %get3A_881 : vector<16xf32>
        %sub3A_923 = arith.subf %min3A_921, %max3A_922 : vector<16xf32>
        %max3A_924 = arith.constant 0.000000e+00 : f32
        %max3A_925 = vector.broadcast %max3A_924 : f32 to vector<16xf32>
        %max3A_926 = arith.maximumf %sub3A_923, %max3A_925 : vector<16xf32>
        %mul3A_927 = arith.mulf %max3A_920, %max3A_926 : vector<16xf32>
        %add3A_928 = arith.addf %mul3A_810, %mul3A_890 : vector<16xf32>
        %sub3A_929 = arith.subf %add3A_928, %mul3A_927 : vector<16xf32>
        %add3A_930 = arith.constant 9.99999971E-10 : f32
        %add3A_931 = vector.broadcast %add3A_930 : f32 to vector<16xf32>
        %add3A_932 = arith.addf %sub3A_929, %add3A_931 : vector<16xf32>
        %div3A_933 = arith.divf %mul3A_927, %add3A_932 : vector<16xf32>
        %gt3A_934 = arith.constant 3.000000e-01 : f32
        %gt3A_935 = vector.broadcast %gt3A_934 : f32 to vector<16xf32>
        %gt3A_936 = arith.cmpf ogt, %div3A_933, %gt3A_935 : vector<16xf32>
        %jit3A_937 = arith.constant 0.000000e+00 : f32
        %broadcast_in_dim3A_938 = vector.broadcast %jit3A_937 : f32 to vector<16xf32>
        %select_n3A_939 = arith.select %gt3A_936, %broadcast_in_dim3A_938, %select_n3A_914 : vector<16xi1>, vector<16xf32>
        %min3A_940 = arith.minimumf %gather3A_169, %get3A_884 : vector<16xf32>
        %max3A_941 = arith.maximumf %gather3A_145, %get3A_878 : vector<16xf32>
        %sub3A_942 = arith.subf %min3A_940, %max3A_941 : vector<16xf32>
        %max3A_943 = arith.constant 0.000000e+00 : f32
        %max3A_944 = vector.broadcast %max3A_943 : f32 to vector<16xf32>
        %max3A_945 = arith.maximumf %sub3A_942, %max3A_944 : vector<16xf32>
        %min3A_946 = arith.minimumf %gather3A_181, %get3A_887 : vector<16xf32>
        %max3A_947 = arith.maximumf %gather3A_157, %get3A_881 : vector<16xf32>
        %sub3A_948 = arith.subf %min3A_946, %max3A_947 : vector<16xf32>
        %max3A_949 = arith.constant 0.000000e+00 : f32
        %max3A_950 = vector.broadcast %max3A_949 : f32 to vector<16xf32>
        %max3A_951 = arith.maximumf %sub3A_948, %max3A_950 : vector<16xf32>
        %mul3A_952 = arith.mulf %max3A_945, %max3A_951 : vector<16xf32>
        %add3A_953 = arith.addf %mul3A_813, %mul3A_890 : vector<16xf32>
        %sub3A_954 = arith.subf %add3A_953, %mul3A_952 : vector<16xf32>
        %add3A_955 = arith.constant 9.99999971E-10 : f32
        %add3A_956 = vector.broadcast %add3A_955 : f32 to vector<16xf32>
        %add3A_957 = arith.addf %sub3A_954, %add3A_956 : vector<16xf32>
        %div3A_958 = arith.divf %mul3A_952, %add3A_957 : vector<16xf32>
        %gt3A_959 = arith.constant 3.000000e-01 : f32
        %gt3A_960 = vector.broadcast %gt3A_959 : f32 to vector<16xf32>
        %gt3A_961 = arith.cmpf ogt, %div3A_958, %gt3A_960 : vector<16xf32>
        %jit3A_962 = arith.constant 0.000000e+00 : f32
        %broadcast_in_dim3A_963 = vector.broadcast %jit3A_962 : f32 to vector<16xf32>
        %select_n3A_964 = arith.select %gt3A_961, %broadcast_in_dim3A_963, %select_n3A_939 : vector<16xi1>, vector<16xf32>
        %min3A_965 = arith.minimumf %gather3A_217, %get3A_884 : vector<16xf32>
        %max3A_966 = arith.maximumf %gather3A_193, %get3A_878 : vector<16xf32>
        %sub3A_967 = arith.subf %min3A_965, %max3A_966 : vector<16xf32>
        %max3A_968 = arith.constant 0.000000e+00 : f32
        %max3A_969 = vector.broadcast %max3A_968 : f32 to vector<16xf32>
        %max3A_970 = arith.maximumf %sub3A_967, %max3A_969 : vector<16xf32>
        %min3A_971 = arith.minimumf %gather3A_229, %get3A_887 : vector<16xf32>
        %max3A_972 = arith.maximumf %gather3A_205, %get3A_881 : vector<16xf32>
        %sub3A_973 = arith.subf %min3A_971, %max3A_972 : vector<16xf32>
        %max3A_974 = arith.constant 0.000000e+00 : f32
        %max3A_975 = vector.broadcast %max3A_974 : f32 to vector<16xf32>
        %max3A_976 = arith.maximumf %sub3A_973, %max3A_975 : vector<16xf32>
        %mul3A_977 = arith.mulf %max3A_970, %max3A_976 : vector<16xf32>
        %add3A_978 = arith.addf %mul3A_816, %mul3A_890 : vector<16xf32>
        %sub3A_979 = arith.subf %add3A_978, %mul3A_977 : vector<16xf32>
        %add3A_980 = arith.constant 9.99999971E-10 : f32
        %add3A_981 = vector.broadcast %add3A_980 : f32 to vector<16xf32>
        %add3A_982 = arith.addf %sub3A_979, %add3A_981 : vector<16xf32>
        %div3A_983 = arith.divf %mul3A_977, %add3A_982 : vector<16xf32>
        %gt3A_984 = arith.constant 3.000000e-01 : f32
        %gt3A_985 = vector.broadcast %gt3A_984 : f32 to vector<16xf32>
        %gt3A_986 = arith.cmpf ogt, %div3A_983, %gt3A_985 : vector<16xf32>
        %jit3A_987 = arith.constant 0.000000e+00 : f32
        %broadcast_in_dim3A_988 = vector.broadcast %jit3A_987 : f32 to vector<16xf32>
        %select_n3A_989 = arith.select %gt3A_986, %broadcast_in_dim3A_988, %select_n3A_964 : vector<16xi1>, vector<16xf32>
        %min3A_990 = arith.minimumf %gather3A_265, %get3A_884 : vector<16xf32>
        %max3A_991 = arith.maximumf %gather3A_241, %get3A_878 : vector<16xf32>
        %sub3A_992 = arith.subf %min3A_990, %max3A_991 : vector<16xf32>
        %max3A_993 = arith.constant 0.000000e+00 : f32
        %max3A_994 = vector.broadcast %max3A_993 : f32 to vector<16xf32>
        %max3A_995 = arith.maximumf %sub3A_992, %max3A_994 : vector<16xf32>
        %min3A_996 = arith.minimumf %gather3A_277, %get3A_887 : vector<16xf32>
        %max3A_997 = arith.maximumf %gather3A_253, %get3A_881 : vector<16xf32>
        %sub3A_998 = arith.subf %min3A_996, %max3A_997 : vector<16xf32>
        %max3A_999 = arith.constant 0.000000e+00 : f32
        %max3A_1000 = vector.broadcast %max3A_999 : f32 to vector<16xf32>
        %max3A_1001 = arith.maximumf %sub3A_998, %max3A_1000 : vector<16xf32>
        %mul3A_1002 = arith.mulf %max3A_995, %max3A_1001 : vector<16xf32>
        %add3A_1003 = arith.addf %mul3A_819, %mul3A_890 : vector<16xf32>
        %sub3A_1004 = arith.subf %add3A_1003, %mul3A_1002 : vector<16xf32>
        %add3A_1005 = arith.constant 9.99999971E-10 : f32
        %add3A_1006 = vector.broadcast %add3A_1005 : f32 to vector<16xf32>
        %add3A_1007 = arith.addf %sub3A_1004, %add3A_1006 : vector<16xf32>
        %div3A_1008 = arith.divf %mul3A_1002, %add3A_1007 : vector<16xf32>
        %gt3A_1009 = arith.constant 3.000000e-01 : f32
        %gt3A_1010 = vector.broadcast %gt3A_1009 : f32 to vector<16xf32>
        %gt3A_1011 = arith.cmpf ogt, %div3A_1008, %gt3A_1010 : vector<16xf32>
        %jit3A_1012 = arith.constant 0.000000e+00 : f32
        %broadcast_in_dim3A_1013 = vector.broadcast %jit3A_1012 : f32 to vector<16xf32>
        %select_n3A_1014 = arith.select %gt3A_1011, %broadcast_in_dim3A_1013, %select_n3A_989 : vector<16xi1>, vector<16xf32>
        %min3A_1015 = arith.minimumf %gather3A_313, %get3A_884 : vector<16xf32>
        %max3A_1016 = arith.maximumf %gather3A_289, %get3A_878 : vector<16xf32>
        %sub3A_1017 = arith.subf %min3A_1015, %max3A_1016 : vector<16xf32>
        %max3A_1018 = arith.constant 0.000000e+00 : f32
        %max3A_1019 = vector.broadcast %max3A_1018 : f32 to vector<16xf32>
        %max3A_1020 = arith.maximumf %sub3A_1017, %max3A_1019 : vector<16xf32>
        %min3A_1021 = arith.minimumf %gather3A_325, %get3A_887 : vector<16xf32>
        %max3A_1022 = arith.maximumf %gather3A_301, %get3A_881 : vector<16xf32>
        %sub3A_1023 = arith.subf %min3A_1021, %max3A_1022 : vector<16xf32>
        %max3A_1024 = arith.constant 0.000000e+00 : f32
        %max3A_1025 = vector.broadcast %max3A_1024 : f32 to vector<16xf32>
        %max3A_1026 = arith.maximumf %sub3A_1023, %max3A_1025 : vector<16xf32>
        %mul3A_1027 = arith.mulf %max3A_1020, %max3A_1026 : vector<16xf32>
        %add3A_1028 = arith.addf %mul3A_822, %mul3A_890 : vector<16xf32>
        %sub3A_1029 = arith.subf %add3A_1028, %mul3A_1027 : vector<16xf32>
        %add3A_1030 = arith.constant 9.99999971E-10 : f32
        %add3A_1031 = vector.broadcast %add3A_1030 : f32 to vector<16xf32>
        %add3A_1032 = arith.addf %sub3A_1029, %add3A_1031 : vector<16xf32>
        %div3A_1033 = arith.divf %mul3A_1027, %add3A_1032 : vector<16xf32>
        %gt3A_1034 = arith.constant 3.000000e-01 : f32
        %gt3A_1035 = vector.broadcast %gt3A_1034 : f32 to vector<16xf32>
        %gt3A_1036 = arith.cmpf ogt, %div3A_1033, %gt3A_1035 : vector<16xf32>
        %jit3A_1037 = arith.constant 0.000000e+00 : f32
        %broadcast_in_dim3A_1038 = vector.broadcast %jit3A_1037 : f32 to vector<16xf32>
        %select_n3A_1039 = arith.select %gt3A_1036, %broadcast_in_dim3A_1038, %select_n3A_1014 : vector<16xi1>, vector<16xf32>
        %min3A_1040 = arith.minimumf %gather3A_361, %get3A_884 : vector<16xf32>
        %max3A_1041 = arith.maximumf %gather3A_337, %get3A_878 : vector<16xf32>
        %sub3A_1042 = arith.subf %min3A_1040, %max3A_1041 : vector<16xf32>
        %max3A_1043 = arith.constant 0.000000e+00 : f32
        %max3A_1044 = vector.broadcast %max3A_1043 : f32 to vector<16xf32>
        %max3A_1045 = arith.maximumf %sub3A_1042, %max3A_1044 : vector<16xf32>
        %min3A_1046 = arith.minimumf %gather3A_373, %get3A_887 : vector<16xf32>
        %max3A_1047 = arith.maximumf %gather3A_349, %get3A_881 : vector<16xf32>
        %sub3A_1048 = arith.subf %min3A_1046, %max3A_1047 : vector<16xf32>
        %max3A_1049 = arith.constant 0.000000e+00 : f32
        %max3A_1050 = vector.broadcast %max3A_1049 : f32 to vector<16xf32>
        %max3A_1051 = arith.maximumf %sub3A_1048, %max3A_1050 : vector<16xf32>
        %mul3A_1052 = arith.mulf %max3A_1045, %max3A_1051 : vector<16xf32>
        %add3A_1053 = arith.addf %mul3A_825, %mul3A_890 : vector<16xf32>
        %sub3A_1054 = arith.subf %add3A_1053, %mul3A_1052 : vector<16xf32>
        %add3A_1055 = arith.constant 9.99999971E-10 : f32
        %add3A_1056 = vector.broadcast %add3A_1055 : f32 to vector<16xf32>
        %add3A_1057 = arith.addf %sub3A_1054, %add3A_1056 : vector<16xf32>
        %div3A_1058 = arith.divf %mul3A_1052, %add3A_1057 : vector<16xf32>
        %gt3A_1059 = arith.constant 3.000000e-01 : f32
        %gt3A_1060 = vector.broadcast %gt3A_1059 : f32 to vector<16xf32>
        %gt3A_1061 = arith.cmpf ogt, %div3A_1058, %gt3A_1060 : vector<16xf32>
        %jit3A_1062 = arith.constant 0.000000e+00 : f32
        %broadcast_in_dim3A_1063 = vector.broadcast %jit3A_1062 : f32 to vector<16xf32>
        %select_n3A_1064 = arith.select %gt3A_1061, %broadcast_in_dim3A_1063, %select_n3A_1039 : vector<16xi1>, vector<16xf32>
        %min3A_1065 = arith.minimumf %gather3A_409, %get3A_884 : vector<16xf32>
        %max3A_1066 = arith.maximumf %gather3A_385, %get3A_878 : vector<16xf32>
        %sub3A_1067 = arith.subf %min3A_1065, %max3A_1066 : vector<16xf32>
        %max3A_1068 = arith.constant 0.000000e+00 : f32
        %max3A_1069 = vector.broadcast %max3A_1068 : f32 to vector<16xf32>
        %max3A_1070 = arith.maximumf %sub3A_1067, %max3A_1069 : vector<16xf32>
        %min3A_1071 = arith.minimumf %gather3A_421, %get3A_887 : vector<16xf32>
        %max3A_1072 = arith.maximumf %gather3A_397, %get3A_881 : vector<16xf32>
        %sub3A_1073 = arith.subf %min3A_1071, %max3A_1072 : vector<16xf32>
        %max3A_1074 = arith.constant 0.000000e+00 : f32
        %max3A_1075 = vector.broadcast %max3A_1074 : f32 to vector<16xf32>
        %max3A_1076 = arith.maximumf %sub3A_1073, %max3A_1075 : vector<16xf32>
        %mul3A_1077 = arith.mulf %max3A_1070, %max3A_1076 : vector<16xf32>
        %add3A_1078 = arith.addf %mul3A_828, %mul3A_890 : vector<16xf32>
        %sub3A_1079 = arith.subf %add3A_1078, %mul3A_1077 : vector<16xf32>
        %add3A_1080 = arith.constant 9.99999971E-10 : f32
        %add3A_1081 = vector.broadcast %add3A_1080 : f32 to vector<16xf32>
        %add3A_1082 = arith.addf %sub3A_1079, %add3A_1081 : vector<16xf32>
        %div3A_1083 = arith.divf %mul3A_1077, %add3A_1082 : vector<16xf32>
        %gt3A_1084 = arith.constant 3.000000e-01 : f32
        %gt3A_1085 = vector.broadcast %gt3A_1084 : f32 to vector<16xf32>
        %gt3A_1086 = arith.cmpf ogt, %div3A_1083, %gt3A_1085 : vector<16xf32>
        %jit3A_1087 = arith.constant 0.000000e+00 : f32
        %broadcast_in_dim3A_1088 = vector.broadcast %jit3A_1087 : f32 to vector<16xf32>
        %select_n3A_1089 = arith.select %gt3A_1086, %broadcast_in_dim3A_1088, %select_n3A_1064 : vector<16xi1>, vector<16xf32>
        %min3A_1090 = arith.minimumf %gather3A_457, %get3A_884 : vector<16xf32>
        %max3A_1091 = arith.maximumf %gather3A_433, %get3A_878 : vector<16xf32>
        %sub3A_1092 = arith.subf %min3A_1090, %max3A_1091 : vector<16xf32>
        %max3A_1093 = arith.constant 0.000000e+00 : f32
        %max3A_1094 = vector.broadcast %max3A_1093 : f32 to vector<16xf32>
        %max3A_1095 = arith.maximumf %sub3A_1092, %max3A_1094 : vector<16xf32>
        %min3A_1096 = arith.minimumf %gather3A_469, %get3A_887 : vector<16xf32>
        %max3A_1097 = arith.maximumf %gather3A_445, %get3A_881 : vector<16xf32>
        %sub3A_1098 = arith.subf %min3A_1096, %max3A_1097 : vector<16xf32>
        %max3A_1099 = arith.constant 0.000000e+00 : f32
        %max3A_1100 = vector.broadcast %max3A_1099 : f32 to vector<16xf32>
        %max3A_1101 = arith.maximumf %sub3A_1098, %max3A_1100 : vector<16xf32>
        %mul3A_1102 = arith.mulf %max3A_1095, %max3A_1101 : vector<16xf32>
        %add3A_1103 = arith.addf %mul3A_831, %mul3A_890 : vector<16xf32>
        %sub3A_1104 = arith.subf %add3A_1103, %mul3A_1102 : vector<16xf32>
        %add3A_1105 = arith.constant 9.99999971E-10 : f32
        %add3A_1106 = vector.broadcast %add3A_1105 : f32 to vector<16xf32>
        %add3A_1107 = arith.addf %sub3A_1104, %add3A_1106 : vector<16xf32>
        %div3A_1108 = arith.divf %mul3A_1102, %add3A_1107 : vector<16xf32>
        %gt3A_1109 = arith.constant 3.000000e-01 : f32
        %gt3A_1110 = vector.broadcast %gt3A_1109 : f32 to vector<16xf32>
        %gt3A_1111 = arith.cmpf ogt, %div3A_1108, %gt3A_1110 : vector<16xf32>
        %jit3A_1112 = arith.constant 0.000000e+00 : f32
        %broadcast_in_dim3A_1113 = vector.broadcast %jit3A_1112 : f32 to vector<16xf32>
        %select_n3A_1114 = arith.select %gt3A_1111, %broadcast_in_dim3A_1113, %select_n3A_1089 : vector<16xi1>, vector<16xf32>
        %min3A_1115 = arith.minimumf %gather3A_505, %get3A_884 : vector<16xf32>
        %max3A_1116 = arith.maximumf %gather3A_481, %get3A_878 : vector<16xf32>
        %sub3A_1117 = arith.subf %min3A_1115, %max3A_1116 : vector<16xf32>
        %max3A_1118 = arith.constant 0.000000e+00 : f32
        %max3A_1119 = vector.broadcast %max3A_1118 : f32 to vector<16xf32>
        %max3A_1120 = arith.maximumf %sub3A_1117, %max3A_1119 : vector<16xf32>
        %min3A_1121 = arith.minimumf %gather3A_517, %get3A_887 : vector<16xf32>
        %max3A_1122 = arith.maximumf %gather3A_493, %get3A_881 : vector<16xf32>
        %sub3A_1123 = arith.subf %min3A_1121, %max3A_1122 : vector<16xf32>
        %max3A_1124 = arith.constant 0.000000e+00 : f32
        %max3A_1125 = vector.broadcast %max3A_1124 : f32 to vector<16xf32>
        %max3A_1126 = arith.maximumf %sub3A_1123, %max3A_1125 : vector<16xf32>
        %mul3A_1127 = arith.mulf %max3A_1120, %max3A_1126 : vector<16xf32>
        %add3A_1128 = arith.addf %mul3A_834, %mul3A_890 : vector<16xf32>
        %sub3A_1129 = arith.subf %add3A_1128, %mul3A_1127 : vector<16xf32>
        %add3A_1130 = arith.constant 9.99999971E-10 : f32
        %add3A_1131 = vector.broadcast %add3A_1130 : f32 to vector<16xf32>
        %add3A_1132 = arith.addf %sub3A_1129, %add3A_1131 : vector<16xf32>
        %div3A_1133 = arith.divf %mul3A_1127, %add3A_1132 : vector<16xf32>
        %gt3A_1134 = arith.constant 3.000000e-01 : f32
        %gt3A_1135 = vector.broadcast %gt3A_1134 : f32 to vector<16xf32>
        %gt3A_1136 = arith.cmpf ogt, %div3A_1133, %gt3A_1135 : vector<16xf32>
        %jit3A_1137 = arith.constant 0.000000e+00 : f32
        %broadcast_in_dim3A_1138 = vector.broadcast %jit3A_1137 : f32 to vector<16xf32>
        %select_n3A_1139 = arith.select %gt3A_1136, %broadcast_in_dim3A_1138, %select_n3A_1114 : vector<16xi1>, vector<16xf32>
        %min3A_1140 = arith.minimumf %gather3A_553, %get3A_884 : vector<16xf32>
        %max3A_1141 = arith.maximumf %gather3A_529, %get3A_878 : vector<16xf32>
        %sub3A_1142 = arith.subf %min3A_1140, %max3A_1141 : vector<16xf32>
        %max3A_1143 = arith.constant 0.000000e+00 : f32
        %max3A_1144 = vector.broadcast %max3A_1143 : f32 to vector<16xf32>
        %max3A_1145 = arith.maximumf %sub3A_1142, %max3A_1144 : vector<16xf32>
        %min3A_1146 = arith.minimumf %gather3A_565, %get3A_887 : vector<16xf32>
        %max3A_1147 = arith.maximumf %gather3A_541, %get3A_881 : vector<16xf32>
        %sub3A_1148 = arith.subf %min3A_1146, %max3A_1147 : vector<16xf32>
        %max3A_1149 = arith.constant 0.000000e+00 : f32
        %max3A_1150 = vector.broadcast %max3A_1149 : f32 to vector<16xf32>
        %max3A_1151 = arith.maximumf %sub3A_1148, %max3A_1150 : vector<16xf32>
        %mul3A_1152 = arith.mulf %max3A_1145, %max3A_1151 : vector<16xf32>
        %add3A_1153 = arith.addf %mul3A_837, %mul3A_890 : vector<16xf32>
        %sub3A_1154 = arith.subf %add3A_1153, %mul3A_1152 : vector<16xf32>
        %add3A_1155 = arith.constant 9.99999971E-10 : f32
        %add3A_1156 = vector.broadcast %add3A_1155 : f32 to vector<16xf32>
        %add3A_1157 = arith.addf %sub3A_1154, %add3A_1156 : vector<16xf32>
        %div3A_1158 = arith.divf %mul3A_1152, %add3A_1157 : vector<16xf32>
        %gt3A_1159 = arith.constant 3.000000e-01 : f32
        %gt3A_1160 = vector.broadcast %gt3A_1159 : f32 to vector<16xf32>
        %gt3A_1161 = arith.cmpf ogt, %div3A_1158, %gt3A_1160 : vector<16xf32>
        %jit3A_1162 = arith.constant 0.000000e+00 : f32
        %broadcast_in_dim3A_1163 = vector.broadcast %jit3A_1162 : f32 to vector<16xf32>
        %select_n3A_1164 = arith.select %gt3A_1161, %broadcast_in_dim3A_1163, %select_n3A_1139 : vector<16xi1>, vector<16xf32>
        %min3A_1165 = arith.minimumf %gather3A_601, %get3A_884 : vector<16xf32>
        %max3A_1166 = arith.maximumf %gather3A_577, %get3A_878 : vector<16xf32>
        %sub3A_1167 = arith.subf %min3A_1165, %max3A_1166 : vector<16xf32>
        %max3A_1168 = arith.constant 0.000000e+00 : f32
        %max3A_1169 = vector.broadcast %max3A_1168 : f32 to vector<16xf32>
        %max3A_1170 = arith.maximumf %sub3A_1167, %max3A_1169 : vector<16xf32>
        %min3A_1171 = arith.minimumf %gather3A_613, %get3A_887 : vector<16xf32>
        %max3A_1172 = arith.maximumf %gather3A_589, %get3A_881 : vector<16xf32>
        %sub3A_1173 = arith.subf %min3A_1171, %max3A_1172 : vector<16xf32>
        %max3A_1174 = arith.constant 0.000000e+00 : f32
        %max3A_1175 = vector.broadcast %max3A_1174 : f32 to vector<16xf32>
        %max3A_1176 = arith.maximumf %sub3A_1173, %max3A_1175 : vector<16xf32>
        %mul3A_1177 = arith.mulf %max3A_1170, %max3A_1176 : vector<16xf32>
        %add3A_1178 = arith.addf %mul3A_840, %mul3A_890 : vector<16xf32>
        %sub3A_1179 = arith.subf %add3A_1178, %mul3A_1177 : vector<16xf32>
        %add3A_1180 = arith.constant 9.99999971E-10 : f32
        %add3A_1181 = vector.broadcast %add3A_1180 : f32 to vector<16xf32>
        %add3A_1182 = arith.addf %sub3A_1179, %add3A_1181 : vector<16xf32>
        %div3A_1183 = arith.divf %mul3A_1177, %add3A_1182 : vector<16xf32>
        %gt3A_1184 = arith.constant 3.000000e-01 : f32
        %gt3A_1185 = vector.broadcast %gt3A_1184 : f32 to vector<16xf32>
        %gt3A_1186 = arith.cmpf ogt, %div3A_1183, %gt3A_1185 : vector<16xf32>
        %jit3A_1187 = arith.constant 0.000000e+00 : f32
        %broadcast_in_dim3A_1188 = vector.broadcast %jit3A_1187 : f32 to vector<16xf32>
        %select_n3A_1189 = arith.select %gt3A_1186, %broadcast_in_dim3A_1188, %select_n3A_1164 : vector<16xi1>, vector<16xf32>
        %min3A_1190 = arith.minimumf %gather3A_649, %get3A_884 : vector<16xf32>
        %max3A_1191 = arith.maximumf %gather3A_625, %get3A_878 : vector<16xf32>
        %sub3A_1192 = arith.subf %min3A_1190, %max3A_1191 : vector<16xf32>
        %max3A_1193 = arith.constant 0.000000e+00 : f32
        %max3A_1194 = vector.broadcast %max3A_1193 : f32 to vector<16xf32>
        %max3A_1195 = arith.maximumf %sub3A_1192, %max3A_1194 : vector<16xf32>
        %min3A_1196 = arith.minimumf %gather3A_661, %get3A_887 : vector<16xf32>
        %max3A_1197 = arith.maximumf %gather3A_637, %get3A_881 : vector<16xf32>
        %sub3A_1198 = arith.subf %min3A_1196, %max3A_1197 : vector<16xf32>
        %max3A_1199 = arith.constant 0.000000e+00 : f32
        %max3A_1200 = vector.broadcast %max3A_1199 : f32 to vector<16xf32>
        %max3A_1201 = arith.maximumf %sub3A_1198, %max3A_1200 : vector<16xf32>
        %mul3A_1202 = arith.mulf %max3A_1195, %max3A_1201 : vector<16xf32>
        %add3A_1203 = arith.addf %mul3A_843, %mul3A_890 : vector<16xf32>
        %sub3A_1204 = arith.subf %add3A_1203, %mul3A_1202 : vector<16xf32>
        %add3A_1205 = arith.constant 9.99999971E-10 : f32
        %add3A_1206 = vector.broadcast %add3A_1205 : f32 to vector<16xf32>
        %add3A_1207 = arith.addf %sub3A_1204, %add3A_1206 : vector<16xf32>
        %div3A_1208 = arith.divf %mul3A_1202, %add3A_1207 : vector<16xf32>
        %gt3A_1209 = arith.constant 3.000000e-01 : f32
        %gt3A_1210 = vector.broadcast %gt3A_1209 : f32 to vector<16xf32>
        %gt3A_1211 = arith.cmpf ogt, %div3A_1208, %gt3A_1210 : vector<16xf32>
        %jit3A_1212 = arith.constant 0.000000e+00 : f32
        %broadcast_in_dim3A_1213 = vector.broadcast %jit3A_1212 : f32 to vector<16xf32>
        %select_n3A_1214 = arith.select %gt3A_1211, %broadcast_in_dim3A_1213, %select_n3A_1189 : vector<16xi1>, vector<16xf32>
        %min3A_1215 = arith.minimumf %gather3A_697, %get3A_884 : vector<16xf32>
        %max3A_1216 = arith.maximumf %gather3A_673, %get3A_878 : vector<16xf32>
        %sub3A_1217 = arith.subf %min3A_1215, %max3A_1216 : vector<16xf32>
        %max3A_1218 = arith.constant 0.000000e+00 : f32
        %max3A_1219 = vector.broadcast %max3A_1218 : f32 to vector<16xf32>
        %max3A_1220 = arith.maximumf %sub3A_1217, %max3A_1219 : vector<16xf32>
        %min3A_1221 = arith.minimumf %gather3A_709, %get3A_887 : vector<16xf32>
        %max3A_1222 = arith.maximumf %gather3A_685, %get3A_881 : vector<16xf32>
        %sub3A_1223 = arith.subf %min3A_1221, %max3A_1222 : vector<16xf32>
        %max3A_1224 = arith.constant 0.000000e+00 : f32
        %max3A_1225 = vector.broadcast %max3A_1224 : f32 to vector<16xf32>
        %max3A_1226 = arith.maximumf %sub3A_1223, %max3A_1225 : vector<16xf32>
        %mul3A_1227 = arith.mulf %max3A_1220, %max3A_1226 : vector<16xf32>
        %add3A_1228 = arith.addf %mul3A_846, %mul3A_890 : vector<16xf32>
        %sub3A_1229 = arith.subf %add3A_1228, %mul3A_1227 : vector<16xf32>
        %add3A_1230 = arith.constant 9.99999971E-10 : f32
        %add3A_1231 = vector.broadcast %add3A_1230 : f32 to vector<16xf32>
        %add3A_1232 = arith.addf %sub3A_1229, %add3A_1231 : vector<16xf32>
        %div3A_1233 = arith.divf %mul3A_1227, %add3A_1232 : vector<16xf32>
        %gt3A_1234 = arith.constant 3.000000e-01 : f32
        %gt3A_1235 = vector.broadcast %gt3A_1234 : f32 to vector<16xf32>
        %gt3A_1236 = arith.cmpf ogt, %div3A_1233, %gt3A_1235 : vector<16xf32>
        %jit3A_1237 = arith.constant 0.000000e+00 : f32
        %broadcast_in_dim3A_1238 = vector.broadcast %jit3A_1237 : f32 to vector<16xf32>
        %select_n3A_1239 = arith.select %gt3A_1236, %broadcast_in_dim3A_1238, %select_n3A_1214 : vector<16xi1>, vector<16xf32>
        %min3A_1240 = arith.minimumf %gather3A_745, %get3A_884 : vector<16xf32>
        %max3A_1241 = arith.maximumf %gather3A_721, %get3A_878 : vector<16xf32>
        %sub3A_1242 = arith.subf %min3A_1240, %max3A_1241 : vector<16xf32>
        %max3A_1243 = arith.constant 0.000000e+00 : f32
        %max3A_1244 = vector.broadcast %max3A_1243 : f32 to vector<16xf32>
        %max3A_1245 = arith.maximumf %sub3A_1242, %max3A_1244 : vector<16xf32>
        %min3A_1246 = arith.minimumf %gather3A_757, %get3A_887 : vector<16xf32>
        %max3A_1247 = arith.maximumf %gather3A_733, %get3A_881 : vector<16xf32>
        %sub3A_1248 = arith.subf %min3A_1246, %max3A_1247 : vector<16xf32>
        %max3A_1249 = arith.constant 0.000000e+00 : f32
        %max3A_1250 = vector.broadcast %max3A_1249 : f32 to vector<16xf32>
        %max3A_1251 = arith.maximumf %sub3A_1248, %max3A_1250 : vector<16xf32>
        %mul3A_1252 = arith.mulf %max3A_1245, %max3A_1251 : vector<16xf32>
        %add3A_1253 = arith.addf %mul3A_849, %mul3A_890 : vector<16xf32>
        %sub3A_1254 = arith.subf %add3A_1253, %mul3A_1252 : vector<16xf32>
        %add3A_1255 = arith.constant 9.99999971E-10 : f32
        %add3A_1256 = vector.broadcast %add3A_1255 : f32 to vector<16xf32>
        %add3A_1257 = arith.addf %sub3A_1254, %add3A_1256 : vector<16xf32>
        %div3A_1258 = arith.divf %mul3A_1252, %add3A_1257 : vector<16xf32>
        %gt3A_1259 = arith.constant 3.000000e-01 : f32
        %gt3A_1260 = vector.broadcast %gt3A_1259 : f32 to vector<16xf32>
        %gt3A_1261 = arith.cmpf ogt, %div3A_1258, %gt3A_1260 : vector<16xf32>
        %jit3A_1262 = arith.constant 0.000000e+00 : f32
        %broadcast_in_dim3A_1263 = vector.broadcast %jit3A_1262 : f32 to vector<16xf32>
        %select_n3A_1264 = arith.select %gt3A_1261, %broadcast_in_dim3A_1263, %select_n3A_1239 : vector<16xi1>, vector<16xf32>
        %min3A_1265 = arith.minimumf %gather3A_793, %get3A_884 : vector<16xf32>
        %max3A_1266 = arith.maximumf %gather3A_769, %get3A_878 : vector<16xf32>
        %sub3A_1267 = arith.subf %min3A_1265, %max3A_1266 : vector<16xf32>
        %max3A_1268 = arith.constant 0.000000e+00 : f32
        %max3A_1269 = vector.broadcast %max3A_1268 : f32 to vector<16xf32>
        %max3A_1270 = arith.maximumf %sub3A_1267, %max3A_1269 : vector<16xf32>
        %min3A_1271 = arith.minimumf %gather3A_805, %get3A_887 : vector<16xf32>
        %max3A_1272 = arith.maximumf %gather3A_781, %get3A_881 : vector<16xf32>
        %sub3A_1273 = arith.subf %min3A_1271, %max3A_1272 : vector<16xf32>
        %max3A_1274 = arith.constant 0.000000e+00 : f32
        %max3A_1275 = vector.broadcast %max3A_1274 : f32 to vector<16xf32>
        %max3A_1276 = arith.maximumf %sub3A_1273, %max3A_1275 : vector<16xf32>
        %mul3A_1277 = arith.mulf %max3A_1270, %max3A_1276 : vector<16xf32>
        %add3A_1278 = arith.addf %mul3A_852, %mul3A_890 : vector<16xf32>
        %sub3A_1279 = arith.subf %add3A_1278, %mul3A_1277 : vector<16xf32>
        %add3A_1280 = arith.constant 9.99999971E-10 : f32
        %add3A_1281 = vector.broadcast %add3A_1280 : f32 to vector<16xf32>
        %add3A_1282 = arith.addf %sub3A_1279, %add3A_1281 : vector<16xf32>
        %div3A_1283 = arith.divf %mul3A_1277, %add3A_1282 : vector<16xf32>
        %gt3A_1284 = arith.constant 3.000000e-01 : f32
        %gt3A_1285 = vector.broadcast %gt3A_1284 : f32 to vector<16xf32>
        %gt3A_1286 = arith.cmpf ogt, %div3A_1283, %gt3A_1285 : vector<16xf32>
        %jit3A_1287 = arith.constant 0.000000e+00 : f32
        %broadcast_in_dim3A_1288 = vector.broadcast %jit3A_1287 : f32 to vector<16xf32>
        %select_n3A_1289 = arith.select %gt3A_1286, %broadcast_in_dim3A_1288, %select_n3A_1264 : vector<16xi1>, vector<16xf32>
        %swap3A = arith.index_cast %mul3A_875 : i32 to index
        %swap3A_1290 = tpu.vector_load %arg13[%swap3A] {strides = array<i32>} : memref<5120xf32, #tpu.memory_space<vmem>>, vector<16xf32>,
        %swap3A_1291 = vector.shape_cast %swap3A_1290 : vector<16xf32> to vector<16xf32>
        %swap3A_1292 = vector.shape_cast %select_n3A_1289 : vector<16xf32> to vector<16xf32>
        tpu.vector_store %arg13[%swap3A], %swap3A_1292 {strides = array<i32>} : memref<5120xf32, #tpu.memory_space<vmem>>, vector<16xf32>,
        %while3A_1293 = arith.constant 0 : i32
        scf.yield %while3A_1293 : i32
      }
      %while3A_866 = arith.constant 1 : i32
      %while3A_867 = scf.for %while3A_869 = %while3A_863 to %while3A_859 step %while3A_866 iter_args(%while3A_870 = %while3A_865) -> (i32)  : i32 {
        %mul3A_871 = arith.constant 16 : i32
        %mul3A_872 = arith.muli %while3A_869, %mul3A_871 : i32
        %add3A_873 = arith.addi %mul3A_872, %arg1 : i32
        %mul3A_874 = arith.constant 16 : i32
        %mul3A_875 = arith.muli %add3A_873, %mul3A_874 : i32
        %get3A_876 = arith.index_cast %mul3A_875 : i32 to index
        %get3A_877 = tpu.vector_load %arg8[%get3A_876] {strides = array<i32>} : memref<5120xf32, #tpu.memory_space<vmem>>, vector<16xf32>,
        %get3A_878 = vector.shape_cast %get3A_877 : vector<16xf32> to vector<16xf32>
        %get3A_879 = arith.index_cast %mul3A_875 : i32 to index
        %get3A_880 = tpu.vector_load %arg9[%get3A_879] {strides = array<i32>} : memref<5120xf32, #tpu.memory_space<vmem>>, vector<16xf32>,
        %get3A_881 = vector.shape_cast %get3A_880 : vector<16xf32> to vector<16xf32>
        %get3A_882 = arith.index_cast %mul3A_875 : i32 to index
        %get3A_883 = tpu.vector_load %arg10[%get3A_882] {strides = array<i32>} : memref<5120xf32, #tpu.memory_space<vmem>>, vector<16xf32>,
        %get3A_884 = vector.shape_cast %get3A_883 : vector<16xf32> to vector<16xf32>
        %get3A_885 = arith.index_cast %mul3A_875 : i32 to index
        %get3A_886 = tpu.vector_load %arg11[%get3A_885] {strides = array<i32>} : memref<5120xf32, #tpu.memory_space<vmem>>, vector<16xf32>,
        %get3A_887 = vector.shape_cast %get3A_886 : vector<16xf32> to vector<16xf32>
        %sub3A_888 = arith.subf %get3A_884, %get3A_878 : vector<16xf32>
        %sub3A_889 = arith.subf %get3A_887, %get3A_881 : vector<16xf32>
        %mul3A_890 = arith.mulf %sub3A_888, %sub3A_889 : vector<16xf32>
        %get3A_891 = arith.index_cast %mul3A_875 : i32 to index
        %get3A_892 = tpu.vector_load %arg13[%get3A_891] {strides = array<i32>} : memref<5120xf32, #tpu.memory_space<vmem>>, vector<16xf32>,
        %get3A_893 = vector.shape_cast %get3A_892 : vector<16xf32> to vector<16xf32>
        %min3A = arith.minimumf %gather3A_73, %get3A_884 : vector<16xf32>
        %max3A = arith.maximumf %gather3A_49, %get3A_878 : vector<16xf32>
        %sub3A_894 = arith.subf %min3A, %max3A : vector<16xf32>
        %max3A_895 = arith.constant 0.000000e+00 : f32
        %max3A_896 = vector.broadcast %max3A_895 : f32 to vector<16xf32>
        %max3A_897 = arith.maximumf %sub3A_894, %max3A_896 : vector<16xf32>
        %min3A_898 = arith.minimumf %gather3A_85, %get3A_887 : vector<16xf32>
        %max3A_899 = arith.maximumf %gather3A_61, %get3A_881 : vector<16xf32>
        %sub3A_900 = arith.subf %min3A_898, %max3A_899 : vector<16xf32>
        %max3A_901 = arith.constant 0.000000e+00 : f32
        %max3A_902 = vector.broadcast %max3A_901 : f32 to vector<16xf32>
        %max3A_903 = arith.maximumf %sub3A_900, %max3A_902 : vector<16xf32>
        %mul3A_904 = arith.mulf %max3A_897, %max3A_903 : vector<16xf32>
        %add3A_905 = arith.addf %mul3A_807, %mul3A_890 : vector<16xf32>
        %sub3A_906 = arith.subf %add3A_905, %mul3A_904 : vector<16xf32>
        %add3A_907 = arith.constant 9.99999971E-10 : f32
        %add3A_908 = vector.broadcast %add3A_907 : f32 to vector<16xf32>
        %add3A_909 = arith.addf %sub3A_906, %add3A_908 : vector<16xf32>
        %div3A_910 = arith.divf %mul3A_904, %add3A_909 : vector<16xf32>
        %gt3A = arith.constant 3.000000e-01 : f32
        %gt3A_911 = vector.broadcast %gt3A : f32 to vector<16xf32>
        %gt3A_912 = arith.cmpf ogt, %div3A_910, %gt3A_911 : vector<16xf32>
        %jit3A = arith.constant 0.000000e+00 : f32
        %broadcast_in_dim3A_913 = vector.broadcast %jit3A : f32 to vector<16xf32>
        %select_n3A_914 = arith.select %gt3A_912, %broadcast_in_dim3A_913, %get3A_893 : vector<16xi1>, vector<16xf32>
        %min3A_915 = arith.minimumf %gather3A_121, %get3A_884 : vector<16xf32>
        %max3A_916 = arith.maximumf %gather3A_97, %get3A_878 : vector<16xf32>
        %sub3A_917 = arith.subf %min3A_915, %max3A_916 : vector<16xf32>
        %max3A_918 = arith.constant 0.000000e+00 : f32
        %max3A_919 = vector.broadcast %max3A_918 : f32 to vector<16xf32>
        %max3A_920 = arith.maximumf %sub3A_917, %max3A_919 : vector<16xf32>
        %min3A_921 = arith.minimumf %gather3A_133, %get3A_887 : vector<16xf32>
        %max3A_922 = arith.maximumf %gather3A_109, %get3A_881 : vector<16xf32>
        %sub3A_923 = arith.subf %min3A_921, %max3A_922 : vector<16xf32>
        %max3A_924 = arith.constant 0.000000e+00 : f32
        %max3A_925 = vector.broadcast %max3A_924 : f32 to vector<16xf32>
        %max3A_926 = arith.maximumf %sub3A_923, %max3A_925 : vector<16xf32>
        %mul3A_927 = arith.mulf %max3A_920, %max3A_926 : vector<16xf32>
        %add3A_928 = arith.addf %mul3A_810, %mul3A_890 : vector<16xf32>
        %sub3A_929 = arith.subf %add3A_928, %mul3A_927 : vector<16xf32>
        %add3A_930 = arith.constant 9.99999971E-10 : f32
        %add3A_931 = vector.broadcast %add3A_930 : f32 to vector<16xf32>
        %add3A_932 = arith.addf %sub3A_929, %add3A_931 : vector<16xf32>
        %div3A_933 = arith.divf %mul3A_927, %add3A_932 : vector<16xf32>
        %gt3A_934 = arith.constant 3.000000e-01 : f32
        %gt3A_935 = vector.broadcast %gt3A_934 : f32 to vector<16xf32>
        %gt3A_936 = arith.cmpf ogt, %div3A_933, %gt3A_935 : vector<16xf32>
        %jit3A_937 = arith.constant 0.000000e+00 : f32
        %broadcast_in_dim3A_938 = vector.broadcast %jit3A_937 : f32 to vector<16xf32>
        %select_n3A_939 = arith.select %gt3A_936, %broadcast_in_dim3A_938, %select_n3A_914 : vector<16xi1>, vector<16xf32>
        %min3A_940 = arith.minimumf %gather3A_169, %get3A_884 : vector<16xf32>
        %max3A_941 = arith.maximumf %gather3A_145, %get3A_878 : vector<16xf32>
        %sub3A_942 = arith.subf %min3A_940, %max3A_941 : vector<16xf32>
        %max3A_943 = arith.constant 0.000000e+00 : f32
        %max3A_944 = vector.broadcast %max3A_943 : f32 to vector<16xf32>
        %max3A_945 = arith.maximumf %sub3A_942, %max3A_944 : vector<16xf32>
        %min3A_946 = arith.minimumf %gather3A_181, %get3A_887 : vector<16xf32>
        %max3A_947 = arith.maximumf %gather3A_157, %get3A_881 : vector<16xf32>
        %sub3A_948 = arith.subf %min3A_946, %max3A_947 : vector<16xf32>
        %max3A_949 = arith.constant 0.000000e+00 : f32
        %max3A_950 = vector.broadcast %max3A_949 : f32 to vector<16xf32>
        %max3A_951 = arith.maximumf %sub3A_948, %max3A_950 : vector<16xf32>
        %mul3A_952 = arith.mulf %max3A_945, %max3A_951 : vector<16xf32>
        %add3A_953 = arith.addf %mul3A_813, %mul3A_890 : vector<16xf32>
        %sub3A_954 = arith.subf %add3A_953, %mul3A_952 : vector<16xf32>
        %add3A_955 = arith.constant 9.99999971E-10 : f32
        %add3A_956 = vector.broadcast %add3A_955 : f32 to vector<16xf32>
        %add3A_957 = arith.addf %sub3A_954, %add3A_956 : vector<16xf32>
        %div3A_958 = arith.divf %mul3A_952, %add3A_957 : vector<16xf32>
        %gt3A_959 = arith.constant 3.000000e-01 : f32
        %gt3A_960 = vector.broadcast %gt3A_959 : f32 to vector<16xf32>
        %gt3A_961 = arith.cmpf ogt, %div3A_958, %gt3A_960 : vector<16xf32>
        %jit3A_962 = arith.constant 0.000000e+00 : f32
        %broadcast_in_dim3A_963 = vector.broadcast %jit3A_962 : f32 to vector<16xf32>
        %select_n3A_964 = arith.select %gt3A_961, %broadcast_in_dim3A_963, %select_n3A_939 : vector<16xi1>, vector<16xf32>
        %min3A_965 = arith.minimumf %gather3A_217, %get3A_884 : vector<16xf32>
        %max3A_966 = arith.maximumf %gather3A_193, %get3A_878 : vector<16xf32>
        %sub3A_967 = arith.subf %min3A_965, %max3A_966 : vector<16xf32>
        %max3A_968 = arith.constant 0.000000e+00 : f32
        %max3A_969 = vector.broadcast %max3A_968 : f32 to vector<16xf32>
        %max3A_970 = arith.maximumf %sub3A_967, %max3A_969 : vector<16xf32>
        %min3A_971 = arith.minimumf %gather3A_229, %get3A_887 : vector<16xf32>
        %max3A_972 = arith.maximumf %gather3A_205, %get3A_881 : vector<16xf32>
        %sub3A_973 = arith.subf %min3A_971, %max3A_972 : vector<16xf32>
        %max3A_974 = arith.constant 0.000000e+00 : f32
        %max3A_975 = vector.broadcast %max3A_974 : f32 to vector<16xf32>
        %max3A_976 = arith.maximumf %sub3A_973, %max3A_975 : vector<16xf32>
        %mul3A_977 = arith.mulf %max3A_970, %max3A_976 : vector<16xf32>
        %add3A_978 = arith.addf %mul3A_816, %mul3A_890 : vector<16xf32>
        %sub3A_979 = arith.subf %add3A_978, %mul3A_977 : vector<16xf32>
        %add3A_980 = arith.constant 9.99999971E-10 : f32
        %add3A_981 = vector.broadcast %add3A_980 : f32 to vector<16xf32>
        %add3A_982 = arith.addf %sub3A_979, %add3A_981 : vector<16xf32>
        %div3A_983 = arith.divf %mul3A_977, %add3A_982 : vector<16xf32>
        %gt3A_984 = arith.constant 3.000000e-01 : f32
        %gt3A_985 = vector.broadcast %gt3A_984 : f32 to vector<16xf32>
        %gt3A_986 = arith.cmpf ogt, %div3A_983, %gt3A_985 : vector<16xf32>
        %jit3A_987 = arith.constant 0.000000e+00 : f32
        %broadcast_in_dim3A_988 = vector.broadcast %jit3A_987 : f32 to vector<16xf32>
        %select_n3A_989 = arith.select %gt3A_986, %broadcast_in_dim3A_988, %select_n3A_964 : vector<16xi1>, vector<16xf32>
        %min3A_990 = arith.minimumf %gather3A_265, %get3A_884 : vector<16xf32>
        %max3A_991 = arith.maximumf %gather3A_241, %get3A_878 : vector<16xf32>
        %sub3A_992 = arith.subf %min3A_990, %max3A_991 : vector<16xf32>
        %max3A_993 = arith.constant 0.000000e+00 : f32
        %max3A_994 = vector.broadcast %max3A_993 : f32 to vector<16xf32>
        %max3A_995 = arith.maximumf %sub3A_992, %max3A_994 : vector<16xf32>
        %min3A_996 = arith.minimumf %gather3A_277, %get3A_887 : vector<16xf32>
        %max3A_997 = arith.maximumf %gather3A_253, %get3A_881 : vector<16xf32>
        %sub3A_998 = arith.subf %min3A_996, %max3A_997 : vector<16xf32>
        %max3A_999 = arith.constant 0.000000e+00 : f32
        %max3A_1000 = vector.broadcast %max3A_999 : f32 to vector<16xf32>
        %max3A_1001 = arith.maximumf %sub3A_998, %max3A_1000 : vector<16xf32>
        %mul3A_1002 = arith.mulf %max3A_995, %max3A_1001 : vector<16xf32>
        %add3A_1003 = arith.addf %mul3A_819, %mul3A_890 : vector<16xf32>
        %sub3A_1004 = arith.subf %add3A_1003, %mul3A_1002 : vector<16xf32>
        %add3A_1005 = arith.constant 9.99999971E-10 : f32
        %add3A_1006 = vector.broadcast %add3A_1005 : f32 to vector<16xf32>
        %add3A_1007 = arith.addf %sub3A_1004, %add3A_1006 : vector<16xf32>
        %div3A_1008 = arith.divf %mul3A_1002, %add3A_1007 : vector<16xf32>
        %gt3A_1009 = arith.constant 3.000000e-01 : f32
        %gt3A_1010 = vector.broadcast %gt3A_1009 : f32 to vector<16xf32>
        %gt3A_1011 = arith.cmpf ogt, %div3A_1008, %gt3A_1010 : vector<16xf32>
        %jit3A_1012 = arith.constant 0.000000e+00 : f32
        %broadcast_in_dim3A_1013 = vector.broadcast %jit3A_1012 : f32 to vector<16xf32>
        %select_n3A_1014 = arith.select %gt3A_1011, %broadcast_in_dim3A_1013, %select_n3A_989 : vector<16xi1>, vector<16xf32>
        %min3A_1015 = arith.minimumf %gather3A_313, %get3A_884 : vector<16xf32>
        %max3A_1016 = arith.maximumf %gather3A_289, %get3A_878 : vector<16xf32>
        %sub3A_1017 = arith.subf %min3A_1015, %max3A_1016 : vector<16xf32>
        %max3A_1018 = arith.constant 0.000000e+00 : f32
        %max3A_1019 = vector.broadcast %max3A_1018 : f32 to vector<16xf32>
        %max3A_1020 = arith.maximumf %sub3A_1017, %max3A_1019 : vector<16xf32>
        %min3A_1021 = arith.minimumf %gather3A_325, %get3A_887 : vector<16xf32>
        %max3A_1022 = arith.maximumf %gather3A_301, %get3A_881 : vector<16xf32>
        %sub3A_1023 = arith.subf %min3A_1021, %max3A_1022 : vector<16xf32>
        %max3A_1024 = arith.constant 0.000000e+00 : f32
        %max3A_1025 = vector.broadcast %max3A_1024 : f32 to vector<16xf32>
        %max3A_1026 = arith.maximumf %sub3A_1023, %max3A_1025 : vector<16xf32>
        %mul3A_1027 = arith.mulf %max3A_1020, %max3A_1026 : vector<16xf32>
        %add3A_1028 = arith.addf %mul3A_822, %mul3A_890 : vector<16xf32>
        %sub3A_1029 = arith.subf %add3A_1028, %mul3A_1027 : vector<16xf32>
        %add3A_1030 = arith.constant 9.99999971E-10 : f32
        %add3A_1031 = vector.broadcast %add3A_1030 : f32 to vector<16xf32>
        %add3A_1032 = arith.addf %sub3A_1029, %add3A_1031 : vector<16xf32>
        %div3A_1033 = arith.divf %mul3A_1027, %add3A_1032 : vector<16xf32>
        %gt3A_1034 = arith.constant 3.000000e-01 : f32
        %gt3A_1035 = vector.broadcast %gt3A_1034 : f32 to vector<16xf32>
        %gt3A_1036 = arith.cmpf ogt, %div3A_1033, %gt3A_1035 : vector<16xf32>
        %jit3A_1037 = arith.constant 0.000000e+00 : f32
        %broadcast_in_dim3A_1038 = vector.broadcast %jit3A_1037 : f32 to vector<16xf32>
        %select_n3A_1039 = arith.select %gt3A_1036, %broadcast_in_dim3A_1038, %select_n3A_1014 : vector<16xi1>, vector<16xf32>
        %min3A_1040 = arith.minimumf %gather3A_361, %get3A_884 : vector<16xf32>
        %max3A_1041 = arith.maximumf %gather3A_337, %get3A_878 : vector<16xf32>
        %sub3A_1042 = arith.subf %min3A_1040, %max3A_1041 : vector<16xf32>
        %max3A_1043 = arith.constant 0.000000e+00 : f32
        %max3A_1044 = vector.broadcast %max3A_1043 : f32 to vector<16xf32>
        %max3A_1045 = arith.maximumf %sub3A_1042, %max3A_1044 : vector<16xf32>
        %min3A_1046 = arith.minimumf %gather3A_373, %get3A_887 : vector<16xf32>
        %max3A_1047 = arith.maximumf %gather3A_349, %get3A_881 : vector<16xf32>
        %sub3A_1048 = arith.subf %min3A_1046, %max3A_1047 : vector<16xf32>
        %max3A_1049 = arith.constant 0.000000e+00 : f32
        %max3A_1050 = vector.broadcast %max3A_1049 : f32 to vector<16xf32>
        %max3A_1051 = arith.maximumf %sub3A_1048, %max3A_1050 : vector<16xf32>
        %mul3A_1052 = arith.mulf %max3A_1045, %max3A_1051 : vector<16xf32>
        %add3A_1053 = arith.addf %mul3A_825, %mul3A_890 : vector<16xf32>
        %sub3A_1054 = arith.subf %add3A_1053, %mul3A_1052 : vector<16xf32>
        %add3A_1055 = arith.constant 9.99999971E-10 : f32
        %add3A_1056 = vector.broadcast %add3A_1055 : f32 to vector<16xf32>
        %add3A_1057 = arith.addf %sub3A_1054, %add3A_1056 : vector<16xf32>
        %div3A_1058 = arith.divf %mul3A_1052, %add3A_1057 : vector<16xf32>
        %gt3A_1059 = arith.constant 3.000000e-01 : f32
        %gt3A_1060 = vector.broadcast %gt3A_1059 : f32 to vector<16xf32>
        %gt3A_1061 = arith.cmpf ogt, %div3A_1058, %gt3A_1060 : vector<16xf32>
        %jit3A_1062 = arith.constant 0.000000e+00 : f32
        %broadcast_in_dim3A_1063 = vector.broadcast %jit3A_1062 : f32 to vector<16xf32>
        %select_n3A_1064 = arith.select %gt3A_1061, %broadcast_in_dim3A_1063, %select_n3A_1039 : vector<16xi1>, vector<16xf32>
        %min3A_1065 = arith.minimumf %gather3A_409, %get3A_884 : vector<16xf32>
        %max3A_1066 = arith.maximumf %gather3A_385, %get3A_878 : vector<16xf32>
        %sub3A_1067 = arith.subf %min3A_1065, %max3A_1066 : vector<16xf32>
        %max3A_1068 = arith.constant 0.000000e+00 : f32
        %max3A_1069 = vector.broadcast %max3A_1068 : f32 to vector<16xf32>
        %max3A_1070 = arith.maximumf %sub3A_1067, %max3A_1069 : vector<16xf32>
        %min3A_1071 = arith.minimumf %gather3A_421, %get3A_887 : vector<16xf32>
        %max3A_1072 = arith.maximumf %gather3A_397, %get3A_881 : vector<16xf32>
        %sub3A_1073 = arith.subf %min3A_1071, %max3A_1072 : vector<16xf32>
        %max3A_1074 = arith.constant 0.000000e+00 : f32
        %max3A_1075 = vector.broadcast %max3A_1074 : f32 to vector<16xf32>
        %max3A_1076 = arith.maximumf %sub3A_1073, %max3A_1075 : vector<16xf32>
        %mul3A_1077 = arith.mulf %max3A_1070, %max3A_1076 : vector<16xf32>
        %add3A_1078 = arith.addf %mul3A_828, %mul3A_890 : vector<16xf32>
        %sub3A_1079 = arith.subf %add3A_1078, %mul3A_1077 : vector<16xf32>
        %add3A_1080 = arith.constant 9.99999971E-10 : f32
        %add3A_1081 = vector.broadcast %add3A_1080 : f32 to vector<16xf32>
        %add3A_1082 = arith.addf %sub3A_1079, %add3A_1081 : vector<16xf32>
        %div3A_1083 = arith.divf %mul3A_1077, %add3A_1082 : vector<16xf32>
        %gt3A_1084 = arith.constant 3.000000e-01 : f32
        %gt3A_1085 = vector.broadcast %gt3A_1084 : f32 to vector<16xf32>
        %gt3A_1086 = arith.cmpf ogt, %div3A_1083, %gt3A_1085 : vector<16xf32>
        %jit3A_1087 = arith.constant 0.000000e+00 : f32
        %broadcast_in_dim3A_1088 = vector.broadcast %jit3A_1087 : f32 to vector<16xf32>
        %select_n3A_1089 = arith.select %gt3A_1086, %broadcast_in_dim3A_1088, %select_n3A_1064 : vector<16xi1>, vector<16xf32>
        %min3A_1090 = arith.minimumf %gather3A_457, %get3A_884 : vector<16xf32>
        %max3A_1091 = arith.maximumf %gather3A_433, %get3A_878 : vector<16xf32>
        %sub3A_1092 = arith.subf %min3A_1090, %max3A_1091 : vector<16xf32>
        %max3A_1093 = arith.constant 0.000000e+00 : f32
        %max3A_1094 = vector.broadcast %max3A_1093 : f32 to vector<16xf32>
        %max3A_1095 = arith.maximumf %sub3A_1092, %max3A_1094 : vector<16xf32>
        %min3A_1096 = arith.minimumf %gather3A_469, %get3A_887 : vector<16xf32>
        %max3A_1097 = arith.maximumf %gather3A_445, %get3A_881 : vector<16xf32>
        %sub3A_1098 = arith.subf %min3A_1096, %max3A_1097 : vector<16xf32>
        %max3A_1099 = arith.constant 0.000000e+00 : f32
        %max3A_1100 = vector.broadcast %max3A_1099 : f32 to vector<16xf32>
        %max3A_1101 = arith.maximumf %sub3A_1098, %max3A_1100 : vector<16xf32>
        %mul3A_1102 = arith.mulf %max3A_1095, %max3A_1101 : vector<16xf32>
        %add3A_1103 = arith.addf %mul3A_831, %mul3A_890 : vector<16xf32>
        %sub3A_1104 = arith.subf %add3A_1103, %mul3A_1102 : vector<16xf32>
        %add3A_1105 = arith.constant 9.99999971E-10 : f32
        %add3A_1106 = vector.broadcast %add3A_1105 : f32 to vector<16xf32>
        %add3A_1107 = arith.addf %sub3A_1104, %add3A_1106 : vector<16xf32>
        %div3A_1108 = arith.divf %mul3A_1102, %add3A_1107 : vector<16xf32>
        %gt3A_1109 = arith.constant 3.000000e-01 : f32
        %gt3A_1110 = vector.broadcast %gt3A_1109 : f32 to vector<16xf32>
        %gt3A_1111 = arith.cmpf ogt, %div3A_1108, %gt3A_1110 : vector<16xf32>
        %jit3A_1112 = arith.constant 0.000000e+00 : f32
        %broadcast_in_dim3A_1113 = vector.broadcast %jit3A_1112 : f32 to vector<16xf32>
        %select_n3A_1114 = arith.select %gt3A_1111, %broadcast_in_dim3A_1113, %select_n3A_1089 : vector<16xi1>, vector<16xf32>
        %min3A_1115 = arith.minimumf %gather3A_505, %get3A_884 : vector<16xf32>
        %max3A_1116 = arith.maximumf %gather3A_481, %get3A_878 : vector<16xf32>
        %sub3A_1117 = arith.subf %min3A_1115, %max3A_1116 : vector<16xf32>
        %max3A_1118 = arith.constant 0.000000e+00 : f32
        %max3A_1119 = vector.broadcast %max3A_1118 : f32 to vector<16xf32>
        %max3A_1120 = arith.maximumf %sub3A_1117, %max3A_1119 : vector<16xf32>
        %min3A_1121 = arith.minimumf %gather3A_517, %get3A_887 : vector<16xf32>
        %max3A_1122 = arith.maximumf %gather3A_493, %get3A_881 : vector<16xf32>
        %sub3A_1123 = arith.subf %min3A_1121, %max3A_1122 : vector<16xf32>
        %max3A_1124 = arith.constant 0.000000e+00 : f32
        %max3A_1125 = vector.broadcast %max3A_1124 : f32 to vector<16xf32>
        %max3A_1126 = arith.maximumf %sub3A_1123, %max3A_1125 : vector<16xf32>
        %mul3A_1127 = arith.mulf %max3A_1120, %max3A_1126 : vector<16xf32>
        %add3A_1128 = arith.addf %mul3A_834, %mul3A_890 : vector<16xf32>
        %sub3A_1129 = arith.subf %add3A_1128, %mul3A_1127 : vector<16xf32>
        %add3A_1130 = arith.constant 9.99999971E-10 : f32
        %add3A_1131 = vector.broadcast %add3A_1130 : f32 to vector<16xf32>
        %add3A_1132 = arith.addf %sub3A_1129, %add3A_1131 : vector<16xf32>
        %div3A_1133 = arith.divf %mul3A_1127, %add3A_1132 : vector<16xf32>
        %gt3A_1134 = arith.constant 3.000000e-01 : f32
        %gt3A_1135 = vector.broadcast %gt3A_1134 : f32 to vector<16xf32>
        %gt3A_1136 = arith.cmpf ogt, %div3A_1133, %gt3A_1135 : vector<16xf32>
        %jit3A_1137 = arith.constant 0.000000e+00 : f32
        %broadcast_in_dim3A_1138 = vector.broadcast %jit3A_1137 : f32 to vector<16xf32>
        %select_n3A_1139 = arith.select %gt3A_1136, %broadcast_in_dim3A_1138, %select_n3A_1114 : vector<16xi1>, vector<16xf32>
        %min3A_1140 = arith.minimumf %gather3A_553, %get3A_884 : vector<16xf32>
        %max3A_1141 = arith.maximumf %gather3A_529, %get3A_878 : vector<16xf32>
        %sub3A_1142 = arith.subf %min3A_1140, %max3A_1141 : vector<16xf32>
        %max3A_1143 = arith.constant 0.000000e+00 : f32
        %max3A_1144 = vector.broadcast %max3A_1143 : f32 to vector<16xf32>
        %max3A_1145 = arith.maximumf %sub3A_1142, %max3A_1144 : vector<16xf32>
        %min3A_1146 = arith.minimumf %gather3A_565, %get3A_887 : vector<16xf32>
        %max3A_1147 = arith.maximumf %gather3A_541, %get3A_881 : vector<16xf32>
        %sub3A_1148 = arith.subf %min3A_1146, %max3A_1147 : vector<16xf32>
        %max3A_1149 = arith.constant 0.000000e+00 : f32
        %max3A_1150 = vector.broadcast %max3A_1149 : f32 to vector<16xf32>
        %max3A_1151 = arith.maximumf %sub3A_1148, %max3A_1150 : vector<16xf32>
        %mul3A_1152 = arith.mulf %max3A_1145, %max3A_1151 : vector<16xf32>
        %add3A_1153 = arith.addf %mul3A_837, %mul3A_890 : vector<16xf32>
        %sub3A_1154 = arith.subf %add3A_1153, %mul3A_1152 : vector<16xf32>
        %add3A_1155 = arith.constant 9.99999971E-10 : f32
        %add3A_1156 = vector.broadcast %add3A_1155 : f32 to vector<16xf32>
        %add3A_1157 = arith.addf %sub3A_1154, %add3A_1156 : vector<16xf32>
        %div3A_1158 = arith.divf %mul3A_1152, %add3A_1157 : vector<16xf32>
        %gt3A_1159 = arith.constant 3.000000e-01 : f32
        %gt3A_1160 = vector.broadcast %gt3A_1159 : f32 to vector<16xf32>
        %gt3A_1161 = arith.cmpf ogt, %div3A_1158, %gt3A_1160 : vector<16xf32>
        %jit3A_1162 = arith.constant 0.000000e+00 : f32
        %broadcast_in_dim3A_1163 = vector.broadcast %jit3A_1162 : f32 to vector<16xf32>
        %select_n3A_1164 = arith.select %gt3A_1161, %broadcast_in_dim3A_1163, %select_n3A_1139 : vector<16xi1>, vector<16xf32>
        %min3A_1165 = arith.minimumf %gather3A_601, %get3A_884 : vector<16xf32>
        %max3A_1166 = arith.maximumf %gather3A_577, %get3A_878 : vector<16xf32>
        %sub3A_1167 = arith.subf %min3A_1165, %max3A_1166 : vector<16xf32>
        %max3A_1168 = arith.constant 0.000000e+00 : f32
        %max3A_1169 = vector.broadcast %max3A_1168 : f32 to vector<16xf32>
        %max3A_1170 = arith.maximumf %sub3A_1167, %max3A_1169 : vector<16xf32>
        %min3A_1171 = arith.minimumf %gather3A_613, %get3A_887 : vector<16xf32>
        %max3A_1172 = arith.maximumf %gather3A_589, %get3A_881 : vector<16xf32>
        %sub3A_1173 = arith.subf %min3A_1171, %max3A_1172 : vector<16xf32>
        %max3A_1174 = arith.constant 0.000000e+00 : f32
        %max3A_1175 = vector.broadcast %max3A_1174 : f32 to vector<16xf32>
        %max3A_1176 = arith.maximumf %sub3A_1173, %max3A_1175 : vector<16xf32>
        %mul3A_1177 = arith.mulf %max3A_1170, %max3A_1176 : vector<16xf32>
        %add3A_1178 = arith.addf %mul3A_840, %mul3A_890 : vector<16xf32>
        %sub3A_1179 = arith.subf %add3A_1178, %mul3A_1177 : vector<16xf32>
        %add3A_1180 = arith.constant 9.99999971E-10 : f32
        %add3A_1181 = vector.broadcast %add3A_1180 : f32 to vector<16xf32>
        %add3A_1182 = arith.addf %sub3A_1179, %add3A_1181 : vector<16xf32>
        %div3A_1183 = arith.divf %mul3A_1177, %add3A_1182 : vector<16xf32>
        %gt3A_1184 = arith.constant 3.000000e-01 : f32
        %gt3A_1185 = vector.broadcast %gt3A_1184 : f32 to vector<16xf32>
        %gt3A_1186 = arith.cmpf ogt, %div3A_1183, %gt3A_1185 : vector<16xf32>
        %jit3A_1187 = arith.constant 0.000000e+00 : f32
        %broadcast_in_dim3A_1188 = vector.broadcast %jit3A_1187 : f32 to vector<16xf32>
        %select_n3A_1189 = arith.select %gt3A_1186, %broadcast_in_dim3A_1188, %select_n3A_1164 : vector<16xi1>, vector<16xf32>
        %min3A_1190 = arith.minimumf %gather3A_649, %get3A_884 : vector<16xf32>
        %max3A_1191 = arith.maximumf %gather3A_625, %get3A_878 : vector<16xf32>
        %sub3A_1192 = arith.subf %min3A_1190, %max3A_1191 : vector<16xf32>
        %max3A_1193 = arith.constant 0.000000e+00 : f32
        %max3A_1194 = vector.broadcast %max3A_1193 : f32 to vector<16xf32>
        %max3A_1195 = arith.maximumf %sub3A_1192, %max3A_1194 : vector<16xf32>
        %min3A_1196 = arith.minimumf %gather3A_661, %get3A_887 : vector<16xf32>
        %max3A_1197 = arith.maximumf %gather3A_637, %get3A_881 : vector<16xf32>
        %sub3A_1198 = arith.subf %min3A_1196, %max3A_1197 : vector<16xf32>
        %max3A_1199 = arith.constant 0.000000e+00 : f32
        %max3A_1200 = vector.broadcast %max3A_1199 : f32 to vector<16xf32>
        %max3A_1201 = arith.maximumf %sub3A_1198, %max3A_1200 : vector<16xf32>
        %mul3A_1202 = arith.mulf %max3A_1195, %max3A_1201 : vector<16xf32>
        %add3A_1203 = arith.addf %mul3A_843, %mul3A_890 : vector<16xf32>
        %sub3A_1204 = arith.subf %add3A_1203, %mul3A_1202 : vector<16xf32>
        %add3A_1205 = arith.constant 9.99999971E-10 : f32
        %add3A_1206 = vector.broadcast %add3A_1205 : f32 to vector<16xf32>
        %add3A_1207 = arith.addf %sub3A_1204, %add3A_1206 : vector<16xf32>
        %div3A_1208 = arith.divf %mul3A_1202, %add3A_1207 : vector<16xf32>
        %gt3A_1209 = arith.constant 3.000000e-01 : f32
        %gt3A_1210 = vector.broadcast %gt3A_1209 : f32 to vector<16xf32>
        %gt3A_1211 = arith.cmpf ogt, %div3A_1208, %gt3A_1210 : vector<16xf32>
        %jit3A_1212 = arith.constant 0.000000e+00 : f32
        %broadcast_in_dim3A_1213 = vector.broadcast %jit3A_1212 : f32 to vector<16xf32>
        %select_n3A_1214 = arith.select %gt3A_1211, %broadcast_in_dim3A_1213, %select_n3A_1189 : vector<16xi1>, vector<16xf32>
        %min3A_1215 = arith.minimumf %gather3A_697, %get3A_884 : vector<16xf32>
        %max3A_1216 = arith.maximumf %gather3A_673, %get3A_878 : vector<16xf32>
        %sub3A_1217 = arith.subf %min3A_1215, %max3A_1216 : vector<16xf32>
        %max3A_1218 = arith.constant 0.000000e+00 : f32
        %max3A_1219 = vector.broadcast %max3A_1218 : f32 to vector<16xf32>
        %max3A_1220 = arith.maximumf %sub3A_1217, %max3A_1219 : vector<16xf32>
        %min3A_1221 = arith.minimumf %gather3A_709, %get3A_887 : vector<16xf32>
        %max3A_1222 = arith.maximumf %gather3A_685, %get3A_881 : vector<16xf32>
        %sub3A_1223 = arith.subf %min3A_1221, %max3A_1222 : vector<16xf32>
        %max3A_1224 = arith.constant 0.000000e+00 : f32
        %max3A_1225 = vector.broadcast %max3A_1224 : f32 to vector<16xf32>
        %max3A_1226 = arith.maximumf %sub3A_1223, %max3A_1225 : vector<16xf32>
        %mul3A_1227 = arith.mulf %max3A_1220, %max3A_1226 : vector<16xf32>
        %add3A_1228 = arith.addf %mul3A_846, %mul3A_890 : vector<16xf32>
        %sub3A_1229 = arith.subf %add3A_1228, %mul3A_1227 : vector<16xf32>
        %add3A_1230 = arith.constant 9.99999971E-10 : f32
        %add3A_1231 = vector.broadcast %add3A_1230 : f32 to vector<16xf32>
        %add3A_1232 = arith.addf %sub3A_1229, %add3A_1231 : vector<16xf32>
        %div3A_1233 = arith.divf %mul3A_1227, %add3A_1232 : vector<16xf32>
        %gt3A_1234 = arith.constant 3.000000e-01 : f32
        %gt3A_1235 = vector.broadcast %gt3A_1234 : f32 to vector<16xf32>
        %gt3A_1236 = arith.cmpf ogt, %div3A_1233, %gt3A_1235 : vector<16xf32>
        %jit3A_1237 = arith.constant 0.000000e+00 : f32
        %broadcast_in_dim3A_1238 = vector.broadcast %jit3A_1237 : f32 to vector<16xf32>
        %select_n3A_1239 = arith.select %gt3A_1236, %broadcast_in_dim3A_1238, %select_n3A_1214 : vector<16xi1>, vector<16xf32>
        %min3A_1240 = arith.minimumf %gather3A_745, %get3A_884 : vector<16xf32>
        %max3A_1241 = arith.maximumf %gather3A_721, %get3A_878 : vector<16xf32>
        %sub3A_1242 = arith.subf %min3A_1240, %max3A_1241 : vector<16xf32>
        %max3A_1243 = arith.constant 0.000000e+00 : f32
        %max3A_1244 = vector.broadcast %max3A_1243 : f32 to vector<16xf32>
        %max3A_1245 = arith.maximumf %sub3A_1242, %max3A_1244 : vector<16xf32>
        %min3A_1246 = arith.minimumf %gather3A_757, %get3A_887 : vector<16xf32>
        %max3A_1247 = arith.maximumf %gather3A_733, %get3A_881 : vector<16xf32>
        %sub3A_1248 = arith.subf %min3A_1246, %max3A_1247 : vector<16xf32>
        %max3A_1249 = arith.constant 0.000000e+00 : f32
        %max3A_1250 = vector.broadcast %max3A_1249 : f32 to vector<16xf32>
        %max3A_1251 = arith.maximumf %sub3A_1248, %max3A_1250 : vector<16xf32>
        %mul3A_1252 = arith.mulf %max3A_1245, %max3A_1251 : vector<16xf32>
        %add3A_1253 = arith.addf %mul3A_849, %mul3A_890 : vector<16xf32>
        %sub3A_1254 = arith.subf %add3A_1253, %mul3A_1252 : vector<16xf32>
        %add3A_1255 = arith.constant 9.99999971E-10 : f32
        %add3A_1256 = vector.broadcast %add3A_1255 : f32 to vector<16xf32>
        %add3A_1257 = arith.addf %sub3A_1254, %add3A_1256 : vector<16xf32>
        %div3A_1258 = arith.divf %mul3A_1252, %add3A_1257 : vector<16xf32>
        %gt3A_1259 = arith.constant 3.000000e-01 : f32
        %gt3A_1260 = vector.broadcast %gt3A_1259 : f32 to vector<16xf32>
        %gt3A_1261 = arith.cmpf ogt, %div3A_1258, %gt3A_1260 : vector<16xf32>
        %jit3A_1262 = arith.constant 0.000000e+00 : f32
        %broadcast_in_dim3A_1263 = vector.broadcast %jit3A_1262 : f32 to vector<16xf32>
        %select_n3A_1264 = arith.select %gt3A_1261, %broadcast_in_dim3A_1263, %select_n3A_1239 : vector<16xi1>, vector<16xf32>
        %min3A_1265 = arith.minimumf %gather3A_793, %get3A_884 : vector<16xf32>
        %max3A_1266 = arith.maximumf %gather3A_769, %get3A_878 : vector<16xf32>
        %sub3A_1267 = arith.subf %min3A_1265, %max3A_1266 : vector<16xf32>
        %max3A_1268 = arith.constant 0.000000e+00 : f32
        %max3A_1269 = vector.broadcast %max3A_1268 : f32 to vector<16xf32>
        %max3A_1270 = arith.maximumf %sub3A_1267, %max3A_1269 : vector<16xf32>
        %min3A_1271 = arith.minimumf %gather3A_805, %get3A_887 : vector<16xf32>
        %max3A_1272 = arith.maximumf %gather3A_781, %get3A_881 : vector<16xf32>
        %sub3A_1273 = arith.subf %min3A_1271, %max3A_1272 : vector<16xf32>
        %max3A_1274 = arith.constant 0.000000e+00 : f32
        %max3A_1275 = vector.broadcast %max3A_1274 : f32 to vector<16xf32>
        %max3A_1276 = arith.maximumf %sub3A_1273, %max3A_1275 : vector<16xf32>
        %mul3A_1277 = arith.mulf %max3A_1270, %max3A_1276 : vector<16xf32>
        %add3A_1278 = arith.addf %mul3A_852, %mul3A_890 : vector<16xf32>
        %sub3A_1279 = arith.subf %add3A_1278, %mul3A_1277 : vector<16xf32>
        %add3A_1280 = arith.constant 9.99999971E-10 : f32
        %add3A_1281 = vector.broadcast %add3A_1280 : f32 to vector<16xf32>
        %add3A_1282 = arith.addf %sub3A_1279, %add3A_1281 : vector<16xf32>
        %div3A_1283 = arith.divf %mul3A_1277, %add3A_1282 : vector<16xf32>
        %gt3A_1284 = arith.constant 3.000000e-01 : f32
        %gt3A_1285 = vector.broadcast %gt3A_1284 : f32 to vector<16xf32>
        %gt3A_1286 = arith.cmpf ogt, %div3A_1283, %gt3A_1285 : vector<16xf32>
        %jit3A_1287 = arith.constant 0.000000e+00 : f32
        %broadcast_in_dim3A_1288 = vector.broadcast %jit3A_1287 : f32 to vector<16xf32>
        %select_n3A_1289 = arith.select %gt3A_1286, %broadcast_in_dim3A_1288, %select_n3A_1264 : vector<16xi1>, vector<16xf32>
        %swap3A = arith.index_cast %mul3A_875 : i32 to index
        %swap3A_1290 = tpu.vector_load %arg13[%swap3A] {strides = array<i32>} : memref<5120xf32, #tpu.memory_space<vmem>>, vector<16xf32>,
        %swap3A_1291 = vector.shape_cast %swap3A_1290 : vector<16xf32> to vector<16xf32>
        %swap3A_1292 = vector.shape_cast %select_n3A_1289 : vector<16xf32> to vector<16xf32>
        tpu.vector_store %arg13[%swap3A], %swap3A_1292 {strides = array<i32>} : memref<5120xf32, #tpu.memory_space<vmem>>, vector<16xf32>,
        %while3A_1293 = arith.constant 0 : i32
        scf.yield %while3A_1293 : i32
      }
      %scan3A_868 = arith.constant 0 : i32
      scf.yield %scan3A_868 : i32
    }
    %scan3A_12 = arith.constant 320 : i32
    %scan3A_13 = arith.constant 0 : i32
    %scan3A_14 = arith.constant 0 : i32
    %scan3A_15 = arith.constant 20 : i32
    %scan3A_16 = arith.addi %scan3A_14, %scan3A_15 : i32
    %scan3A_17 = arith.constant 1 : i32
    %scan3A_18 = scf.for %scan3A_20 = %scan3A_14 to %scan3A_16 step %scan3A_17 iter_args(%scan3A_21 = %scan3A_13) -> (i32)  : i32 {
      %mul3A = arith.constant 16 : i32
      %mul3A_22 = arith.muli %scan3A_20, %mul3A : i32
      %add3A = arith.addi %mul3A_22, %arg1 : i32
      %mul3A_23 = arith.constant 16 : i32
      %mul3A_24 = arith.muli %add3A, %mul3A_23 : i32
      %get3A = arith.index_cast %mul3A_24 : i32 to index
      %get3A_25 = tpu.vector_load %arg13[%get3A] {strides = array<i32>} : memref<5120xf32, #tpu.memory_space<vmem>>, vector<16xf32>,
      %get3A_26 = vector.shape_cast %get3A_25 : vector<16xf32> to vector<16xf32>
      %get3A_27 = arith.index_cast %mul3A_24 : i32 to index
      %get3A_28 = tpu.vector_load %arg8[%get3A_27] {strides = array<i32>} : memref<5120xf32, #tpu.memory_space<vmem>>, vector<16xf32>,
      %get3A_29 = vector.shape_cast %get3A_28 : vector<16xf32> to vector<16xf32>
      %mul3A_30 = arith.mulf %get3A_29, %get3A_26 : vector<16xf32>
      %swap3A = arith.constant 0 : i32
      %swap3A_31 = arith.index_cast %scan3A_20 : i32 to index
      %swap3A_32 = arith.index_cast %swap3A : i32 to index
      %swap3A_33 = arith.constant 0 : index
      %swap3A_34 = tpu.vector_load %arg15[%swap3A_31, %swap3A_32, %swap3A_33] {strides = array<i32>} : memref<20x5x16xf32, #tpu.memory_space<vmem>>, vector<1x1x16xf32>,
      %swap3A_35 = vector.shape_cast %swap3A_34 : vector<1x1x16xf32> to vector<16xf32>
      %swap3A_36 = vector.shape_cast %mul3A_30 : vector<16xf32> to vector<1x1x16xf32>
      tpu.vector_store %arg15[%swap3A_31, %swap3A_32, %swap3A_33], %swap3A_36 {strides = array<i32>} : memref<20x5x16xf32, #tpu.memory_space<vmem>>, vector<1x1x16xf32>,
      %get3A_37 = arith.index_cast %mul3A_24 : i32 to index
      %get3A_38 = tpu.vector_load %arg9[%get3A_37] {strides = array<i32>} : memref<5120xf32, #tpu.memory_space<vmem>>, vector<16xf32>,
      %get3A_39 = vector.shape_cast %get3A_38 : vector<16xf32> to vector<16xf32>
      %mul3A_40 = arith.mulf %get3A_39, %get3A_26 : vector<16xf32>
      %swap3A_41 = arith.constant 1 : i32
      %swap3A_42 = arith.index_cast %scan3A_20 : i32 to index
      %swap3A_43 = arith.index_cast %swap3A_41 : i32 to index
      %swap3A_44 = arith.constant 0 : index
      %swap3A_45 = tpu.vector_load %arg15[%swap3A_42, %swap3A_43, %swap3A_44] {strides = array<i32>} : memref<20x5x16xf32, #tpu.memory_space<vmem>>, vector<1x1x16xf32>,
      %swap3A_46 = vector.shape_cast %swap3A_45 : vector<1x1x16xf32> to vector<16xf32>
      %swap3A_47 = vector.shape_cast %mul3A_40 : vector<16xf32> to vector<1x1x16xf32>
      tpu.vector_store %arg15[%swap3A_42, %swap3A_43, %swap3A_44], %swap3A_47 {strides = array<i32>} : memref<20x5x16xf32, #tpu.memory_space<vmem>>, vector<1x1x16xf32>,
      %get3A_48 = arith.index_cast %mul3A_24 : i32 to index
      %get3A_49 = tpu.vector_load %arg10[%get3A_48] {strides = array<i32>} : memref<5120xf32, #tpu.memory_space<vmem>>, vector<16xf32>,
      %get3A_50 = vector.shape_cast %get3A_49 : vector<16xf32> to vector<16xf32>
      %mul3A_51 = arith.mulf %get3A_50, %get3A_26 : vector<16xf32>
      %swap3A_52 = arith.constant 2 : i32
      %swap3A_53 = arith.index_cast %scan3A_20 : i32 to index
      %swap3A_54 = arith.index_cast %swap3A_52 : i32 to index
      %swap3A_55 = arith.constant 0 : index
      %swap3A_56 = tpu.vector_load %arg15[%swap3A_53, %swap3A_54, %swap3A_55] {strides = array<i32>} : memref<20x5x16xf32, #tpu.memory_space<vmem>>, vector<1x1x16xf32>,
      %swap3A_57 = vector.shape_cast %swap3A_56 : vector<1x1x16xf32> to vector<16xf32>
      %swap3A_58 = vector.shape_cast %mul3A_51 : vector<16xf32> to vector<1x1x16xf32>
      tpu.vector_store %arg15[%swap3A_53, %swap3A_54, %swap3A_55], %swap3A_58 {strides = array<i32>} : memref<20x5x16xf32, #tpu.memory_space<vmem>>, vector<1x1x16xf32>,
      %get3A_59 = arith.index_cast %mul3A_24 : i32 to index
      %get3A_60 = tpu.vector_load %arg11[%get3A_59] {strides = array<i32>} : memref<5120xf32, #tpu.memory_space<vmem>>, vector<16xf32>,
      %get3A_61 = vector.shape_cast %get3A_60 : vector<16xf32> to vector<16xf32>
      %mul3A_62 = arith.mulf %get3A_61, %get3A_26 : vector<16xf32>
      %swap3A_63 = arith.constant 3 : i32
      %swap3A_64 = arith.index_cast %scan3A_20 : i32 to index
      %swap3A_65 = arith.index_cast %swap3A_63 : i32 to index
      %swap3A_66 = arith.constant 0 : index
      %swap3A_67 = tpu.vector_load %arg15[%swap3A_64, %swap3A_65, %swap3A_66] {strides = array<i32>} : memref<20x5x16xf32, #tpu.memory_space<vmem>>, vector<1x1x16xf32>,
      %swap3A_68 = vector.shape_cast %swap3A_67 : vector<1x1x16xf32> to vector<16xf32>
      %swap3A_69 = vector.shape_cast %mul3A_62 : vector<16xf32> to vector<1x1x16xf32>
      tpu.vector_store %arg15[%swap3A_64, %swap3A_65, %swap3A_66], %swap3A_69 {strides = array<i32>} : memref<20x5x16xf32, #tpu.memory_space<vmem>>, vector<1x1x16xf32>,
      %get3A_70 = arith.index_cast %mul3A_24 : i32 to index
      %get3A_71 = tpu.vector_load %arg12[%get3A_70] {strides = array<i32>} : memref<5120xf32, #tpu.memory_space<vmem>>, vector<16xf32>,
      %get3A_72 = vector.shape_cast %get3A_71 : vector<16xf32> to vector<16xf32>
      %mul3A_73 = arith.mulf %get3A_72, %get3A_26 : vector<16xf32>
      %swap3A_74 = arith.constant 4 : i32
      %swap3A_75 = arith.index_cast %scan3A_20 : i32 to index
      %swap3A_76 = arith.index_cast %swap3A_74 : i32 to index
      %swap3A_77 = arith.constant 0 : index
      %swap3A_78 = tpu.vector_load %arg15[%swap3A_75, %swap3A_76, %swap3A_77] {strides = array<i32>} : memref<20x5x16xf32, #tpu.memory_space<vmem>>, vector<1x1x16xf32>,
      %swap3A_79 = vector.shape_cast %swap3A_78 : vector<1x1x16xf32> to vector<16xf32>
      %swap3A_80 = vector.shape_cast %mul3A_73 : vector<16xf32> to vector<1x1x16xf32>
      tpu.vector_store %arg15[%swap3A_75, %swap3A_76, %swap3A_77], %swap3A_80 {strides = array<i32>} : memref<20x5x16xf32, #tpu.memory_space<vmem>>, vector<1x1x16xf32>,
      %scan3A_81 = arith.constant 0 : i32
      scf.yield %scan3A_81 : i32
    }
    %scan3A_19 = arith.constant 20 : i32
    "tpu.region"() ({
      %run_scoped3A = tpu.sem_alloc : memref<!tpu.dma_semaphore, #tpu.memory_space<semaphore_mem>>
      %dma_start3A = arith.constant 0 : i32
      %dma_start3A_20 = arith.constant 0 : i32
      %dma_start3A_21 = arith.constant 0 : i32
      %dma_start3A_22 = tpu.memref_slice %arg7[%dma_start3A, %arg1, %dma_start3A_20, %dma_start3A_21] : memref<20x16x5x16xf32, #tpu.memory_space<hbm>> -> memref<20x1x5x16xf32, #tpu.memory_space<hbm>>
      %dma_start3A_23 = tpu.memref_squeeze %dma_start3A_22 : memref<20x1x5x16xf32, #tpu.memory_space<hbm>> -> memref<20x5x16xf32, #tpu.memory_space<hbm>>
      %dma_start3A_24 = arith.constant 0 : i32
      %dma_start3A_25 = arith.constant 0 : i32
      %dma_start3A_26 = arith.constant 0 : i32
      %dma_start3A_27 = tpu.memref_slice %arg7[%dma_start3A_24, %arg1, %dma_start3A_25, %dma_start3A_26] : memref<20x16x5x16xf32, #tpu.memory_space<hbm>> -> memref<20x1x5x16xf32, #tpu.memory_space<hbm>>
      %dma_start3A_28 = tpu.memref_squeeze %dma_start3A_27 : memref<20x1x5x16xf32, #tpu.memory_space<hbm>> -> memref<20x5x16xf32, #tpu.memory_space<hbm>>
      tpu.enqueue_dma source(%arg15 : memref<20x5x16xf32, #tpu.memory_space<vmem>>) target(%dma_start3A_28 : memref<20x5x16xf32, #tpu.memory_space<hbm>>) target_semaphore(%run_scoped3A : memref<!tpu.dma_semaphore, #tpu.memory_space<semaphore_mem>>)
      %dma_wait3A = arith.constant 0 : i32
      %dma_wait3A_29 = arith.constant 0 : i32
      %dma_wait3A_30 = arith.constant 0 : i32
      %dma_wait3A_31 = tpu.memref_slice %arg7[%dma_wait3A, %arg1, %dma_wait3A_29, %dma_wait3A_30] : memref<20x16x5x16xf32, #tpu.memory_space<hbm>> -> memref<20x1x5x16xf32, #tpu.memory_space<hbm>>
      %dma_wait3A_32 = tpu.memref_squeeze %dma_wait3A_31 : memref<20x1x5x16xf32, #tpu.memory_space<hbm>> -> memref<20x5x16xf32, #tpu.memory_space<hbm>>
      %dma_wait3A_33 = arith.constant 0 : i32
      %dma_wait3A_34 = arith.constant 0 : i32
      %dma_wait3A_35 = arith.constant 0 : i32
      %dma_wait3A_36 = tpu.memref_slice %arg7[%dma_wait3A_33, %arg1, %dma_wait3A_34, %dma_wait3A_35] : memref<20x16x5x16xf32, #tpu.memory_space<hbm>> -> memref<20x1x5x16xf32, #tpu.memory_space<hbm>>
      %dma_wait3A_37 = tpu.memref_squeeze %dma_wait3A_36 : memref<20x1x5x16xf32, #tpu.memory_space<hbm>> -> memref<20x5x16xf32, #tpu.memory_space<hbm>>
      tpu.wait_dma2 semaphore(%run_scoped3A : memref<!tpu.dma_semaphore, #tpu.memory_space<semaphore_mem>>) src(%arg15 : memref<20x5x16xf32, #tpu.memory_space<vmem>>) dst(%dma_wait3A_37 : memref<20x5x16xf32, #tpu.memory_space<hbm>>)
      tpu.yield
    }) : () -> ()
    return
  }
}

</mosaic_0001>

<sc_bundles>
// kernel: gather_offload_async_start.1
scs
__scs_entry_jumppad:
0x0: {  	(pc) =	sbr.rel $0x88, $3  }
0x1: {  	(tag) =	ssettag $0x0;
	lr =	simm.s32 $0x1  }
0x2: {  	[smem:$0x3F9F] =	sst lr;
	_ =	strace $0xD0000000  }
0x3: {  	_ = 	snop  }
0x4: {  	_ = 	snop  }
0x5: {  	_ = 	snop  }
0x6: {  	_ = 	snop  }
0x7: {  	_ = 	snop  }
__scs_overlays_trampoline_lowered:
0x8: {  	[smem:$0x3FAE] =	sst s0  }
0x9: {  	[smem:$0x3FAF] =	sst s1  }
0xa: {  	[smem:$0x3FB0] =	sst s2  }
0xb: {  	[smem:$0x3FB1] =	sst s3  }
0xc: {  	[smem:$0x3FB2] =	sst s4  }
0xd: {  	[smem:$0x3FB3] =	sst s5  }
0xe: {  	[smem:$0x3FB4] =	sst s6  }
0xf: {  	[smem:$0x3FB5] =	sst s7  }
0x10: {  	[smem:$0x3FB6] =	sst s8  }
0x11: {  	[smem:$0x3FB7] =	sst s9;
	s0 =	simm.s32 @!p0 $0x0  }
0x12: {  	s1 =	sld [smem:$0x3F9D];
	s0 =	simm.s32 @p0 $0x1  }
0x13: {  	[smem:$0x3FB8] =	sst s0;
	s0 =	simm.s32 @!p1 $0x0  }
0x14: {  	s2 =	sld [smem:$0x3F9C];
	s0 =	simm.s32 @p1 $0x1  }
0x15: {  	[smem:$0x3FB9] =	sst s0;
	s0 =	simm.s32 @!p2 $0x0  }
0x16: {  	s3 =	sld [smem:$0x3FDB];
	s0 =	simm.s32 @p2 $0x1  }
0x17: {  	s4 =	simm.s32 $0x1BF5;
	[smem:$0x3FBB] =	sst s0  }
0x18: {  	s0 =	sld [smem:$0x3F9E];
	_ =	swait.ge [sflag:s4], $0x0  }
0x19: {  	s7 =	sld [smem:$0x3F9F]  }
0x1a: {  	s8 =	sadd.s32 $0xFFFFE003, lr  }
0x1b: {  	s9 =	sadd.s32 $0xFFFFFEF7, lr;
	s5 =	simm.s32 $0xFFFFFFFF;
	p2 =	slt.u32 s8, $0xFFFFF086  }
0x1c: {  	p1 =	slt.u32 s9, $0xF7A;
	s5 =	simm.s32 @!p2 $0x0  }
0x1d: {  	s5 =	simm.s32 @p1 $0x1;
	p0 =	seq.s32 s7, s2  }
0x1e: {  	s7 =	smul.u32 @!p0 $0xF7A, s2;
	p2 =	seq.s32 @!p0 s5, $0x0  }
0x1f: {  	s9 =	smul.u32 $0xF7A, s1;
	s8 =	simm.s32 @!p0 $0x1BF5;
	p2 =	por !p2, p0  }
0x20: {  	[sflag:s8] =	ssyncset.s32 @!p0 $0xFFFFF086;
	s6 =	sadd.s32 @!p0 s3, s7;
	s7 =	simm.s32 @!p0 $0x108  }
0x21: {  	s3 =	sadd.s32 s3, s9;
	s6 =	sadd.s32 @!p0 $0x88, s6;
	s7 =	simm.s32 @p2 $0x1082  }
0x22: {  	[simem:s7], [sflag:s8] =	dma.local @!p0 [hbm:s6], $0xF7A  }
0x23: {  	s9 =	sor.u32 $0xD0000000, s2;
	s6 =	simm.s32 $0x108;
	_ =	swait.ge @!p0 [sflag:s8], $0x0  }
0x24: {  	s3 =	sadd.s32 $0x88, s3;
	s6 =	simm.s32 @!p1 $0x1082;
	[sflag:s4] =	ssyncset.s32 $0xFFFFF086  }
0x25: {  	[simem:s6], [sflag:s4] =	dma.local [hbm:s3], $0xF7A  }
0x26: {  	[smem:$0x3F9F] =	sst s1;
	(tag) =	ssettag s2;
	_ =	strace s9  }
0x27: {  	s1 =	sld [smem:$0x3FAF]  }
0x28: {  	s2 =	sld [smem:$0x3FB0]  }
0x29: {  	s4 =	sld [smem:$0x3FB2]  }
0x2a: {  	p0 =	seq.s32 s5, $0x0;
	s5 =	sld [smem:$0x3FB3]  }
0x2b: {  	s6 =	sld [smem:$0x3FB4]  }
0x2c: {  	s7 =	sld [smem:$0x3FB5]  }
0x2d: {  	s3 =	simm.s32 $0x108;
	s8 =	sld [smem:$0x3FB6]  }
0x2e: {  	s3 =	simm.s32 @!p0 $0x1082;
	s9 =	sld [smem:$0x3FB7]  }
0x2f: {  	lr =	sadd.s32 s0, s3;
	s0 =	sld [smem:$0x3FAE]  }
0x30: {  	s3 =	sld [smem:$0x3FB1]  }
0x31: {  	[smem:$0x3FBA] =	sst s10  }
0x32: {  	s10 =	sld [smem:$0x3FB8];
	_ =	sdelay $0x3  }
0x33: {  	p0 =	seq.s32 s10, $0x1;
	s10 =	sld [smem:$0x3FBA];
	_ =	sdelay $0x3  }
0x34: {  	[smem:$0x3FBA] =	sst s10  }
0x35: {  	s10 =	sld [smem:$0x3FB9];
	_ =	sdelay $0x3  }
0x36: {  	p1 =	seq.s32 s10, $0x1;
	s10 =	sld [smem:$0x3FBA];
	_ =	sdelay $0x3  }
0x37: {  	[smem:$0x3FBA] =	sst s10  }
0x38: {  	s10 =	sld [smem:$0x3FBB]  }
0x39: {  	_ = 	snop;
	(pc) =	sbr.ind lr, $3  }
0x3a: {  	_ = 	snop  }
0x3b: {  	_ = 	snop  }
0x3c: {  	p2 =	seq.s32 s10, $0x1;
	s10 =	sld [smem:$0x3FBA]  }
0x3d: {  	_ =	shalt  }
0x3e: {  	_ =	shalt  }
0x3f: {  	_ =	shalt  }
0x40: {  	_ =	shalt  }
0x41: {  	_ =	shalt  }
0x42: {  	_ =	shalt  }
0x43: {  	_ =	shalt  }
0x44: {  	_ =	shalt  }
0x45: {  	_ =	shalt  }
0x46: {  	_ =	shalt  }
0x47: {  	_ =	shalt  }
0x48: {  	_ =	shalt  }
0x49: {  	_ =	shalt  }
0x4a: {  	_ =	shalt  }
0x4b: {  	_ =	shalt  }
0x4c: {  	_ =	shalt  }
0x4d: {  	_ =	shalt  }
0x4e: {  	_ =	shalt  }
0x4f: {  	_ =	shalt  }
0x50: {  	_ =	shalt  }
0x51: {  	_ =	shalt  }
0x52: {  	_ =	shalt  }
0x53: {  	_ =	shalt  }
0x54: {  	_ =	shalt  }
0x55: {  	_ =	shalt  }
0x56: {  	_ =	shalt  }
0x57: {  	_ =	shalt  }
0x58: {  	_ =	shalt  }
0x59: {  	_ =	shalt  }
0x5a: {  	_ =	shalt  }
0x5b: {  	_ =	shalt  }
0x5c: {  	_ =	shalt  }
0x5d: {  	_ =	shalt  }
0x5e: {  	_ =	shalt  }
0x5f: {  	_ =	shalt  }
0x60: {  	_ =	shalt  }
0x61: {  	_ =	shalt  }
0x62: {  	_ =	shalt  }
0x63: {  	_ =	shalt  }
0x64: {  	_ =	shalt  }
0x65: {  	_ =	shalt  }
0x66: {  	_ =	shalt  }
0x67: {  	_ =	shalt  }
0x68: {  	_ =	shalt  }
0x69: {  	_ =	shalt  }
0x6a: {  	_ =	shalt  }
0x6b: {  	_ =	shalt  }
0x6c: {  	_ =	shalt  }
0x6d: {  	_ =	shalt  }
0x6e: {  	_ =	shalt  }
0x6f: {  	_ =	shalt  }
0x70: {  	_ =	shalt  }
0x71: {  	_ =	shalt  }
0x72: {  	_ =	shalt  }
0x73: {  	_ =	shalt  }
0x74: {  	_ =	shalt  }
0x75: {  	_ =	shalt  }
0x76: {  	_ =	shalt  }
0x77: {  	_ =	shalt  }
0x78: {  	_ =	shalt  }
0x79: {  	_ =	shalt  }
0x7a: {  	_ =	shalt  }
0x7b: {  	_ =	shalt  }
0x7c: {  	_ =	shalt  }
0x7d: {  	_ =	shalt  }
0x7e: {  	_ =	shalt  }
0x7f: {  	_ =	shalt  }
0x80: {  	_ =	shalt  }
0x81: {  	_ =	shalt  }
0x82: {  	_ =	shalt  }
0x83: {  	_ =	shalt  }
0x84: {  	_ =	shalt  }
0x85: {  	_ =	shalt  }
0x86: {  	_ =	shalt  }
0x87: {  	_ =	shalt  }
.Lfunc_end0:
.L_simem_size_0:
called_computation.1_lowered:
.L_overlay_start_0:
0x88: {  	s0 =	sld [smem:$0x3FD9]  }
0x89: {  	s1 =	sld [smem:$0x3FFE];
	_ =	sdelay $0x3  }
0x8a: {  	s0 =	sadd.s32 s1, s0  }
0x8b: {  	[smem:$0x3FC6] =	sst s0  }
0x8c: {  	_ = 	snop  }
0x8d: {  	s0 =	sld [smem:$0x3FC8]  }
0x8e: {  	s16 =	sld [smem:$0x3FD0];
	(tm) =	ssettm $0x1  }
0x8f: {  	s2 =	sld [smem:$0x3FFB];
	_ =	sdelay $0x3  }
0x90: {  	_ =	strace s2  }
0x91: {  	s2 =	sld [smem:$0x3FFC];
	_ =	sdelay $0x3  }
0x92: {  	_ =	strace s2  }
0x93: {  	s2 =	sld [smem:$0x3FFD];
	_ =	sdelay $0x3  }
0x94: {  	_ =	strace s2  }
0x95: {  	_ =	strace $0x8FFFFFFF  }
0x96: {  	s17 =	sld [smem:$0x3FDB];
	_ =	sdelay $0x1  }
0x97: {  	s3 =	simm.s32 $_scs_section_size  }
0x98: {  	s4 =	simm.s32 $_size__tile_overlayer_lowered;
	s5 =	simm.s32 $_tile_overlayer_lowered  }
0x99: {  	s20 =	simm.s32 $0x1BFF;
	s19 =	sshll.u32 s5, $0x1;
	s2 =	sadd.s32 s3, s17  }
0x9a: {  	s6 =	simm.s32 $0x0;
	s18 =	sshll.u32 s4, $0x1;
	s4 =	sadd.s32 s19, s2  }
0x9b: {  	[timem:s6], [sflag:s20] =	dma.local [hbm:s4], s18  }
0x9c: {  	_ =	swait.ge [sflag:s20], s18  }
0x9d: {  	s3 =	ssub.s32 $0x0, s18;
	[sflag:s20] =	ssyncset.done $0x0  }
0x9e: {  	[sflag:s20] =	ssyncadd.s32 s3;
	_ =	sdelay $0x1  }
0x9f: {  	s21 =	simm.s32 $0x1B8B  }
0xa0: {  	_ =	swait.ge [sflag:s21], $0x1  }
0xa1: {  	[sflag:s21] =	ssyncset.done $0x0  }
0xa2: {  	s23 =	simm.s32 $0x1B8E;
	s22 =	sld [smem:$0x3FFE];
	[sflag:s21] =	ssyncadd.s32 $0xFFFFFFFF  }
0xa3: {  	s24 =	simm.s32 $execute0_lowered;
	[smem:$0x3FD2] =	sst s23  }
0xa4: {  	s4 =	sshll.u32 s24, $0x1;
	_ =	strace $0x80000046;
	[dreg:$0x1] =	wrdreg $0xFFFFFFFF  }
0xa5: {  	s25 =	simm.s32 $_size_execute0_lowered;
	s2 =	sadd.s32 s2, s4;
	[dreg:$0x0] =	wrdreg $0x0  }
0xa6: {  	s4 =	sshll.u32 s25, $0x1;
	[dreg:$0x2] =	wrdreg s2  }
0xa7: {  	[dreg:$0x3] =	wrdreg s4  }
0xa8: {  	[dreg:$0x4] =	wrdreg $0xC0  }
0xa9: {  	_ =	task [dreg:s6], $0x5FFFF  }
0xaa: {  	[dreg:$0x1] =	wrdreg $0xFFFFFFFF  }
0xab: {  	[dreg:$0x0] =	wrdreg $0x60  }
0xac: {  	[dreg:$0x2] =	wrdreg s0  }
0xad: {  	[dreg:$0x3] =	wrdreg s16  }
0xae: {  	[dreg:$0x4] =	wrdreg s22  }
0xaf: {  	[dreg:$0x5] =	wrdreg $0xA  }
0xb0: {  	_ =	task.clear_ibuf [dreg:s6], $0x6FFFF;
	_ =	strace $0x90000046  }
0xb1: {  	s26 =	simm.s32 $0xA;
	_ =	strace $0x80000048  }
0xb2: {  	_ =	swait.ge [sflag:s26], $0x1  }
0xb3: {  	[sflag:s26] =	ssyncadd.s32 $0xFFFFFFFF  }
0xb4: {  	_ =	strace $0x90000048  }
0xb5: {  	_ =	sfence  }
0xb6: {  	s28 =	sld [smem:$0x0];
	_ =	sdelay $0x1  }
0xb7: {  	s29 =	srdreg.scid  }
0xb8: {  	s30 =	sshll.u32 s29, $0xD;
	s31 =	sshrl.u32 s29, $0x2  }
0xb9: {  	s1 =	sand.u32 $0x1, s29;
	s2 =	sand.u32 $0x4000, s30;
	s0 =	sadd.s32 s31, s28  }
0xba: {  	s1 =	sor.u32 s2, s1;
	s0 =	sshll.u32 s0, $0x11  }
0xbb: {  	s0 =	sor.u32 s0, s1  }
0xbc: {  	s0 =	sadd.s32 $0x8F2B, s0  }
0xbd: {  	[sflag:s0] =	ssyncadd.remote.s32 $0x1  }
0xbe: {  	_ =	sfence.sel $0xFFFF  }
0xbf: {  	[dreg:$0x0] =	wrdreg $0xFFFFFFFF;
	(pc) =	sbr.abs _section_cstart, $3  }
0xc0: {  	[dreg:$0x1] =	wrdreg $0xFFFFFFFF  }
0xc1: {  	_ =	task.clear_ibuf [dreg:s6], $0x2FFFF;
	_ =	strace $0x9FFFFFFF  }
0xc2: {  	(tm) =	ssettm $0x7FFFFFFF  }
0xc3: {  	_ =	shalt  }
tec
execute0_lowered:
.L_overlay_start_1:
0x0: {  	(tag) =	ssettag $0x1  }
0x1: {  	s2 =	rddreg [dreg:$0x0]  }
0x2: {  	s3 =	rddreg [dreg:$0x1]  }
0x3: {  	s4 =	rddreg [dreg:$0x2];
	s1 =	stileid.u32  }
0x4: {  	s0 =	rddreg [dreg:$0x3];
	_ =	strace $0x80000047;
	s6 =	simm.s32 $0x1  }
0x5: {  	s8 =	simm.s32 $0x2;
	s30 =	simm.s32 $0x3;
	s5 =	sshll.u32 s1, $0x4  }
0x6: {  	s12 =	simm.s32 $0x0;
	s9 =	simm.s32 $0x0;
	s7 =	ssub.s32 $0x1380, s5  }
0x7: {  	s10 =	simm.s32 $0x0;
	[sflag:s6] =	ssyncpa.u1 $0x0;
	s6 =	sshrl.u32 s7, $0x8  }
0x8: {  	[sflag:s8] =	ssyncpa.u1 $0x0;
	s11 =	smov.u32 s5;
	s31 =	sshll.u32 s6, $0x4  }
0x9: {  	[sflag:s30] =	ssyncpa.u1 $0x0;
	s7 =	sadd.s32 $0x2, s6;
	s8 =	sadd.s32 $0x30, s31  }
.LBB2_1:
0xa: {  	p0 =	sgt.u32 s10, s6  }
0xb: {  	s13 =	sxor.u32 @!p0 $0xFFFFFFFF, s9;
	s14 =	sshrl.u32 @!p0 s11, $0x3  }
0xc: {  	s15 =	sand.u32 @!p0 $0x7, s11;
	s13 =	sand.u32 @!p0 $0x10, s13;
	s14 =	sadd.s32 @!p0 s3, s14  }
0xd: {  	[tilespmem:s13], [sflag:$0x2] =	stream.linear.gather @!p0 [hbm4b:s14+s15], $0x10, $0x38;
	[tilespmem:$0x40] =	vst v63  }
0xe: {  	p0 =	seq.s32 s9, $0x0  }
0xf: {  	p1 =	sge.u32 @!p0 s10, s7  }
0x10: {  	p0 =	por p1, p0  }
0x11: {  	s13 =	simm.s32 @!p0 $0x2  }
0x12: {  	_ =	swait.ge @!p0 [sflag:s13], $0x10  }
0x13: {  	[sflag:s13] =	ssyncset.done @!p0 $0x0  }
0x14: {  	[sflag:s13] =	ssyncadd.s32 @!p0 $0xFFFFFFF0;
	s13 =	sand.u32 @!p0 $0x10, s9  }
0x15: {  	(ifvalue) =	ssetifvalue @!p0 $0x7FFFFFFF;
	v0 =	vld.msk @!p0 [tilespmem:s13+$0x0 ss:$0x1], $0xffff;
	_ =	sdelay $0x4  }
0x16: {  	vm0 =	vgt.s32 @!p0 v0, $0x0  }
0x17: {  	v0 =	vnsel @!p0 vm0, $0x0, v0  }
0x18: {  	v0 =	vmin.u32 @!p0 v0, $0x1387;
	_ =	sdelay $0x3  }
0x19: {  	s14 =	simm.s32 @!p0 $0x0;
	s13 =	sor.u32 @!p0 $0x20, s13;
	(ifvalue) =	ssetifvalue @!p0 $0x7FFFFFFF;
	vm0 =	vmmov @!p0 $0xffff  }
0x1a: {  	[tilespmem:s13], [sflag:$0x1] =	stream.indirect_vreg.gather @!p0 [hbm4b:s2+s14], $0x1, v0, vm0, $0x4038;
	[tilespmem:$0x40] =	vst v63  }
0x1b: {  	s14 =	simm.s32 @!p0 $0x1  }
0x1c: {  	_ =	swait.ge @!p0 [sflag:s14], $0x10  }
0x1d: {  	s15 =	sshrl.u32 @!p0 s12, $0x3;
	[sflag:s14] =	ssyncset.done @!p0 $0x0  }
0x1e: {  	s12 =	sand.u32 @!p0 $0x7, s12;
	[sflag:s14] =	ssyncadd.s32 @!p0 $0xFFFFFFF0;
	s14 =	sadd.s32 @!p0 s4, s15  }
0x1f: {  	[hbm4b:s14+s12] =	stream.linear.scatter @!p0 [tilespmem:s13], [sflag:$0x3], $0x10, $0x38;
	[tilespmem:$0x40] =	vst v63  }
0x20: {  	s14 =	sadd.s32 $0x100, s11  }
0x21: {  	s9 =	sadd.s32 $0x10, s9;
	p1 =	sgt.s32 s14, $0x1387  }
0x22: {  	s14 =	smov.u32 @p1 s5;
	p1 =	sne.s32 s8, s9  }
.Ltmp0:
0x23: {  	p0 =	slt.u32 s10, $0x2;
	(pc) =	sbr.rel @p1 .LBB2_1-.Ltmp0, $4  }
0x24: {  	s13 =	simm.s32 @!p0 $0x3  }
0x25: {  	_ =	swait.ge @!p0 [sflag:s13], $0x10  }
0x26: {  	s12 =	smov.u32 s11;
	[sflag:s13] =	ssyncset.done @!p0 $0x0  }
0x27: {  	s10 =	sadd.s32 $0x1, s10;
	s11 =	smov.u32 s14;
	[sflag:s13] =	ssyncadd.s32 @!p0 $0xFFFFFFF0  }
0x28: {  	_ =	sfence.sel $0x180000  }
0x29: {  	s2 =	simm.s32 $0x2;
	[bflag:$0x0] =	sbarrier.arrive $0xFFFF  }
0x2a: {  	s30 =	simm.s32 $0x3;
	[sflag:s2] =	ssyncpa.u1 $0x1  }
0x2b: {  	s31 =	simm.s32 $0x1;
	[sflag:s30] =	ssyncpa.u1 $0x1  }
0x2c: {  	[sflag:s31] =	ssyncpa.u1 $0x1  }
0x2d: {  	p0 =	sne.s32 s1, $0x0;
	_ =	strace $0x90000047  }
0x2e: {  	s0 =	sadd.s32 @!p0 $0x100000, s0;
	[bflag:$0x2] =	sbarrier.arrive $0xFFFF  }
0x2f: {  	[sflag:s0] =	ssyncadd.tile.s32 @!p0 $0x1;
	_ =	shalt  }
.Lfunc_end2:
_tile_overlayer_lowered:
.L_overlay_start_2:
0x30: {  	(tag) =	ssettag $0x2  }
0x31: {  	s0 =	rddreg [dreg:$0x0];
	s2 =	stileid.u32  }
0x32: {  	s1 =	rddreg [dreg:$0x1];
	p0 =	sne.s32 s2, $0x0  }
0x33: {  	s3 =	rddreg [dreg:$0x2];
	[bflag:$0x3] =	sbarrier.arrive $0xFFFF;
	s2 =	simm.s32 @!p0 $0x1C01  }
0x34: {  	[timem:s3], [sflag:s2] =	dma.local @!p0 [hbm:s0], s1  }
0x35: {  	s0 =	simm.s32 @!p0 $0x1  }
0x36: {  	_ =	swait.ge @!p0 [sflag:s0], s1  }
0x37: {  	s1 =	ssub.s32 @!p0 $0x0, s1;
	[sflag:s0] =	ssyncset.done @!p0 $0x0  }
0x38: {  	[sflag:s0] =	ssyncadd.s32 @!p0 s1  }
0x39: {  	[bflag:$0x3] =	sbarrier.arrive $0xFFFF  }
0x3a: {  	_ =	shalt  }

// kernel: gather_offload_async_start
scs
__scs_entry_jumppad:
0x0: {  	(pc) =	sbr.rel $0x88, $3  }
0x1: {  	(tag) =	ssettag $0x0;
	lr =	simm.s32 $0x1  }
0x2: {  	[smem:$0x3F9F] =	sst lr;
	_ =	strace $0xD0000000  }
0x3: {  	_ = 	snop  }
0x4: {  	_ = 	snop  }
0x5: {  	_ = 	snop  }
0x6: {  	_ = 	snop  }
0x7: {  	_ = 	snop  }
__scs_overlays_trampoline_lowered:
0x8: {  	[smem:$0x3FAE] =	sst s0  }
0x9: {  	[smem:$0x3FAF] =	sst s1  }
0xa: {  	[smem:$0x3FB0] =	sst s2  }
0xb: {  	[smem:$0x3FB1] =	sst s3  }
0xc: {  	[smem:$0x3FB2] =	sst s4  }
0xd: {  	[smem:$0x3FB3] =	sst s5  }
0xe: {  	[smem:$0x3FB4] =	sst s6  }
0xf: {  	[smem:$0x3FB5] =	sst s7  }
0x10: {  	[smem:$0x3FB6] =	sst s8  }
0x11: {  	[smem:$0x3FB7] =	sst s9;
	s0 =	simm.s32 @!p0 $0x0  }
0x12: {  	s1 =	sld [smem:$0x3F9D];
	s0 =	simm.s32 @p0 $0x1  }
0x13: {  	[smem:$0x3FB8] =	sst s0;
	s0 =	simm.s32 @!p1 $0x0  }
0x14: {  	s2 =	sld [smem:$0x3F9C];
	s0 =	simm.s32 @p1 $0x1  }
0x15: {  	[smem:$0x3FB9] =	sst s0;
	s0 =	simm.s32 @!p2 $0x0  }
0x16: {  	s3 =	sld [smem:$0x3FDB];
	s0 =	simm.s32 @p2 $0x1  }
0x17: {  	s4 =	simm.s32 $0x1BF5;
	[smem:$0x3FBB] =	sst s0  }
0x18: {  	s0 =	sld [smem:$0x3F9E];
	_ =	swait.ge [sflag:s4], $0x0  }
0x19: {  	s7 =	sld [smem:$0x3F9F]  }
0x1a: {  	s8 =	sadd.s32 $0xFFFFE003, lr  }
0x1b: {  	s9 =	sadd.s32 $0xFFFFFEF7, lr;
	s5 =	simm.s32 $0xFFFFFFFF;
	p2 =	slt.u32 s8, $0xFFFFF086  }
0x1c: {  	p1 =	slt.u32 s9, $0xF7A;
	s5 =	simm.s32 @!p2 $0x0  }
0x1d: {  	s5 =	simm.s32 @p1 $0x1;
	p0 =	seq.s32 s7, s2  }
0x1e: {  	s7 =	smul.u32 @!p0 $0xF7A, s2;
	p2 =	seq.s32 @!p0 s5, $0x0  }
0x1f: {  	s9 =	smul.u32 $0xF7A, s1;
	s8 =	simm.s32 @!p0 $0x1BF5;
	p2 =	por !p2, p0  }
0x20: {  	[sflag:s8] =	ssyncset.s32 @!p0 $0xFFFFF086;
	s6 =	sadd.s32 @!p0 s3, s7;
	s7 =	simm.s32 @!p0 $0x108  }
0x21: {  	s3 =	sadd.s32 s3, s9;
	s6 =	sadd.s32 @!p0 $0x88, s6;
	s7 =	simm.s32 @p2 $0x1082  }
0x22: {  	[simem:s7], [sflag:s8] =	dma.local @!p0 [hbm:s6], $0xF7A  }
0x23: {  	s9 =	sor.u32 $0xD0000000, s2;
	s6 =	simm.s32 $0x108;
	_ =	swait.ge @!p0 [sflag:s8], $0x0  }
0x24: {  	s3 =	sadd.s32 $0x88, s3;
	s6 =	simm.s32 @!p1 $0x1082;
	[sflag:s4] =	ssyncset.s32 $0xFFFFF086  }
0x25: {  	[simem:s6], [sflag:s4] =	dma.local [hbm:s3], $0xF7A  }
0x26: {  	[smem:$0x3F9F] =	sst s1;
	(tag) =	ssettag s2;
	_ =	strace s9  }
0x27: {  	s1 =	sld [smem:$0x3FAF]  }
0x28: {  	s2 =	sld [smem:$0x3FB0]  }
0x29: {  	s4 =	sld [smem:$0x3FB2]  }
0x2a: {  	p0 =	seq.s32 s5, $0x0;
	s5 =	sld [smem:$0x3FB3]  }
0x2b: {  	s6 =	sld [smem:$0x3FB4]  }
0x2c: {  	s7 =	sld [smem:$0x3FB5]  }
0x2d: {  	s3 =	simm.s32 $0x108;
	s8 =	sld [smem:$0x3FB6]  }
0x2e: {  	s3 =	simm.s32 @!p0 $0x1082;
	s9 =	sld [smem:$0x3FB7]  }
0x2f: {  	lr =	sadd.s32 s0, s3;
	s0 =	sld [smem:$0x3FAE]  }
0x30: {  	s3 =	sld [smem:$0x3FB1]  }
0x31: {  	[smem:$0x3FBA] =	sst s10  }
0x32: {  	s10 =	sld [smem:$0x3FB8];
	_ =	sdelay $0x3  }
0x33: {  	p0 =	seq.s32 s10, $0x1;
	s10 =	sld [smem:$0x3FBA];
	_ =	sdelay $0x3  }
0x34: {  	[smem:$0x3FBA] =	sst s10  }
0x35: {  	s10 =	sld [smem:$0x3FB9];
	_ =	sdelay $0x3  }
0x36: {  	p1 =	seq.s32 s10, $0x1;
	s10 =	sld [smem:$0x3FBA];
	_ =	sdelay $0x3  }
0x37: {  	[smem:$0x3FBA] =	sst s10  }
0x38: {  	s10 =	sld [smem:$0x3FBB]  }
0x39: {  	_ = 	snop;
	(pc) =	sbr.ind lr, $3  }
0x3a: {  	_ = 	snop  }
0x3b: {  	_ = 	snop  }
0x3c: {  	p2 =	seq.s32 s10, $0x1;
	s10 =	sld [smem:$0x3FBA]  }
0x3d: {  	_ =	shalt  }
0x3e: {  	_ =	shalt  }
0x3f: {  	_ =	shalt  }
0x40: {  	_ =	shalt  }
0x41: {  	_ =	shalt  }
0x42: {  	_ =	shalt  }
0x43: {  	_ =	shalt  }
0x44: {  	_ =	shalt  }
0x45: {  	_ =	shalt  }
0x46: {  	_ =	shalt  }
0x47: {  	_ =	shalt  }
0x48: {  	_ =	shalt  }
0x49: {  	_ =	shalt  }
0x4a: {  	_ =	shalt  }
0x4b: {  	_ =	shalt  }
0x4c: {  	_ =	shalt  }
0x4d: {  	_ =	shalt  }
0x4e: {  	_ =	shalt  }
0x4f: {  	_ =	shalt  }
0x50: {  	_ =	shalt  }
0x51: {  	_ =	shalt  }
0x52: {  	_ =	shalt  }
0x53: {  	_ =	shalt  }
0x54: {  	_ =	shalt  }
0x55: {  	_ =	shalt  }
0x56: {  	_ =	shalt  }
0x57: {  	_ =	shalt  }
0x58: {  	_ =	shalt  }
0x59: {  	_ =	shalt  }
0x5a: {  	_ =	shalt  }
0x5b: {  	_ =	shalt  }
0x5c: {  	_ =	shalt  }
0x5d: {  	_ =	shalt  }
0x5e: {  	_ =	shalt  }
0x5f: {  	_ =	shalt  }
0x60: {  	_ =	shalt  }
0x61: {  	_ =	shalt  }
0x62: {  	_ =	shalt  }
0x63: {  	_ =	shalt  }
0x64: {  	_ =	shalt  }
0x65: {  	_ =	shalt  }
0x66: {  	_ =	shalt  }
0x67: {  	_ =	shalt  }
0x68: {  	_ =	shalt  }
0x69: {  	_ =	shalt  }
0x6a: {  	_ =	shalt  }
0x6b: {  	_ =	shalt  }
0x6c: {  	_ =	shalt  }
0x6d: {  	_ =	shalt  }
0x6e: {  	_ =	shalt  }
0x6f: {  	_ =	shalt  }
0x70: {  	_ =	shalt  }
0x71: {  	_ =	shalt  }
0x72: {  	_ =	shalt  }
0x73: {  	_ =	shalt  }
0x74: {  	_ =	shalt  }
0x75: {  	_ =	shalt  }
0x76: {  	_ =	shalt  }
0x77: {  	_ =	shalt  }
0x78: {  	_ =	shalt  }
0x79: {  	_ =	shalt  }
0x7a: {  	_ =	shalt  }
0x7b: {  	_ =	shalt  }
0x7c: {  	_ =	shalt  }
0x7d: {  	_ =	shalt  }
0x7e: {  	_ =	shalt  }
0x7f: {  	_ =	shalt  }
0x80: {  	_ =	shalt  }
0x81: {  	_ =	shalt  }
0x82: {  	_ =	shalt  }
0x83: {  	_ =	shalt  }
0x84: {  	_ =	shalt  }
0x85: {  	_ =	shalt  }
0x86: {  	_ =	shalt  }
0x87: {  	_ =	shalt  }
.Lfunc_end0:
.L_simem_size_0:
called_computation_lowered:
.L_overlay_start_0:
0x88: {  	s0 =	sld [smem:$0x3FD9]  }
0x89: {  	s1 =	sld [smem:$0x3FFE];
	_ =	sdelay $0x3  }
0x8a: {  	s0 =	sadd.s32 s1, s0  }
0x8b: {  	[smem:$0x3FC6] =	sst s0  }
0x8c: {  	_ = 	snop  }
0x8d: {  	s0 =	sld [smem:$0x3FD0];
	(tm) =	ssettm $0x1  }
0x8e: {  	s16 =	sld [smem:$0x3FFB];
	_ =	sdelay $0x3  }
0x8f: {  	_ =	strace s16  }
0x90: {  	s1 =	sld [smem:$0x3FFC];
	_ =	sdelay $0x3  }
0x91: {  	_ =	strace s1  }
0x92: {  	s1 =	sld [smem:$0x3FFD];
	_ =	sdelay $0x3  }
0x93: {  	_ =	strace s1  }
0x94: {  	_ =	strace $0x8FFFFFFF  }
0x95: {  	s17 =	sld [smem:$0x3FDB];
	_ =	sdelay $0x1  }
0x96: {  	s2 =	simm.s32 $_scs_section_size  }
0x97: {  	s3 =	simm.s32 $_size__tile_overlayer_lowered;
	s4 =	simm.s32 $_tile_overlayer_lowered  }
0x98: {  	s20 =	simm.s32 $0x1BFF;
	s19 =	sshll.u32 s4, $0x1;
	s1 =	sadd.s32 s2, s17  }
0x99: {  	s5 =	simm.s32 $0x0;
	s18 =	sshll.u32 s3, $0x1;
	s3 =	sadd.s32 s19, s1  }
0x9a: {  	[timem:s5], [sflag:s20] =	dma.local [hbm:s3], s18  }
0x9b: {  	_ =	swait.ge [sflag:s20], s18  }
0x9c: {  	s2 =	ssub.s32 $0x0, s18;
	[sflag:s20] =	ssyncset.done $0x0  }
0x9d: {  	[sflag:s20] =	ssyncadd.s32 s2;
	_ =	sdelay $0x1  }
0x9e: {  	s21 =	simm.s32 $0x1B8B  }
0x9f: {  	_ =	swait.ge [sflag:s21], $0x1  }
0xa0: {  	[sflag:s21] =	ssyncset.done $0x0  }
0xa1: {  	s23 =	simm.s32 $0x1B8E;
	s22 =	sld [smem:$0x3FFE];
	[sflag:s21] =	ssyncadd.s32 $0xFFFFFFFF  }
0xa2: {  	s24 =	simm.s32 $execute0_lowered;
	[smem:$0x3FD2] =	sst s23  }
0xa3: {  	s3 =	sshll.u32 s24, $0x1;
	_ =	strace $0x80000049;
	[dreg:$0x1] =	wrdreg $0xFFFFFFFF  }
0xa4: {  	s25 =	simm.s32 $_size_execute0_lowered;
	s1 =	sadd.s32 s1, s3;
	[dreg:$0x0] =	wrdreg $0x0  }
0xa5: {  	s3 =	sshll.u32 s25, $0x1;
	[dreg:$0x2] =	wrdreg s1  }
0xa6: {  	[dreg:$0x3] =	wrdreg s3  }
0xa7: {  	[dreg:$0x4] =	wrdreg $0xC0  }
0xa8: {  	_ =	task [dreg:s5], $0x5FFFF  }
0xa9: {  	[dreg:$0x1] =	wrdreg $0xFFFFFFFF  }
0xaa: {  	[dreg:$0x0] =	wrdreg $0x60  }
0xab: {  	[dreg:$0x2] =	wrdreg s22  }
0xac: {  	[dreg:$0x3] =	wrdreg s0  }
0xad: {  	[dreg:$0x4] =	wrdreg $0x9  }
0xae: {  	_ =	task.clear_ibuf [dreg:s5], $0x5FFFF;
	_ =	strace $0x90000049  }
0xaf: {  	s26 =	simm.s32 $0x9;
	_ =	strace $0x8000004B  }
0xb0: {  	_ =	swait.ge [sflag:s26], $0x1  }
0xb1: {  	[sflag:s26] =	ssyncadd.s32 $0xFFFFFFFF  }
0xb2: {  	_ =	strace $0x9000004B  }
0xb3: {  	_ =	sfence  }
0xb4: {  	s28 =	sld [smem:$0x0];
	_ =	sdelay $0x1  }
0xb5: {  	s29 =	srdreg.scid  }
0xb6: {  	s30 =	sshll.u32 s29, $0xD;
	s31 =	sshrl.u32 s29, $0x2  }
0xb7: {  	s2 =	sand.u32 $0x4000, s30;
	s1 =	sand.u32 $0x1, s29;
	s0 =	sadd.s32 s31, s28  }
0xb8: {  	s1 =	sor.u32 s2, s1;
	s0 =	sshll.u32 s0, $0x11  }
0xb9: {  	s0 =	sor.u32 s0, s1  }
0xba: {  	s0 =	sadd.s32 $0x8F2B, s0  }
0xbb: {  	[sflag:s0] =	ssyncadd.remote.s32 $0x1  }
0xbc: {  	_ =	sfence.sel $0xFFFF  }
0xbd: {  	[dreg:$0x0] =	wrdreg $0xFFFFFFFF;
	(pc) =	sbr.abs _section_cstart, $3  }
0xbe: {  	[dreg:$0x1] =	wrdreg $0xFFFFFFFF  }
0xbf: {  	_ =	task.clear_ibuf [dreg:s5], $0x2FFFF;
	_ =	strace $0x9FFFFFFF  }
0xc0: {  	(tm) =	ssettm $0x7FFFFFFF  }
0xc1: {  	_ =	shalt  }
tec
execute0_lowered:
.L_overlay_start_1:
0x0: {  	(tag) =	ssettag $0x1  }
0x1: {  	s0 =	stileid.u32  }
0x2: {  	s1 =	smin.u32 s0, $0x9  }
0x3: {  	s1 =	sadd.s32 s0, s1  }
0x4: {  	s2 =	simm.s32 $0x190;
	p0 =	slt.u32 s0, $0x9;
	s1 =	smul.u32 $0xC8, s1  }
0x5: {  	s2 =	simm.s32 @!p0 $0xC8  }
0x6: {  	s2 =	sadd.s32 s2, s1  }
0x7: {  	s3 =	smin.u32 s2, $0x1388  }
0x8: {  	s7 =	ssub.s32 s3, s1  }
0x9: {  	p0 =	sgt.s32 s7, $0x0  }
0xa: {  	s7 =	simm.s32 @!p0 $0x0  }
0xb: {  	s31 =	sand.u32 $0xFFF8, s7  }
0xc: {  	s2 =	sshrl.u32 s31, $0x3  }
0xd: {  	s9 =	rddreg [dreg:$0x0];
	s2 =	smul.u32 $0x147B, s2  }
0xe: {  	s4 =	rddreg [dreg:$0x1];
	s6 =	simm.s32 $0x1  }
0xf: {  	s11 =	simm.s32 $0x3;
	s13 =	simm.s32 $0x0;
	s8 =	sshrl.u32 s2, $0x11  }
0x10: {  	s12 =	simm.s32 $0x0;
	s5 =	sadd.s32 $0x400, s9;
	s10 =	smul.u32 $0xC8, s8  }
.Ltmp0:
0x11: {  	s9 =	sadd.s32 $0x13E00, s9;
	s2 =	rddreg [dreg:$0x2];
	(pc) =	sbr.rel .LBB2_1-.Ltmp0, $4  }
0x12: {  	_ =	strace $0x8000004A;
	p0 =	sne.s32 s7, s10;
	s10 =	simm.s32 $0x1  }
0x13: {  	[sflag:s6] =	ssyncpa.u1 $0x0;
	s7 =	simm.s32 $0x2;
	s10 =	simm.s32 @!p0 $0x0  }
0x14: {  	[sflag:s7] =	ssyncpa.u1 $0x0;
	p0 =	por $0x0, $0x0;
	s8 =	sadd.s32 s8, s10  }
0x15: {  	vm0 =	vmmov $0xff;
	vm1 =	vcmask $0x3F20;
	[sflag:s11] =	ssyncpa.u1 $0x0;
	s11 =	smov.u32 s1;
	s10 =	sadd.s32 $0x1, s8  }
.LBB2_6:
0x16: {  	[hbm:s17] =	stream.linear.scatter [tilespmem:s14], [sflag:$0x3], $0x400, $0x38;
	[tilespmem:$0xC990] =	vst v63  }
.LBB2_7:
0x17: {  	s13 =	sadd.s32 $0xC8, s11  }
0x18: {  	s15 =	smov.u32 s1;
	p2 =	slt.s32 s13, s3  }
0x19: {  	s15 =	smov.u32 @p2 s13;
	p2 =	sne.s32 s12, s10  }
.Ltmp1:
0x1a: {  	p1 =	slt.u32 s12, $0x2;
	(pc) =	sbr.rel @!p2 .LBB2_8-.Ltmp1, $4  }
0x1b: {  	s14 =	simm.s32 @!p1 $0x3  }
0x1c: {  	s16 =	sadd.s32 $0x1, s12;
	_ =	swait.ge @!p1 [sflag:s14], $0x6400  }
0x1d: {  	p0 =	por !p0, !p0;
	s13 =	smov.u32 s11;
	[sflag:s14] =	ssyncset.done @!p1 $0x0  }
0x1e: {  	s12 =	smov.u32 s16;
	s11 =	smov.u32 s15;
	[sflag:s14] =	ssyncadd.s32 @!p1 $0xFFFF9C00  }
.LBB2_1:
0x1f: {  	p1 =	sge.u32 s12, s8  }
0x20: {  	s14 =	sxor.u32 @!p1 $0xFFFFFFFF, s12  }
0x21: {  	s14 =	sand.u32 @!p1 $0x1, s14  }
0x22: {  	s14 =	smul.u32 @!p1 $0x320, s14  }
0x23: {  	s31 =	sadd.s32 $0xFFFFFFFF, s12;
	s15 =	sshrl.u32 @!p1 s11, $0x3  }
0x24: {  	s16 =	sand.u32 @!p1 $0x7, s11;
	s15 =	sadd.s32 @!p1 s4, s15;
	s14 =	sshrl.u32 @!p1 s14, $0x2  }
0x25: {  	[tilespmem:s14], [sflag:$0x2] =	stream.linear.gather @!p1 [hbm4b:s15+s16], $0xC8, $0x38;
	[tilespmem:$0xC990] =	vst v63  }
0x26: {  	p1 =	sge.u32 s31, s8  }
.Ltmp2:
0x27: {  	_ = 	snop;
	(pc) =	sbr.rel @p1 .LBB2_7-.Ltmp2, $1  }
0x28: {  	_ =	sdelay $0x3  }
0x29: {  	s14 =	simm.s32 $0x1  }
0x2a: {  	s14 =	simm.s32 @!p0 $0x0  }
0x2b: {  	s15 =	smul.u32 $0x320, s14  }
0x2c: {  	_ =	swait.ge [sflag:s7], $0xC8  }
0x2d: {  	[sflag:s7] =	ssyncset.done $0x0;
	s16 =	sshrl.u32 s15, $0x2  }
0x2e: {  	[sflag:s7] =	ssyncadd.s32 $0xFFFFFF38;
	s15 =	sadd.s32 $0x0, s16  }
0x2f: {  	v0 =	vld.msk [tilespmem:s15+$0x0 ss:$0x1], $0xffff;
	_ =	sdelay $0x4  }
0x30: {  	vm2 =	vgt.s32 v0, $0x0  }
0x31: {  	v0 =	vnsel vm2, $0x0, v0  }
0x32: {  	v0 =	vmin.u32 v0, $0x1387  }
0x33: {  	v0 =	vshll.u32 v0, $0x4  }
0x34: {  	s14 =	smul.u32 $0x19000, s14  }
0x35: {  	s31 =	sand.u32 $0x1, s12  }
0x36: {  	s17 =	smul.u32 $0x320, s31;
	s14 =	sshrl.u32 s14, $0x2  }
0x37: {  	s19 =	smul.u32 $0x19000, s31;
	s14 =	sor.u32 $0x190, s14  }
0x38: {  	[tilespmem:s14], [sflag:$0x1] =	stream.indirect_vreg.gather [hbm:s5], $0x80, v0, vm0, $0x38;
	[tilespmem:$0xC990] =	vst v63  }
0x39: {  	s18 =	sshrl.u32 s17, $0x2;
	s20 =	sadd.s32 $0x10, s16;
	s15 =	sadd.s32 $0x400, s14  }
0x3a: {  	[tilespmem:s15], [sflag:$0x1] =	stream.indirect_vreg.gather [hbm:s5], $0x80, v0, vm1, $0x38;
	[tilespmem:$0xC990] =	vst v63  }
0x3b: {  	s17 =	sshrl.u32 s19, $0x2;
	s19 =	smov.u32 s14;
	v0 =	vld.msk [tilespmem:s20+$0x0 ss:$0x1], $0xffff;
	s20 =	simm.s32 $0x80  }
.LBB2_3:
0x3c: {  	p1 =	sne.s32 s20, $0x2C0;
	_ =	sdelay $0x4  }
0x3d: {  	vm2 =	vgt.s32 v0, $0x0  }
0x3e: {  	v0 =	vnsel vm2, $0x0, v0  }
0x3f: {  	v0 =	vmin.u32 v0, $0x1387  }
0x40: {  	v0 =	vshll.u32 v0, $0x4;
	_ =	sdelay $0x3  }
.Ltmp3:
0x41: {  	s21 =	sshra.s32 s20, $0x2;
	s19 =	sadd.s32 $0x800, s19;
	(pc) =	sbr.rel @p1 .LBB2_3-.Ltmp3, $4  }
0x42: {  	[tilespmem:s19], [sflag:$0x1] =	stream.indirect_vreg.gather [hbm:s5], $0x80, v0, vm0, $0x38;
	[tilespmem:$0xC990] =	vst v63  }
0x43: {  	s21 =	sadd.s32 s21, s16;
	s22 =	sadd.s32 $0x400, s19  }
0x44: {  	[tilespmem:s22], [sflag:$0x1] =	stream.indirect_vreg.gather [hbm:s5], $0x80, v0, vm1, $0x38;
	[tilespmem:$0xC990] =	vst v63  }
0x45: {  	s20 =	sadd.s32 $0x40, s20;
	v0 =	vld.msk [tilespmem:s21+$0x0 ss:$0x1], $0xffff  }
0x46: {  	_ =	sdelay $0x3  }
0x47: {  	vm2 =	vgt.s32 v0, $0x0  }
0x48: {  	v0 =	vnsel vm2, $0x0, v0  }
0x49: {  	v0 =	vmin.u32 v0, $0x1387  }
0x4a: {  	v0 =	vshll.u32 v0, $0x4;
	_ =	sdelay $0x3  }
0x4b: {  	s16 =	sadd.s32 $0x800, s19  }
0x4c: {  	[tilespmem:s16], [sflag:$0x1] =	stream.indirect_vreg.gather [hbm:s5], $0x80, v0, vm0, $0x38;
	[tilespmem:$0xC990] =	vst v63  }
0x4d: {  	s16 =	sadd.s32 $0x400, s16  }
0x4e: {  	[tilespmem:s16], [sflag:$0x1] =	stream.indirect_vreg.gather [hbm:s5], $0x80, v0, vm1, $0x38;
	[tilespmem:$0xC990] =	vst v63  }
0x4f: {  	v0 =	vld.msk [tilespmem:s18+$0xC0 ss:$0x1], $0xff;
	_ =	sdelay $0x4  }
0x50: {  	vm2 =	vgt.s32 v0, $0x0  }
0x51: {  	v0 =	vnsel vm2, $0x0, v0  }
0x52: {  	v0 =	vmin.u32 v0, $0x1387  }
0x53: {  	v0 =	vshll.u32 v0, $0x4;
	_ =	sdelay $0x3  }
0x54: {  	s31 =	sadd.s32 $0x6190, s17  }
0x55: {  	[tilespmem:s31], [sflag:$0x1] =	stream.indirect_vreg.gather [hbm:s5], $0x80, v0, vm0, $0x38;
	[tilespmem:$0xC990] =	vst v63  }
0x56: {  	s13 =	sshll.u32 s13, $0x4;
	_ =	swait.ge [sflag:s6], $0x6400  }
0x57: {  	s13 =	sadd.s32 s13, s9;
	[sflag:s6] =	ssyncset.done $0x0  }
0x58: {  	s17 =	sadd.s32 $0x0, s13;
	s16 =	simm.s32 $0x80;
	[sflag:s6] =	ssyncadd.s32 $0xFFFF9C00  }
.LBB2_5:
0x59: {  	[hbm:s17] =	stream.linear.scatter [tilespmem:s14], [sflag:$0x3], $0x400, $0x38;
	[tilespmem:$0xC990] =	vst v63  }
0x5a: {  	s17 =	smov.u32 s16;
	s14 =	smov.u32 s15;
	p1 =	sne.s32 s16, $0xC00  }
.Ltmp4:
0x5b: {  	s16 =	sadd.s32 $0x80, s16;
	(pc) =	sbr.rel @p1 .LBB2_5-.Ltmp4, $2  }
0x5c: {  	_ =	sdelay $0x2  }
0x5d: {  	s15 =	sadd.s32 $0x400, s15;
	s17 =	sadd.s32 s17, s13  }
.Ltmp5:
0x5e: {  	_ = 	snop;
	(pc) =	sbr.rel .LBB2_6-.Ltmp5, $1  }
0x5f: {  	_ =	sdelay $0x3  }
.LBB2_8:
0x60: {  	_ =	sfence.sel $0x180000  }
0x61: {  	s1 =	simm.s32 $0x2;
	[bflag:$0x0] =	sbarrier.arrive $0xFFFF  }
0x62: {  	s30 =	simm.s32 $0x3;
	[sflag:s1] =	ssyncpa.u1 $0x1  }
0x63: {  	s31 =	simm.s32 $0x1;
	[sflag:s30] =	ssyncpa.u1 $0x1  }
0x64: {  	[sflag:s31] =	ssyncpa.u1 $0x1  }
0x65: {  	p0 =	sne.s32 s0, $0x0;
	_ =	strace $0x9000004A  }
0x66: {  	s0 =	sadd.s32 @!p0 $0x100000, s2;
	[bflag:$0x2] =	sbarrier.arrive $0xFFFF  }
0x67: {  	[sflag:s0] =	ssyncadd.tile.s32 @!p0 $0x1;
	_ =	shalt  }
.Lfunc_end2:
_tile_overlayer_lowered:
.L_overlay_start_2:
0x68: {  	(tag) =	ssettag $0x2  }
0x69: {  	s0 =	rddreg [dreg:$0x0];
	s2 =	stileid.u32  }
0x6a: {  	s1 =	rddreg [dreg:$0x1];
	p0 =	sne.s32 s2, $0x0  }
0x6b: {  	s3 =	rddreg [dreg:$0x2];
	[bflag:$0x3] =	sbarrier.arrive $0xFFFF;
	s2 =	simm.s32 @!p0 $0x1C01  }
0x6c: {  	[timem:s3], [sflag:s2] =	dma.local @!p0 [hbm:s0], s1  }
0x6d: {  	s0 =	simm.s32 @!p0 $0x1  }
0x6e: {  	_ =	swait.ge @!p0 [sflag:s0], s1  }
0x6f: {  	s1 =	ssub.s32 @!p0 $0x0, s1;
	[sflag:s0] =	ssyncset.done @!p0 $0x0  }
0x70: {  	[sflag:s0] =	ssyncadd.s32 @!p0 s1  }
0x71: {  	[bflag:$0x3] =	sbarrier.arrive $0xFFFF  }
0x72: {  	_ =	shalt  }

// kernel: kernel.3.cloned.1.call-start
scs
__scs_entry_jumppad:
0x0: {  	(pc) =	sbr.rel $0x88, $3  }
0x1: {  	(tag) =	ssettag $0x0;
	lr =	simm.s32 $0x1  }
0x2: {  	[smem:$0x3F9F] =	sst lr;
	_ =	strace $0xD0000000  }
0x3: {  	_ = 	snop  }
0x4: {  	_ = 	snop  }
0x5: {  	_ = 	snop  }
0x6: {  	_ = 	snop  }
0x7: {  	_ = 	snop  }
__scs_overlays_trampoline_lowered:
0x8: {  	[smem:$0x3FAE] =	sst s0  }
0x9: {  	[smem:$0x3FAF] =	sst s1  }
0xa: {  	[smem:$0x3FB0] =	sst s2  }
0xb: {  	[smem:$0x3FB1] =	sst s3  }
0xc: {  	[smem:$0x3FB2] =	sst s4  }
0xd: {  	[smem:$0x3FB3] =	sst s5  }
0xe: {  	[smem:$0x3FB4] =	sst s6  }
0xf: {  	[smem:$0x3FB5] =	sst s7  }
0x10: {  	[smem:$0x3FB6] =	sst s8  }
0x11: {  	[smem:$0x3FB7] =	sst s9;
	s0 =	simm.s32 @!p0 $0x0  }
0x12: {  	s1 =	sld [smem:$0x3F9D];
	s0 =	simm.s32 @p0 $0x1  }
0x13: {  	[smem:$0x3FB8] =	sst s0;
	s0 =	simm.s32 @!p1 $0x0  }
0x14: {  	s2 =	sld [smem:$0x3F9C];
	s0 =	simm.s32 @p1 $0x1  }
0x15: {  	[smem:$0x3FB9] =	sst s0;
	s0 =	simm.s32 @!p2 $0x0  }
0x16: {  	s3 =	sld [smem:$0x3FDB];
	s0 =	simm.s32 @p2 $0x1  }
0x17: {  	s4 =	simm.s32 $0x1BF5;
	[smem:$0x3FBB] =	sst s0  }
0x18: {  	s0 =	sld [smem:$0x3F9E];
	_ =	swait.ge [sflag:s4], $0x0  }
0x19: {  	s7 =	sld [smem:$0x3F9F]  }
0x1a: {  	s8 =	sadd.s32 $0xFFFFE003, lr  }
0x1b: {  	s9 =	sadd.s32 $0xFFFFFEF7, lr;
	s5 =	simm.s32 $0xFFFFFFFF;
	p2 =	slt.u32 s8, $0xFFFFF086  }
0x1c: {  	p1 =	slt.u32 s9, $0xF7A;
	s5 =	simm.s32 @!p2 $0x0  }
0x1d: {  	s5 =	simm.s32 @p1 $0x1;
	p0 =	seq.s32 s7, s2  }
0x1e: {  	s7 =	smul.u32 @!p0 $0xF7A, s2;
	p2 =	seq.s32 @!p0 s5, $0x0  }
0x1f: {  	s9 =	smul.u32 $0xF7A, s1;
	s8 =	simm.s32 @!p0 $0x1BF5;
	p2 =	por !p2, p0  }
0x20: {  	[sflag:s8] =	ssyncset.s32 @!p0 $0xFFFFF086;
	s6 =	sadd.s32 @!p0 s3, s7;
	s7 =	simm.s32 @!p0 $0x108  }
0x21: {  	s3 =	sadd.s32 s3, s9;
	s6 =	sadd.s32 @!p0 $0x88, s6;
	s7 =	simm.s32 @p2 $0x1082  }
0x22: {  	[simem:s7], [sflag:s8] =	dma.local @!p0 [hbm:s6], $0xF7A  }
0x23: {  	s9 =	sor.u32 $0xD0000000, s2;
	s6 =	simm.s32 $0x108;
	_ =	swait.ge @!p0 [sflag:s8], $0x0  }
0x24: {  	s3 =	sadd.s32 $0x88, s3;
	s6 =	simm.s32 @!p1 $0x1082;
	[sflag:s4] =	ssyncset.s32 $0xFFFFF086  }
0x25: {  	[simem:s6], [sflag:s4] =	dma.local [hbm:s3], $0xF7A  }
0x26: {  	[smem:$0x3F9F] =	sst s1;
	(tag) =	ssettag s2;
	_ =	strace s9  }
0x27: {  	s1 =	sld [smem:$0x3FAF]  }
0x28: {  	s2 =	sld [smem:$0x3FB0]  }
0x29: {  	s4 =	sld [smem:$0x3FB2]  }
0x2a: {  	p0 =	seq.s32 s5, $0x0;
	s5 =	sld [smem:$0x3FB3]  }
0x2b: {  	s6 =	sld [smem:$0x3FB4]  }
0x2c: {  	s7 =	sld [smem:$0x3FB5]  }
0x2d: {  	s3 =	simm.s32 $0x108;
	s8 =	sld [smem:$0x3FB6]  }
0x2e: {  	s3 =	simm.s32 @!p0 $0x1082;
	s9 =	sld [smem:$0x3FB7]  }
0x2f: {  	lr =	sadd.s32 s0, s3;
	s0 =	sld [smem:$0x3FAE]  }
0x30: {  	s3 =	sld [smem:$0x3FB1]  }
0x31: {  	[smem:$0x3FBA] =	sst s10  }
0x32: {  	s10 =	sld [smem:$0x3FB8];
	_ =	sdelay $0x3  }
0x33: {  	p0 =	seq.s32 s10, $0x1;
	s10 =	sld [smem:$0x3FBA];
	_ =	sdelay $0x3  }
0x34: {  	[smem:$0x3FBA] =	sst s10  }
0x35: {  	s10 =	sld [smem:$0x3FB9];
	_ =	sdelay $0x3  }
0x36: {  	p1 =	seq.s32 s10, $0x1;
	s10 =	sld [smem:$0x3FBA];
	_ =	sdelay $0x3  }
0x37: {  	[smem:$0x3FBA] =	sst s10  }
0x38: {  	s10 =	sld [smem:$0x3FBB]  }
0x39: {  	_ = 	snop;
	(pc) =	sbr.ind lr, $3  }
0x3a: {  	_ = 	snop  }
0x3b: {  	_ = 	snop  }
0x3c: {  	p2 =	seq.s32 s10, $0x1;
	s10 =	sld [smem:$0x3FBA]  }
0x3d: {  	_ =	shalt  }
0x3e: {  	_ =	shalt  }
0x3f: {  	_ =	shalt  }
0x40: {  	_ =	shalt  }
0x41: {  	_ =	shalt  }
0x42: {  	_ =	shalt  }
0x43: {  	_ =	shalt  }
0x44: {  	_ =	shalt  }
0x45: {  	_ =	shalt  }
0x46: {  	_ =	shalt  }
0x47: {  	_ =	shalt  }
0x48: {  	_ =	shalt  }
0x49: {  	_ =	shalt  }
0x4a: {  	_ =	shalt  }
0x4b: {  	_ =	shalt  }
0x4c: {  	_ =	shalt  }
0x4d: {  	_ =	shalt  }
0x4e: {  	_ =	shalt  }
0x4f: {  	_ =	shalt  }
0x50: {  	_ =	shalt  }
0x51: {  	_ =	shalt  }
0x52: {  	_ =	shalt  }
0x53: {  	_ =	shalt  }
0x54: {  	_ =	shalt  }
0x55: {  	_ =	shalt  }
0x56: {  	_ =	shalt  }
0x57: {  	_ =	shalt  }
0x58: {  	_ =	shalt  }
0x59: {  	_ =	shalt  }
0x5a: {  	_ =	shalt  }
0x5b: {  	_ =	shalt  }
0x5c: {  	_ =	shalt  }
0x5d: {  	_ =	shalt  }
0x5e: {  	_ =	shalt  }
0x5f: {  	_ =	shalt  }
0x60: {  	_ =	shalt  }
0x61: {  	_ =	shalt  }
0x62: {  	_ =	shalt  }
0x63: {  	_ =	shalt  }
0x64: {  	_ =	shalt  }
0x65: {  	_ =	shalt  }
0x66: {  	_ =	shalt  }
0x67: {  	_ =	shalt  }
0x68: {  	_ =	shalt  }
0x69: {  	_ =	shalt  }
0x6a: {  	_ =	shalt  }
0x6b: {  	_ =	shalt  }
0x6c: {  	_ =	shalt  }
0x6d: {  	_ =	shalt  }
0x6e: {  	_ =	shalt  }
0x6f: {  	_ =	shalt  }
0x70: {  	_ =	shalt  }
0x71: {  	_ =	shalt  }
0x72: {  	_ =	shalt  }
0x73: {  	_ =	shalt  }
0x74: {  	_ =	shalt  }
0x75: {  	_ =	shalt  }
0x76: {  	_ =	shalt  }
0x77: {  	_ =	shalt  }
0x78: {  	_ =	shalt  }
0x79: {  	_ =	shalt  }
0x7a: {  	_ =	shalt  }
0x7b: {  	_ =	shalt  }
0x7c: {  	_ =	shalt  }
0x7d: {  	_ =	shalt  }
0x7e: {  	_ =	shalt  }
0x7f: {  	_ =	shalt  }
0x80: {  	_ =	shalt  }
0x81: {  	_ =	shalt  }
0x82: {  	_ =	shalt  }
0x83: {  	_ =	shalt  }
0x84: {  	_ =	shalt  }
0x85: {  	_ =	shalt  }
0x86: {  	_ =	shalt  }
0x87: {  	_ =	shalt  }
.Lfunc_end0:
.L_simem_size_0:
called_computation.2_lowered:
.L_overlay_start_0:
0x88: {  	s0 =	sld [smem:$0x3FD9]  }
0x89: {  	s1 =	sld [smem:$0x3FFE];
	_ =	sdelay $0x3  }
0x8a: {  	s0 =	sadd.s32 s1, s0  }
0x8b: {  	[smem:$0x3FC6] =	sst s0  }
0x8c: {  	_ = 	snop  }
0x8d: {  	s0 =	sld [smem:$0x3FD0];
	(tm) =	ssettm $0x1  }
0x8e: {  	s16 =	sld [smem:$0x3FFB];
	_ =	sdelay $0x3  }
0x8f: {  	_ =	strace s16  }
0x90: {  	s1 =	sld [smem:$0x3FFC];
	_ =	sdelay $0x3  }
0x91: {  	_ =	strace s1  }
0x92: {  	s1 =	sld [smem:$0x3FFD];
	_ =	sdelay $0x3  }
0x93: {  	_ =	strace s1  }
0x94: {  	_ =	strace $0x8FFFFFFF  }
0x95: {  	s17 =	sld [smem:$0x3FDB];
	_ =	sdelay $0x1  }
0x96: {  	s2 =	simm.s32 $_scs_section_size  }
0x97: {  	s3 =	simm.s32 $_size__tile_overlayer_lowered;
	s4 =	simm.s32 $_tile_overlayer_lowered  }
0x98: {  	s20 =	simm.s32 $0x1BFF;
	s19 =	sshll.u32 s4, $0x1;
	s1 =	sadd.s32 s2, s17  }
0x99: {  	s5 =	simm.s32 $0x0;
	s18 =	sshll.u32 s3, $0x1;
	s3 =	sadd.s32 s19, s1  }
0x9a: {  	[timem:s5], [sflag:s20] =	dma.local [hbm:s3], s18  }
0x9b: {  	_ =	swait.ge [sflag:s20], s18  }
0x9c: {  	s2 =	ssub.s32 $0x0, s18;
	[sflag:s20] =	ssyncset.done $0x0  }
0x9d: {  	[sflag:s20] =	ssyncadd.s32 s2;
	_ =	sdelay $0x1  }
0x9e: {  	s21 =	simm.s32 $0x1B8B  }
0x9f: {  	_ =	swait.ge [sflag:s21], $0x1  }
0xa0: {  	[sflag:s21] =	ssyncset.done $0x0  }
0xa1: {  	s23 =	simm.s32 $0x1B8E;
	s22 =	sld [smem:$0x3FFE];
	[sflag:s21] =	ssyncadd.s32 $0xFFFFFFFF  }
0xa2: {  	s24 =	simm.s32 $execute0_lowered;
	[smem:$0x3FD2] =	sst s23  }
0xa3: {  	s3 =	sshll.u32 s24, $0x1;
	_ =	strace $0x8000004C;
	[dreg:$0x1] =	wrdreg $0xFFFFFFFF  }
0xa4: {  	s25 =	simm.s32 $_size_execute0_lowered;
	s1 =	sadd.s32 s1, s3;
	[dreg:$0x0] =	wrdreg $0x0  }
0xa5: {  	s3 =	sshll.u32 s25, $0x1;
	[dreg:$0x2] =	wrdreg s1  }
0xa6: {  	[dreg:$0x3] =	wrdreg s3  }
0xa7: {  	[dreg:$0x4] =	wrdreg $0xC0  }
0xa8: {  	_ =	task [dreg:s5], $0x5FFFF  }
0xa9: {  	[dreg:$0x1] =	wrdreg $0xFFFFFFFF  }
0xaa: {  	[dreg:$0x0] =	wrdreg $0x60  }
0xab: {  	[dreg:$0x2] =	wrdreg s0  }
0xac: {  	[dreg:$0x3] =	wrdreg s22  }
0xad: {  	[dreg:$0x4] =	wrdreg $0xC8800  }
0xae: {  	[dreg:$0x5] =	wrdreg $0x9  }
0xaf: {  	_ =	task.clear_ibuf [dreg:s5], $0x6FFFF;
	_ =	strace $0x9000004C  }
0xb0: {  	s26 =	simm.s32 $0x9;
	_ =	strace $0x8000004E  }
0xb1: {  	_ =	swait.ge [sflag:s26], $0x1  }
0xb2: {  	[sflag:s26] =	ssyncadd.s32 $0xFFFFFFFF  }
0xb3: {  	_ =	strace $0x9000004E  }
0xb4: {  	_ =	sfence  }
0xb5: {  	s28 =	sld [smem:$0x0];
	_ =	sdelay $0x1  }
0xb6: {  	s29 =	srdreg.scid  }
0xb7: {  	s30 =	sshll.u32 s29, $0xD;
	s31 =	sshrl.u32 s29, $0x2  }
0xb8: {  	s2 =	sand.u32 $0x4000, s30;
	s1 =	sand.u32 $0x1, s29;
	s0 =	sadd.s32 s31, s28  }
0xb9: {  	s1 =	sor.u32 s2, s1;
	s0 =	sshll.u32 s0, $0x11  }
0xba: {  	s0 =	sor.u32 s0, s1  }
0xbb: {  	s0 =	sadd.s32 $0x8F2B, s0  }
0xbc: {  	[sflag:s0] =	ssyncadd.remote.s32 $0x1  }
0xbd: {  	_ =	sfence.sel $0xFFFF  }
0xbe: {  	[dreg:$0x0] =	wrdreg $0xFFFFFFFF;
	(pc) =	sbr.abs _section_cstart, $3  }
0xbf: {  	[dreg:$0x1] =	wrdreg $0xFFFFFFFF  }
0xc0: {  	_ =	task.clear_ibuf [dreg:s5], $0x2FFFF;
	_ =	strace $0x9FFFFFFF  }
0xc1: {  	(tm) =	ssettm $0x7FFFFFFF  }
tec
execute0_lowered:
.L_overlay_start_1:
0x0: {  	(tag) =	ssettag $0x1  }
0x1: {  	s1 =	rddreg [dreg:$0x0]  }
0x2: {  	s2 =	rddreg [dreg:$0x1]  }
0x3: {  	s3 =	rddreg [dreg:$0x2];
	s4 =	simm.s32 $0x0  }
0x4: {  	[smem:$0x7FF] =	sst s4  }
0x5: {  	s0 =	rddreg [dreg:$0x3];
	s6 =	simm.s32 $0x1;
	_ =	strace $0x8000004D  }
0x6: {  	[tilespmem:s4], [sflag:$0x1] =	stream.linear.gather [hbm4b:s1+s4], $0x1400, $0x38;
	[tilespmem:$0xC9C0] =	vst v63  }
0x7: {  	_ =	swait.ge [sflag:s6], $0x1400  }
0x8: {  	[sflag:s6] =	ssyncset.done $0x0  }
0x9: {  	s5 =	simm.s32 $0x1400;
	s25 =	sadd.s32 $0x400, s2;
	[sflag:s6] =	ssyncadd.s32 $0xFFFFEC00  }
0xa: {  	[tilespmem:s5], [sflag:$0x1] =	stream.linear.gather [hbm4b:s25+s4], $0x1400, $0x38;
	[tilespmem:$0xC9C0] =	vst v63  }
0xb: {  	_ =	swait.ge [sflag:s6], $0x1400  }
0xc: {  	[sflag:s6] =	ssyncset.done $0x0  }
0xd: {  	s28 =	simm.s32 $0x2800;
	s26 =	sadd.s32 $0x800, s2;
	[sflag:s6] =	ssyncadd.s32 $0xFFFFEC00  }
0xe: {  	[tilespmem:s28], [sflag:$0x1] =	stream.linear.gather [hbm4b:s26+s4], $0x1400, $0x38;
	[tilespmem:$0xC9C0] =	vst v63  }
0xf: {  	_ =	swait.ge [sflag:s6], $0x1400  }
0x10: {  	[sflag:s6] =	ssyncset.done $0x0  }
0x11: {  	s30 =	simm.s32 $0x3C00;
	s29 =	sadd.s32 $0xC00, s2;
	[sflag:s6] =	ssyncadd.s32 $0xFFFFEC00  }
0x12: {  	[tilespmem:s30], [sflag:$0x1] =	stream.linear.gather [hbm4b:s29+s4], $0x1400, $0x38;
	[tilespmem:$0xC9C0] =	vst v63  }
0x13: {  	_ =	swait.ge [sflag:s6], $0x1400  }
0x14: {  	[sflag:s6] =	ssyncset.done $0x0  }
0x15: {  	s31 =	simm.s32 $0x5000;
	s1 =	stileid.u32;
	[sflag:s6] =	ssyncadd.s32 $0xFFFFEC00  }
0x16: {  	[tilespmem:s31], [sflag:$0x1] =	stream.linear.gather [hbm4b:s2+s4], $0x1400, $0x38;
	[tilespmem:$0xC9C0] =	vst v63  }
0x17: {  	s4 =	sshll.u32 s1, $0x4  }
0x18: {  	s7 =	sor.u32 $0x5000, s4  }
0x19: {  	v17 =	vmov s7;
	_ =	sdelay $0x1  }
0x1a: {  	_ =	swait.ge [sflag:s6], $0x1400  }
0x1b: {  	s10 =	simm.s32 $0x0;
	s5 =	sor.u32 $0x6400, s4;
	[sflag:s6] =	ssyncset.done $0x0  }
0x1c: {  	v0 =	vimm.f32 $0.0e+00;
	s2 =	sadd.s32 $0x1000, s2;
	v18 =	vmov s5;
	[sflag:s6] =	ssyncadd.s32 $0xFFFFEC00;
	s6 =	simm.s32 $0x400  }
.LBB2_1:
0x1d: {  	p0 =	sne.s32 s6, $0x4C00;
	v1 =	vld.idx.msk [tilespmem:v17+s10+$0x0 ss:$0x1], $0xffff;
	_ =	sdelay $0x3  }
.Ltmp0:
0x1e: {  	(pc) =	sbr.rel @p0 .LBB2_1-.Ltmp0, $4  }
0x1f: {  	_ = 	snop  }
0x20: {  	vm0 =	vgt.f32 v1, $5.000000070e-02  }
0x21: {  	v1 =	vsel vm0, $0x3F800000, v0  }
0x22: {  	[tilespmem:v18+s10+$0x0 ss:$0x1] =	vst.idx.msk $0xffff, v1;
	s10 =	sshra.s32 s6, $0x2;
	s6 =	sadd.s32 $0x400, s6  }
0x23: {  	_ =	sdelay $0x1  }
0x24: {  	v19 =	vimm.s32 $0x0;
	v21 =	vimm.s32 $0x1;
	v22 =	vimm.s32 $0x2  }
0x25: {  	vm2 =	vcmask $0x3F0C;
	v23 =	vimm.s32 $0x3;
	vm3 =	vcmask $0x3F10  }
0x26: {  	v1 =	vld.idx.msk [tilespmem:v17+s10+$0x0 ss:$0x1], $0xffff;
	v24 =	vimm.s32 $0x4;
	vm4 =	vcmask $0x3F14;
	v25 =	vimm.s32 $0x5  }
0x27: {  	vm5 =	vcmask $0x3F18;
	v27 =	vimm.s32 $0x6;
	vm6 =	vcmask $0x3F1C  }
0x28: {  	v29 =	vimm.s32 $0x7;
	vm7 =	vcmask $0x3F20;
	v30 =	vimm.s32 $0x8  }
.Ltmp1:
0x29: {  	vm8 =	vcmask $0x3F24;
	v33 =	vimm.s32 $0x9;
	vm9 =	vcmask $0x3F28;
	(pc) =	sbr.rel .LBB2_3-.Ltmp1, $4  }
0x2a: {  	v34 =	vimm.s32 $0xA;
	vm10 =	vcmask $0x3F2C;
	v35 =	vimm.s32 $0xB  }
0x2b: {  	s8 =	ssub.s32 $0x10, s1;
	vm11 =	vcmask $0x3F30;
	v31 =	vimm.s32 $0xC;
	[tilespmem:$0x1FFE0] =	vst v17;
	vm0 =	vgt.f32 v1, $5.000000070e-02  }
0x2c: {  	s6 =	sor.u32 $0x3C00, s4;
	s7 =	sor.u32 $0x2800, s4;
	s9 =	sor.u32 $0x1400, s4;
	vm12 =	vcmask $0x3F34;
	v28 =	vimm.s32 $0xD;
	[tilespmem:$0x1FFF0] =	vst v18;
	v0 =	vsel vm0, $0x3F800000, v0  }
0x2d: {  	vm13 =	vcmask $0x3F38;
	v26 =	vimm.s32 $0xE;
	vm14 =	vcmask $0x3F3C;
	s11 =	simm.s32 $0x1;
	s12 =	simm.s32 $0x7800;
	[tilespmem:v18+s10+$0x0 ss:$0x1] =	vst.idx.msk $0xffff, v0;
	s10 =	simm.s32 $0x0  }
.LBB2_8:
0x2e: {  	v19 =	vimm.s32 $0x0;
	v21 =	vimm.s32 $0x1;
	v22 =	vimm.s32 $0x2  }
0x2f: {  	v23 =	vimm.s32 $0x3;
	v24 =	vimm.s32 $0x4;
	v25 =	vimm.s32 $0x5  }
0x30: {  	v27 =	vimm.s32 $0x6;
	v29 =	vimm.s32 $0x7;
	v30 =	vimm.s32 $0x8  }
0x31: {  	v17 =	vld [tilespmem:$0x1FFE0];
	v33 =	vimm.s32 $0x9;
	v34 =	vimm.s32 $0xA;
	v35 =	vimm.s32 $0xB  }
0x32: {  	v18 =	vld [tilespmem:$0x1FFF0];
	v31 =	vimm.s32 $0xC;
	v28 =	vimm.s32 $0xD;
	v26 =	vimm.s32 $0xE  }
.LBB2_9:
0x33: {  	s10 =	sadd.s32 $0x1, s10  }
0x34: {  	p0 =	sne.s32 s10, $0x140  }
.Ltmp2:
0x35: {  	_ = 	snop;
	(pc) =	sbr.rel @!p0 .LBB2_10-.Ltmp2, $2  }
0x36: {  	_ =	sdelay $0x2  }
0x37: {  	s8 =	sadd.s32 $0x1, s8  }
.LBB2_3:
0x38: {  	s13 =	sand.u32 $0xF, s10  }
0x39: {  	p0 =	sne.s32 s1, s13  }
.Ltmp3:
0x3a: {  	_ = 	snop;
	(pc) =	sbr.rel @p0 .LBB2_5-.Ltmp3, $2  }
0x3b: {  	_ =	sdelay $0x2  }
0x3c: {  	s13 =	sshll.u32 s10, $0x4  }
0x3d: {  	v1 =	vld [tilespmem:s13+$0x0]  }
0x3e: {  	v0 =	vld [tilespmem:s13+$0x1400]  }
0x3f: {  	v4 =	vld [tilespmem:s13+$0x2800]  }
0x40: {  	v2 =	vld [tilespmem:s13+$0x3C00];
	_ =	sdelay $0x1  }
0x41: {  	v63 =	vld [tilespmem:s13+$0x6400]  }
0x42: {  	v3 =	vperm.xlane v1, v19  }
0x43: {  	v5 =	vperm.xlane v0, v19;
	v6 =	vperm.xlane v4, v19  }
0x44: {  	v7 =	vperm.xlane v2, v19;
	v57 =	vperm.xlane v1, v21  }
0x45: {  	v58 =	vperm.xlane v0, v21;
	v59 =	vperm.xlane v4, v21  }
0x46: {  	v20 =	vimm.f32 $2.000000030e+30;
	v60 =	vperm.xlane v2, v21;
	v32 =	vperm.xlane v63, v19  }
0x47: {  	vm0 =	vcmask $0x3F04;
	v36 =	vperm.xlane v1, v22;
	v37 =	vperm.xlane v0, v22  }
0x48: {  	v8 =	vsub.f32 v4, v1;
	v13 =	vperm.xlane v4, v22;
	v14 =	vperm.xlane v2, v22  }
0x49: {  	v9 =	vsub.f32 v2, v0;
	v47 =	vperm.xlane v1, v23;
	v48 =	vperm.xlane v0, v23  }
0x4a: {  	v50 =	vperm.xlane v4, v23;
	v51 =	vperm.xlane v2, v23;
	v10 =	vsub.f32 v6, v3  }
0x4b: {  	v11 =	vsub.f32 v7, v5;
	v6 =	vmin.f32 v6, v4;
	v3 =	vmax.f32 v3, v1  }
0x4c: {  	v7 =	vmin.f32 v7, v2;
	v61 =	vsub.f32 v59, v57;
	v62 =	vsub.f32 v60, v58  }
0x4d: {  	v5 =	vmax.f32 v5, v0;
	v38 =	vsub.f32 v13, v36;
	v39 =	vsub.f32 v14, v37  }
0x4e: {  	vm15 =	vgt.f32 v32, $0.0e+00;
	v6 =	vsub.f32 v6, v3;
	v5 =	vsub.f32 v7, v5  }
0x4f: {  	v40 =	vmin.f32 v13, v4;
	v3 =	vmul.f32 v9, v8;
	v55 =	vmul.f32 v11, v10  }
0x50: {  	v41 =	vmin.f32 v14, v2;
	v6 =	vmax.f32 v6, $0.0e+00;
	v5 =	vmax.f32 v5, $0.0e+00  }
0x51: {  	v52 =	vsub.f32 v50, v47;
	v5 =	vmul.f32 v5, v6;
	v56 =	vadd.f32 v55, v3  }
0x52: {  	v53 =	vsub.f32 v51, v48;
	v13 =	vmin.f32 v50, v4;
	v14 =	vmin.f32 v51, v2  }
0x53: {  	v50 =	vperm.xlane v4, v27;
	v51 =	vperm.xlane v2, v27;
	v6 =	vsub.f32 v56, v5  }
0x54: {  	v9 =	vmin.f32 v59, v4;
	v7 =	vmax.f32 v57, v1;
	v8 =	vmax.f32 v58, v0  }
0x55: {  	v42 =	vsel vm15, $0x3E99999A, v20;
	v58 =	vperm.xlane v1, v24;
	v6 =	vadd.f32 $9.999999710e-10, v6  }
0x56: {  	v59 =	vperm.xlane v0, v24;
	v10 =	vmin.f32 v60, v2;
	v7 =	vsub.f32 v9, v7  }
0x57: {  	v43 =	vmul.f32 v39, v38;
	v8 =	vsub.f32 v10, v8;
	(erf) = vrcp.f32 v6  }
0x58: {  	v11 =	vmax.f32 v37, v0;
	v54 =	vmul.f32 v53, v52;
	v6 =	vmul.f32 v62, v61  }
0x59: {  	v60 =	vperm.xlane v4, v24;
	v7 =	vmax.f32 v7, $0.0e+00;
	v8 =	vmax.f32 v8, $0.0e+00  }
0x5a: {  	v37 =	vperm.xlane v1, v25;
	v7 =	vmul.f32 v8, v7;
	v6 =	vadd.f32 v6, v3  }
0x5b: {  	v39 =	vperm.xlane v4, v25;
	v10 =	vmax.f32 v36, v1;
	v11 =	vsub.f32 v41, v11  }
0x5c: {  	v38 =	vperm.xlane v0, v25;
	v10 =	vsub.f32 v40, v10;
	v6 =	vsub.f32 v6, v7  }
0x5d: {  	v40 =	vperm.xlane v2, v25;
	v41 =	vsub.f32 v39, v37;
	v45 =	vmax.f32 v11, $0.0e+00  }
0x5e: {  	v11 =	vmax.f32 v48, v0;
	v48 =	vperm.xlane v1, v27;
	v6 =	vadd.f32 $9.999999710e-10, v6  }
0x5f: {  	v44 =	vmax.f32 v10, $0.0e+00;
	v10 =	vmax.f32 v47, v1;
	v11 =	vsub.f32 v14, v11  }
0x60: {  	v10 =	vsub.f32 v13, v10;
	v53 =	vsub.f32 v50, v48;
	(erf) = vrcp.f32 v6;
	v12 =	vpop (erf)  }
0x61: {  	v56 =	vmax.f32 v11, $0.0e+00;
	v11 =	vmax.f32 v59, v0;
	v5 =	vmul.f32 v12, v5  }
0x62: {  	v55 =	vmax.f32 v10, $0.0e+00;
	v10 =	vmax.f32 v58, v1;
	v61 =	vperm.xlane v2, v24  }
0x63: {  	v6 =	vmul.f32 v45, v44;
	vm15 =	vgt.f32 v5, v42;
	v5 =	vadd.f32 v43, v3  }
0x64: {  	v62 =	vsub.f32 v60, v58;
	v58 =	vperm.xlane v1, v29;
	v13 =	vmin.f32 v61, v2  }
0x65: {  	v13 =	vsub.f32 v13, v11;
	v12 =	vmin.f32 v60, v4;
	v5 =	vsub.f32 v5, v6  }
0x66: {  	v11 =	vmin.f32 v39, v4;
	v12 =	vsub.f32 v12, v10;
	vm15 =	vmand vm15, vm0  }
0x67: {  	v42 =	vsub.f32 v40, v38;
	v9 =	vsel vm15, $0x0, v63;
	v5 =	vadd.f32 $9.999999710e-10, v5  }
0x68: {  	v10 =	vmax.f32 v13, $0.0e+00;
	vm0 =	vcmask $0x3F08;
	v46 =	vperm.xlane v9, v21  }
0x69: {  	v63 =	vsub.f32 v61, v59;
	v43 =	vmul.f32 v42, v41;
	v49 =	vpop (erf);
	(erf) = vrcp.f32 v5  }
0x6a: {  	v59 =	vperm.xlane v0, v29;
	vm15 =	vgt.f32 v46, $0.0e+00;
	v7 =	vmul.f32 v49, v7  }
0x6b: {  	v61 =	vperm.xlane v4, v29;
	v8 =	vmul.f32 v63, v62;
	v15 =	vsel vm15, $0x3E99999A, v20  }
0x6c: {  	v5 =	vadd.f32 v54, v3;
	vm15 =	vgt.f32 v7, v15;
	v7 =	vmul.f32 v56, v55  }
0x6d: {  	v45 =	vadd.f32 v43, v3;
	v62 =	vperm.xlane v2, v29;
	v63 =	vsub.f32 v61, v58  }
0x6e: {  	v43 =	vperm.xlane v1, v30;
	v36 =	vadd.f32 v8, v3;
	v5 =	vsub.f32 v5, v7  }
0x6f: {  	v8 =	vmax.f32 v37, v1;
	v49 =	vperm.xlane v0, v27;
	vm15 =	vmand vm15, vm0  }
0x70: {  	v37 =	vmin.f32 v62, v2;
	v9 =	vsel vm15, $0x0, v9;
	v5 =	vadd.f32 $9.999999710e-10, v5  }
0x71: {  	v8 =	vsub.f32 v11, v8;
	v11 =	vmin.f32 v50, v4;
	v57 =	vperm.xlane v9, v22  }
0x72: {  	v54 =	vsub.f32 v51, v49;
	v15 =	vpop (erf);
	(erf) = vrcp.f32 v5;
	v5 =	vmax.f32 v12, $0.0e+00  }
0x73: {  	vm15 =	vgt.f32 v57, $0.0e+00;
	v6 =	vmul.f32 v15, v6;
	v5 =	vmul.f32 v10, v5  }
0x74: {  	v32 =	vsel vm15, $0x3E99999A, v20;
	v12 =	vmin.f32 v40, v2;
	v10 =	vmax.f32 v38, v0  }
0x75: {  	v10 =	vsub.f32 v12, v10;
	vm15 =	vgt.f32 v6, v32;
	v6 =	vsub.f32 v36, v5  }
0x76: {  	v8 =	vmax.f32 v8, $0.0e+00;
	v12 =	vmin.f32 v51, v2;
	v32 =	vsub.f32 v62, v59  }
0x77: {  	vm15 =	vmand vm15, vm2;
	v10 =	vmax.f32 v10, $0.0e+00;
	v6 =	vadd.f32 $9.999999710e-10, v6  }
0x78: {  	v36 =	vmin.f32 v61, v4;
	v9 =	vsel vm15, $0x0, v9;
	v44 =	vmul.f32 v10, v8  }
0x79: {  	v8 =	vmax.f32 v48, v1;
	v39 =	vmul.f32 v32, v63;
	(erf) = vrcp.f32 v6  }
0x7a: {  	v10 =	vmax.f32 v49, v0;
	v32 =	vperm.xlane v1, v34;
	v15 =	vperm.xlane v9, v23  }
0x7b: {  	v8 =	vsub.f32 v11, v8;
	v10 =	vsub.f32 v12, v10;
	v11 =	vmax.f32 v59, v0;
	v16 =	vpop (erf)  }
0x7c: {  	v47 =	vsub.f32 v45, v44;
	vm15 =	vgt.f32 v15, $0.0e+00;
	v7 =	vmul.f32 v16, v7  }
0x7d: {  	v11 =	vsub.f32 v37, v11;
	v8 =	vmax.f32 v8, $0.0e+00;
	v46 =	vsel vm15, $0x3E99999A, v20  }
0x7e: {  	v10 =	vmax.f32 v10, $0.0e+00;
	vm15 =	vgt.f32 v7, v46;
	v7 =	vadd.f32 $9.999999710e-10, v47  }
0x7f: {  	v56 =	vmul.f32 v10, v8;
	v10 =	vmax.f32 v58, v1;
	vm15 =	vmand vm15, vm3  }
0x80: {  	v10 =	vsub.f32 v36, v10;
	v9 =	vsel vm15, $0x0, v9;
	(erf) = vrcp.f32 v7  }
0x81: {  	v37 =	vperm.xlane v4, v34;
	v41 =	vmax.f32 v11, $0.0e+00;
	v52 =	vperm.xlane v9, v24  }
0x82: {  	v36 =	vperm.xlane v0, v34;
	v40 =	vmax.f32 v10, $0.0e+00;
	v7 =	vmul.f32 v54, v53;
	v15 =	vpop (erf)  }
0x83: {  	v46 =	vperm.xlane v4, v30;
	v5 =	vmul.f32 v15, v5;
	vm15 =	vgt.f32 v52, $0.0e+00  }
0x84: {  	v47 =	vperm.xlane v2, v30;
	v7 =	vadd.f32 v7, v3;
	v55 =	vsel vm15, $0x3E99999A, v20  }
0x85: {  	v10 =	vmax.f32 v43, v1;
	v48 =	vsub.f32 v46, v43;
	vm15 =	vgt.f32 v5, v55  }
0x86: {  	v13 =	vmin.f32 v46, v4;
	v7 =	vsub.f32 v7, v56;
	vm15 =	vmand vm15, vm4  }
0x87: {  	v54 =	vperm.xlane v1, v33;
	v10 =	vsub.f32 v13, v10;
	v57 =	vsel vm15, $0x0, v9  }
0x88: {  	v14 =	vmin.f32 v47, v2;
	v7 =	vadd.f32 $9.999999710e-10, v7;
	v9 =	vperm.xlane v57, v25  }
0x89: {  	v46 =	vperm.xlane v1, v35;
	v51 =	vmax.f32 v10, $0.0e+00;
	v10 =	vmax.f32 v54, v1;
	v60 =	vpop (erf)  }
0x8a: {  	(erf) = vrcp.f32 v7;
	v6 =	vmul.f32 v60, v44;
	vm15 =	vgt.f32 v9, $0.0e+00  }
0x8b: {  	v55 =	vperm.xlane v0, v33;
	v44 =	vperm.xlane v0, v30;
	v38 =	vsel vm15, $0x3E99999A, v20  }
0x8c: {  	v7 =	vmul.f32 v41, v40;
	vm15 =	vgt.f32 v6, v38;
	v6 =	vadd.f32 v39, v3  }
0x8d: {  	v49 =	vsub.f32 v47, v44;
	v11 =	vmax.f32 v44, v0;
	v38 =	vperm.xlane v2, v34  }
0x8e: {  	v39 =	vsub.f32 v37, v32;
	v47 =	vperm.xlane v0, v35;
	vm15 =	vmand vm15, vm5  }
0x8f: {  	v11 =	vsub.f32 v14, v11;
	v8 =	vsel vm15, $0x0, v57;
	v6 =	vsub.f32 v6, v7  }
0x90: {  	v50 =	vmul.f32 v49, v48;
	v57 =	vperm.xlane v2, v33;
	v40 =	vsub.f32 v38, v36  }
0x91: {  	v48 =	vperm.xlane v4, v35;
	v49 =	vperm.xlane v2, v35;
	v6 =	vadd.f32 $9.999999710e-10, v6  }
0x92: {  	v42 =	vperm.xlane v8, v27;
	v52 =	vmax.f32 v11, $0.0e+00;
	v11 =	vmax.f32 v55, v0  }
0x93: {  	v59 =	vsub.f32 v57, v55;
	v13 =	vmin.f32 v57, v2;
	v45 =	vpop (erf);
	(erf) = vrcp.f32 v6  }
0x94: {  	v41 =	vmul.f32 v40, v39;
	vm15 =	vgt.f32 v42, $0.0e+00;
	v5 =	vmul.f32 v45, v56  }
0x95: {  	v57 =	vperm.xlane v4, v31;
	v15 =	vsel vm15, $0x3E99999A, v20;
	v6 =	vmul.f32 v52, v51  }
0x96: {  	v56 =	vperm.xlane v4, v33;
	vm15 =	vgt.f32 v5, v15;
	v5 =	vadd.f32 v50, v3  }
0x97: {  	v39 =	vperm.xlane v0, v28;
	v40 =	vperm.xlane v2, v28;
	v61 =	vsub.f32 v13, v11  }
0x98: {  	v58 =	vsub.f32 v56, v54;
	v12 =	vmin.f32 v56, v4;
	v5 =	vsub.f32 v5, v6  }
0x99: {  	v11 =	vmin.f32 v37, v4;
	vm15 =	vmand vm15, vm6;
	v60 =	vsub.f32 v12, v10  }
0x9a: {  	v8 =	vsel vm15, $0x0, v8;
	v9 =	vmul.f32 v59, v58;
	v5 =	vadd.f32 $9.999999710e-10, v5  }
0x9b: {  	v43 =	vadd.f32 v41, v3;
	v10 =	vmax.f32 v61, $0.0e+00;
	v53 =	vperm.xlane v8, v29  }
0x9c: {  	v63 =	vadd.f32 v9, v3;
	v15 =	vpop (erf);
	(erf) = vrcp.f32 v5;
	v5 =	vmax.f32 v60, $0.0e+00  }
0x9d: {  	vm15 =	vgt.f32 v53, $0.0e+00;
	v7 =	vmul.f32 v15, v7;
	v5 =	vmul.f32 v10, v5  }
0x9e: {  	v51 =	vsub.f32 v48, v46;
	v52 =	vsub.f32 v49, v47;
	v62 =	vsel vm15, $0x3E99999A, v20  }
0x9f: {  	v9 =	vmax.f32 v32, v1;
	vm15 =	vgt.f32 v7, v62;
	v7 =	vsub.f32 v63, v5  }
0xa0: {  	v12 =	vmin.f32 v38, v2;
	v9 =	vsub.f32 v11, v9;
	v10 =	vmax.f32 v36, v0  }
0xa1: {  	v37 =	vperm.xlane v1, v28;
	v10 =	vsub.f32 v12, v10;
	v7 =	vadd.f32 $9.999999710e-10, v7  }
0xa2: {  	v56 =	vperm.xlane v1, v31;
	v9 =	vmax.f32 v9, $0.0e+00;
	vm15 =	vmand vm15, vm7  }
0xa3: {  	v10 =	vmax.f32 v10, $0.0e+00;
	v8 =	vsel vm15, $0x0, v8;
	(erf) = vrcp.f32 v7  }
0xa4: {  	v61 =	vmin.f32 v57, v4;
	v42 =	vmul.f32 v10, v9;
	v15 =	vperm.xlane v8, v30  }
0xa5: {  	v38 =	vperm.xlane v4, v28;
	v11 =	vmin.f32 v48, v4;
	v12 =	vmin.f32 v49, v2;
	v16 =	vpop (erf)  }
0xa6: {  	v45 =	vsub.f32 v43, v42;
	vm15 =	vgt.f32 v15, $0.0e+00;
	v6 =	vmul.f32 v16, v6  }
0xa7: {  	v9 =	vmax.f32 v46, v1;
	v10 =	vmax.f32 v47, v0;
	v44 =	vsel vm15, $0x3E99999A, v20  }
0xa8: {  	v9 =	vsub.f32 v11, v9;
	vm15 =	vgt.f32 v6, v44;
	v6 =	vadd.f32 $9.999999710e-10, v45  }
0xa9: {  	v59 =	vperm.xlane v0, v31;
	v10 =	vsub.f32 v12, v10;
	vm15 =	vmand vm15, vm8  }
0xaa: {  	v9 =	vmax.f32 v9, $0.0e+00;
	v8 =	vsel vm15, $0x0, v8;
	(erf) = vrcp.f32 v6  }
0xab: {  	v10 =	vmax.f32 v10, $0.0e+00;
	v6 =	vmul.f32 v52, v51;
	v50 =	vperm.xlane v8, v33  }
0xac: {  	v41 =	vsub.f32 v38, v37;
	v60 =	vperm.xlane v2, v31;
	v54 =	vmul.f32 v10, v9;
	v15 =	vpop (erf)  }
0xad: {  	v6 =	vadd.f32 v6, v3;
	v5 =	vmul.f32 v15, v5;
	vm15 =	vgt.f32 v50, $0.0e+00  }
0xae: {  	v48 =	vperm.xlane v4, v26;
	v13 =	vsub.f32 v60, v59;
	v53 =	vsel vm15, $0x3E99999A, v20  }
0xaf: {  	v62 =	vmax.f32 v56, v1;
	v6 =	vsub.f32 v6, v54;
	vm15 =	vgt.f32 v5, v53  }
0xb0: {  	v12 =	vmin.f32 v40, v2;
	v11 =	vmax.f32 v39, v0;
	vm15 =	vmand vm15, vm9  }
0xb1: {  	v10 =	vsub.f32 v57, v56;
	v6 =	vadd.f32 $9.999999710e-10, v6;
	v8 =	vsel vm15, $0x0, v8  }
0xb2: {  	v16 =	vmax.f32 v59, v0;
	v15 =	vmin.f32 v60, v2;
	v55 =	vperm.xlane v8, v34  }
0xb3: {  	v63 =	vsub.f32 v15, v16;
	v58 =	vpop (erf);
	(erf) = vrcp.f32 v6;
	v6 =	vsub.f32 v61, v62  }
0xb4: {  	v32 =	vmul.f32 v13, v10;
	v7 =	vmul.f32 v58, v42;
	vm15 =	vgt.f32 v55, $0.0e+00  }
0xb5: {  	v14 =	vmax.f32 v63, $0.0e+00;
	v9 =	vsel vm15, $0x3E99999A, v20;
	v6 =	vmax.f32 v6, $0.0e+00  }
0xb6: {  	vm15 =	vgt.f32 v7, v9;
	v6 =	vmul.f32 v14, v6;
	v9 =	vadd.f32 v32, v3  }
0xb7: {  	v49 =	vperm.xlane v1, v26;
	v43 =	vsub.f32 v40, v39;
	v11 =	vsub.f32 v12, v11  }
0xb8: {  	v10 =	vmin.f32 v38, v4;
	vm15 =	vmand vm15, vm10;
	v9 =	vsub.f32 v9, v6  }
0xb9: {  	v51 =	vperm.xlane v0, v26;
	v36 =	vsel vm15, $0x0, v8;
	v8 =	vmax.f32 v37, v1  }
0xba: {  	v50 =	vperm.xlane v2, v26;
	v8 =	vsub.f32 v10, v8;
	v9 =	vadd.f32 $9.999999710e-10, v9  }
0xbb: {  	v46 =	vmax.f32 v11, $0.0e+00;
	v0 =	vmax.f32 v51, v0;
	v10 =	vmul.f32 v43, v41  }
0xbc: {  	v2 =	vmin.f32 v50, v2;
	v8 =	vmax.f32 v8, $0.0e+00;
	(erf) = vrcp.f32 v9  }
0xbd: {  	v42 =	vperm.xlane v36, v35;
	v47 =	vadd.f32 v10, v3;
	v8 =	vmul.f32 v46, v8  }
0xbe: {  	v4 =	vmin.f32 v48, v4;
	v52 =	vsub.f32 v50, v51;
	v0 =	vsub.f32 v2, v0;
	v44 =	vpop (erf)  }
0xbf: {  	vm15 =	vgt.f32 v42, $0.0e+00;
	v5 =	vmul.f32 v44, v54;
	v9 =	vsub.f32 v47, v8  }
0xc0: {  	v1 =	vmax.f32 v49, v1;
	v10 =	vsub.f32 v48, v49;
	v45 =	vsel vm15, $0x3E99999A, v20  }
0xc1: {  	v1 =	vsub.f32 v4, v1;
	vm15 =	vgt.f32 v5, v45;
	v9 =	vadd.f32 $9.999999710e-10, v9  }
0xc2: {  	v0 =	vmax.f32 v0, $0.0e+00;
	v54 =	vmul.f32 v52, v10;
	vm15 =	vmand vm15, vm11  }
0xc3: {  	v1 =	vmax.f32 v1, $0.0e+00;
	v53 =	vsel vm15, $0x0, v36;
	(erf) = vrcp.f32 v9  }
0xc4: {  	v0 =	vmul.f32 v0, v1;
	v56 =	vadd.f32 v54, v3;
	v55 =	vperm.xlane v53, v31  }
0xc5: {  	v57 =	vpop (erf)  }
0xc6: {  	v1 =	vsub.f32 v56, v0;
	vm15 =	vgt.f32 v55, $0.0e+00;
	v3 =	vmul.f32 v57, v6  }
0xc7: {  	v58 =	vsel vm15, $0x3E99999A, v20  }
0xc8: {  	v1 =	vadd.f32 $9.999999710e-10, v1;
	vm15 =	vgt.f32 v3, v58  }
0xc9: {  	vm15 =	vmand vm15, vm12  }
0xca: {  	(erf) = vrcp.f32 v1;
	v2 =	vsel vm15, $0x0, v53  }
0xcb: {  	v59 =	vperm.xlane v2, v28  }
0xcc: {  	v60 =	vpop (erf)  }
0xcd: {  	v3 =	vmul.f32 v60, v8;
	vm15 =	vgt.f32 v59, $0.0e+00  }
0xce: {  	v1 =	vsel vm15, $0x3E99999A, v20  }
0xcf: {  	vm15 =	vgt.f32 v3, v1  }
0xd0: {  	vm15 =	vmand vm15, vm13  }
0xd1: {  	v61 =	vsel vm15, $0x0, v2  }
0xd2: {  	v2 =	vperm.xlane v61, v26  }
0xd3: {  	v62 =	vpop (erf)  }
0xd4: {  	v0 =	vmul.f32 v62, v0;
	vm15 =	vgt.f32 v2, $0.0e+00  }
0xd5: {  	v2 =	vsel vm15, $0x3E99999A, v20  }
0xd6: {  	vm15 =	vgt.f32 v0, v2  }
0xd7: {  	vm15 =	vmand vm15, vm14  }
0xd8: {  	v63 =	vsel vm15, $0x0, v61  }
0xd9: {  	s14 =	sadd.s32 $0x6400, s13;
	s15 =	sadd.s32 s13, s3;
	[tilespmem:s13+$0x6400] =	vst v63  }
0xda: {  	[spmem:s15] =	stream.linear.scatter [tilespmem:s14], [sflag:$0x1], $0x10, $0x38;
	[tilespmem:$0xC9C0] =	vst v63  }
0xdb: {  	_ =	swait.ge [sflag:s11], $0x10  }
0xdc: {  	[sflag:s11] =	ssyncset.done $0x0  }
0xdd: {  	[sflag:s11] =	ssyncadd.s32 $0xFFFFFFF0  }
.LBB2_5:
0xde: {  	s31 =	ssub.s32 s10, s1  }
0xdf: {  	p0 =	sgt.s32 s31, $0x12F  }
.Ltmp4:
0xe0: {  	[bflag:$0x0] =	sbarrier.arrive $0xFFFF;
	s14 =	sadd.s32 s13, s3;
	(pc) =	sbr.rel @p0 .LBB2_9-.Ltmp4, $4  }
0xe1: {  	[tilespmem:s12], [sflag:$0x1] =	stream.linear.gather [spmem:s14], $0x10, $0x38;
	[tilespmem:$0xC9C0] =	vst v63  }
0xe2: {  	_ =	swait.ge [sflag:s11], $0x10  }
0xe3: {  	[sflag:s11] =	ssyncset.done $0x0  }
0xe4: {  	[sflag:s11] =	ssyncadd.s32 $0xFFFFFFF0  }
0xe5: {  	v0 =	vld [tilespmem:$0x7800]  }
0xe6: {  	v1 =	vld [tilespmem:s13+$0x0]  }
0xe7: {  	v2 =	vld [tilespmem:s13+$0x1400]  }
0xe8: {  	v3 =	vld [tilespmem:s13+$0x2800]  }
0xe9: {  	v4 =	vld [tilespmem:s13+$0x3C00];
	_ =	sdelay $0x2  }
0xea: {  	v28 =	vmul.f32 v1, v0  }
0xeb: {  	v31 =	vmul.f32 v2, v0;
	v26 =	vmul.f32 v3, v0  }
0xec: {  	v32 =	vmul.f32 v4, v0;
	v2 =	vperm.xlane v28, v19  }
0xed: {  	v1 =	vperm.xlane v31, v19;
	v6 =	vperm.xlane v26, v19  }
0xee: {  	v8 =	vperm.xlane v32, v19;
	v10 =	vperm.xlane v28, v21  }
0xef: {  	v11 =	vperm.xlane v31, v21;
	v13 =	vperm.xlane v26, v21  }
0xf0: {  	v17 =	vperm.xlane v32, v21;
	v18 =	vperm.xlane v28, v22  }
0xf1: {  	v40 =	vperm.xlane v31, v22;
	v19 =	vperm.xlane v26, v22  }
0xf2: {  	v41 =	vperm.xlane v32, v22;
	v20 =	vperm.xlane v28, v23  }
0xf3: {  	v42 =	vperm.xlane v31, v23;
	v21 =	vperm.xlane v26, v23  }
0xf4: {  	v43 =	vperm.xlane v32, v23;
	v22 =	vperm.xlane v28, v24  }
0xf5: {  	v44 =	vperm.xlane v31, v24;
	v23 =	vperm.xlane v26, v24  }
0xf6: {  	v46 =	vperm.xlane v32, v24;
	v24 =	vperm.xlane v28, v25  }
0xf7: {  	v47 =	vperm.xlane v31, v25;
	v39 =	vperm.xlane v26, v25  }
0xf8: {  	v48 =	vperm.xlane v32, v25;
	v25 =	vperm.xlane v28, v27  }
0xf9: {  	v49 =	vperm.xlane v31, v27;
	v45 =	vperm.xlane v26, v27  }
0xfa: {  	v50 =	vperm.xlane v32, v27;
	v27 =	vperm.xlane v28, v29  }
0xfb: {  	v51 =	vperm.xlane v31, v29;
	v52 =	vperm.xlane v26, v29  }
0xfc: {  	v53 =	vperm.xlane v32, v29;
	v54 =	vperm.xlane v28, v30  }
0xfd: {  	v55 =	vperm.xlane v31, v30;
	v56 =	vperm.xlane v26, v30  }
0xfe: {  	v57 =	vperm.xlane v32, v30;
	[tilespmem:$0x1FD00] =	vst v1;
	v0 =	vsub.f32 v6, v2;
	v1 =	vsub.f32 v8, v1  }
0xff: {  	v58 =	vperm.xlane v28, v33;
	v3 =	vsub.f32 v13, v10;
	v5 =	vsub.f32 v17, v11  }
0x100: {  	v59 =	vperm.xlane v31, v33;
	[tilespmem:$0x1FB20] =	vst v6;
	v0 =	vmul.f32 v1, v0  }
0x101: {  	v60 =	vperm.xlane v26, v33;
	[tilespmem:$0x1FB30] =	vst v2;
	v3 =	vmul.f32 v5, v3  }
0x102: {  	v61 =	vperm.xlane v32, v33;
	v1 =	vsub.f32 v41, v40;
	[tilespmem:$0x1FF80] =	vst v0;
	v0 =	vsub.f32 v19, v18  }
0x103: {  	v62 =	vperm.xlane v28, v34;
	v7 =	vsub.f32 v43, v42;
	[tilespmem:$0x1FF90] =	vst v3;
	v3 =	vsub.f32 v21, v20  }
0x104: {  	v63 =	vperm.xlane v31, v34;
	[tilespmem:$0x1FB40] =	vst v13;
	v0 =	vmul.f32 v1, v0  }
0x105: {  	v38 =	vperm.xlane v26, v34;
	[tilespmem:$0x1FB50] =	vst v10;
	v3 =	vmul.f32 v7, v3  }
0x106: {  	v37 =	vperm.xlane v32, v34;
	v1 =	vsub.f32 v46, v44;
	[tilespmem:$0x1FFA0] =	vst v0;
	v0 =	vsub.f32 v23, v22  }
0x107: {  	s31 =	sshll.u32 s8, $0x4;
	v36 =	vperm.xlane v28, v35;
	v9 =	vsub.f32 v48, v47;
	[tilespmem:$0x1FFB0] =	vst v3;
	v3 =	vsub.f32 v39, v24  }
0x108: {  	s16 =	sand.u32 $0x3FFFFF00, s31;
	v4 =	vimm.s32 $0xB;
	v33 =	vperm.xlane v31, v35;
	[tilespmem:$0x1FB60] =	vst v19;
	v0 =	vmul.f32 v1, v0  }
0x109: {  	s18 =	sadd.s32 s16, s7;
	v12 =	vsub.f32 v53, v51;
	v14 =	vsub.f32 v60, v58;
	[tilespmem:$0x1FB70] =	vst v18;
	v3 =	vmul.f32 v9, v3  }
0x10a: {  	s13 =	sor.u32 s16, s4;
	v35 =	vperm.xlane v26, v4;
	v29 =	vld [tilespmem:s18+$0x0];
	v1 =	vsub.f32 v50, v49;
	[tilespmem:$0x1FFC0] =	vst v0;
	v0 =	vsub.f32 v45, v25  }
0x10b: {  	v30 =	vld [tilespmem:s13+$0x0];
	v4 =	vperm.xlane v32, v4;
	v15 =	vsub.f32 v61, v59;
	[tilespmem:$0x1FFD0] =	vst v3;
	v3 =	vsub.f32 v52, v27  }
0x10c: {  	[tilespmem:$0x1FB80] =	vst v21;
	v9 =	vmul.f32 v1, v0;
	v0 =	vsub.f32 v56, v54;
	v1 =	vsub.f32 v57, v55  }
0x10d: {  	v16 =	vsub.f32 v37, v63;
	[tilespmem:$0x1FB90] =	vst v20;
	v12 =	vmul.f32 v12, v3;
	v3 =	vsub.f32 v38, v62  }
0x10e: {  	[tilespmem:$0x1FBA0] =	vst v23;
	v7 =	vmul.f32 v1, v0;
	v0 =	vsub.f32 v35, v36;
	v1 =	vsub.f32 v4, v33  }
0x10f: {  	[tilespmem:$0x1FBB0] =	vst v22;
	v14 =	vmul.f32 v15, v14;
	v15 =	vmul.f32 v16, v3  }
0x110: {  	[tilespmem:$0x1FBC0] =	vst v39;
	v16 =	vmul.f32 v1, v0;
	v0 =	vmin.f32 v6, v29;
	v1 =	vmax.f32 v2, v30  }
0x111: {  	[tilespmem:$0x1FBD0] =	vst v24;
	v0 =	vsub.f32 v0, v1  }
0x112: {  	[tilespmem:$0x1FBE0] =	vst v45  }
0x113: {  	v1 =	vmax.f32 v10, v30;
	[tilespmem:$0x1FEE0] =	vst v0;
	v0 =	vmin.f32 v13, v29  }
0x114: {  	[tilespmem:$0x1FBF0] =	vst v25;
	v0 =	vsub.f32 v0, v1  }
0x115: {  	[tilespmem:$0x1FC00] =	vst v52  }
0x116: {  	v1 =	vmax.f32 v18, v30;
	[tilespmem:$0x1FF00] =	vst v0;
	v0 =	vmin.f32 v19, v29  }
0x117: {  	[tilespmem:$0x1FC10] =	vst v27;
	v0 =	vsub.f32 v0, v1  }
0x118: {  	[tilespmem:$0x1FC20] =	vst v56  }
0x119: {  	v1 =	vmax.f32 v20, v30;
	[tilespmem:$0x1FF10] =	vst v0;
	v0 =	vmin.f32 v21, v29  }
0x11a: {  	[tilespmem:$0x1FC30] =	vst v60;
	v0 =	vsub.f32 v0, v1  }
0x11b: {  	[tilespmem:$0x1FC40] =	vst v54  }
0x11c: {  	v1 =	vmax.f32 v22, v30;
	[tilespmem:$0x1FF30] =	vst v0;
	v0 =	vmin.f32 v23, v29  }
0x11d: {  	[tilespmem:$0x1FC50] =	vst v58;
	v18 =	vimm.s32 $0xD;
	v0 =	vsub.f32 v0, v1  }
0x11e: {  	[tilespmem:$0x1FC60] =	vst v38;
	v5 =	vmov v33;
	v33 =	vmin.f32 v35, v29;
	v6 =	vperm.xlane v28, v18  }
0x11f: {  	v10 =	vperm.xlane v31, v18;
	v1 =	vmax.f32 v24, v30;
	[tilespmem:$0x1FF40] =	vst v0;
	v0 =	vmin.f32 v39, v29  }
0x120: {  	[tilespmem:$0x1FC70] =	vst v35;
	v13 =	vperm.xlane v26, v18;
	v0 =	vsub.f32 v0, v1;
	v1 =	vimm.s32 $0xC  }
0x121: {  	[tilespmem:$0x1FC80] =	vst v62;
	v18 =	vperm.xlane v32, v18;
	v19 =	vmax.f32 v25, v30;
	v3 =	vperm.xlane v31, v1  }
0x122: {  	v2 =	vperm.xlane v26, v1;
	[tilespmem:$0x1FF50] =	vst v0;
	v0 =	vperm.xlane v28, v1;
	v1 =	vmin.f32 v45, v29  }
0x123: {  	[tilespmem:$0x1FC90] =	vst v36;
	v25 =	vmin.f32 v56, v29;
	v56 =	vmax.f32 v54, v30;
	v1 =	vsub.f32 v1, v19  }
0x124: {  	[tilespmem:$0x1FCE0] =	vst v8;
	v20 =	vimm.s32 $0xE;
	v21 =	vmin.f32 v52, v29;
	v39 =	vimm.s32 $0xC  }
0x125: {  	v22 =	vmax.f32 v27, v30;
	v27 =	vmin.f32 v60, v29;
	[tilespmem:$0x1FF60] =	vst v1;
	v1 =	vperm.xlane v32, v39  }
0x126: {  	[tilespmem:$0x1FCF0] =	vst v17;
	v60 =	vmax.f32 v58, v30;
	v58 =	vsub.f32 v25, v56;
	v52 =	vsub.f32 v21, v22  }
0x127: {  	[tilespmem:$0x1FD10] =	vst v11;
	v19 =	vperm.xlane v26, v20;
	v23 =	vsub.f32 v2, v0;
	v24 =	vsub.f32 v1, v3  }
0x128: {  	[tilespmem:$0x1FD20] =	vst v41;
	v25 =	vsub.f32 v18, v10;
	v20 =	vperm.xlane v28, v20;
	v56 =	vmax.f32 v0, v30  }
0x129: {  	s15 =	sadd.s32 s16, s9;
	[tilespmem:$0x1FF70] =	vst v52;
	v39 =	vmax.f32 v36, v30;
	v36 =	vmin.f32 v19, v29;
	v52 =	vmul.f32 v24, v23  }
0x12a: {  	[tilespmem:$0x1FD30] =	vst v43;
	v35 =	vld [tilespmem:s15+$0x0];
	v23 =	vsub.f32 v27, v60;
	v24 =	vsub.f32 v13, v6;
	v27 =	vmin.f32 v38, v29  }
0x12b: {  	[tilespmem:$0x1FCC0] =	vst v13;
	v38 =	vmax.f32 v62, v30;
	v60 =	vmin.f32 v13, v29;
	v13 =	vmax.f32 v6, v30  }
0x12c: {  	[tilespmem:$0x1FCA0] =	vst v2;
	v62 =	vsub.f32 v27, v38;
	v27 =	vmin.f32 v2, v29;
	v2 =	vimm.s32 $0xF  }
0x12d: {  	s14 =	sadd.s32 s16, s6;
	[tilespmem:$0x1FD40] =	vst v40;
	v45 =	vld [tilespmem:$0x1FD00];
	v54 =	vmul.f32 v25, v24;
	v25 =	vsub.f32 v33, v39;
	v27 =	vsub.f32 v27, v56  }
0x12e: {  	[tilespmem:$0x1FCB0] =	vst v0;
	v39 =	vld [tilespmem:s14+$0x0];
	v0 =	vperm.xlane v26, v2;
	v21 =	vperm.xlane v28, v2;
	v28 =	vsub.f32 v60, v13  }
0x12f: {  	[tilespmem:$0x1FD50] =	vst v42;
	v24 =	vsub.f32 v29, v30;
	v13 =	vmax.f32 v11, v35;
	v11 =	vperm.xlane v31, v2  }
0x130: {  	[tilespmem:$0x1FD70] =	vst v48;
	v38 =	vmin.f32 v0, v29;
	v29 =	vmax.f32 v20, v30;
	v30 =	vmax.f32 v21, v30  }
0x131: {  	[tilespmem:$0x1FD90] =	vst v47;
	v2 =	vperm.xlane v32, v2;
	v60 =	vsub.f32 v36, v29;
	v56 =	vsub.f32 v38, v30  }
0x132: {  	[tilespmem:$0x1FDB0] =	vst v53;
	v36 =	vmax.f32 v40, v35;
	v38 =	vmax.f32 v42, v35;
	v42 =	vmax.f32 v47, v35  }
0x133: {  	[tilespmem:$0x1FDE0] =	vst v57;
	v29 =	vmin.f32 v8, v39;
	v30 =	vmin.f32 v17, v39;
	v8 =	vmax.f32 v45, v35  }
0x134: {  	[tilespmem:$0x1FE20] =	vst v61;
	v45 =	vmin.f32 v57, v39;
	v17 =	vsub.f32 v30, v13;
	v30 =	vmin.f32 v43, v39  }
0x135: {  	[tilespmem:$0x1FE40] =	vst v59;
	v57 =	vmax.f32 v59, v35;
	v26 =	vsub.f32 v30, v38;
	v30 =	vmin.f32 v48, v39  }
0x136: {  	[tilespmem:$0x1FE50] =	vst v63;
	v59 =	vmax.f32 v63, v35;
	v63 =	vsub.f32 v2, v11;
	v47 =	vsub.f32 v30, v42  }
0x137: {  	[tilespmem:$0x1FE60] =	vst v0;
	v30 =	vmin.f32 v53, v39;
	v53 =	vmin.f32 v61, v39;
	v61 =	vsub.f32 v0, v21;
	v0 =	vld [tilespmem:$0x1FEE0]  }
0x138: {  	[tilespmem:$0x1FCD0] =	vst v6;
	v6 =	vsub.f32 v29, v8;
	v29 =	vmin.f32 v41, v39;
	v41 =	vmax.f32 v44, v35  }
0x139: {  	[tilespmem:$0x1FD80] =	vst v44;
	v43 =	vmax.f32 v49, v35;
	v40 =	vsub.f32 v29, v36;
	v29 =	vmin.f32 v46, v39  }
0x13a: {  	[tilespmem:$0x1FDC0] =	vst v49;
	v44 =	vmax.f32 v51, v35;
	v48 =	vsub.f32 v29, v41;
	v29 =	vmin.f32 v50, v39  }
0x13b: {  	[tilespmem:$0x1FEF0] =	vst v6;
	v49 =	vsub.f32 v29, v43;
	v29 =	vsub.f32 v30, v44  }
0x13c: {  	[tilespmem:$0x1FE80] =	vst v4;
	v44 =	vmin.f32 v4, v39;
	v4 =	vmul.f32 v63, v61;
	v63 =	vmax.f32 v0, $0.0e+00;
	v0 =	vld [tilespmem:$0x1FEF0];
	_ =	sdelay $0x1  }
0x13d: {  	v22 =	vimm.s32 $0xE  }
0x13e: {  	v8 =	vperm.xlane v32, v22;
	v6 =	vperm.xlane v31, v22;
	_ =	sdelay $0x1  }
0x13f: {  	[tilespmem:$0x1FDD0] =	vst v51;
	v51 =	vsub.f32 v8, v6;
	v61 =	vmax.f32 v6, v35;
	v30 =	vmovc v6;
	v6 =	vmax.f32 v0, $0.0e+00;
	v0 =	vld [tilespmem:$0x1FF00];
	_ =	sdelay $0x2  }
0x140: {  	[tilespmem:$0x1FD60] =	vst v46  }
0x141: {  	[tilespmem:$0x1FDF0] =	vst v55;
	v46 =	vmax.f32 v55, v35;
	v55 =	vmin.f32 v37, v39  }
0x142: {  	v22 =	vmovc v8;
	v43 =	vsub.f32 v55, v59;
	v59 =	vmin.f32 v8, v39;
	v8 =	vmax.f32 v0, $0.0e+00;
	v0 =	vld [tilespmem:$0x1FF10];
	_ =	sdelay $0x3  }
0x143: {  	[tilespmem:$0x1FF20] =	vst v40  }
0x144: {  	[tilespmem:$0x1FED0] =	vst v10;
	v42 =	vsub.f32 v53, v57;
	v57 =	vmax.f32 v10, v35;
	v10 =	vmax.f32 v0, $0.0e+00;
	v0 =	vld [tilespmem:$0x1FF20];
	_ =	sdelay $0x1  }
0x145: {  	[tilespmem:$0x1FDA0] =	vst v50;
	v50 =	vsub.f32 v19, v20;
	_ =	sdelay $0x1  }
0x146: {  	v13 =	vmul.f32 v51, v50;
	v50 =	vmax.f32 v5, v35  }
0x147: {  	v41 =	vsub.f32 v44, v50;
	v50 =	vmax.f32 v0, $0.0e+00;
	v0 =	vld [tilespmem:$0x1FF30];
	_ =	sdelay $0x3  }
0x148: {  	v46 =	vsub.f32 v45, v46;
	v45 =	vmin.f32 v1, v39;
	v51 =	vmax.f32 v3, v35  }
0x149: {  	v44 =	vsub.f32 v45, v51;
	v51 =	vmax.f32 v0, $0.0e+00;
	v0 =	vld [tilespmem:$0x1FF40];
	_ =	sdelay $0x3  }
0x14a: {  	v53 =	vmin.f32 v18, v39  }
0x14b: {  	v45 =	vsub.f32 v53, v57;
	v53 =	vmax.f32 v0, $0.0e+00;
	v0 =	vld [tilespmem:$0x1FF50];
	_ =	sdelay $0x4  }
0x14c: {  	[tilespmem:$0x1FE00] =	vst v19;
	v19 =	vsub.f32 v59, v61;
	v61 =	vmax.f32 v0, $0.0e+00;
	v0 =	vld [tilespmem:$0x1FF60];
	_ =	sdelay $0x3  }
0x14d: {  	v55 =	vsub.f32 v39, v35  }
0x14e: {  	v33 =	vmovc v2;
	v39 =	vmin.f32 v2, v39;
	v2 =	vmul.f32 v6, v63;
	v63 =	vmax.f32 v0, $0.0e+00;
	v0 =	vld [tilespmem:$0x1FF70];
	_ =	sdelay $0x4  }
0x14f: {  	v57 =	vmax.f32 v48, $0.0e+00;
	v48 =	vmax.f32 v0, $0.0e+00;
	v0 =	vld [tilespmem:$0x1FF80];
	_ =	sdelay $0x2  }
0x150: {  	v36 =	vmul.f32 v55, v24  }
0x151: {  	v55 =	vmax.f32 v26, $0.0e+00  }
0x152: {  	v6 =	vmul.f32 v50, v10;
	v10 =	vmul.f32 v57, v53;
	v26 =	vmovc v0;
	v57 =	vadd.f32 v36, v0;
	v0 =	vld [tilespmem:$0x1FF90];
	_ =	sdelay $0x1  }
0x153: {  	v24 =	vmov v11;
	v35 =	vmax.f32 v11, v35;
	v11 =	vmax.f32 v17, $0.0e+00  }
0x154: {  	[tilespmem:$0x1FEA0] =	vst v5;
	v5 =	vmul.f32 v11, v8  }
0x155: {  	v11 =	vmax.f32 v47, $0.0e+00;
	v47 =	vmax.f32 v49, $0.0e+00;
	v49 =	vmax.f32 v58, $0.0e+00  }
0x156: {  	v8 =	vmul.f32 v55, v51;
	v51 =	vmax.f32 v23, $0.0e+00;
	v23 =	vmovc v0;
	v58 =	vadd.f32 v36, v0;
	v0 =	vld [tilespmem:$0x1FFA0];
	_ =	sdelay $0x2  }
0x157: {  	v46 =	vmax.f32 v46, $0.0e+00;
	v42 =	vmax.f32 v42, $0.0e+00;
	v50 =	vmax.f32 v29, $0.0e+00  }
0x158: {  	[tilespmem:$0x1FEC0] =	vst v18;
	v55 =	vmax.f32 v25, $0.0e+00;
	v18 =	vmul.f32 v47, v63;
	v47 =	vmul.f32 v50, v48  }
0x159: {  	v48 =	vmul.f32 v46, v49;
	v49 =	vmul.f32 v42, v51;
	v25 =	vmovc v0;
	v42 =	vadd.f32 v36, v0;
	v0 =	vld [tilespmem:$0x1FFB0];
	_ =	sdelay $0x1  }
0x15a: {  	v43 =	vmax.f32 v43, $0.0e+00  }
0x15b: {  	v44 =	vmax.f32 v44, $0.0e+00;
	v53 =	vmax.f32 v62, $0.0e+00;
	v62 =	vmax.f32 v28, $0.0e+00  }
0x15c: {  	v11 =	vmul.f32 v11, v61;
	v61 =	vmax.f32 v27, $0.0e+00;
	v50 =	vmul.f32 v43, v53  }
0x15d: {  	v53 =	vmul.f32 v44, v61;
	v44 =	vsub.f32 v57, v2;
	v28 =	vmovc v0;
	v57 =	vadd.f32 v36, v0;
	v0 =	vld [tilespmem:$0x1FFC0]  }
0x15e: {  	[tilespmem:$0x1FEB0] =	vst v3;
	v59 =	vsub.f32 v39, v35  }
0x15f: {  	v56 =	vmax.f32 v56, $0.0e+00;
	v31 =	vmovc v7;
	v3 =	vmovc v12;
	v12 =	vadd.f32 v36, v12;
	v7 =	vadd.f32 v36, v7  }
0x160: {  	v34 =	vmovc v54;
	v32 =	vmovc v14;
	v14 =	vadd.f32 v36, v14;
	v39 =	vmax.f32 v19, $0.0e+00;
	v54 =	vadd.f32 v36, v54  }
0x161: {  	[tilespmem:$0x1FE90] =	vst v1;
	v41 =	vmax.f32 v41, $0.0e+00;
	v45 =	vmax.f32 v45, $0.0e+00;
	v19 =	vmovc v52;
	v52 =	vadd.f32 v36, v52;
	v27 =	vmovc v9  }
0x162: {  	v9 =	vadd.f32 v36, v9;
	v51 =	vmul.f32 v41, v55;
	v1 =	vmovc v0;
	v41 =	vadd.f32 v36, v0;
	v0 =	vld [tilespmem:$0x1FFD0]  }
0x163: {  	v63 =	vmax.f32 v60, $0.0e+00;
	v60 =	vadd.f32 v36, v13;
	v61 =	vsub.f32 v58, v5  }
0x164: {  	v55 =	vmul.f32 v45, v62;
	v45 =	vadd.f32 v36, v15;
	v43 =	vadd.f32 v36, v16  }
0x165: {  	v46 =	vmul.f32 v39, v63;
	v44 =	vadd.f32 $9.999999710e-10, v44;
	v63 =	vadd.f32 $9.999999710e-10, v61  }
0x166: {  	v62 =	vmax.f32 v59, $0.0e+00;
	v42 =	vsub.f32 v42, v6;
	v41 =	vsub.f32 v41, v10  }
0x167: {  	v35 =	vmul.f32 v62, v56;
	v58 =	vadd.f32 v36, v0;
	v36 =	vadd.f32 v36, v4  }
0x168: {  	v38 =	vsub.f32 v60, v46;
	(erf) = vrcp.f32 v44;
	v42 =	vadd.f32 $9.999999710e-10, v42  }
0x169: {  	[tilespmem:$0x1FE10] =	vst v20;
	v20 =	vmovc v13;
	(erf) = vrcp.f32 v63;
	v13 =	vadd.f32 $9.999999710e-10, v41;
	v36 =	vsub.f32 v36, v35  }
0x16a: {  	v39 =	vsub.f32 v54, v55;
	v38 =	vadd.f32 $9.999999710e-10, v38;
	(erf) = vrcp.f32 v42  }
0x16b: {  	v44 =	vsub.f32 v52, v53;
	(erf) = vrcp.f32 v13;
	v36 =	vadd.f32 $9.999999710e-10, v36  }
0x16c: {  	v39 =	vadd.f32 $9.999999710e-10, v39;
	v52 =	vsub.f32 v43, v51;
	(erf) = vrcp.f32 v38  }
0x16d: {  	[tilespmem:$0x1FE30] =	vst v37;
	v54 =	vsub.f32 v45, v50;
	v37 =	vadd.f32 $9.999999710e-10, v44;
	(erf) = vrcp.f32 v36  }
0x16e: {  	v56 =	vsub.f32 v14, v49;
	v38 =	vadd.f32 $9.999999710e-10, v52;
	(erf) = vrcp.f32 v39  }
0x16f: {  	v59 =	vsub.f32 v7, v48;
	v36 =	vadd.f32 $9.999999710e-10, v54;
	(erf) = vrcp.f32 v37  }
0x170: {  	v60 =	vsub.f32 v12, v47;
	v39 =	vadd.f32 $9.999999710e-10, v56;
	(erf) = vrcp.f32 v38  }
0x171: {  	v61 =	vsub.f32 v9, v18;
	v62 =	vpop (erf);
	v37 =	vadd.f32 $9.999999710e-10, v59;
	(erf) = vrcp.f32 v36  }
0x172: {  	v7 =	vpop (erf);
	v63 =	vsub.f32 v58, v11;
	v38 =	vadd.f32 $9.999999710e-10, v60;
	(erf) = vrcp.f32 v39  }
0x173: {  	v9 =	vpop (erf);
	v36 =	vadd.f32 $9.999999710e-10, v61;
	(erf) = vrcp.f32 v37  }
0x174: {  	v12 =	vsub.f32 v57, v8;
	v13 =	vpop (erf);
	v39 =	vadd.f32 $9.999999710e-10, v63;
	(erf) = vrcp.f32 v38  }
0x175: {  	v14 =	vpop (erf);
	(erf) = vrcp.f32 v36  }
0x176: {  	v38 =	vadd.f32 $9.999999710e-10, v12;
	(erf) = vrcp.f32 v39;
	v43 =	vpop (erf)  }
0x177: {  	v36 =	vmul.f32 v14, v46;
	v35 =	vmul.f32 v43, v35;
	v44 =	vpop (erf)  }
0x178: {  	(erf) = vrcp.f32 v38;
	v39 =	vmul.f32 v44, v55;
	v45 =	vpop (erf)  }
0x179: {  	vm15 =	vgt.f32 v36, $3.000000120e-01;
	v38 =	vmul.f32 v45, v53;
	vm0 =	vgt.f32 v35, $3.000000120e-01;
	v46 =	vpop (erf)  }
0x17a: {  	v35 =	vmul.f32 v46, v51;
	vm1 =	vgt.f32 v39, $3.000000120e-01;
	vm0 =	vmor vm0, vm15;
	v51 =	vpop (erf)  }
0x17b: {  	v36 =	vmul.f32 v51, v50;
	vm15 =	vgt.f32 v38, $3.000000120e-01;
	vm0 =	vmor vm0, vm1;
	v52 =	vpop (erf)  }
0x17c: {  	v38 =	vmul.f32 v52, v49;
	vm1 =	vgt.f32 v35, $3.000000120e-01;
	vm0 =	vmor vm0, vm15;
	v53 =	vpop (erf)  }
0x17d: {  	v35 =	vmul.f32 v53, v48;
	vm15 =	vgt.f32 v36, $3.000000120e-01;
	vm0 =	vmor vm0, vm1;
	v54 =	vpop (erf)  }
0x17e: {  	v36 =	vmul.f32 v54, v47;
	vm1 =	vgt.f32 v38, $3.000000120e-01;
	vm0 =	vmor vm0, vm15;
	v55 =	vpop (erf)  }
0x17f: {  	v38 =	vmul.f32 v55, v18;
	vm15 =	vgt.f32 v35, $3.000000120e-01;
	vm0 =	vmor vm0, vm1;
	v56 =	vpop (erf)  }
0x180: {  	v35 =	vmul.f32 v56, v11;
	vm1 =	vgt.f32 v36, $3.000000120e-01;
	vm0 =	vmor vm0, vm15  }
0x181: {  	v57 =	vmul.f32 v13, v10;
	v58 =	vpop (erf);
	vm15 =	vgt.f32 v38, $3.000000120e-01;
	vm0 =	vmor vm0, vm1  }
0x182: {  	s17 =	sshrl.u32 s8, $0x4;
	v38 =	vmul.f32 v58, v8;
	vm1 =	vgt.f32 v35, $3.000000120e-01;
	vm0 =	vmor vm0, vm15  }
0x183: {  	s17 =	sadd.s32 $0xFFFFFFFF, s17;
	s16 =	sadd.s32 s16, s5;
	v59 =	vmul.f32 v9, v6;
	vm15 =	vgt.f32 v57, $3.000000120e-01;
	vm0 =	vmor vm0, vm1  }
0x184: {  	s17 =	sadd.s32 $0x1, s17;
	v60 =	vmul.f32 v7, v5;
	v61 =	vld [tilespmem:s16+$0x0];
	vm1 =	vgt.f32 v38, $3.000000120e-01;
	vm0 =	vmor vm0, vm15  }
0x185: {  	p0 =	slt.u32 s17, $0x13;
	v62 =	vmul.f32 v62, v2;
	vm15 =	vgt.f32 v59, $3.000000120e-01;
	vm0 =	vmor vm0, vm1  }
.Ltmp5:
0x186: {  	vm1 =	vgt.f32 v60, $3.000000120e-01;
	vm0 =	vmor vm0, vm15;
	(pc) =	sbr.rel @!p0 .LBB2_8-.Ltmp5, $4  }
0x187: {  	vm15 =	vgt.f32 v62, $3.000000120e-01;
	vm0 =	vmor vm0, vm1  }
0x188: {  	vm0 =	vmor vm0, vm15  }
0x189: {  	[tilespmem:$0x1FE70] =	vst v21;
	v63 =	vsel vm0, $0x0, v61  }
0x18a: {  	s18 =	sadd.s32 $0x100, s18;
	v17 =	vmovc v16;
	v21 =	vmov v4;
	v29 =	vmov v0;
	v0 =	vmov v15;
	[tilespmem:s16+$0x0] =	vst v63  }
.LBB2_7:
0x18b: {  	v35 =	vld [tilespmem:s18+$0x0]  }
0x18c: {  	v2 =	vld [tilespmem:$0x1FB20];
	_ =	sdelay $0x4  }
0x18d: {  	v37 =	vmin.f32 v2, v35;
	v2 =	vld [tilespmem:$0x1FB40];
	_ =	sdelay $0x4  }
0x18e: {  	v38 =	vmin.f32 v2, v35;
	v2 =	vld [tilespmem:$0x1FB60];
	_ =	sdelay $0x4  }
0x18f: {  	v39 =	vmin.f32 v2, v35;
	v2 =	vld [tilespmem:$0x1FB80];
	_ =	sdelay $0x4  }
0x190: {  	v40 =	vmin.f32 v2, v35;
	v2 =	vld [tilespmem:$0x1FBA0];
	_ =	sdelay $0x4  }
0x191: {  	v41 =	vmin.f32 v2, v35;
	v2 =	vld [tilespmem:$0x1FBC0];
	_ =	sdelay $0x4  }
0x192: {  	v42 =	vmin.f32 v2, v35;
	v2 =	vld [tilespmem:$0x1FBE0];
	_ =	sdelay $0x4  }
0x193: {  	v43 =	vmin.f32 v2, v35;
	v2 =	vld [tilespmem:$0x1FC00];
	_ =	sdelay $0x4  }
0x194: {  	v44 =	vmin.f32 v2, v35;
	v2 =	vld [tilespmem:$0x1FC20];
	_ =	sdelay $0x4  }
0x195: {  	v45 =	vmin.f32 v2, v35;
	v2 =	vld [tilespmem:$0x1FC30];
	_ =	sdelay $0x4  }
0x196: {  	v46 =	vmin.f32 v2, v35;
	v2 =	vld [tilespmem:$0x1FC60];
	_ =	sdelay $0x4  }
0x197: {  	v47 =	vmin.f32 v2, v35;
	v2 =	vld [tilespmem:$0x1FC70];
	_ =	sdelay $0x4  }
0x198: {  	v48 =	vmin.f32 v2, v35;
	v2 =	vld [tilespmem:$0x1FCA0];
	_ =	sdelay $0x4  }
0x199: {  	v49 =	vmin.f32 v2, v35;
	v2 =	vld [tilespmem:$0x1FCC0];
	_ =	sdelay $0x2  }
0x19a: {  	s13 =	sadd.s32 $0x100, s13  }
0x19b: {  	v36 =	vld [tilespmem:s13+$0x0]  }
0x19c: {  	v50 =	vmin.f32 v2, v35;
	v2 =	vld [tilespmem:$0x1FB30];
	_ =	sdelay $0x4  }
0x19d: {  	v51 =	vmax.f32 v2, v36;
	v2 =	vld [tilespmem:$0x1FE00];
	_ =	sdelay $0x4  }
0x19e: {  	v52 =	vmin.f32 v2, v35;
	v2 =	vld [tilespmem:$0x1FE60];
	_ =	sdelay $0x4  }
0x19f: {  	v53 =	vmin.f32 v2, v35;
	v2 =	vld [tilespmem:$0x1FB50];
	_ =	sdelay $0x4  }
0x1a0: {  	v54 =	vmax.f32 v2, v36;
	v2 =	vld [tilespmem:$0x1FB70];
	_ =	sdelay $0x4  }
0x1a1: {  	v55 =	vmax.f32 v2, v36;
	v2 =	vld [tilespmem:$0x1FB90];
	_ =	sdelay $0x4  }
0x1a2: {  	v56 =	vmax.f32 v2, v36;
	v2 =	vld [tilespmem:$0x1FBB0];
	_ =	sdelay $0x4  }
0x1a3: {  	v57 =	vmax.f32 v2, v36;
	v2 =	vld [tilespmem:$0x1FBD0];
	_ =	sdelay $0x4  }
0x1a4: {  	v58 =	vmax.f32 v2, v36;
	v2 =	vld [tilespmem:$0x1FBF0];
	_ =	sdelay $0x4  }
0x1a5: {  	v59 =	vmax.f32 v2, v36;
	v2 =	vld [tilespmem:$0x1FC10];
	_ =	sdelay $0x4  }
0x1a6: {  	v60 =	vmax.f32 v2, v36;
	v2 =	vld [tilespmem:$0x1FC40];
	_ =	sdelay $0x4  }
0x1a7: {  	v61 =	vmax.f32 v2, v36;
	v2 =	vld [tilespmem:$0x1FC50];
	_ =	sdelay $0x4  }
0x1a8: {  	v8 =	vmax.f32 v2, v36;
	v2 =	vld [tilespmem:$0x1FC80];
	_ =	sdelay $0x4  }
0x1a9: {  	v9 =	vmax.f32 v2, v36;
	v2 =	vld [tilespmem:$0x1FC90];
	_ =	sdelay $0x4  }
0x1aa: {  	v10 =	vmax.f32 v2, v36;
	v2 =	vld [tilespmem:$0x1FCB0];
	_ =	sdelay $0x4  }
0x1ab: {  	v11 =	vmax.f32 v2, v36;
	v2 =	vld [tilespmem:$0x1FCD0];
	_ =	sdelay $0x4  }
0x1ac: {  	v12 =	vmax.f32 v2, v36;
	v2 =	vld [tilespmem:$0x1FE10];
	_ =	sdelay $0x4  }
0x1ad: {  	v13 =	vmax.f32 v2, v36;
	v2 =	vld [tilespmem:$0x1FE70];
	_ =	sdelay $0x2  }
0x1ae: {  	s14 =	sadd.s32 $0x100, s14  }
0x1af: {  	v14 =	vsub.f32 v52, v13;
	v52 =	vld [tilespmem:s14+$0x0]  }
0x1b0: {  	v35 =	vsub.f32 v35, v36;
	v36 =	vmax.f32 v2, v36;
	v2 =	vld [tilespmem:$0x1FCE0];
	_ =	sdelay $0x2  }
0x1b1: {  	v45 =	vsub.f32 v45, v61;
	v49 =	vsub.f32 v49, v11  }
0x1b2: {  	v40 =	vsub.f32 v40, v56  }
0x1b3: {  	v56 =	vmax.f32 v45, $0.0e+00;
	v45 =	vmax.f32 v49, $0.0e+00;
	v49 =	vmin.f32 v2, v52;
	v2 =	vld [tilespmem:$0x1FCF0];
	_ =	sdelay $0x2  }
0x1b4: {  	v44 =	vsub.f32 v44, v60;
	v50 =	vsub.f32 v50, v12  }
0x1b5: {  	v39 =	vsub.f32 v39, v55  }
0x1b6: {  	v55 =	vmax.f32 v44, $0.0e+00;
	v44 =	vmax.f32 v50, $0.0e+00;
	v50 =	vmin.f32 v2, v52;
	v2 =	vld [tilespmem:$0x1FD20];
	_ =	sdelay $0x2  }
0x1b7: {  	v42 =	vsub.f32 v42, v58;
	v36 =	vsub.f32 v53, v36  }
0x1b8: {  	v38 =	vsub.f32 v38, v54  }
0x1b9: {  	v54 =	vmax.f32 v42, $0.0e+00;
	v42 =	vmax.f32 v36, $0.0e+00;
	v36 =	vmin.f32 v2, v52;
	v2 =	vld [tilespmem:$0x1FD30];
	_ =	sdelay $0x4  }
0x1ba: {  	v37 =	vsub.f32 v37, v51;
	v51 =	vmin.f32 v2, v52;
	v2 =	vld [tilespmem:$0x1FD60];
	_ =	sdelay $0x4  }
0x1bb: {  	v58 =	vmin.f32 v2, v52;
	v2 =	vld [tilespmem:$0x1FD70];
	_ =	sdelay $0x3  }
0x1bc: {  	v4 =	vld [tilespmem:$0x1FE90]  }
0x1bd: {  	v43 =	vsub.f32 v43, v59;
	v59 =	vmin.f32 v2, v52;
	v2 =	vld [tilespmem:$0x1FDA0]  }
0x1be: {  	v6 =	vld [tilespmem:$0x1FD00]  }
0x1bf: {  	v15 =	vld [tilespmem:$0x1FDD0]  }
0x1c0: {  	v16 =	vld [tilespmem:$0x1FDF0]  }
0x1c1: {  	v47 =	vsub.f32 v47, v9;
	v9 =	vld [tilespmem:$0x1FD10]  }
0x1c2: {  	v46 =	vsub.f32 v46, v8;
	v48 =	vsub.f32 v48, v10;
	v60 =	vmin.f32 v2, v52;
	v2 =	vld [tilespmem:$0x1FDB0]  }
0x1c3: {  	s15 =	sadd.s32 $0x100, s15;
	v10 =	vld [tilespmem:$0x1FD40]  }
0x1c4: {  	v41 =	vsub.f32 v41, v57;
	v57 =	vmax.f32 v46, $0.0e+00;
	v46 =	vmax.f32 v48, $0.0e+00;
	v48 =	vld [tilespmem:s15+$0x0]  }
0x1c5: {  	v11 =	vld [tilespmem:$0x1FD50]  }
0x1c6: {  	v13 =	vld [tilespmem:$0x1FD90]  }
0x1c7: {  	v37 =	vmax.f32 v37, $0.0e+00;
	v38 =	vmax.f32 v38, $0.0e+00;
	v61 =	vmin.f32 v2, v52;
	v2 =	vld [tilespmem:$0x1FDE0]  }
0x1c8: {  	v39 =	vmax.f32 v39, $0.0e+00;
	v40 =	vmax.f32 v40, $0.0e+00;
	v43 =	vmax.f32 v43, $0.0e+00;
	v12 =	vld [tilespmem:$0x1FD80]  }
0x1c9: {  	v5 =	vld [tilespmem:$0x1FEC0];
	v47 =	vmax.f32 v47, $0.0e+00;
	v6 =	vmax.f32 v6, v48;
	v9 =	vmax.f32 v9, v48  }
0x1ca: {  	v10 =	vmax.f32 v10, v48;
	v53 =	vmax.f32 v41, $0.0e+00;
	v41 =	vmax.f32 v14, $0.0e+00;
	v14 =	vld [tilespmem:$0x1FDC0]  }
0x1cb: {  	v15 =	vmax.f32 v15, v48;
	v16 =	vmax.f32 v16, v48;
	v6 =	vsub.f32 v49, v6;
	v49 =	vld [tilespmem:$0x1FE40]  }
0x1cc: {  	v11 =	vmax.f32 v11, v48;
	v13 =	vmax.f32 v13, v48;
	v62 =	vmin.f32 v2, v52;
	v2 =	vld [tilespmem:$0x1FE20]  }
0x1cd: {  	v12 =	vmax.f32 v12, v48;
	v4 =	vmin.f32 v4, v52;
	v13 =	vsub.f32 v59, v13;
	v59 =	vld [tilespmem:$0x1FEA0]  }
0x1ce: {  	v5 =	vmin.f32 v5, v52;
	v7 =	vmin.f32 v22, v52;
	v8 =	vmin.f32 v33, v52  }
0x1cf: {  	v14 =	vmax.f32 v14, v48;
	v9 =	vsub.f32 v50, v9;
	v11 =	vsub.f32 v51, v11;
	v51 =	vld [tilespmem:$0x1FE50]  }
0x1d0: {  	v6 =	vmax.f32 v6, $0.0e+00;
	v49 =	vmax.f32 v49, v48;
	v15 =	vsub.f32 v61, v15;
	v61 =	vld [tilespmem:$0x1FEB0]  }
0x1d1: {  	v9 =	vmax.f32 v9, $0.0e+00;
	v10 =	vsub.f32 v36, v10;
	v63 =	vmin.f32 v2, v52;
	v2 =	vld [tilespmem:$0x1FE30]  }
0x1d2: {  	v12 =	vsub.f32 v58, v12;
	v50 =	vmax.f32 v59, v48;
	v59 =	vmax.f32 v30, v48  }
0x1d3: {  	v10 =	vmax.f32 v10, $0.0e+00;
	v14 =	vsub.f32 v60, v14;
	v7 =	vsub.f32 v7, v59  }
0x1d4: {  	v11 =	vmax.f32 v11, $0.0e+00;
	v36 =	vmax.f32 v51, v48;
	v12 =	vmax.f32 v12, $0.0e+00  }
0x1d5: {  	v13 =	vmax.f32 v13, $0.0e+00;
	v14 =	vmax.f32 v14, $0.0e+00;
	v7 =	vmax.f32 v7, $0.0e+00  }
0x1d6: {  	v51 =	vmax.f32 v61, v48;
	v16 =	vsub.f32 v62, v16;
	v18 =	vmin.f32 v2, v52;
	v2 =	vld [tilespmem:$0x1FE80]  }
0x1d7: {  	v43 =	vmul.f32 v14, v43;
	v4 =	vsub.f32 v4, v51;
	v49 =	vsub.f32 v63, v49;
	v63 =	vld [tilespmem:$0x1FED0]  }
0x1d8: {  	v7 =	vmul.f32 v7, v41;
	v15 =	vmax.f32 v15, $0.0e+00;
	v16 =	vmax.f32 v16, $0.0e+00  }
0x1d9: {  	v15 =	vmul.f32 v15, v55;
	v4 =	vmax.f32 v4, $0.0e+00;
	v16 =	vmul.f32 v16, v56  }
0x1da: {  	v4 =	vmul.f32 v4, v45;
	v60 =	vmax.f32 v49, $0.0e+00;
	v18 =	vsub.f32 v18, v36  }
0x1db: {  	v36 =	vmul.f32 v9, v38;
	v2 =	vmin.f32 v2, v52;
	v52 =	vsub.f32 v52, v48  }
0x1dc: {  	v58 =	vmax.f32 v63, v48;
	v38 =	vmul.f32 v11, v40;
	v40 =	vmul.f32 v13, v54  }
0x1dd: {  	v48 =	vmax.f32 v24, v48;
	v2 =	vsub.f32 v2, v50;
	v50 =	vmul.f32 v52, v35  }
0x1de: {  	v5 =	vsub.f32 v5, v58;
	v18 =	vmax.f32 v18, $0.0e+00;
	v8 =	vsub.f32 v8, v48  }
0x1df: {  	v35 =	vmul.f32 v6, v37;
	v61 =	vadd.f32 v50, v26;
	v62 =	vadd.f32 v50, v23  }
0x1e0: {  	v37 =	vmul.f32 v10, v39;
	v10 =	vadd.f32 v50, v25;
	v11 =	vadd.f32 v50, v28  }
0x1e1: {  	v5 =	vmax.f32 v5, $0.0e+00;
	v63 =	vadd.f32 v50, v1;
	v13 =	vadd.f32 v50, v29  }
0x1e2: {  	v18 =	vmul.f32 v18, v47;
	v14 =	vadd.f32 v50, v27;
	v49 =	vadd.f32 v50, v3  }
0x1e3: {  	v5 =	vmul.f32 v5, v44;
	v51 =	vadd.f32 v50, v31;
	v52 =	vadd.f32 v50, v32  }
0x1e4: {  	v48 =	vmul.f32 v60, v57;
	v57 =	vadd.f32 v50, v0;
	v58 =	vadd.f32 v50, v17  }
0x1e5: {  	v39 =	vmul.f32 v12, v53;
	v59 =	vadd.f32 v50, v19;
	v60 =	vadd.f32 v50, v34  }
0x1e6: {  	v2 =	vmax.f32 v2, $0.0e+00;
	v6 =	vsub.f32 v61, v35;
	v61 =	vadd.f32 v50, v20  }
0x1e7: {  	v8 =	vmax.f32 v8, $0.0e+00;
	v9 =	vsub.f32 v62, v36;
	v62 =	vadd.f32 v50, v21  }
0x1e8: {  	v2 =	vmul.f32 v2, v46;
	v10 =	vsub.f32 v10, v37;
	v6 =	vadd.f32 $9.999999710e-10, v6  }
0x1e9: {  	v8 =	vmul.f32 v8, v42;
	v12 =	vsub.f32 v63, v39;
	v9 =	vadd.f32 $9.999999710e-10, v9  }
0x1ea: {  	v10 =	vadd.f32 $9.999999710e-10, v10;
	v41 =	vsub.f32 v61, v7;
	(erf) = vrcp.f32 v6  }
0x1eb: {  	v63 =	vadd.f32 $9.999999710e-10, v12;
	v44 =	vsub.f32 v62, v8;
	(erf) = vrcp.f32 v9  }
0x1ec: {  	v45 =	vsub.f32 v60, v5;
	v41 =	vadd.f32 $9.999999710e-10, v41;
	(erf) = vrcp.f32 v10  }
0x1ed: {  	v50 =	vsub.f32 v59, v4;
	v12 =	vadd.f32 $9.999999710e-10, v44;
	(erf) = vrcp.f32 v63  }
0x1ee: {  	v54 =	vsub.f32 v58, v2;
	v9 =	vadd.f32 $9.999999710e-10, v45;
	(erf) = vrcp.f32 v41  }
0x1ef: {  	v55 =	vsub.f32 v57, v18;
	v10 =	vadd.f32 $9.999999710e-10, v50;
	(erf) = vrcp.f32 v12  }
0x1f0: {  	v56 =	vsub.f32 v52, v48;
	v6 =	vadd.f32 $9.999999710e-10, v54;
	(erf) = vrcp.f32 v9  }
0x1f1: {  	v57 =	vsub.f32 v51, v16;
	v58 =	vadd.f32 $9.999999710e-10, v55;
	(erf) = vrcp.f32 v10  }
0x1f2: {  	v59 =	vsub.f32 v49, v15;
	v60 =	vadd.f32 $9.999999710e-10, v56;
	(erf) = vrcp.f32 v6  }
0x1f3: {  	v61 =	vsub.f32 v14, v43;
	v9 =	vadd.f32 $9.999999710e-10, v57;
	v14 =	vpop (erf);
	(erf) = vrcp.f32 v58  }
0x1f4: {  	v62 =	vsub.f32 v13, v40;
	v10 =	vadd.f32 $9.999999710e-10, v59;
	v63 =	vpop (erf);
	(erf) = vrcp.f32 v60  }
0x1f5: {  	v6 =	vadd.f32 $9.999999710e-10, v61;
	v46 =	vpop (erf);
	(erf) = vrcp.f32 v9  }
0x1f6: {  	v47 =	vsub.f32 v11, v38;
	v49 =	vadd.f32 $9.999999710e-10, v62;
	v50 =	vpop (erf);
	(erf) = vrcp.f32 v10  }
0x1f7: {  	(erf) = vrcp.f32 v6;
	v51 =	vpop (erf)  }
0x1f8: {  	v9 =	vadd.f32 $9.999999710e-10, v47;
	(erf) = vrcp.f32 v49;
	v52 =	vpop (erf)  }
0x1f9: {  	v53 =	vmul.f32 v51, v7;
	v54 =	vmul.f32 v52, v8;
	v55 =	vpop (erf)  }
0x1fa: {  	(erf) = vrcp.f32 v9;
	v56 =	vmul.f32 v55, v5;
	v57 =	vpop (erf)  }
0x1fb: {  	vm0 =	vgt.f32 v53, $3.000000120e-01;
	v8 =	vmul.f32 v57, v4;
	vm1 =	vgt.f32 v54, $3.000000120e-01;
	v58 =	vpop (erf)  }
0x1fc: {  	v6 =	vmul.f32 v58, v2;
	vm15 =	vgt.f32 v56, $3.000000120e-01;
	vm0 =	vmor vm1, vm0;
	v5 =	vpop (erf)  }
0x1fd: {  	v59 =	vmul.f32 v5, v18;
	vm1 =	vgt.f32 v8, $3.000000120e-01;
	vm0 =	vmor vm0, vm15;
	v4 =	vpop (erf)  }
0x1fe: {  	v60 =	vmul.f32 v4, v48;
	vm15 =	vgt.f32 v6, $3.000000120e-01;
	vm0 =	vmor vm0, vm1;
	v2 =	vpop (erf)  }
0x1ff: {  	v61 =	vmul.f32 v2, v16;
	vm1 =	vgt.f32 v59, $3.000000120e-01;
	vm0 =	vmor vm0, vm15;
	v5 =	vpop (erf)  }
0x200: {  	v5 =	vmul.f32 v5, v15;
	vm15 =	vgt.f32 v60, $3.000000120e-01;
	vm0 =	vmor vm0, vm1;
	v4 =	vpop (erf)  }
0x201: {  	v62 =	vmul.f32 v4, v43;
	vm1 =	vgt.f32 v61, $3.000000120e-01;
	vm0 =	vmor vm0, vm15;
	v2 =	vpop (erf)  }
0x202: {  	v2 =	vmul.f32 v2, v40;
	vm15 =	vgt.f32 v5, $3.000000120e-01;
	vm0 =	vmor vm0, vm1  }
0x203: {  	v5 =	vmul.f32 v50, v39;
	v4 =	vpop (erf);
	vm1 =	vgt.f32 v62, $3.000000120e-01;
	vm0 =	vmor vm0, vm15  }
0x204: {  	v4 =	vmul.f32 v4, v38;
	vm15 =	vgt.f32 v2, $3.000000120e-01;
	vm0 =	vmor vm0, vm1  }
0x205: {  	s16 =	sadd.s32 $0x100, s16;
	v2 =	vmul.f32 v46, v37;
	vm1 =	vgt.f32 v5, $3.000000120e-01;
	vm0 =	vmor vm0, vm15  }
0x206: {  	s17 =	sadd.s32 $0x1, s17;
	v63 =	vmul.f32 v63, v36;
	v5 =	vld [tilespmem:s16+$0x0];
	vm15 =	vgt.f32 v4, $3.000000120e-01;
	vm0 =	vmor vm0, vm1  }
0x207: {  	p0 =	slt.u32 s17, $0x13;
	v4 =	vmul.f32 v14, v35;
	vm1 =	vgt.f32 v2, $3.000000120e-01;
	vm0 =	vmor vm0, vm15  }
.Ltmp6:
0x208: {  	vm15 =	vgt.f32 v63, $3.000000120e-01;
	vm0 =	vmor vm0, vm1;
	(pc) =	sbr.rel @p0 .LBB2_7-.Ltmp6, $4  }
0x209: {  	vm1 =	vgt.f32 v4, $3.000000120e-01;
	vm0 =	vmor vm0, vm15  }
0x20a: {  	vm0 =	vmor vm0, vm1  }
0x20b: {  	v2 =	vsel vm0, $0x0, v5  }
0x20c: {  	s18 =	sadd.s32 $0x100, s18;
	[tilespmem:s16+$0x0] =	vst v2  }
.Ltmp7:
0x20d: {  	_ = 	snop;
	(pc) =	sbr.rel .LBB2_8-.Ltmp7, $1  }
0x20e: {  	_ =	sdelay $0x3  }
.LBB2_10:
0x20f: {  	v0 =	vmov s4;
	_ =	sdelay $0x2  }
0x210: {  	s31 =	simm.s32 $0x0  }
0x211: {  	v4 =	vld.idx.msk [tilespmem:v18+s31+$0x0 ss:$0x1], $0xffff  }
0x212: {  	v2 =	vld.idx.msk [tilespmem:v0+s31+$0x0 ss:$0x1], $0xffff;
	_ =	sdelay $0x2  }
0x213: {  	v1 =	vmov s9;
	_ =	sdelay $0x1  }
0x214: {  	v2 =	vmul.f32 v2, v4  }
0x215: {  	s3 =	simm.s32 $0x7980  }
0x216: {  	[tilespmem:s3+$0xFFFFFF00] =	vst v2  }
0x217: {  	v3 =	vld.idx.msk [tilespmem:v1+s31+$0x0 ss:$0x1], $0xffff;
	_ =	sdelay $0x2  }
0x218: {  	v2 =	vmov s7;
	_ =	sdelay $0x1  }
0x219: {  	v3 =	vmul.f32 v3, v4;
	_ =	sdelay $0x1  }
0x21a: {  	[tilespmem:s3+$0xFFFFFF80] =	vst v3  }
0x21b: {  	v5 =	vld.idx.msk [tilespmem:v2+s31+$0x0 ss:$0x1], $0xffff;
	_ =	sdelay $0x2  }
0x21c: {  	v3 =	vmov s6;
	_ =	sdelay $0x1  }
0x21d: {  	v5 =	vmul.f32 v5, v4;
	_ =	sdelay $0x1  }
0x21e: {  	[tilespmem:s3+$0x0] =	vst v5  }
0x21f: {  	v5 =	vld.idx.msk [tilespmem:v3+s31+$0x0 ss:$0x1], $0xffff;
	_ =	sdelay $0x4  }
0x220: {  	v5 =	vmul.f32 v5, v4;
	_ =	sdelay $0x1  }
0x221: {  	[tilespmem:s3+$0x80] =	vst v5  }
0x222: {  	v5 =	vld.idx.msk [tilespmem:v17+s31+$0x0 ss:$0x1], $0xffff;
	_ =	sdelay $0x4  }
0x223: {  	v4 =	vmul.f32 v5, v4;
	_ =	sdelay $0x1  }
0x224: {  	s4 =	simm.s32 $0x100;
	[tilespmem:s3+$0x100] =	vst v4  }
0x225: {  	s5 =	simm.s32 $0x800;
	v4 =	vld.idx.msk [tilespmem:v18+s4+$0x0 ss:$0x1], $0xffff  }
.LBB2_11:
0x226: {  	p0 =	sne.s32 s5, $0x4C00;
	v5 =	vld.idx.msk [tilespmem:v0+s4+$0x0 ss:$0x1], $0xffff;
	_ =	sdelay $0x5  }
0x227: {  	v5 =	vmul.f32 v5, v4  }
0x228: {  	s3 =	sadd.s32 $0x400, s3  }
0x229: {  	[tilespmem:s3+$0xFFFFFF00] =	vst v5  }
0x22a: {  	v5 =	vld.idx.msk [tilespmem:v1+s4+$0x0 ss:$0x1], $0xffff;
	_ =	sdelay $0x5  }
0x22b: {  	v5 =	vmul.f32 v5, v4;
	_ =	sdelay $0x1  }
0x22c: {  	[tilespmem:s3+$0xFFFFFF80] =	vst v5  }
0x22d: {  	v5 =	vld.idx.msk [tilespmem:v2+s4+$0x0 ss:$0x1], $0xffff;
	_ =	sdelay $0x5  }
0x22e: {  	v5 =	vmul.f32 v5, v4;
	_ =	sdelay $0x1  }
0x22f: {  	[tilespmem:s3+$0x0] =	vst v5  }
0x230: {  	v5 =	vld.idx.msk [tilespmem:v3+s4+$0x0 ss:$0x1], $0xffff;
	_ =	sdelay $0x5  }
0x231: {  	v5 =	vmul.f32 v5, v4;
	_ =	sdelay $0x1  }
0x232: {  	[tilespmem:s3+$0x80] =	vst v5  }
0x233: {  	v5 =	vld.idx.msk [tilespmem:v17+s4+$0x0 ss:$0x1], $0xffff;
	_ =	sdelay $0x4  }
.Ltmp8:
0x234: {  	(pc) =	sbr.rel @p0 .LBB2_11-.Ltmp8, $3  }
0x235: {  	v4 =	vmul.f32 v5, v4;
	_ =	sdelay $0x1  }
0x236: {  	s4 =	sshra.s32 s5, $0x2;
	[tilespmem:s3+$0x100] =	vst v4  }
0x237: {  	s5 =	sadd.s32 $0x400, s5;
	v4 =	vld.idx.msk [tilespmem:v18+s4+$0x0 ss:$0x1], $0xffff  }
0x238: {  	_ =	sdelay $0x3  }
0x239: {  	v0 =	vld.idx.msk [tilespmem:v0+s4+$0x0 ss:$0x1], $0xffff;
	_ =	sdelay $0x4  }
0x23a: {  	v0 =	vmul.f32 v0, v4  }
0x23b: {  	s5 =	sadd.s32 $0x400, s3  }
0x23c: {  	[tilespmem:s5+$0xFFFFFF00] =	vst v0  }
0x23d: {  	v0 =	vld.idx.msk [tilespmem:v1+s4+$0x0 ss:$0x1], $0xffff;
	_ =	sdelay $0x4  }
0x23e: {  	v0 =	vmul.f32 v0, v4;
	_ =	sdelay $0x1  }
0x23f: {  	[tilespmem:s5+$0xFFFFFF80] =	vst v0  }
0x240: {  	v0 =	vld.idx.msk [tilespmem:v2+s4+$0x0 ss:$0x1], $0xffff;
	_ =	sdelay $0x4  }
0x241: {  	v0 =	vmul.f32 v0, v4;
	_ =	sdelay $0x1  }
0x242: {  	[tilespmem:s5+$0x0] =	vst v0  }
0x243: {  	v0 =	vld.idx.msk [tilespmem:v3+s4+$0x0 ss:$0x1], $0xffff;
	_ =	sdelay $0x4  }
0x244: {  	v0 =	vmul.f32 v0, v4;
	_ =	sdelay $0x1  }
0x245: {  	[tilespmem:s5+$0x80] =	vst v0  }
0x246: {  	v0 =	vld.idx.msk [tilespmem:v17+s4+$0x0 ss:$0x1], $0xffff;
	_ =	sdelay $0x4  }
0x247: {  	s31 =	sshll.u32 s1, $0x7;
	v0 =	vmul.f32 v0, v4  }
0x248: {  	s6 =	simm.s32 $0x7C80;
	s3 =	sadd.s32 s2, s31;
	s2 =	simm.s32 $0x0  }
0x249: {  	s7 =	sadd.s32 $0x0, s3;
	s4 =	simm.s32 $0x7880;
	[tilespmem:s5+$0x100] =	vst v0;
	s5 =	simm.s32 $0x800  }
.LBB2_13:
0x24a: {  	[hbm4b:s7+s2] =	stream.linear.scatter [tilespmem:s4], [sflag:$0x1], $0x280, $0x38;
	[tilespmem:$0xC9C0] =	vst v63  }
0x24b: {  	s7 =	smov.u32 s5;
	s4 =	smov.u32 s6;
	p0 =	sne.s32 s5, $0x9800  }
.Ltmp9:
0x24c: {  	s5 =	sadd.s32 $0x800, s5;
	(pc) =	sbr.rel @p0 .LBB2_13-.Ltmp9, $2  }
0x24d: {  	_ =	sdelay $0x2  }
0x24e: {  	s6 =	sadd.s32 $0x400, s6;
	s7 =	sadd.s32 s7, s3  }
0x24f: {  	[hbm4b:s7+s2] =	stream.linear.scatter [tilespmem:s4], [sflag:$0x1], $0x280, $0x38;
	[tilespmem:$0xC9C0] =	vst v63  }
0x250: {  	s31 =	simm.s32 $0x1  }
0x251: {  	_ =	swait.ge [sflag:s31], $0x3200  }
0x252: {  	[sflag:s31] =	ssyncset.done $0x0  }
0x253: {  	[sflag:s31] =	ssyncadd.s32 $0xFFFFCE00  }
0x254: {  	_ =	sfence.sel $0x180000  }
0x255: {  	[bflag:$0x0] =	sbarrier.arrive $0xFFFF  }
0x256: {  	p0 =	sne.s32 s1, $0x0;
	_ =	strace $0x9000004D  }
0x257: {  	s0 =	sadd.s32 @!p0 $0x100000, s0;
	[bflag:$0x2] =	sbarrier.arrive $0xFFFF  }
0x258: {  	[sflag:s0] =	ssyncadd.tile.s32 @!p0 $0x1;
	_ =	shalt  }
.Lfunc_end2:
_tile_overlayer_lowered:
.L_overlay_start_2:
0x259: {  	(tag) =	ssettag $0x2  }
0x25a: {  	s0 =	rddreg [dreg:$0x0];
	s2 =	stileid.u32  }
0x25b: {  	s1 =	rddreg [dreg:$0x1];
	p0 =	sne.s32 s2, $0x0  }
0x25c: {  	s3 =	rddreg [dreg:$0x2];
	[bflag:$0x3] =	sbarrier.arrive $0xFFFF;
	s2 =	simm.s32 @!p0 $0x1C01  }
0x25d: {  	[timem:s3], [sflag:s2] =	dma.local @!p0 [hbm:s0], s1  }
0x25e: {  	s0 =	simm.s32 @!p0 $0x1  }
0x25f: {  	_ =	swait.ge @!p0 [sflag:s0], s1  }
0x260: {  	s1 =	ssub.s32 @!p0 $0x0, s1;
	[sflag:s0] =	ssyncset.done @!p0 $0x0  }
0x261: {  	[sflag:s0] =	ssyncadd.s32 @!p0 s1  }
0x262: {  	[bflag:$0x3] =	sbarrier.arrive $0xFFFF  }
0x263: {  	_ =	shalt  }

</sc_bundles>
